<compile_context>
chip_gen: v7x
topology: tpu7x:2x2x1
jax: 0.10.2.dev20260603
libtpu: 0.0.44.dev20260713+nightly
codegen_flags: <defaults>
</compile_context>

<pallas_src>
import functools

import jax
import jax.numpy as jnp
from jax import lax
from jax.experimental import pallas as pl
from jax.experimental.pallas import tpu as pltpu
from jax.experimental.pallas import tpu_sc as plsc

N_INST = 2048; E_INST = 16384; N_TOK = 10000; E_TOK = 163840
IN_DIM = 256; HID = 256; HEADS = 4; OUT = 100; NCLS = 4; LSTM_H = 200

SEQ = 2 * N_INST
HP = 256
ZP = 4 * HP
TBLK = 512
GRID = SEQ // TBLK



def _pack_gate_cols(W):
    K = W.shape[0]
    Wp = jnp.zeros((K, ZP), W.dtype)
    for g in range(4):
        Wp = Wp.at[:, g * HP:g * HP + LSTM_H].set(W[:, g * LSTM_H:(g + 1) * LSTM_H])
    return Wp


def _pack_whh(W):
    Wp = jnp.zeros((HP, ZP), W.dtype)
    return Wp.at[:LSTM_H, :].set(_pack_gate_cols(W))


def _pack_rows(W, row0):
    Wp = jnp.zeros((HP, ZP), W.dtype)
    return Wp.at[:LSTM_H, :].set(_pack_gate_cols(W[row0:row0 + LSTM_H]))



def _u0_body(e_ref, wf_ref, wb_ref, bf_ref, bb_ref, uf_ref, ub_ref):
    e = e_ref[...]
    uf_ref[...] = jnp.dot(e, wf_ref[...], preferred_element_type=jnp.float32) + bf_ref[...]
    ub_ref[...] = jnp.dot(e, wb_ref[...], preferred_element_type=jnp.float32) + bb_ref[...]


def _u1_body(yf_ref, yb_ref, wft_ref, wfb_ref, wbt_ref, wbb_ref, bf_ref, bb_ref,
             uf_ref, ub_ref):
    yf = yf_ref[...]
    yb = yb_ref[...]
    uf_ref[...] = (jnp.dot(yf, wft_ref[...], preferred_element_type=jnp.float32)
                   + jnp.dot(yb, wfb_ref[...], preferred_element_type=jnp.float32)
                   + bf_ref[...])
    ub_ref[...] = (jnp.dot(yf, wbt_ref[...], preferred_element_type=jnp.float32)
                   + jnp.dot(yb, wbb_ref[...], preferred_element_type=jnp.float32)
                   + bb_ref[...])


def _cell(z, c):
    i = jax.nn.sigmoid(z[:, 0:HP])
    f = jax.nn.sigmoid(z[:, HP:2 * HP])
    g = jnp.tanh(z[:, 2 * HP:3 * HP])
    o = jax.nn.sigmoid(z[:, 3 * HP:4 * HP])
    c = f * c + i * g
    h = o * jnp.tanh(c)
    return h, c


def _lstm0_body(uf_ref, ub_ref, whf_ref, whb_ref, yf_ref, yb_ref, st_ref):
    g = pl.program_id(0)

    @pl.when(g == 0)
    def _():
        st_ref[...] = jnp.zeros((4, HP), jnp.float32)

    whf = whf_ref[...]
    whb = whb_ref[...]
    init = (st_ref[pl.ds(0, 1), :], st_ref[pl.ds(1, 1), :],
            st_ref[pl.ds(2, 1), :], st_ref[pl.ds(3, 1), :])

    def step(t, carry):
        hf, cf, hb, cb = carry
        zf = uf_ref[pl.ds(t, 1), :] + jnp.dot(hf, whf, preferred_element_type=jnp.float32)
        hf, cf = _cell(zf, cf)
        yf_ref[pl.ds(t, 1), :] = hf
        tb = TBLK - 1 - t
        zb = ub_ref[pl.ds(tb, 1), :] + jnp.dot(hb, whb, preferred_element_type=jnp.float32)
        hb, cb = _cell(zb, cb)
        yb_ref[pl.ds(tb, 1), :] = hb
        return hf, cf, hb, cb

    hf, cf, hb, cb = jax.lax.fori_loop(0, TBLK, step, init)
    st_ref[pl.ds(0, 1), :] = hf
    st_ref[pl.ds(1, 1), :] = cf
    st_ref[pl.ds(2, 1), :] = hb
    st_ref[pl.ds(3, 1), :] = cb


def _lstm1_body(uf_ref, ub_ref, whf_ref, whb_ref, fcw_ref, fcb_ref, out_ref, st_ref):
    g = pl.program_id(0)

    @pl.when(g == 0)
    def _():
        st_ref[...] = jnp.zeros((4, HP), jnp.float32)

    whf = whf_ref[...]
    whb = whb_ref[...]
    init = (st_ref[pl.ds(0, 1), :], st_ref[pl.ds(1, 1), :],
            st_ref[pl.ds(2, 1), :], st_ref[pl.ds(3, 1), :])

    def step(t, carry):
        hf, cf, hb, cb = carry
        zf = uf_ref[pl.ds(t, 1), :] + jnp.dot(hf, whf, preferred_element_type=jnp.float32)
        hf, cf = _cell(zf, cf)
        tb = TBLK - 1 - t
        zb = ub_ref[pl.ds(tb, 1), :] + jnp.dot(hb, whb, preferred_element_type=jnp.float32)
        hb, cb = _cell(zb, cb)
        return hf, cf, hb, cb

    hf, cf, hb, cb = jax.lax.fori_loop(0, TBLK, step, init)
    st_ref[pl.ds(0, 1), :] = hf
    st_ref[pl.ds(1, 1), :] = cf
    st_ref[pl.ds(2, 1), :] = hb
    st_ref[pl.ds(3, 1), :] = cb

    @pl.when(g == GRID - 1)
    def _():
        hid = jnp.concatenate([hf, hb], axis=1)
        out_ref[...] = jnp.dot(hid, fcw_ref[...], preferred_element_type=jnp.float32) + fcb_ref[...]


def _lstm_head(embs, Wih0f, Whh0f, b0f, Wih0b, Whh0b, b0b,
               Wih1f, Whh1f, b1f, Wih1b, Whh1b, b1b, fc_W, fc_b):
    f32 = jnp.float32

    w0f = _pack_gate_cols(Wih0f); w0b = _pack_gate_cols(Wih0b)
    bp0f = _pack_gate_cols(b0f[None, :]); bp0b = _pack_gate_cols(b0b[None, :])
    whh0f = _pack_whh(Whh0f); whh0b = _pack_whh(Whh0b)
    w1ft = _pack_rows(Wih1f, 0); w1fb = _pack_rows(Wih1f, LSTM_H)
    w1bt = _pack_rows(Wih1b, 0); w1bb = _pack_rows(Wih1b, LSTM_H)
    bp1f = _pack_gate_cols(b1f[None, :]); bp1b = _pack_gate_cols(b1b[None, :])
    whh1f = _pack_whh(Whh1f); whh1b = _pack_whh(Whh1b)
    fcw = jnp.zeros((2 * HP, 128), f32)
    fcw = fcw.at[:LSTM_H, :NCLS].set(fc_W[:LSTM_H])
    fcw = fcw.at[HP:HP + LSTM_H, :NCLS].set(fc_W[LSTM_H:])
    fcb = jnp.zeros((1, 128), f32).at[0, :NCLS].set(fc_b)

    din = embs.shape[1]
    full = lambda shp: pl.BlockSpec(shp, lambda g: (0, 0))
    seq_blk = lambda w: pl.BlockSpec((TBLK, w), lambda g: (g, 0))
    rev_blk = lambda w: pl.BlockSpec((TBLK, w), lambda g: (GRID - 1 - g, 0))

    u0f, u0b = pl.pallas_call(
        _u0_body,
        grid=(GRID,),
        in_specs=[seq_blk(din), full((din, ZP)), full((din, ZP)),
                  full((1, ZP)), full((1, ZP))],
        out_specs=[seq_blk(ZP), seq_blk(ZP)],
        out_shape=[jax.ShapeDtypeStruct((SEQ, ZP), f32)] * 2,
    )(embs, w0f, w0b, bp0f, bp0b)

    yf, yb = pl.pallas_call(
        _lstm0_body,
        grid=(GRID,),
        in_specs=[seq_blk(ZP), rev_blk(ZP), full((HP, ZP)), full((HP, ZP))],
        out_specs=[seq_blk(HP), rev_blk(HP)],
        out_shape=[jax.ShapeDtypeStruct((SEQ, HP), f32)] * 2,
        scratch_shapes=[pltpu.VMEM((4, HP), f32)],
    )(u0f, u0b, whh0f, whh0b)

    u1f, u1b = pl.pallas_call(
        _u1_body,
        grid=(GRID,),
        in_specs=[seq_blk(HP), seq_blk(HP), full((HP, ZP)), full((HP, ZP)),
                  full((HP, ZP)), full((HP, ZP)), full((1, ZP)), full((1, ZP))],
        out_specs=[seq_blk(ZP), seq_blk(ZP)],
        out_shape=[jax.ShapeDtypeStruct((SEQ, ZP), f32)] * 2,
    )(yf, yb, w1ft, w1fb, w1bt, w1bb, bp1f, bp1b)

    logits = pl.pallas_call(
        _lstm1_body,
        grid=(GRID,),
        in_specs=[seq_blk(ZP), rev_blk(ZP), full((HP, ZP)), full((HP, ZP)),
                  full((2 * HP, 128)), full((1, 128))],
        out_specs=pl.BlockSpec((1, 128), lambda g: (0, 0)),
        out_shape=jax.ShapeDtypeStruct((1, 128), f32),
        scratch_shapes=[pltpu.VMEM((4, HP), f32)],
    )(u1f, u1b, whh1f, whh1b, fcw, fcb)

    return logits[0, :NCLS]



_SC_MESH = dict(core_axis_name="c", subcore_axis_name="s")
NSC = 2
NTILE = 16
NW = NSC * NTILE


def _wid():
    return lax.axis_index("s") * NSC + lax.axis_index("c")


def _sc_gather_body(rows_per_w, ncols, table_hbm, ids_hbm, out_hbm, idx_v, rows_v, sem):
    base = _wid() * rows_per_w
    pltpu.sync_copy(ids_hbm.at[pl.ds(base, rows_per_w)], idx_v)
    pltpu.async_copy(table_hbm.at[idx_v], rows_v, sem).wait()
    pltpu.sync_copy(rows_v, out_hbm.at[pl.ds(base, rows_per_w)])


def _sc_gather(table, ids):
    B = ids.shape[0]
    C = table.shape[1]
    rpw = B // NW
    f = pl.kernel(
        functools.partial(_sc_gather_body, rpw, C),
        mesh=plsc.VectorSubcoreMesh(**_SC_MESH),
        out_type=jax.ShapeDtypeStruct((B, C), jnp.float32),
        scratch_types=[
            pltpu.VMEM((rpw,), jnp.int32),
            pltpu.VMEM((rpw, C), jnp.float32),
            pltpu.SemaphoreType.DMA,
        ],
    )
    return f(table, ids)


NTP = 10240
CHUNK = 128


def _deg_body(dst_hbm, ones_hbm, zeros_hbm, out_hbm, dst_v, ones_v, acc_sh, sem):
    c = lax.axis_index("c")
    s = lax.axis_index("s")
    per_t = E_TOK // NW
    rows_t = NTP // NTILE
    pltpu.sync_copy(zeros_hbm, acc_sh.at[pl.ds(s * rows_t, rows_t)])
    pltpu.sync_copy(ones_hbm, ones_v)
    plsc.subcore_barrier()

    def chunk(ch, _):
        base = (c * NTILE + s) * per_t + ch * CHUNK
        pltpu.sync_copy(dst_hbm.at[pl.ds(base, CHUNK)], dst_v)
        pltpu.sync_copy(ones_v, acc_sh.at[dst_v], add=True)
        return 0
    lax.fori_loop(0, per_t // CHUNK, chunk, 0)

    plsc.subcore_barrier()
    pltpu.sync_copy(acc_sh.at[pl.ds(s * rows_t, rows_t)],
                    out_hbm.at[pl.ds(c * NTP + s * rows_t, rows_t)])


def _sc_degree(dst):
    f = pl.kernel(
        _deg_body,
        mesh=plsc.VectorSubcoreMesh(**_SC_MESH),
        out_type=jax.ShapeDtypeStruct((2 * NTP, 128), jnp.float32),
        scratch_types=[
            pltpu.VMEM((CHUNK,), jnp.int32),
            pltpu.VMEM((CHUNK, 128), jnp.float32),
            pltpu.VMEM_SHARED((NTP, 128), jnp.float32),
            pltpu.SemaphoreType.DMA,
        ],
    )
    ones = jnp.ones((CHUNK, 128), jnp.float32)
    zeros = jnp.zeros((NTP // NTILE, 128), jnp.float32)
    return f(dst, ones, zeros)


def _segsum_fsplit_body(n_edges, n_rows, src_hbm, dst_hbm, table_hbm, zeros_hbm,
                        out_hbm, src_v, dst_v, rows_v, acc_sh, sem):
    c = lax.axis_index("c")
    s = lax.axis_index("s")
    per_t = n_edges // NTILE
    rows_t = n_rows // NTILE
    for i in range(rows_t // CHUNK):
        pltpu.sync_copy(zeros_hbm, acc_sh.at[pl.ds(s * rows_t + i * CHUNK, CHUNK)])
    plsc.subcore_barrier()

    def chunk(ch, _):
        base = s * per_t + ch * CHUNK
        pltpu.sync_copy(src_hbm.at[pl.ds(base, CHUNK)], src_v)
        pltpu.sync_copy(dst_hbm.at[pl.ds(base, CHUNK)], dst_v)
        off = c * n_rows
        for k in range(CHUNK // 16):
            src_v[pl.ds(k * 16, 16)] = src_v[pl.ds(k * 16, 16)] + off
        pltpu.async_copy(table_hbm.at[src_v], rows_v, sem).wait()
        pltpu.sync_copy(rows_v, acc_sh.at[dst_v], add=True)
        return 0
    lax.fori_loop(0, per_t // CHUNK, chunk, 0)

    plsc.subcore_barrier()
    pltpu.sync_copy(acc_sh.at[pl.ds(s * rows_t, rows_t)],
                    out_hbm.at[pl.ds(c * n_rows + s * rows_t, rows_t)])


def _sc_segsum_fsplit(src, dst, table_cat, n_edges, n_rows):
    f = pl.kernel(
        functools.partial(_segsum_fsplit_body, n_edges, n_rows),
        mesh=plsc.VectorSubcoreMesh(**_SC_MESH),
        out_type=jax.ShapeDtypeStruct((2 * n_rows, 128), jnp.float32),
        scratch_types=[
            pltpu.VMEM((CHUNK,), jnp.int32),
            pltpu.VMEM((CHUNK,), jnp.int32),
            pltpu.VMEM((CHUNK, 128), jnp.float32),
            pltpu.VMEM_SHARED((n_rows, 128), jnp.float32),
            pltpu.SemaphoreType.DMA,
        ],
    )
    zeros = jnp.zeros((CHUNK, 128), jnp.float32)
    return f(src, dst, table_cat, zeros)


def _segsum_esplit_body(n_edges, n_rows, src_hbm, dst_hbm, table_hbm, zeros_hbm,
                        out_hbm, src_v, dst_v, rows_v, acc_sh, sem):
    c = lax.axis_index("c")
    s = lax.axis_index("s")
    per_t = n_edges // NW
    rows_t = n_rows // NTILE
    for i in range(rows_t // CHUNK):
        pltpu.sync_copy(zeros_hbm, acc_sh.at[pl.ds(s * rows_t + i * CHUNK, CHUNK)])
    plsc.subcore_barrier()

    def chunk(ch, _):
        base = (c * NTILE + s) * per_t + ch * CHUNK
        pltpu.sync_copy(src_hbm.at[pl.ds(base, CHUNK)], src_v)
        pltpu.sync_copy(dst_hbm.at[pl.ds(base, CHUNK)], dst_v)
        pltpu.async_copy(table_hbm.at[src_v], rows_v, sem).wait()
        pltpu.sync_copy(rows_v, acc_sh.at[dst_v], add=True)
        return 0
    lax.fori_loop(0, per_t // CHUNK, chunk, 0)

    plsc.subcore_barrier()
    pltpu.sync_copy(acc_sh.at[pl.ds(s * rows_t, rows_t)],
                    out_hbm.at[pl.ds(c * n_rows + s * rows_t, rows_t)])


def _sc_segsum_esplit(src, dst, table, n_edges, n_rows):
    f = pl.kernel(
        functools.partial(_segsum_esplit_body, n_edges, n_rows),
        mesh=plsc.VectorSubcoreMesh(**_SC_MESH),
        out_type=jax.ShapeDtypeStruct((2 * n_rows, 128), jnp.float32),
        scratch_types=[
            pltpu.VMEM((CHUNK,), jnp.int32),
            pltpu.VMEM((CHUNK,), jnp.int32),
            pltpu.VMEM((CHUNK, 128), jnp.float32),
            pltpu.VMEM_SHARED((n_rows, 128), jnp.float32),
            pltpu.SemaphoreType.DMA,
        ],
    )
    zeros = jnp.zeros((CHUNK, 128), jnp.float32)
    return f(src, dst, table, zeros)



def _gat1_body(hb, src_hbm, dst_hbm, fa_hbm, fb_hbm, elb_hbm, erb_hbm, z_hbm,
               outa_hbm, outb_hbm, outd_hbm,
               src_v, dst_v, idx_v, ee_v, er_v, ra_v, rb_v,
               aA, aB, aD, sem):
    c = lax.axis_index("c")
    s = lax.axis_index("s")
    C = 64
    per_t = E_INST // NTILE
    rows_t = N_INST // NTILE
    for a in (aA, aB, aD):
        pltpu.sync_copy(z_hbm, a.at[pl.ds(s * rows_t, rows_t)])
    plsc.subcore_barrier()
    off = (2 * c + hb) * N_INST

    def chunk(ch, _):
        base = s * per_t + ch * C
        pltpu.sync_copy(src_hbm.at[pl.ds(base, C)], src_v)
        pltpu.sync_copy(dst_hbm.at[pl.ds(base, C)], dst_v)
        for k in range(C // 16):
            idx_v[pl.ds(k * 16, 16)] = src_v[pl.ds(k * 16, 16)] + off
        pltpu.async_copy(elb_hbm.at[idx_v], ee_v, sem).wait()
        pltpu.async_copy(fa_hbm.at[idx_v], ra_v, sem).wait()
        pltpu.async_copy(fb_hbm.at[idx_v], rb_v, sem).wait()
        for k in range(C // 16):
            idx_v[pl.ds(k * 16, 16)] = dst_v[pl.ds(k * 16, 16)] + off
        pltpu.async_copy(erb_hbm.at[idx_v], er_v, sem).wait()

        def row(j, _):
            for q in range(8):
                sl = pl.ds(q * 16, 16)
                x = ee_v[j, sl] + er_v[j, sl]
                ee = jnp.exp(jnp.maximum(x, 0.2 * x))
                ee_v[j, sl] = ee
                ra_v[j, sl] = ra_v[j, sl] * ee
                rb_v[j, sl] = rb_v[j, sl] * ee
            return 0
        lax.fori_loop(0, C, row, 0)
        pltpu.sync_copy(ra_v, aA.at[dst_v], add=True)
        pltpu.sync_copy(rb_v, aB.at[dst_v], add=True)
        pltpu.sync_copy(ee_v, aD.at[dst_v], add=True)
        return 0
    lax.fori_loop(0, per_t // C, chunk, 0)

    plsc.subcore_barrier()
    band = c * N_INST + s * rows_t
    pltpu.sync_copy(aA.at[pl.ds(s * rows_t, rows_t)], outa_hbm.at[pl.ds(band, rows_t)])
    pltpu.sync_copy(aB.at[pl.ds(s * rows_t, rows_t)], outb_hbm.at[pl.ds(band, rows_t)])
    pltpu.sync_copy(aD.at[pl.ds(s * rows_t, rows_t)], outd_hbm.at[pl.ds(band, rows_t)])


def _sc_gat1(src, dst, feat_a, feat_b, elb, erb, hb):
    f = pl.kernel(
        functools.partial(_gat1_body, hb),
        mesh=plsc.VectorSubcoreMesh(**_SC_MESH),
        out_type=[jax.ShapeDtypeStruct((2 * N_INST, 128), jnp.float32)] * 3,
        scratch_types=[
            pltpu.VMEM((64,), jnp.int32),
            pltpu.VMEM((64,), jnp.int32),
            pltpu.VMEM((64,), jnp.int32),
            pltpu.VMEM((64, 128), jnp.float32),
            pltpu.VMEM((64, 128), jnp.float32),
            pltpu.VMEM((64, 128), jnp.float32),
            pltpu.VMEM((64, 128), jnp.float32),
        ] + [pltpu.VMEM_SHARED((N_INST, 128), jnp.float32)] * 3
          + [pltpu.SemaphoreType.DMA],
    )
    z = jnp.zeros((N_INST // NTILE, 128), jnp.float32)
    return f(src, dst, feat_a, feat_b, elb, erb, z)


def _gat2_body(src_hbm, dst_hbm, feat_hbm, elb_hbm, erb_hbm, zf_hbm,
               outf_hbm, outd_hbm, src_v, dst_v, rows_v, el_v, er_v,
               accf_sh, accd_sh, sem):
    c = lax.axis_index("c")
    s = lax.axis_index("s")
    C = CHUNK
    per_t = E_INST // NW
    rows_t = N_INST // NTILE
    pltpu.sync_copy(zf_hbm, accf_sh.at[pl.ds(s * rows_t, rows_t)])
    pltpu.sync_copy(zf_hbm, accd_sh.at[pl.ds(s * rows_t, rows_t)])
    plsc.subcore_barrier()

    def chunk(ch, _):
        base = (c * NTILE + s) * per_t + ch * C
        pltpu.sync_copy(src_hbm.at[pl.ds(base, C)], src_v)
        pltpu.sync_copy(dst_hbm.at[pl.ds(base, C)], dst_v)
        pltpu.async_copy(feat_hbm.at[src_v], rows_v, sem).wait()
        pltpu.async_copy(elb_hbm.at[src_v], el_v, sem).wait()
        pltpu.async_copy(erb_hbm.at[dst_v], er_v, sem).wait()

        def row(j, _):
            for q in range(8):
                sl = pl.ds(q * 16, 16)
                x = el_v[j, sl] + er_v[j, sl]
                ee = jnp.exp(jnp.maximum(x, 0.2 * x))
                el_v[j, sl] = ee
                rows_v[j, sl] = rows_v[j, sl] * ee
            return 0
        lax.fori_loop(0, C, row, 0)
        pltpu.sync_copy(rows_v, accf_sh.at[dst_v], add=True)
        pltpu.sync_copy(el_v, accd_sh.at[dst_v], add=True)
        return 0
    lax.fori_loop(0, per_t // C, chunk, 0)

    plsc.subcore_barrier()
    pltpu.sync_copy(accf_sh.at[pl.ds(s * rows_t, rows_t)],
                    outf_hbm.at[pl.ds(c * N_INST + s * rows_t, rows_t)])
    pltpu.sync_copy(accd_sh.at[pl.ds(s * rows_t, rows_t)],
                    outd_hbm.at[pl.ds(c * N_INST + s * rows_t, rows_t)])


def _sc_gat2(src, dst, feat2, elb2, erb2):
    f = pl.kernel(
        _gat2_body,
        mesh=plsc.VectorSubcoreMesh(**_SC_MESH),
        out_type=[jax.ShapeDtypeStruct((2 * N_INST, 128), jnp.float32),
                  jax.ShapeDtypeStruct((2 * N_INST, 128), jnp.float32)],
        scratch_types=[
            pltpu.VMEM((CHUNK,), jnp.int32),
            pltpu.VMEM((CHUNK,), jnp.int32),
            pltpu.VMEM((CHUNK, 128), jnp.float32),
            pltpu.VMEM((CHUNK, 128), jnp.float32),
            pltpu.VMEM((CHUNK, 128), jnp.float32),
            pltpu.VMEM_SHARED((N_INST, 128), jnp.float32),
            pltpu.VMEM_SHARED((N_INST, 128), jnp.float32),
            pltpu.SemaphoreType.DMA,
        ],
    )
    zf = jnp.zeros((N_INST // NTILE, 128), jnp.float32)
    return f(src, dst, feat2, elb2, erb2, zf)



def _mf1_body(x_ref, w_ref, al_ref, ar_ref, fa_ref, fb_ref, elb_ref, erb_ref):
    f = jnp.dot(x_ref[...], w_ref[...], preferred_element_type=jnp.float32)
    fa_ref[...] = f[:, :128]
    fb_ref[...] = f[:, 128:]
    R = f.shape[0]
    el = jnp.dot(f, al_ref[...], preferred_element_type=jnp.float32)
    er = jnp.dot(f, ar_ref[...], preferred_element_type=jnp.float32)
    elb_ref[...] = jnp.broadcast_to(el, (R, 128))
    erb_ref[...] = jnp.broadcast_to(er, (R, 128))


def _m2_body(fa0, fa1, fa2, fa3, fb0, fb1, fb2, fb3, d0, d1, d2, d3,
             w2_ref, a2l_ref, a2r_ref, f2_ref, elb_ref, erb_ref):
    fas = (fa0, fa1, fa2, fa3)
    fbs = (fb0, fb1, fb2, fb3)
    ds = (d0, d1, d2, d3)
    parts = []
    R = fa0.shape[0]
    for h in range(4):
        rden = 1.0 / (ds[h][:, 0:1] + 1e-9)
        parts.append(jax.nn.relu(fas[h][...] * rden))
        parts.append(jax.nn.relu(fbs[h][...] * rden))
    h1 = jnp.concatenate(parts, axis=1)
    f2 = jnp.dot(h1, w2_ref[...], preferred_element_type=jnp.float32)
    f2_ref[...] = f2
    el2 = jnp.dot(h1, a2l_ref[...], preferred_element_type=jnp.float32)
    er2 = jnp.dot(h1, a2r_ref[...], preferred_element_type=jnp.float32)
    elb_ref[...] = jnp.broadcast_to(el2, (R, 128))
    erb_ref[...] = jnp.broadcast_to(er2, (R, 128))


def _m3_body(f0_ref, f1_ref, d0_ref, d1_ref, o_ref):
    den = d0_ref[:, 0:1] + d1_ref[:, 0:1]
    o_ref[...] = jax.nn.relu((f0_ref[...] + f1_ref[...]) * (1.0 / (den + 1e-9)))


def _gat_pipeline(x, src, dst, W1, al1, ar1, W2, al2, ar2):
    f32 = jnp.float32
    RB = 512
    GR = N_INST // RB

    HB = HEADS * N_INST
    al_col = al1.reshape(-1, 1)
    ar_col = ar1.reshape(-1, 1)

    feat_a, feat_b, elb, erb = pl.pallas_call(
        _mf1_body,
        grid=(GR, HEADS),
        in_specs=[pl.BlockSpec((RB, IN_DIM), lambda r, h: (r, 0)),
                  pl.BlockSpec((IN_DIM, HID), lambda r, h: (0, h)),
                  pl.BlockSpec((HID, 1), lambda r, h: (h, 0)),
                  pl.BlockSpec((HID, 1), lambda r, h: (h, 0))],
        out_specs=[pl.BlockSpec((RB, 128), lambda r, h: (r + GR * h, 0))] * 4,
        out_shape=[jax.ShapeDtypeStruct((HB, 128), f32)] * 4,
    )(x, W1, al_col, ar_col)

    agga0, aggb0, aggd0 = _sc_gat1(src, dst, feat_a, feat_b, elb, erb, 0)
    agga1, aggb1, aggd1 = _sc_gat1(src, dst, feat_a, feat_b, elb, erb, 1)

    w2p = jnp.zeros((HEADS * HID, 128), f32).at[:, :OUT].set(W2)
    a2l = (W2 @ al2[0])[:, None]
    a2r = (W2 @ ar2[0])[:, None]
    band = lambda h: pl.BlockSpec((RB, 128), lambda r, _b=h // 2: (r + GR * _b, 0))
    pick = lambda x0, x1: (x0, x1, x0, x1)
    feat2, elb2, erb2 = pl.pallas_call(
        _m2_body,
        grid=(GR,),
        in_specs=[band(0), band(1), band(2), band(3),
                  band(0), band(1), band(2), band(3),
                  band(0), band(1), band(2), band(3),
                  pl.BlockSpec((HEADS * HID, 128), lambda r: (0, 0)),
                  pl.BlockSpec((HEADS * HID, 1), lambda r: (0, 0)),
                  pl.BlockSpec((HEADS * HID, 1), lambda r: (0, 0))],
        out_specs=[pl.BlockSpec((RB, 128), lambda r: (r, 0))] * 3,
        out_shape=[jax.ShapeDtypeStruct((N_INST, 128), f32)] * 3,
    )(*pick(agga0, agga1), *pick(aggb0, aggb1), *pick(aggd0, aggd1),
      w2p, a2l, a2r)

    scatf, scatd = _sc_gat2(src, dst, feat2, elb2, erb2)

    inst = pl.pallas_call(
        _m3_body,
        grid=(GR,),
        in_specs=[pl.BlockSpec((RB, 128), lambda r: (r, 0)),
                  pl.BlockSpec((RB, 128), lambda r: (r + GR, 0)),
                  pl.BlockSpec((RB, 128), lambda r: (r, 0)),
                  pl.BlockSpec((RB, 128), lambda r: (r + GR, 0))],
        out_specs=pl.BlockSpec((RB, 128), lambda r: (r, 0)),
        out_shape=jax.ShapeDtypeStruct((N_INST, 128), f32),
    )(scatf, scatf, scatd, scatd)
    return inst



def _m5_body(pa_ref, pb_ref, o_ref):
    o_ref[...] = lax.rsqrt(pa_ref[:, :1] + pb_ref[:, :1] + 1.0)


def _m4_body(x_ref, w_ref, nc_ref, o_ref):
    o_ref[...] = jnp.dot(x_ref[...], w_ref[...],
                         preferred_element_type=jnp.float32) * nc_ref[...]


def _m6_body(sc_ref, hs_ref, nc_ref, o_ref):
    nc = nc_ref[...]
    o_ref[...] = jax.nn.relu(nc * sc_ref[...] + hs_ref[...] * nc)


def _m7_body(ta_ref, tb_ref, wa_ref, wb_ref, nc_ref, o_ref):
    o_ref[...] = (jnp.dot(ta_ref[...], wa_ref[...], preferred_element_type=jnp.float32)
                  + jnp.dot(tb_ref[...], wb_ref[...], preferred_element_type=jnp.float32)
                  ) * nc_ref[...]


def _m8_body(p0_ref, p1_ref, hs_ref, nc_ref, o_ref):
    o_ref[...] = nc_ref[...] * (p0_ref[...] + p1_ref[...] + hs_ref[...])


def _gcn_pipeline(token_embs, src_t, dst_t, gcn_W1, gcn_W2, ids):
    f32 = jnp.float32
    RB = 1024
    GR = NTP // RB
    tokp = jnp.pad(token_embs, ((0, NTP - N_TOK), (0, 0)))

    deg_parts = _sc_degree(dst_t)
    norm_col = pl.pallas_call(
        _m5_body,
        grid=(GR,),
        in_specs=[pl.BlockSpec((RB, 128), lambda r: (r, 0)),
                  pl.BlockSpec((RB, 128), lambda r: (r + GR, 0))],
        out_specs=pl.BlockSpec((RB, 1), lambda r: (r, 0)),
        out_shape=jax.ShapeDtypeStruct((NTP, 1), f32),
    )(deg_parts, deg_parts)

    h1cat = pl.pallas_call(
        _m4_body,
        grid=(GR, 2),
        in_specs=[pl.BlockSpec((RB, IN_DIM), lambda r, c: (r, 0)),
                  pl.BlockSpec((IN_DIM, 128), lambda r, c: (0, c)),
                  pl.BlockSpec((RB, 1), lambda r, c: (r, 0))],
        out_specs=pl.BlockSpec((RB, 128), lambda r, c: (r + GR * c, 0)),
        out_shape=jax.ShapeDtypeStruct((2 * NTP, 128), f32),
    )(tokp, gcn_W1, norm_col)

    scat1 = _sc_segsum_fsplit(src_t, dst_t, h1cat, E_TOK, NTP)

    t1cat = pl.pallas_call(
        _m6_body,
        grid=(GR, 2),
        in_specs=[pl.BlockSpec((RB, 128), lambda r, c: (r + GR * c, 0)),
                  pl.BlockSpec((RB, 128), lambda r, c: (r + GR * c, 0)),
                  pl.BlockSpec((RB, 1), lambda r, c: (r, 0))],
        out_specs=pl.BlockSpec((RB, 128), lambda r, c: (r + GR * c, 0)),
        out_shape=jax.ShapeDtypeStruct((2 * NTP, 128), f32),
    )(scat1, h1cat, norm_col)

    w2a = jnp.zeros((128, 128), f32).at[:, :OUT].set(gcn_W2[:128])
    w2b = jnp.zeros((128, 128), f32).at[:, :OUT].set(gcn_W2[128:])
    h2s = pl.pallas_call(
        _m7_body,
        grid=(GR,),
        in_specs=[pl.BlockSpec((RB, 128), lambda r: (r, 0)),
                  pl.BlockSpec((RB, 128), lambda r: (r + GR, 0)),
                  pl.BlockSpec((128, 128), lambda r: (0, 0)),
                  pl.BlockSpec((128, 128), lambda r: (0, 0)),
                  pl.BlockSpec((RB, 1), lambda r: (r, 0))],
        out_specs=pl.BlockSpec((RB, 128), lambda r: (r, 0)),
        out_shape=jax.ShapeDtypeStruct((NTP, 128), f32),
    )(t1cat, t1cat, w2a, w2b, norm_col)

    scat2 = _sc_segsum_esplit(src_t, dst_t, h2s, E_TOK, NTP)

    t2 = pl.pallas_call(
        _m8_body,
        grid=(GR,),
        in_specs=[pl.BlockSpec((RB, 128), lambda r: (r, 0)),
                  pl.BlockSpec((RB, 128), lambda r: (r + GR, 0)),
                  pl.BlockSpec((RB, 128), lambda r: (r, 0)),
                  pl.BlockSpec((RB, 1), lambda r: (r, 0))],
        out_specs=pl.BlockSpec((RB, 128), lambda r: (r, 0)),
        out_shape=jax.ShapeDtypeStruct((NTP, 128), f32),
    )(scat2, scat2, h2s, norm_col)

    return _sc_gather(t2, ids)


def kernel(instance_batch_embs, token_embs, instance_edge_index, token_edge_index, instance_batch_token_ids, gat_W1, gat_al1, gat_ar1, gat_W2, gat_al2, gat_ar2, gcn_W1, gcn_W2, Wih0f, Whh0f, b0f, Wih0b, Whh0b, b0b, Wih1f, Whh1f, b1f, Wih1b, Whh1b, b1b, fc_W, fc_b):
    src_i = instance_edge_index[0]; dst_i = instance_edge_index[1]
    src_t = token_edge_index[0]; dst_t = token_edge_index[1]
    inst = _gat_pipeline(instance_batch_embs, src_i, dst_i,
                         gat_W1, gat_al1, gat_ar1, gat_W2, gat_al2, gat_ar2)
    tg = _gcn_pipeline(token_embs, src_t, dst_t, gcn_W1, gcn_W2,
                       instance_batch_token_ids)
    embs = jnp.concatenate([inst, tg], axis=0)
    w0fp = jnp.zeros((128, 4 * LSTM_H), jnp.float32).at[:OUT].set(Wih0f)
    w0bp = jnp.zeros((128, 4 * LSTM_H), jnp.float32).at[:OUT].set(Wih0b)
    return _lstm_head(embs, w0fp, Whh0f, b0f, w0bp, Whh0b, b0b,
                      Wih1f, Whh1f, b1f, Wih1b, Whh1b, b1b, fc_W, fc_b)

# --- scband reference (transcript-rebuilt; emitter-appended) ---
"""Pipeline reference for scband-gnn-combined-52793738003237 (READ-ONLY COPY).

The authoritative reference and input builder live on the scoring server;
editing this copy changes nothing except your own understanding.
"""

import jax, jax.numpy as jnp
import numpy as np

N_INST = 2048; E_INST = 16384; N_TOK = 10000; E_TOK = 163840
IN_DIM = 256; HID = 256; HEADS = 4; OUT = 100; NCLS = 4; LSTM_H = 200


def _gat_conv(x, src, dst, W, al, ar, N):
    H, D = al.shape
    feat = (x @ W).reshape(-1, H, D)
    el = jnp.sum(feat * al[None, :, :], axis=-1)
    er = jnp.sum(feat * ar[None, :, :], axis=-1)
    e = jax.nn.leaky_relu(el[src] + er[dst], negative_slope=0.2)
    emax = jax.ops.segment_max(e, dst, num_segments=N)
    emax = jnp.where(jnp.isfinite(emax), emax, 0.0)
    ee = jnp.exp(e - emax[dst])
    den = jax.ops.segment_sum(ee, dst, num_segments=N)
    alpha = ee / (den[dst] + 1e-9)
    return jax.ops.segment_sum(feat[src] * alpha[:, :, None], dst, num_segments=N)


def _gcn_layer(x, src, dst, W, N):
    h = x @ W
    deg = jnp.bincount(dst, length=N).astype(jnp.float32) + 1.0
    norm = 1.0 / jnp.sqrt(deg)
    msg = h[src] * (norm[src] * norm[dst])[:, None]
    out = jax.ops.segment_sum(msg, dst, num_segments=N)
    return out + h * (norm * norm)[:, None]


def _lstm_dir(x, Wih, Whh, b, reverse):
    Hh = Whh.shape[0]
    def step(carry, xt):
        h, c = carry
        z = xt @ Wih + h @ Whh + b
        i, f, g, o = jnp.split(z, 4)
        c = jax.nn.sigmoid(f) * c + jax.nn.sigmoid(i) * jnp.tanh(g)
        h = jax.nn.sigmoid(o) * jnp.tanh(c)
        return (h, c), h
    xs = x[::-1] if reverse else x
    (h, c), ys = jax.lax.scan(step, (jnp.zeros((Hh,), x.dtype), jnp.zeros((Hh,), x.dtype)), xs)
    if reverse:
        ys = ys[::-1]
    return ys, h


def setup_inputs(seed: int = 0):
    key = jax.random.key(seed)
    ks = jax.random.split(key, 32)
    s = 0.05
    inp = {}
    inp['instance_batch_embs'] = jax.random.normal(ks[0], (N_INST, IN_DIM))
    inp['token_embs'] = jax.random.normal(ks[1], (N_TOK, IN_DIM))
    inp['instance_edge_index'] = jax.random.randint(ks[2], (2, E_INST), 0, N_INST)
    inp['token_edge_index'] = jax.random.randint(ks[3], (2, E_TOK), 0, N_TOK)
    inp['instance_batch_token_ids'] = jax.random.randint(ks[4], (N_INST,), 0, N_TOK)
    inp['gat_W1'] = jax.random.normal(ks[5], (IN_DIM, HEADS * HID)) * s
    inp['gat_al1'] = jax.random.normal(ks[6], (HEADS, HID)) * s
    inp['gat_ar1'] = jax.random.normal(ks[7], (HEADS, HID)) * s
    inp['gat_W2'] = jax.random.normal(ks[8], (HEADS * HID, OUT)) * s
    inp['gat_al2'] = jax.random.normal(ks[9], (1, OUT)) * s
    inp['gat_ar2'] = jax.random.normal(ks[10], (1, OUT)) * s
    inp['gcn_W1'] = jax.random.normal(ks[11], (IN_DIM, HID)) * s
    inp['gcn_W2'] = jax.random.normal(ks[12], (HID, OUT)) * s
    inp['Wih0f'] = jax.random.normal(ks[13], (OUT, 4 * LSTM_H)) * s
    inp['Whh0f'] = jax.random.normal(ks[14], (LSTM_H, 4 * LSTM_H)) * s
    inp['b0f'] = jnp.zeros((4 * LSTM_H,))
    inp['Wih0b'] = jax.random.normal(ks[15], (OUT, 4 * LSTM_H)) * s
    inp['Whh0b'] = jax.random.normal(ks[16], (LSTM_H, 4 * LSTM_H)) * s
    inp['b0b'] = jnp.zeros((4 * LSTM_H,))
    inp['Wih1f'] = jax.random.normal(ks[17], (2 * LSTM_H, 4 * LSTM_H)) * s
    inp['Whh1f'] = jax.random.normal(ks[18], (LSTM_H, 4 * LSTM_H)) * s
    inp['b1f'] = jnp.zeros((4 * LSTM_H,))
    inp['Wih1b'] = jax.random.normal(ks[19], (2 * LSTM_H, 4 * LSTM_H)) * s
    inp['Whh1b'] = jax.random.normal(ks[20], (LSTM_H, 4 * LSTM_H)) * s
    inp['b1b'] = jnp.zeros((4 * LSTM_H,))
    inp['fc_W'] = jax.random.normal(ks[21], (2 * LSTM_H, NCLS)) * s
    inp['fc_b'] = jnp.zeros((NCLS,))
    return inp


def reference(instance_batch_embs, token_embs, instance_edge_index, token_edge_index, instance_batch_token_ids, gat_W1, gat_al1, gat_ar1, gat_W2, gat_al2, gat_ar2, gcn_W1, gcn_W2, Wih0f, Whh0f, b0f, Wih0b, Whh0b, b0b, Wih1f, Whh1f, b1f, Wih1b, Whh1b, b1b, fc_W, fc_b):
    src_i = instance_edge_index[0]; dst_i = instance_edge_index[1]
    src_t = token_edge_index[0]; dst_t = token_edge_index[1]
    # Instance GAT (2 GATConv layers, relu + head-flatten after each)
    h = jax.nn.relu(_gat_conv(instance_batch_embs, src_i, dst_i, gat_W1, gat_al1, gat_ar1, N_INST))
    h = h.reshape(N_INST, HEADS * HID)
    h = jax.nn.relu(_gat_conv(h, src_i, dst_i, gat_W2, gat_al2, gat_ar2, N_INST))
    inst = h.reshape(N_INST, OUT)
    # Token GCN (2-layer symmetric-normalized GCN with self loops)
    t = jax.nn.relu(_gcn_layer(token_embs, src_t, dst_t, gcn_W1, N_TOK))
    t = _gcn_layer(t, src_t, dst_t, gcn_W2, N_TOK)
    t = t[instance_batch_token_ids]
    # combine == 'concat': torch.cat along dim 0
    embs = jnp.concatenate([inst, t], axis=0)
    # BiLSTM classifier (2 layers, bidirectional); hidden[-2],hidden[-1] = last layer fwd/bwd final states
    y0f, _h0f = _lstm_dir(embs, Wih0f, Whh0f, b0f, False)
    y0b, _h0b = _lstm_dir(embs, Wih0b, Whh0b, b0b, True)
    x1 = jnp.concatenate([y0f, y0b], axis=1)
    _y1f, h1f = _lstm_dir(x1, Wih1f, Whh1f, b1f, False)
    _y1b, h1b = _lstm_dir(x1, Wih1b, Whh1b, b1b, True)
    hidden = jnp.concatenate([h1f, h1b], axis=0)
    logits = hidden @ fc_W + fc_b
    return logits

if __name__ == "__main__":
    import jax
    _d = setup_inputs()
    print(jax.jit(kernel)(*tuple(_d.values())))

</pallas_src>

<mosaic_0001>
#map = affine_map<(d0, d1) -> (0)>
#map1 = affine_map<(d0, d1) -> (0, 0)>
module attributes {stable_mosaic.version = 14 : i64} {
  func.func @_deg_body(%arg0: i32, %arg1: i32, %arg2: memref<163840xi32, #tpu.memory_space<hbm>>, %arg3: memref<128x128xf32, #tpu.memory_space<hbm>>, %arg4: memref<640x128xf32, #tpu.memory_space<hbm>>, %arg5: memref<20480x128xf32, #tpu.memory_space<hbm>>, %arg6: memref<128xi32, #tpu.memory_space<vmem>>, %arg7: memref<128x128xf32, #tpu.memory_space<vmem>>, %arg8: memref<10240x128xf32, #tpu.memory_space<vmem_shared>>, %arg9: memref<!tpu.dma_semaphore, #tpu.memory_space<semaphore_mem>>) attributes {dimension_semantics = [#tpu.dimension_semantics<core_parallel>, #tpu.dimension_semantics<subcore_parallel>], iteration_bounds = array<i64: 2, 16>, scalar_prefetch = 0 : i64, scratch_operands = 4 : i64, tpu.core_type = #tpu.core_type<sc_vector_subcore>, window_params = [{transform_indices = #map}, {transform_indices = #map1}, {transform_indices = #map1}, {transform_indices = #map1}]} {
    %mul3A = arith.constant 640 : i32
    %mul3A_0 = arith.muli %arg1, %mul3A : i32
    "tpu.region"() ({
      %run_scoped3A = tpu.sem_alloc : memref<!tpu.dma_semaphore, #tpu.memory_space<semaphore_mem>>
      %dma_start3A = arith.constant 0 : i32
      %dma_start3A_14 = tpu.memref_slice %arg8[%mul3A_0, %dma_start3A] : memref<10240x128xf32, #tpu.memory_space<vmem_shared>> -> memref<640x128xf32, #tpu.memory_space<vmem_shared>>
      tpu.enqueue_dma source(%arg4 : memref<640x128xf32, #tpu.memory_space<hbm>>) target(%dma_start3A_14 : memref<640x128xf32, #tpu.memory_space<vmem_shared>>) target_semaphore(%run_scoped3A : memref<!tpu.dma_semaphore, #tpu.memory_space<semaphore_mem>>)
      %dma_wait3A = arith.constant 0 : i32
      %dma_wait3A_15 = tpu.memref_slice %arg8[%mul3A_0, %dma_wait3A] : memref<10240x128xf32, #tpu.memory_space<vmem_shared>> -> memref<640x128xf32, #tpu.memory_space<vmem_shared>>
      tpu.wait_dma2 semaphore(%run_scoped3A : memref<!tpu.dma_semaphore, #tpu.memory_space<semaphore_mem>>) src(%arg4 : memref<640x128xf32, #tpu.memory_space<hbm>>) dst(%dma_wait3A_15 : memref<640x128xf32, #tpu.memory_space<vmem_shared>>)
      tpu.yield
    }) : () -> ()
    "tpu.region"() ({
      %run_scoped3A = tpu.sem_alloc : memref<!tpu.dma_semaphore, #tpu.memory_space<semaphore_mem>>
      tpu.enqueue_dma source(%arg3 : memref<128x128xf32, #tpu.memory_space<hbm>>) target(%arg7 : memref<128x128xf32, #tpu.memory_space<vmem>>) target_semaphore(%run_scoped3A : memref<!tpu.dma_semaphore, #tpu.memory_space<semaphore_mem>>)
      tpu.wait_dma2 semaphore(%run_scoped3A : memref<!tpu.dma_semaphore, #tpu.memory_space<semaphore_mem>>) src(%arg3 : memref<128x128xf32, #tpu.memory_space<hbm>>) dst(%arg7 : memref<128x128xf32, #tpu.memory_space<vmem>>)
      tpu.yield
    }) : () -> ()
    %barrier3A = arith.constant 0 : index
    tpu.barrier barrier_id(%barrier3A)
    %scan3A = arith.constant 0 : i32
    %scan3A_1 = arith.constant 0 : i32
    %scan3A_2 = arith.constant 40 : i32
    %scan3A_3 = arith.addi %scan3A_1, %scan3A_2 : i32
    %scan3A_4 = arith.constant 1 : i32
    %scan3A_5 = scf.for %scan3A_14 = %scan3A_1 to %scan3A_3 step %scan3A_4 iter_args(%scan3A_15 = %scan3A) -> (i32)  : i32 {
      %mul3A_16 = arith.constant 16 : i32
      %mul3A_17 = arith.muli %arg0, %mul3A_16 : i32
      %add3A_18 = arith.addi %mul3A_17, %arg1 : i32
      %mul3A_19 = arith.constant 5120 : i32
      %mul3A_20 = arith.muli %add3A_18, %mul3A_19 : i32
      %mul3A_21 = arith.constant 128 : i32
      %mul3A_22 = arith.muli %scan3A_14, %mul3A_21 : i32
      %add3A_23 = arith.addi %mul3A_20, %mul3A_22 : i32
      "tpu.region"() ({
        %run_scoped3A = tpu.sem_alloc : memref<!tpu.dma_semaphore, #tpu.memory_space<semaphore_mem>>
        %dma_start3A = tpu.memref_slice %arg2[%add3A_23] : memref<163840xi32, #tpu.memory_space<hbm>> -> memref<128xi32, #tpu.memory_space<hbm>>
        %dma_start3A_25 = tpu.memref_slice %arg2[%add3A_23] : memref<163840xi32, #tpu.memory_space<hbm>> -> memref<128xi32, #tpu.memory_space<hbm>>
        tpu.enqueue_dma source(%dma_start3A_25 : memref<128xi32, #tpu.memory_space<hbm>>) target(%arg6 : memref<128xi32, #tpu.memory_space<vmem>>) target_semaphore(%run_scoped3A : memref<!tpu.dma_semaphore, #tpu.memory_space<semaphore_mem>>)
        %dma_wait3A = tpu.memref_slice %arg2[%add3A_23] : memref<163840xi32, #tpu.memory_space<hbm>> -> memref<128xi32, #tpu.memory_space<hbm>>
        %dma_wait3A_26 = tpu.memref_slice %arg2[%add3A_23] : memref<163840xi32, #tpu.memory_space<hbm>> -> memref<128xi32, #tpu.memory_space<hbm>>
        tpu.wait_dma2 semaphore(%run_scoped3A : memref<!tpu.dma_semaphore, #tpu.memory_space<semaphore_mem>>) src(%dma_wait3A_26 : memref<128xi32, #tpu.memory_space<hbm>>) dst(%arg6 : memref<128xi32, #tpu.memory_space<vmem>>)
        tpu.yield
      }) : () -> ()
      "tpu.region"() ({
        %run_scoped3A = tpu.sem_alloc : memref<!tpu.dma_semaphore, #tpu.memory_space<semaphore_mem>>
        %dma_start3A = arith.constant 0 : i32
        %dma_start3A_25 = arith.constant 0 : i32
        %dma_start3A_26 = tpu.memref_slice %arg8[%dma_start3A, %dma_start3A_25] : memref<10240x128xf32, #tpu.memory_space<vmem_shared>> -> memref<10240x128xf32, #tpu.memory_space<vmem_shared>>
        tpu.enqueue_indirect_dma source(%arg7 : memref<128x128xf32, #tpu.memory_space<vmem>>) target(%dma_start3A_26 : memref<10240x128xf32, #tpu.memory_space<vmem_shared>>) offsets(%arg6 : memref<128xi32, #tpu.memory_space<vmem>>) semaphore(%run_scoped3A : memref<!tpu.dma_semaphore, #tpu.memory_space<semaphore_mem>>) {add = true}
        %dma_wait3A = arith.constant 0 : i32
        %dma_wait3A_27 = arith.constant 0 : i32
        %dma_wait3A_28 = tpu.memref_slice %arg8[%dma_wait3A, %dma_wait3A_27] : memref<10240x128xf32, #tpu.memory_space<vmem_shared>> -> memref<10240x128xf32, #tpu.memory_space<vmem_shared>>
        tpu.wait_indirect_dma semaphore(%run_scoped3A : memref<!tpu.dma_semaphore, #tpu.memory_space<semaphore_mem>>) src(%arg7 : memref<128x128xf32, #tpu.memory_space<vmem>>) dst(%dma_wait3A_28 : memref<10240x128xf32, #tpu.memory_space<vmem_shared>>)
        tpu.yield
      }) : () -> ()
      %scan3A_24 = arith.constant 0 : i32
      scf.yield %scan3A_24 : i32
    }
    %scan3A_6 = arith.constant 40 : i32
    %barrier3A_7 = arith.constant 0 : index
    tpu.barrier barrier_id(%barrier3A_7)
    %mul3A_8 = arith.constant 640 : i32
    %mul3A_9 = arith.muli %arg1, %mul3A_8 : i32
    %mul3A_10 = arith.constant 10240 : i32
    %mul3A_11 = arith.muli %arg0, %mul3A_10 : i32
    %mul3A_12 = arith.constant 640 : i32
    %mul3A_13 = arith.muli %arg1, %mul3A_12 : i32
    %add3A = arith.addi %mul3A_11, %mul3A_13 : i32
    "tpu.region"() ({
      %run_scoped3A = tpu.sem_alloc : memref<!tpu.dma_semaphore, #tpu.memory_space<semaphore_mem>>
      %dma_start3A = arith.constant 0 : i32
      %dma_start3A_14 = tpu.memref_slice %arg5[%add3A, %dma_start3A] : memref<20480x128xf32, #tpu.memory_space<hbm>> -> memref<640x128xf32, #tpu.memory_space<hbm>>
      %dma_start3A_15 = arith.constant 0 : i32
      %dma_start3A_16 = tpu.memref_slice %arg8[%mul3A_9, %dma_start3A_15] : memref<10240x128xf32, #tpu.memory_space<vmem_shared>> -> memref<640x128xf32, #tpu.memory_space<vmem_shared>>
      tpu.enqueue_dma source(%dma_start3A_16 : memref<640x128xf32, #tpu.memory_space<vmem_shared>>) target(%dma_start3A_14 : memref<640x128xf32, #tpu.memory_space<hbm>>) target_semaphore(%run_scoped3A : memref<!tpu.dma_semaphore, #tpu.memory_space<semaphore_mem>>)
      %dma_wait3A = arith.constant 0 : i32
      %dma_wait3A_17 = tpu.memref_slice %arg5[%add3A, %dma_wait3A] : memref<20480x128xf32, #tpu.memory_space<hbm>> -> memref<640x128xf32, #tpu.memory_space<hbm>>
      %dma_wait3A_18 = arith.constant 0 : i32
      %dma_wait3A_19 = tpu.memref_slice %arg8[%mul3A_9, %dma_wait3A_18] : memref<10240x128xf32, #tpu.memory_space<vmem_shared>> -> memref<640x128xf32, #tpu.memory_space<vmem_shared>>
      tpu.wait_dma2 semaphore(%run_scoped3A : memref<!tpu.dma_semaphore, #tpu.memory_space<semaphore_mem>>) src(%dma_wait3A_19 : memref<640x128xf32, #tpu.memory_space<vmem_shared>>) dst(%dma_wait3A_17 : memref<640x128xf32, #tpu.memory_space<hbm>>)
      tpu.yield
    }) : () -> ()
    return
  }
}

#map = affine_map<(d0, d1) -> (0)>
#map1 = affine_map<(d0, d1) -> (0, 0)>
module attributes {stable_mosaic.version = 14 : i64} {
  func.func @_segsum_fsplit_body(%arg0: i32, %arg1: i32, %arg2: memref<163840xi32, #tpu.memory_space<hbm>>, %arg3: memref<163840xi32, #tpu.memory_space<hbm>>, %arg4: memref<20480x128xf32, #tpu.memory_space<hbm>>, %arg5: memref<128x128xf32, #tpu.memory_space<hbm>>, %arg6: memref<20480x128xf32, #tpu.memory_space<hbm>>, %arg7: memref<128xi32, #tpu.memory_space<vmem>>, %arg8: memref<128xi32, #tpu.memory_space<vmem>>, %arg9: memref<128x128xf32, #tpu.memory_space<vmem>>, %arg10: memref<10240x128xf32, #tpu.memory_space<vmem_shared>>, %arg11: memref<!tpu.dma_semaphore, #tpu.memory_space<semaphore_mem>>) attributes {dimension_semantics = [#tpu.dimension_semantics<core_parallel>, #tpu.dimension_semantics<subcore_parallel>], iteration_bounds = array<i64: 2, 16>, scalar_prefetch = 0 : i64, scratch_operands = 5 : i64, tpu.core_type = #tpu.core_type<sc_vector_subcore>, window_params = [{transform_indices = #map}, {transform_indices = #map}, {transform_indices = #map1}, {transform_indices = #map1}, {transform_indices = #map1}]} {
    %mul3A = arith.constant 640 : i32
    %mul3A_0 = arith.muli %arg1, %mul3A : i32
    %add3A = arith.constant 0 : i32
    %add3A_1 = arith.addi %mul3A_0, %add3A : i32
    "tpu.region"() ({
      %run_scoped3A = tpu.sem_alloc : memref<!tpu.dma_semaphore, #tpu.memory_space<semaphore_mem>>
      %dma_start3A = arith.constant 0 : i32
      %dma_start3A_32 = tpu.memref_slice %arg10[%add3A_1, %dma_start3A] : memref<10240x128xf32, #tpu.memory_space<vmem_shared>> -> memref<128x128xf32, #tpu.memory_space<vmem_shared>>
      tpu.enqueue_dma source(%arg5 : memref<128x128xf32, #tpu.memory_space<hbm>>) target(%dma_start3A_32 : memref<128x128xf32, #tpu.memory_space<vmem_shared>>) target_semaphore(%run_scoped3A : memref<!tpu.dma_semaphore, #tpu.memory_space<semaphore_mem>>)
      %dma_wait3A = arith.constant 0 : i32
      %dma_wait3A_33 = tpu.memref_slice %arg10[%add3A_1, %dma_wait3A] : memref<10240x128xf32, #tpu.memory_space<vmem_shared>> -> memref<128x128xf32, #tpu.memory_space<vmem_shared>>
      tpu.wait_dma2 semaphore(%run_scoped3A : memref<!tpu.dma_semaphore, #tpu.memory_space<semaphore_mem>>) src(%arg5 : memref<128x128xf32, #tpu.memory_space<hbm>>) dst(%dma_wait3A_33 : memref<128x128xf32, #tpu.memory_space<vmem_shared>>)
      tpu.yield
    }) : () -> ()
    %mul3A_2 = arith.constant 640 : i32
    %mul3A_3 = arith.muli %arg1, %mul3A_2 : i32
    %add3A_4 = arith.constant 128 : i32
    %add3A_5 = arith.addi %mul3A_3, %add3A_4 : i32
    "tpu.region"() ({
      %run_scoped3A = tpu.sem_alloc : memref<!tpu.dma_semaphore, #tpu.memory_space<semaphore_mem>>
      %dma_start3A = arith.constant 0 : i32
      %dma_start3A_32 = tpu.memref_slice %arg10[%add3A_5, %dma_start3A] : memref<10240x128xf32, #tpu.memory_space<vmem_shared>> -> memref<128x128xf32, #tpu.memory_space<vmem_shared>>
      tpu.enqueue_dma source(%arg5 : memref<128x128xf32, #tpu.memory_space<hbm>>) target(%dma_start3A_32 : memref<128x128xf32, #tpu.memory_space<vmem_shared>>) target_semaphore(%run_scoped3A : memref<!tpu.dma_semaphore, #tpu.memory_space<semaphore_mem>>)
      %dma_wait3A = arith.constant 0 : i32
      %dma_wait3A_33 = tpu.memref_slice %arg10[%add3A_5, %dma_wait3A] : memref<10240x128xf32, #tpu.memory_space<vmem_shared>> -> memref<128x128xf32, #tpu.memory_space<vmem_shared>>
      tpu.wait_dma2 semaphore(%run_scoped3A : memref<!tpu.dma_semaphore, #tpu.memory_space<semaphore_mem>>) src(%arg5 : memref<128x128xf32, #tpu.memory_space<hbm>>) dst(%dma_wait3A_33 : memref<128x128xf32, #tpu.memory_space<vmem_shared>>)
      tpu.yield
    }) : () -> ()
    %mul3A_6 = arith.constant 640 : i32
    %mul3A_7 = arith.muli %arg1, %mul3A_6 : i32
    %add3A_8 = arith.constant 256 : i32
    %add3A_9 = arith.addi %mul3A_7, %add3A_8 : i32
    "tpu.region"() ({
      %run_scoped3A = tpu.sem_alloc : memref<!tpu.dma_semaphore, #tpu.memory_space<semaphore_mem>>
      %dma_start3A = arith.constant 0 : i32
      %dma_start3A_32 = tpu.memref_slice %arg10[%add3A_9, %dma_start3A] : memref<10240x128xf32, #tpu.memory_space<vmem_shared>> -> memref<128x128xf32, #tpu.memory_space<vmem_shared>>
      tpu.enqueue_dma source(%arg5 : memref<128x128xf32, #tpu.memory_space<hbm>>) target(%dma_start3A_32 : memref<128x128xf32, #tpu.memory_space<vmem_shared>>) target_semaphore(%run_scoped3A : memref<!tpu.dma_semaphore, #tpu.memory_space<semaphore_mem>>)
      %dma_wait3A = arith.constant 0 : i32
      %dma_wait3A_33 = tpu.memref_slice %arg10[%add3A_9, %dma_wait3A] : memref<10240x128xf32, #tpu.memory_space<vmem_shared>> -> memref<128x128xf32, #tpu.memory_space<vmem_shared>>
      tpu.wait_dma2 semaphore(%run_scoped3A : memref<!tpu.dma_semaphore, #tpu.memory_space<semaphore_mem>>) src(%arg5 : memref<128x128xf32, #tpu.memory_space<hbm>>) dst(%dma_wait3A_33 : memref<128x128xf32, #tpu.memory_space<vmem_shared>>)
      tpu.yield
    }) : () -> ()
    %mul3A_10 = arith.constant 640 : i32
    %mul3A_11 = arith.muli %arg1, %mul3A_10 : i32
    %add3A_12 = arith.constant 384 : i32
    %add3A_13 = arith.addi %mul3A_11, %add3A_12 : i32
    "tpu.region"() ({
      %run_scoped3A = tpu.sem_alloc : memref<!tpu.dma_semaphore, #tpu.memory_space<semaphore_mem>>
      %dma_start3A = arith.constant 0 : i32
      %dma_start3A_32 = tpu.memref_slice %arg10[%add3A_13, %dma_start3A] : memref<10240x128xf32, #tpu.memory_space<vmem_shared>> -> memref<128x128xf32, #tpu.memory_space<vmem_shared>>
      tpu.enqueue_dma source(%arg5 : memref<128x128xf32, #tpu.memory_space<hbm>>) target(%dma_start3A_32 : memref<128x128xf32, #tpu.memory_space<vmem_shared>>) target_semaphore(%run_scoped3A : memref<!tpu.dma_semaphore, #tpu.memory_space<semaphore_mem>>)
      %dma_wait3A = arith.constant 0 : i32
      %dma_wait3A_33 = tpu.memref_slice %arg10[%add3A_13, %dma_wait3A] : memref<10240x128xf32, #tpu.memory_space<vmem_shared>> -> memref<128x128xf32, #tpu.memory_space<vmem_shared>>
      tpu.wait_dma2 semaphore(%run_scoped3A : memref<!tpu.dma_semaphore, #tpu.memory_space<semaphore_mem>>) src(%arg5 : memref<128x128xf32, #tpu.memory_space<hbm>>) dst(%dma_wait3A_33 : memref<128x128xf32, #tpu.memory_space<vmem_shared>>)
      tpu.yield
    }) : () -> ()
    %mul3A_14 = arith.constant 640 : i32
    %mul3A_15 = arith.muli %arg1, %mul3A_14 : i32
    %add3A_16 = arith.constant 512 : i32
    %add3A_17 = arith.addi %mul3A_15, %add3A_16 : i32
    "tpu.region"() ({
      %run_scoped3A = tpu.sem_alloc : memref<!tpu.dma_semaphore, #tpu.memory_space<semaphore_mem>>
      %dma_start3A = arith.constant 0 : i32
      %dma_start3A_32 = tpu.memref_slice %arg10[%add3A_17, %dma_start3A] : memref<10240x128xf32, #tpu.memory_space<vmem_shared>> -> memref<128x128xf32, #tpu.memory_space<vmem_shared>>
      tpu.enqueue_dma source(%arg5 : memref<128x128xf32, #tpu.memory_space<hbm>>) target(%dma_start3A_32 : memref<128x128xf32, #tpu.memory_space<vmem_shared>>) target_semaphore(%run_scoped3A : memref<!tpu.dma_semaphore, #tpu.memory_space<semaphore_mem>>)
      %dma_wait3A = arith.constant 0 : i32
      %dma_wait3A_33 = tpu.memref_slice %arg10[%add3A_17, %dma_wait3A] : memref<10240x128xf32, #tpu.memory_space<vmem_shared>> -> memref<128x128xf32, #tpu.memory_space<vmem_shared>>
      tpu.wait_dma2 semaphore(%run_scoped3A : memref<!tpu.dma_semaphore, #tpu.memory_space<semaphore_mem>>) src(%arg5 : memref<128x128xf32, #tpu.memory_space<hbm>>) dst(%dma_wait3A_33 : memref<128x128xf32, #tpu.memory_space<vmem_shared>>)
      tpu.yield
    }) : () -> ()
    %barrier3A = arith.constant 0 : index
    tpu.barrier barrier_id(%barrier3A)
    %scan3A = arith.constant 0 : i32
    %scan3A_18 = arith.constant 0 : i32
    %scan3A_19 = arith.constant 80 : i32
    %scan3A_20 = arith.addi %scan3A_18, %scan3A_19 : i32
    %scan3A_21 = arith.constant 1 : i32
    %scan3A_22 = scf.for %scan3A_32 = %scan3A_18 to %scan3A_20 step %scan3A_21 iter_args(%scan3A_33 = %scan3A) -> (i32)  : i32 {
      %mul3A_34 = arith.constant 10240 : i32
      %mul3A_35 = arith.muli %arg1, %mul3A_34 : i32
      %mul3A_36 = arith.constant 128 : i32
      %mul3A_37 = arith.muli %scan3A_32, %mul3A_36 : i32
      %add3A_38 = arith.addi %mul3A_35, %mul3A_37 : i32
      "tpu.region"() ({
        %run_scoped3A = tpu.sem_alloc : memref<!tpu.dma_semaphore, #tpu.memory_space<semaphore_mem>>
        %dma_start3A_116 = tpu.memref_slice %arg2[%add3A_38] : memref<163840xi32, #tpu.memory_space<hbm>> -> memref<128xi32, #tpu.memory_space<hbm>>
        %dma_start3A_117 = tpu.memref_slice %arg2[%add3A_38] : memref<163840xi32, #tpu.memory_space<hbm>> -> memref<128xi32, #tpu.memory_space<hbm>>
        tpu.enqueue_dma source(%dma_start3A_117 : memref<128xi32, #tpu.memory_space<hbm>>) target(%arg7 : memref<128xi32, #tpu.memory_space<vmem>>) target_semaphore(%run_scoped3A : memref<!tpu.dma_semaphore, #tpu.memory_space<semaphore_mem>>)
        %dma_wait3A_118 = tpu.memref_slice %arg2[%add3A_38] : memref<163840xi32, #tpu.memory_space<hbm>> -> memref<128xi32, #tpu.memory_space<hbm>>
        %dma_wait3A_119 = tpu.memref_slice %arg2[%add3A_38] : memref<163840xi32, #tpu.memory_space<hbm>> -> memref<128xi32, #tpu.memory_space<hbm>>
        tpu.wait_dma2 semaphore(%run_scoped3A : memref<!tpu.dma_semaphore, #tpu.memory_space<semaphore_mem>>) src(%dma_wait3A_119 : memref<128xi32, #tpu.memory_space<hbm>>) dst(%arg7 : memref<128xi32, #tpu.memory_space<vmem>>)
        tpu.yield
      }) : () -> ()
      "tpu.region"() ({
        %run_scoped3A = tpu.sem_alloc : memref<!tpu.dma_semaphore, #tpu.memory_space<semaphore_mem>>
        %dma_start3A_116 = tpu.memref_slice %arg3[%add3A_38] : memref<163840xi32, #tpu.memory_space<hbm>> -> memref<128xi32, #tpu.memory_space<hbm>>
        %dma_start3A_117 = tpu.memref_slice %arg3[%add3A_38] : memref<163840xi32, #tpu.memory_space<hbm>> -> memref<128xi32, #tpu.memory_space<hbm>>
        tpu.enqueue_dma source(%dma_start3A_117 : memref<128xi32, #tpu.memory_space<hbm>>) target(%arg8 : memref<128xi32, #tpu.memory_space<vmem>>) target_semaphore(%run_scoped3A : memref<!tpu.dma_semaphore, #tpu.memory_space<semaphore_mem>>)
        %dma_wait3A_118 = tpu.memref_slice %arg3[%add3A_38] : memref<163840xi32, #tpu.memory_space<hbm>> -> memref<128xi32, #tpu.memory_space<hbm>>
        %dma_wait3A_119 = tpu.memref_slice %arg3[%add3A_38] : memref<163840xi32, #tpu.memory_space<hbm>> -> memref<128xi32, #tpu.memory_space<hbm>>
        tpu.wait_dma2 semaphore(%run_scoped3A : memref<!tpu.dma_semaphore, #tpu.memory_space<semaphore_mem>>) src(%dma_wait3A_119 : memref<128xi32, #tpu.memory_space<hbm>>) dst(%arg8 : memref<128xi32, #tpu.memory_space<vmem>>)
        tpu.yield
      }) : () -> ()
      %mul3A_39 = arith.constant 10240 : i32
      %mul3A_40 = arith.muli %arg0, %mul3A_39 : i32
      %get3A = arith.constant 0 : index
      %get3A_41 = tpu.vector_load %arg7[%get3A] {strides = array<i32>} : memref<128xi32, #tpu.memory_space<vmem>>, vector<16xi32>,
      %get3A_42 = vector.shape_cast %get3A_41 : vector<16xi32> to vector<16xi32>
      %add3A_43 = vector.broadcast %mul3A_40 : i32 to vector<16xi32>
      %add3A_44 = arith.addi %get3A_42, %add3A_43 : vector<16xi32>
      %swap3A = arith.constant 0 : index
      %swap3A_45 = tpu.vector_load %arg7[%swap3A] {strides = array<i32>} : memref<128xi32, #tpu.memory_space<vmem>>, vector<16xi32>,
      %swap3A_46 = vector.shape_cast %swap3A_45 : vector<16xi32> to vector<16xi32>
      %swap3A_47 = vector.shape_cast %add3A_44 : vector<16xi32> to vector<16xi32>
      tpu.vector_store %arg7[%swap3A], %swap3A_47 {strides = array<i32>} : memref<128xi32, #tpu.memory_space<vmem>>, vector<16xi32>,
      %get3A_48 = arith.constant 16 : index
      %get3A_49 = tpu.vector_load %arg7[%get3A_48] {strides = array<i32>} : memref<128xi32, #tpu.memory_space<vmem>>, vector<16xi32>,
      %get3A_50 = vector.shape_cast %get3A_49 : vector<16xi32> to vector<16xi32>
      %add3A_51 = vector.broadcast %mul3A_40 : i32 to vector<16xi32>
      %add3A_52 = arith.addi %get3A_50, %add3A_51 : vector<16xi32>
      %swap3A_53 = arith.constant 16 : index
      %swap3A_54 = tpu.vector_load %arg7[%swap3A_53] {strides = array<i32>} : memref<128xi32, #tpu.memory_space<vmem>>, vector<16xi32>,
      %swap3A_55 = vector.shape_cast %swap3A_54 : vector<16xi32> to vector<16xi32>
      %swap3A_56 = vector.shape_cast %add3A_52 : vector<16xi32> to vector<16xi32>
      tpu.vector_store %arg7[%swap3A_53], %swap3A_56 {strides = array<i32>} : memref<128xi32, #tpu.memory_space<vmem>>, vector<16xi32>,
      %get3A_57 = arith.constant 32 : index
      %get3A_58 = tpu.vector_load %arg7[%get3A_57] {strides = array<i32>} : memref<128xi32, #tpu.memory_space<vmem>>, vector<16xi32>,
      %get3A_59 = vector.shape_cast %get3A_58 : vector<16xi32> to vector<16xi32>
      %add3A_60 = vector.broadcast %mul3A_40 : i32 to vector<16xi32>
      %add3A_61 = arith.addi %get3A_59, %add3A_60 : vector<16xi32>
      %swap3A_62 = arith.constant 32 : index
      %swap3A_63 = tpu.vector_load %arg7[%swap3A_62] {strides = array<i32>} : memref<128xi32, #tpu.memory_space<vmem>>, vector<16xi32>,
      %swap3A_64 = vector.shape_cast %swap3A_63 : vector<16xi32> to vector<16xi32>
      %swap3A_65 = vector.shape_cast %add3A_61 : vector<16xi32> to vector<16xi32>
      tpu.vector_store %arg7[%swap3A_62], %swap3A_65 {strides = array<i32>} : memref<128xi32, #tpu.memory_space<vmem>>, vector<16xi32>,
      %get3A_66 = arith.constant 48 : index
      %get3A_67 = tpu.vector_load %arg7[%get3A_66] {strides = array<i32>} : memref<128xi32, #tpu.memory_space<vmem>>, vector<16xi32>,
      %get3A_68 = vector.shape_cast %get3A_67 : vector<16xi32> to vector<16xi32>
      %add3A_69 = vector.broadcast %mul3A_40 : i32 to vector<16xi32>
      %add3A_70 = arith.addi %get3A_68, %add3A_69 : vector<16xi32>
      %swap3A_71 = arith.constant 48 : index
      %swap3A_72 = tpu.vector_load %arg7[%swap3A_71] {strides = array<i32>} : memref<128xi32, #tpu.memory_space<vmem>>, vector<16xi32>,
      %swap3A_73 = vector.shape_cast %swap3A_72 : vector<16xi32> to vector<16xi32>
      %swap3A_74 = vector.shape_cast %add3A_70 : vector<16xi32> to vector<16xi32>
      tpu.vector_store %arg7[%swap3A_71], %swap3A_74 {strides = array<i32>} : memref<128xi32, #tpu.memory_space<vmem>>, vector<16xi32>,
      %get3A_75 = arith.constant 64 : index
      %get3A_76 = tpu.vector_load %arg7[%get3A_75] {strides = array<i32>} : memref<128xi32, #tpu.memory_space<vmem>>, vector<16xi32>,
      %get3A_77 = vector.shape_cast %get3A_76 : vector<16xi32> to vector<16xi32>
      %add3A_78 = vector.broadcast %mul3A_40 : i32 to vector<16xi32>
      %add3A_79 = arith.addi %get3A_77, %add3A_78 : vector<16xi32>
      %swap3A_80 = arith.constant 64 : index
      %swap3A_81 = tpu.vector_load %arg7[%swap3A_80] {strides = array<i32>} : memref<128xi32, #tpu.memory_space<vmem>>, vector<16xi32>,
      %swap3A_82 = vector.shape_cast %swap3A_81 : vector<16xi32> to vector<16xi32>
      %swap3A_83 = vector.shape_cast %add3A_79 : vector<16xi32> to vector<16xi32>
      tpu.vector_store %arg7[%swap3A_80], %swap3A_83 {strides = array<i32>} : memref<128xi32, #tpu.memory_space<vmem>>, vector<16xi32>,
      %get3A_84 = arith.constant 80 : index
      %get3A_85 = tpu.vector_load %arg7[%get3A_84] {strides = array<i32>} : memref<128xi32, #tpu.memory_space<vmem>>, vector<16xi32>,
      %get3A_86 = vector.shape_cast %get3A_85 : vector<16xi32> to vector<16xi32>
      %add3A_87 = vector.broadcast %mul3A_40 : i32 to vector<16xi32>
      %add3A_88 = arith.addi %get3A_86, %add3A_87 : vector<16xi32>
      %swap3A_89 = arith.constant 80 : index
      %swap3A_90 = tpu.vector_load %arg7[%swap3A_89] {strides = array<i32>} : memref<128xi32, #tpu.memory_space<vmem>>, vector<16xi32>,
      %swap3A_91 = vector.shape_cast %swap3A_90 : vector<16xi32> to vector<16xi32>
      %swap3A_92 = vector.shape_cast %add3A_88 : vector<16xi32> to vector<16xi32>
      tpu.vector_store %arg7[%swap3A_89], %swap3A_92 {strides = array<i32>} : memref<128xi32, #tpu.memory_space<vmem>>, vector<16xi32>,
      %get3A_93 = arith.constant 96 : index
      %get3A_94 = tpu.vector_load %arg7[%get3A_93] {strides = array<i32>} : memref<128xi32, #tpu.memory_space<vmem>>, vector<16xi32>,
      %get3A_95 = vector.shape_cast %get3A_94 : vector<16xi32> to vector<16xi32>
      %add3A_96 = vector.broadcast %mul3A_40 : i32 to vector<16xi32>
      %add3A_97 = arith.addi %get3A_95, %add3A_96 : vector<16xi32>
      %swap3A_98 = arith.constant 96 : index
      %swap3A_99 = tpu.vector_load %arg7[%swap3A_98] {strides = array<i32>} : memref<128xi32, #tpu.memory_space<vmem>>, vector<16xi32>,
      %swap3A_100 = vector.shape_cast %swap3A_99 : vector<16xi32> to vector<16xi32>
      %swap3A_101 = vector.shape_cast %add3A_97 : vector<16xi32> to vector<16xi32>
      tpu.vector_store %arg7[%swap3A_98], %swap3A_101 {strides = array<i32>} : memref<128xi32, #tpu.memory_space<vmem>>, vector<16xi32>,
      %get3A_102 = arith.constant 112 : index
      %get3A_103 = tpu.vector_load %arg7[%get3A_102] {strides = array<i32>} : memref<128xi32, #tpu.memory_space<vmem>>, vector<16xi32>,
      %get3A_104 = vector.shape_cast %get3A_103 : vector<16xi32> to vector<16xi32>
      %add3A_105 = vector.broadcast %mul3A_40 : i32 to vector<16xi32>
      %add3A_106 = arith.addi %get3A_104, %add3A_105 : vector<16xi32>
      %swap3A_107 = arith.constant 112 : index
      %swap3A_108 = tpu.vector_load %arg7[%swap3A_107] {strides = array<i32>} : memref<128xi32, #tpu.memory_space<vmem>>, vector<16xi32>,
      %swap3A_109 = vector.shape_cast %swap3A_108 : vector<16xi32> to vector<16xi32>
      %swap3A_110 = vector.shape_cast %add3A_106 : vector<16xi32> to vector<16xi32>
      tpu.vector_store %arg7[%swap3A_107], %swap3A_110 {strides = array<i32>} : memref<128xi32, #tpu.memory_space<vmem>>, vector<16xi32>,
      %dma_start3A = arith.constant 0 : i32
      %dma_start3A_111 = arith.constant 0 : i32
      %dma_start3A_112 = tpu.memref_slice %arg4[%dma_start3A, %dma_start3A_111] : memref<20480x128xf32, #tpu.memory_space<hbm>> -> memref<20480x128xf32, #tpu.memory_space<hbm>>
      tpu.enqueue_indirect_dma source(%dma_start3A_112 : memref<20480x128xf32, #tpu.memory_space<hbm>>) target(%arg9 : memref<128x128xf32, #tpu.memory_space<vmem>>) offsets(%arg7 : memref<128xi32, #tpu.memory_space<vmem>>) semaphore(%arg11 : memref<!tpu.dma_semaphore, #tpu.memory_space<semaphore_mem>>)
      %dma_wait3A = arith.constant 0 : i32
      %dma_wait3A_113 = arith.constant 0 : i32
      %dma_wait3A_114 = tpu.memref_slice %arg4[%dma_wait3A, %dma_wait3A_113] : memref<20480x128xf32, #tpu.memory_space<hbm>> -> memref<20480x128xf32, #tpu.memory_space<hbm>>
      tpu.wait_indirect_dma semaphore(%arg11 : memref<!tpu.dma_semaphore, #tpu.memory_space<semaphore_mem>>) src(%dma_wait3A_114 : memref<20480x128xf32, #tpu.memory_space<hbm>>) dst(%arg9 : memref<128x128xf32, #tpu.memory_space<vmem>>)
      "tpu.region"() ({
        %run_scoped3A = tpu.sem_alloc : memref<!tpu.dma_semaphore, #tpu.memory_space<semaphore_mem>>
        %dma_start3A_116 = arith.constant 0 : i32
        %dma_start3A_117 = arith.constant 0 : i32
        %dma_start3A_118 = tpu.memref_slice %arg10[%dma_start3A_116, %dma_start3A_117] : memref<10240x128xf32, #tpu.memory_space<vmem_shared>> -> memref<10240x128xf32, #tpu.memory_space<vmem_shared>>
        tpu.enqueue_indirect_dma source(%arg9 : memref<128x128xf32, #tpu.memory_space<vmem>>) target(%dma_start3A_118 : memref<10240x128xf32, #tpu.memory_space<vmem_shared>>) offsets(%arg8 : memref<128xi32, #tpu.memory_space<vmem>>) semaphore(%run_scoped3A : memref<!tpu.dma_semaphore, #tpu.memory_space<semaphore_mem>>) {add = true}
        %dma_wait3A_119 = arith.constant 0 : i32
        %dma_wait3A_120 = arith.constant 0 : i32
        %dma_wait3A_121 = tpu.memref_slice %arg10[%dma_wait3A_119, %dma_wait3A_120] : memref<10240x128xf32, #tpu.memory_space<vmem_shared>> -> memref<10240x128xf32, #tpu.memory_space<vmem_shared>>
        tpu.wait_indirect_dma semaphore(%run_scoped3A : memref<!tpu.dma_semaphore, #tpu.memory_space<semaphore_mem>>) src(%arg9 : memref<128x128xf32, #tpu.memory_space<vmem>>) dst(%dma_wait3A_121 : memref<10240x128xf32, #tpu.memory_space<vmem_shared>>)
        tpu.yield
      }) : () -> ()
      %scan3A_115 = arith.constant 0 : i32
      scf.yield %scan3A_115 : i32
    }
    %scan3A_23 = arith.constant 80 : i32
    %barrier3A_24 = arith.constant 0 : index
    tpu.barrier barrier_id(%barrier3A_24)
    %mul3A_25 = arith.constant 640 : i32
    %mul3A_26 = arith.muli %arg1, %mul3A_25 : i32
    %mul3A_27 = arith.constant 10240 : i32
    %mul3A_28 = arith.muli %arg0, %mul3A_27 : i32
    %mul3A_29 = arith.constant 640 : i32
    %mul3A_30 = arith.muli %arg1, %mul3A_29 : i32
    %add3A_31 = arith.addi %mul3A_28, %mul3A_30 : i32
    "tpu.region"() ({
      %run_scoped3A = tpu.sem_alloc : memref<!tpu.dma_semaphore, #tpu.memory_space<semaphore_mem>>
      %dma_start3A = arith.constant 0 : i32
      %dma_start3A_32 = tpu.memref_slice %arg6[%add3A_31, %dma_start3A] : memref<20480x128xf32, #tpu.memory_space<hbm>> -> memref<640x128xf32, #tpu.memory_space<hbm>>
      %dma_start3A_33 = arith.constant 0 : i32
      %dma_start3A_34 = tpu.memref_slice %arg10[%mul3A_26, %dma_start3A_33] : memref<10240x128xf32, #tpu.memory_space<vmem_shared>> -> memref<640x128xf32, #tpu.memory_space<vmem_shared>>
      tpu.enqueue_dma source(%dma_start3A_34 : memref<640x128xf32, #tpu.memory_space<vmem_shared>>) target(%dma_start3A_32 : memref<640x128xf32, #tpu.memory_space<hbm>>) target_semaphore(%run_scoped3A : memref<!tpu.dma_semaphore, #tpu.memory_space<semaphore_mem>>)
      %dma_wait3A = arith.constant 0 : i32
      %dma_wait3A_35 = tpu.memref_slice %arg6[%add3A_31, %dma_wait3A] : memref<20480x128xf32, #tpu.memory_space<hbm>> -> memref<640x128xf32, #tpu.memory_space<hbm>>
      %dma_wait3A_36 = arith.constant 0 : i32
      %dma_wait3A_37 = tpu.memref_slice %arg10[%mul3A_26, %dma_wait3A_36] : memref<10240x128xf32, #tpu.memory_space<vmem_shared>> -> memref<640x128xf32, #tpu.memory_space<vmem_shared>>
      tpu.wait_dma2 semaphore(%run_scoped3A : memref<!tpu.dma_semaphore, #tpu.memory_space<semaphore_mem>>) src(%dma_wait3A_37 : memref<640x128xf32, #tpu.memory_space<vmem_shared>>) dst(%dma_wait3A_35 : memref<640x128xf32, #tpu.memory_space<hbm>>)
      tpu.yield
    }) : () -> ()
    return
  }
}

#map = affine_map<(d0, d1) -> (0)>
#map1 = affine_map<(d0, d1) -> (0, 0)>
module attributes {stable_mosaic.version = 14 : i64} {
  func.func @_gat1_body(%arg0: i32, %arg1: i32, %arg2: memref<16384xi32, #tpu.memory_space<hbm>>, %arg3: memref<16384xi32, #tpu.memory_space<hbm>>, %arg4: memref<8192x128xf32, #tpu.memory_space<hbm>>, %arg5: memref<8192x128xf32, #tpu.memory_space<hbm>>, %arg6: memref<8192x128xf32, #tpu.memory_space<hbm>>, %arg7: memref<8192x128xf32, #tpu.memory_space<hbm>>, %arg8: memref<128x128xf32, #tpu.memory_space<hbm>>, %arg9: memref<4096x128xf32, #tpu.memory_space<hbm>>, %arg10: memref<4096x128xf32, #tpu.memory_space<hbm>>, %arg11: memref<4096x128xf32, #tpu.memory_space<hbm>>, %arg12: memref<64xi32, #tpu.memory_space<vmem>>, %arg13: memref<64xi32, #tpu.memory_space<vmem>>, %arg14: memref<64xi32, #tpu.memory_space<vmem>>, %arg15: memref<64x128xf32, #tpu.memory_space<vmem>>, %arg16: memref<64x128xf32, #tpu.memory_space<vmem>>, %arg17: memref<64x128xf32, #tpu.memory_space<vmem>>, %arg18: memref<64x128xf32, #tpu.memory_space<vmem>>, %arg19: memref<2048x128xf32, #tpu.memory_space<vmem_shared>>, %arg20: memref<2048x128xf32, #tpu.memory_space<vmem_shared>>, %arg21: memref<2048x128xf32, #tpu.memory_space<vmem_shared>>, %arg22: memref<!tpu.dma_semaphore, #tpu.memory_space<semaphore_mem>>) attributes {dimension_semantics = [#tpu.dimension_semantics<core_parallel>, #tpu.dimension_semantics<subcore_parallel>], iteration_bounds = array<i64: 2, 16>, scalar_prefetch = 0 : i64, scratch_operands = 11 : i64, tpu.core_type = #tpu.core_type<sc_vector_subcore>, window_params = [{transform_indices = #map}, {transform_indices = #map}, {transform_indices = #map1}, {transform_indices = #map1}, {transform_indices = #map1}, {transform_indices = #map1}, {transform_indices = #map1}, {transform_indices = #map1}, {transform_indices = #map1}, {transform_indices = #map1}]} {
    %mul3A = arith.constant 128 : i32
    %mul3A_0 = arith.muli %arg1, %mul3A : i32
    "tpu.region"() ({
      %run_scoped3A = tpu.sem_alloc : memref<!tpu.dma_semaphore, #tpu.memory_space<semaphore_mem>>
      %dma_start3A = arith.constant 0 : i32
      %dma_start3A_28 = tpu.memref_slice %arg19[%mul3A_0, %dma_start3A] : memref<2048x128xf32, #tpu.memory_space<vmem_shared>> -> memref<128x128xf32, #tpu.memory_space<vmem_shared>>
      tpu.enqueue_dma source(%arg8 : memref<128x128xf32, #tpu.memory_space<hbm>>) target(%dma_start3A_28 : memref<128x128xf32, #tpu.memory_space<vmem_shared>>) target_semaphore(%run_scoped3A : memref<!tpu.dma_semaphore, #tpu.memory_space<semaphore_mem>>)
      %dma_wait3A = arith.constant 0 : i32
      %dma_wait3A_29 = tpu.memref_slice %arg19[%mul3A_0, %dma_wait3A] : memref<2048x128xf32, #tpu.memory_space<vmem_shared>> -> memref<128x128xf32, #tpu.memory_space<vmem_shared>>
      tpu.wait_dma2 semaphore(%run_scoped3A : memref<!tpu.dma_semaphore, #tpu.memory_space<semaphore_mem>>) src(%arg8 : memref<128x128xf32, #tpu.memory_space<hbm>>) dst(%dma_wait3A_29 : memref<128x128xf32, #tpu.memory_space<vmem_shared>>)
      tpu.yield
    }) : () -> ()
    %mul3A_1 = arith.constant 128 : i32
    %mul3A_2 = arith.muli %arg1, %mul3A_1 : i32
    "tpu.region"() ({
      %run_scoped3A = tpu.sem_alloc : memref<!tpu.dma_semaphore, #tpu.memory_space<semaphore_mem>>
      %dma_start3A = arith.constant 0 : i32
      %dma_start3A_28 = tpu.memref_slice %arg20[%mul3A_2, %dma_start3A] : memref<2048x128xf32, #tpu.memory_space<vmem_shared>> -> memref<128x128xf32, #tpu.memory_space<vmem_shared>>
      tpu.enqueue_dma source(%arg8 : memref<128x128xf32, #tpu.memory_space<hbm>>) target(%dma_start3A_28 : memref<128x128xf32, #tpu.memory_space<vmem_shared>>) target_semaphore(%run_scoped3A : memref<!tpu.dma_semaphore, #tpu.memory_space<semaphore_mem>>)
      %dma_wait3A = arith.constant 0 : i32
      %dma_wait3A_29 = tpu.memref_slice %arg20[%mul3A_2, %dma_wait3A] : memref<2048x128xf32, #tpu.memory_space<vmem_shared>> -> memref<128x128xf32, #tpu.memory_space<vmem_shared>>
      tpu.wait_dma2 semaphore(%run_scoped3A : memref<!tpu.dma_semaphore, #tpu.memory_space<semaphore_mem>>) src(%arg8 : memref<128x128xf32, #tpu.memory_space<hbm>>) dst(%dma_wait3A_29 : memref<128x128xf32, #tpu.memory_space<vmem_shared>>)
      tpu.yield
    }) : () -> ()
    %mul3A_3 = arith.constant 128 : i32
    %mul3A_4 = arith.muli %arg1, %mul3A_3 : i32
    "tpu.region"() ({
      %run_scoped3A = tpu.sem_alloc : memref<!tpu.dma_semaphore, #tpu.memory_space<semaphore_mem>>
      %dma_start3A = arith.constant 0 : i32
      %dma_start3A_28 = tpu.memref_slice %arg21[%mul3A_4, %dma_start3A] : memref<2048x128xf32, #tpu.memory_space<vmem_shared>> -> memref<128x128xf32, #tpu.memory_space<vmem_shared>>
      tpu.enqueue_dma source(%arg8 : memref<128x128xf32, #tpu.memory_space<hbm>>) target(%dma_start3A_28 : memref<128x128xf32, #tpu.memory_space<vmem_shared>>) target_semaphore(%run_scoped3A : memref<!tpu.dma_semaphore, #tpu.memory_space<semaphore_mem>>)
      %dma_wait3A = arith.constant 0 : i32
      %dma_wait3A_29 = tpu.memref_slice %arg21[%mul3A_4, %dma_wait3A] : memref<2048x128xf32, #tpu.memory_space<vmem_shared>> -> memref<128x128xf32, #tpu.memory_space<vmem_shared>>
      tpu.wait_dma2 semaphore(%run_scoped3A : memref<!tpu.dma_semaphore, #tpu.memory_space<semaphore_mem>>) src(%arg8 : memref<128x128xf32, #tpu.memory_space<hbm>>) dst(%dma_wait3A_29 : memref<128x128xf32, #tpu.memory_space<vmem_shared>>)
      tpu.yield
    }) : () -> ()
    %barrier3A = arith.constant 0 : index
    tpu.barrier barrier_id(%barrier3A)
    %mul3A_5 = arith.constant 2 : i32
    %mul3A_6 = arith.muli %mul3A_5, %arg0 : i32
    %add3A = arith.constant 1 : i32
    %add3A_7 = arith.addi %mul3A_6, %add3A : i32
    %mul3A_8 = arith.constant 2048 : i32
    %mul3A_9 = arith.muli %add3A_7, %mul3A_8 : i32
    %scan3A = arith.constant 0 : i32
    %scan3A_10 = arith.constant 0 : i32
    %scan3A_11 = arith.constant 16 : i32
    %scan3A_12 = arith.addi %scan3A_10, %scan3A_11 : i32
    %scan3A_13 = arith.constant 1 : i32
    %scan3A_14 = scf.for %scan3A_28 = %scan3A_10 to %scan3A_12 step %scan3A_13 iter_args(%scan3A_29 = %scan3A) -> (i32)  : i32 {
      %mul3A_30 = arith.constant 1024 : i32
      %mul3A_31 = arith.muli %arg1, %mul3A_30 : i32
      %mul3A_32 = arith.constant 64 : i32
      %mul3A_33 = arith.muli %scan3A_28, %mul3A_32 : i32
      %add3A_34 = arith.addi %mul3A_31, %mul3A_33 : i32
      "tpu.region"() ({
        %run_scoped3A = tpu.sem_alloc : memref<!tpu.dma_semaphore, #tpu.memory_space<semaphore_mem>>
        %dma_start3A_135 = tpu.memref_slice %arg2[%add3A_34] : memref<16384xi32, #tpu.memory_space<hbm>> -> memref<64xi32, #tpu.memory_space<hbm>>
        %dma_start3A_136 = tpu.memref_slice %arg2[%add3A_34] : memref<16384xi32, #tpu.memory_space<hbm>> -> memref<64xi32, #tpu.memory_space<hbm>>
        tpu.enqueue_dma source(%dma_start3A_136 : memref<64xi32, #tpu.memory_space<hbm>>) target(%arg12 : memref<64xi32, #tpu.memory_space<vmem>>) target_semaphore(%run_scoped3A : memref<!tpu.dma_semaphore, #tpu.memory_space<semaphore_mem>>)
        %dma_wait3A_137 = tpu.memref_slice %arg2[%add3A_34] : memref<16384xi32, #tpu.memory_space<hbm>> -> memref<64xi32, #tpu.memory_space<hbm>>
        %dma_wait3A_138 = tpu.memref_slice %arg2[%add3A_34] : memref<16384xi32, #tpu.memory_space<hbm>> -> memref<64xi32, #tpu.memory_space<hbm>>
        tpu.wait_dma2 semaphore(%run_scoped3A : memref<!tpu.dma_semaphore, #tpu.memory_space<semaphore_mem>>) src(%dma_wait3A_138 : memref<64xi32, #tpu.memory_space<hbm>>) dst(%arg12 : memref<64xi32, #tpu.memory_space<vmem>>)
        tpu.yield
      }) : () -> ()
      "tpu.region"() ({
        %run_scoped3A = tpu.sem_alloc : memref<!tpu.dma_semaphore, #tpu.memory_space<semaphore_mem>>
        %dma_start3A_135 = tpu.memref_slice %arg3[%add3A_34] : memref<16384xi32, #tpu.memory_space<hbm>> -> memref<64xi32, #tpu.memory_space<hbm>>
        %dma_start3A_136 = tpu.memref_slice %arg3[%add3A_34] : memref<16384xi32, #tpu.memory_space<hbm>> -> memref<64xi32, #tpu.memory_space<hbm>>
        tpu.enqueue_dma source(%dma_start3A_136 : memref<64xi32, #tpu.memory_space<hbm>>) target(%arg13 : memref<64xi32, #tpu.memory_space<vmem>>) target_semaphore(%run_scoped3A : memref<!tpu.dma_semaphore, #tpu.memory_space<semaphore_mem>>)
        %dma_wait3A_137 = tpu.memref_slice %arg3[%add3A_34] : memref<16384xi32, #tpu.memory_space<hbm>> -> memref<64xi32, #tpu.memory_space<hbm>>
        %dma_wait3A_138 = tpu.memref_slice %arg3[%add3A_34] : memref<16384xi32, #tpu.memory_space<hbm>> -> memref<64xi32, #tpu.memory_space<hbm>>
        tpu.wait_dma2 semaphore(%run_scoped3A : memref<!tpu.dma_semaphore, #tpu.memory_space<semaphore_mem>>) src(%dma_wait3A_138 : memref<64xi32, #tpu.memory_space<hbm>>) dst(%arg13 : memref<64xi32, #tpu.memory_space<vmem>>)
        tpu.yield
      }) : () -> ()
      %get3A = arith.constant 0 : index
      %get3A_35 = tpu.vector_load %arg12[%get3A] {strides = array<i32>} : memref<64xi32, #tpu.memory_space<vmem>>, vector<16xi32>,
      %get3A_36 = vector.shape_cast %get3A_35 : vector<16xi32> to vector<16xi32>
      %add3A_37 = vector.broadcast %mul3A_9 : i32 to vector<16xi32>
      %add3A_38 = arith.addi %get3A_36, %add3A_37 : vector<16xi32>
      %swap3A = arith.constant 0 : index
      %swap3A_39 = tpu.vector_load %arg14[%swap3A] {strides = array<i32>} : memref<64xi32, #tpu.memory_space<vmem>>, vector<16xi32>,
      %swap3A_40 = vector.shape_cast %swap3A_39 : vector<16xi32> to vector<16xi32>
      %swap3A_41 = vector.shape_cast %add3A_38 : vector<16xi32> to vector<16xi32>
      tpu.vector_store %arg14[%swap3A], %swap3A_41 {strides = array<i32>} : memref<64xi32, #tpu.memory_space<vmem>>, vector<16xi32>,
      %get3A_42 = arith.constant 16 : index
      %get3A_43 = tpu.vector_load %arg12[%get3A_42] {strides = array<i32>} : memref<64xi32, #tpu.memory_space<vmem>>, vector<16xi32>,
      %get3A_44 = vector.shape_cast %get3A_43 : vector<16xi32> to vector<16xi32>
      %add3A_45 = vector.broadcast %mul3A_9 : i32 to vector<16xi32>
      %add3A_46 = arith.addi %get3A_44, %add3A_45 : vector<16xi32>
      %swap3A_47 = arith.constant 16 : index
      %swap3A_48 = tpu.vector_load %arg14[%swap3A_47] {strides = array<i32>} : memref<64xi32, #tpu.memory_space<vmem>>, vector<16xi32>,
      %swap3A_49 = vector.shape_cast %swap3A_48 : vector<16xi32> to vector<16xi32>
      %swap3A_50 = vector.shape_cast %add3A_46 : vector<16xi32> to vector<16xi32>
      tpu.vector_store %arg14[%swap3A_47], %swap3A_50 {strides = array<i32>} : memref<64xi32, #tpu.memory_space<vmem>>, vector<16xi32>,
      %get3A_51 = arith.constant 32 : index
      %get3A_52 = tpu.vector_load %arg12[%get3A_51] {strides = array<i32>} : memref<64xi32, #tpu.memory_space<vmem>>, vector<16xi32>,
      %get3A_53 = vector.shape_cast %get3A_52 : vector<16xi32> to vector<16xi32>
      %add3A_54 = vector.broadcast %mul3A_9 : i32 to vector<16xi32>
      %add3A_55 = arith.addi %get3A_53, %add3A_54 : vector<16xi32>
      %swap3A_56 = arith.constant 32 : index
      %swap3A_57 = tpu.vector_load %arg14[%swap3A_56] {strides = array<i32>} : memref<64xi32, #tpu.memory_space<vmem>>, vector<16xi32>,
      %swap3A_58 = vector.shape_cast %swap3A_57 : vector<16xi32> to vector<16xi32>
      %swap3A_59 = vector.shape_cast %add3A_55 : vector<16xi32> to vector<16xi32>
      tpu.vector_store %arg14[%swap3A_56], %swap3A_59 {strides = array<i32>} : memref<64xi32, #tpu.memory_space<vmem>>, vector<16xi32>,
      %get3A_60 = arith.constant 48 : index
      %get3A_61 = tpu.vector_load %arg12[%get3A_60] {strides = array<i32>} : memref<64xi32, #tpu.memory_space<vmem>>, vector<16xi32>,
      %get3A_62 = vector.shape_cast %get3A_61 : vector<16xi32> to vector<16xi32>
      %add3A_63 = vector.broadcast %mul3A_9 : i32 to vector<16xi32>
      %add3A_64 = arith.addi %get3A_62, %add3A_63 : vector<16xi32>
      %swap3A_65 = arith.constant 48 : index
      %swap3A_66 = tpu.vector_load %arg14[%swap3A_65] {strides = array<i32>} : memref<64xi32, #tpu.memory_space<vmem>>, vector<16xi32>,
      %swap3A_67 = vector.shape_cast %swap3A_66 : vector<16xi32> to vector<16xi32>
      %swap3A_68 = vector.shape_cast %add3A_64 : vector<16xi32> to vector<16xi32>
      tpu.vector_store %arg14[%swap3A_65], %swap3A_68 {strides = array<i32>} : memref<64xi32, #tpu.memory_space<vmem>>, vector<16xi32>,
      %dma_start3A = arith.constant 0 : i32
      %dma_start3A_69 = arith.constant 0 : i32
      %dma_start3A_70 = tpu.memref_slice %arg6[%dma_start3A, %dma_start3A_69] : memref<8192x128xf32, #tpu.memory_space<hbm>> -> memref<8192x128xf32, #tpu.memory_space<hbm>>
      tpu.enqueue_indirect_dma source(%dma_start3A_70 : memref<8192x128xf32, #tpu.memory_space<hbm>>) target(%arg15 : memref<64x128xf32, #tpu.memory_space<vmem>>) offsets(%arg14 : memref<64xi32, #tpu.memory_space<vmem>>) semaphore(%arg22 : memref<!tpu.dma_semaphore, #tpu.memory_space<semaphore_mem>>)
      %dma_wait3A = arith.constant 0 : i32
      %dma_wait3A_71 = arith.constant 0 : i32
      %dma_wait3A_72 = tpu.memref_slice %arg6[%dma_wait3A, %dma_wait3A_71] : memref<8192x128xf32, #tpu.memory_space<hbm>> -> memref<8192x128xf32, #tpu.memory_space<hbm>>
      tpu.wait_indirect_dma semaphore(%arg22 : memref<!tpu.dma_semaphore, #tpu.memory_space<semaphore_mem>>) src(%dma_wait3A_72 : memref<8192x128xf32, #tpu.memory_space<hbm>>) dst(%arg15 : memref<64x128xf32, #tpu.memory_space<vmem>>)
      %dma_start3A_73 = arith.constant 0 : i32
      %dma_start3A_74 = arith.constant 0 : i32
      %dma_start3A_75 = tpu.memref_slice %arg4[%dma_start3A_73, %dma_start3A_74] : memref<8192x128xf32, #tpu.memory_space<hbm>> -> memref<8192x128xf32, #tpu.memory_space<hbm>>
      tpu.enqueue_indirect_dma source(%dma_start3A_75 : memref<8192x128xf32, #tpu.memory_space<hbm>>) target(%arg17 : memref<64x128xf32, #tpu.memory_space<vmem>>) offsets(%arg14 : memref<64xi32, #tpu.memory_space<vmem>>) semaphore(%arg22 : memref<!tpu.dma_semaphore, #tpu.memory_space<semaphore_mem>>)
      %dma_wait3A_76 = arith.constant 0 : i32
      %dma_wait3A_77 = arith.constant 0 : i32
      %dma_wait3A_78 = tpu.memref_slice %arg4[%dma_wait3A_76, %dma_wait3A_77] : memref<8192x128xf32, #tpu.memory_space<hbm>> -> memref<8192x128xf32, #tpu.memory_space<hbm>>
      tpu.wait_indirect_dma semaphore(%arg22 : memref<!tpu.dma_semaphore, #tpu.memory_space<semaphore_mem>>) src(%dma_wait3A_78 : memref<8192x128xf32, #tpu.memory_space<hbm>>) dst(%arg17 : memref<64x128xf32, #tpu.memory_space<vmem>>)
      %dma_start3A_79 = arith.constant 0 : i32
      %dma_start3A_80 = arith.constant 0 : i32
      %dma_start3A_81 = tpu.memref_slice %arg5[%dma_start3A_79, %dma_start3A_80] : memref<8192x128xf32, #tpu.memory_space<hbm>> -> memref<8192x128xf32, #tpu.memory_space<hbm>>
      tpu.enqueue_indirect_dma source(%dma_start3A_81 : memref<8192x128xf32, #tpu.memory_space<hbm>>) target(%arg18 : memref<64x128xf32, #tpu.memory_space<vmem>>) offsets(%arg14 : memref<64xi32, #tpu.memory_space<vmem>>) semaphore(%arg22 : memref<!tpu.dma_semaphore, #tpu.memory_space<semaphore_mem>>)
      %dma_wait3A_82 = arith.constant 0 : i32
      %dma_wait3A_83 = arith.constant 0 : i32
      %dma_wait3A_84 = tpu.memref_slice %arg5[%dma_wait3A_82, %dma_wait3A_83] : memref<8192x128xf32, #tpu.memory_space<hbm>> -> memref<8192x128xf32, #tpu.memory_space<hbm>>
      tpu.wait_indirect_dma semaphore(%arg22 : memref<!tpu.dma_semaphore, #tpu.memory_space<semaphore_mem>>) src(%dma_wait3A_84 : memref<8192x128xf32, #tpu.memory_space<hbm>>) dst(%arg18 : memref<64x128xf32, #tpu.memory_space<vmem>>)
      %get3A_85 = arith.constant 0 : index
      %get3A_86 = tpu.vector_load %arg13[%get3A_85] {strides = array<i32>} : memref<64xi32, #tpu.memory_space<vmem>>, vector<16xi32>,
      %get3A_87 = vector.shape_cast %get3A_86 : vector<16xi32> to vector<16xi32>
      %add3A_88 = vector.broadcast %mul3A_9 : i32 to vector<16xi32>
      %add3A_89 = arith.addi %get3A_87, %add3A_88 : vector<16xi32>
      %swap3A_90 = arith.constant 0 : index
      %swap3A_91 = tpu.vector_load %arg14[%swap3A_90] {strides = array<i32>} : memref<64xi32, #tpu.memory_space<vmem>>, vector<16xi32>,
      %swap3A_92 = vector.shape_cast %swap3A_91 : vector<16xi32> to vector<16xi32>
      %swap3A_93 = vector.shape_cast %add3A_89 : vector<16xi32> to vector<16xi32>
      tpu.vector_store %arg14[%swap3A_90], %swap3A_93 {strides = array<i32>} : memref<64xi32, #tpu.memory_space<vmem>>, vector<16xi32>,
      %get3A_94 = arith.constant 16 : index
      %get3A_95 = tpu.vector_load %arg13[%get3A_94] {strides = array<i32>} : memref<64xi32, #tpu.memory_space<vmem>>, vector<16xi32>,
      %get3A_96 = vector.shape_cast %get3A_95 : vector<16xi32> to vector<16xi32>
      %add3A_97 = vector.broadcast %mul3A_9 : i32 to vector<16xi32>
      %add3A_98 = arith.addi %get3A_96, %add3A_97 : vector<16xi32>
      %swap3A_99 = arith.constant 16 : index
      %swap3A_100 = tpu.vector_load %arg14[%swap3A_99] {strides = array<i32>} : memref<64xi32, #tpu.memory_space<vmem>>, vector<16xi32>,
      %swap3A_101 = vector.shape_cast %swap3A_100 : vector<16xi32> to vector<16xi32>
      %swap3A_102 = vector.shape_cast %add3A_98 : vector<16xi32> to vector<16xi32>
      tpu.vector_store %arg14[%swap3A_99], %swap3A_102 {strides = array<i32>} : memref<64xi32, #tpu.memory_space<vmem>>, vector<16xi32>,
      %get3A_103 = arith.constant 32 : index
      %get3A_104 = tpu.vector_load %arg13[%get3A_103] {strides = array<i32>} : memref<64xi32, #tpu.memory_space<vmem>>, vector<16xi32>,
      %get3A_105 = vector.shape_cast %get3A_104 : vector<16xi32> to vector<16xi32>
      %add3A_106 = vector.broadcast %mul3A_9 : i32 to vector<16xi32>
      %add3A_107 = arith.addi %get3A_105, %add3A_106 : vector<16xi32>
      %swap3A_108 = arith.constant 32 : index
      %swap3A_109 = tpu.vector_load %arg14[%swap3A_108] {strides = array<i32>} : memref<64xi32, #tpu.memory_space<vmem>>, vector<16xi32>,
      %swap3A_110 = vector.shape_cast %swap3A_109 : vector<16xi32> to vector<16xi32>
      %swap3A_111 = vector.shape_cast %add3A_107 : vector<16xi32> to vector<16xi32>
      tpu.vector_store %arg14[%swap3A_108], %swap3A_111 {strides = array<i32>} : memref<64xi32, #tpu.memory_space<vmem>>, vector<16xi32>,
      %get3A_112 = arith.constant 48 : index
      %get3A_113 = tpu.vector_load %arg13[%get3A_112] {strides = array<i32>} : memref<64xi32, #tpu.memory_space<vmem>>, vector<16xi32>,
      %get3A_114 = vector.shape_cast %get3A_113 : vector<16xi32> to vector<16xi32>
      %add3A_115 = vector.broadcast %mul3A_9 : i32 to vector<16xi32>
      %add3A_116 = arith.addi %get3A_114, %add3A_115 : vector<16xi32>
      %swap3A_117 = arith.constant 48 : index
      %swap3A_118 = tpu.vector_load %arg14[%swap3A_117] {strides = array<i32>} : memref<64xi32, #tpu.memory_space<vmem>>, vector<16xi32>,
      %swap3A_119 = vector.shape_cast %swap3A_118 : vector<16xi32> to vector<16xi32>
      %swap3A_120 = vector.shape_cast %add3A_116 : vector<16xi32> to vector<16xi32>
      tpu.vector_store %arg14[%swap3A_117], %swap3A_120 {strides = array<i32>} : memref<64xi32, #tpu.memory_space<vmem>>, vector<16xi32>,
      %dma_start3A_121 = arith.constant 0 : i32
      %dma_start3A_122 = arith.constant 0 : i32
      %dma_start3A_123 = tpu.memref_slice %arg7[%dma_start3A_121, %dma_start3A_122] : memref<8192x128xf32, #tpu.memory_space<hbm>> -> memref<8192x128xf32, #tpu.memory_space<hbm>>
      tpu.enqueue_indirect_dma source(%dma_start3A_123 : memref<8192x128xf32, #tpu.memory_space<hbm>>) target(%arg16 : memref<64x128xf32, #tpu.memory_space<vmem>>) offsets(%arg14 : memref<64xi32, #tpu.memory_space<vmem>>) semaphore(%arg22 : memref<!tpu.dma_semaphore, #tpu.memory_space<semaphore_mem>>)
      %dma_wait3A_124 = arith.constant 0 : i32
      %dma_wait3A_125 = arith.constant 0 : i32
      %dma_wait3A_126 = tpu.memref_slice %arg7[%dma_wait3A_124, %dma_wait3A_125] : memref<8192x128xf32, #tpu.memory_space<hbm>> -> memref<8192x128xf32, #tpu.memory_space<hbm>>
      tpu.wait_indirect_dma semaphore(%arg22 : memref<!tpu.dma_semaphore, #tpu.memory_space<semaphore_mem>>) src(%dma_wait3A_126 : memref<8192x128xf32, #tpu.memory_space<hbm>>) dst(%arg16 : memref<64x128xf32, #tpu.memory_space<vmem>>)
      %scan3A_127 = arith.constant 0 : i32
      %scan3A_128 = arith.constant 0 : i32
      %scan3A_129 = arith.constant 64 : i32
      %scan3A_130 = arith.addi %scan3A_128, %scan3A_129 : i32
      %scan3A_131 = arith.constant 1 : i32
      %scan3A_132 = scf.for %scan3A_135 = %scan3A_128 to %scan3A_130 step %scan3A_131 iter_args(%scan3A_136 = %scan3A_127) -> (i32)  : i32 {
        %get3A_137 = arith.index_cast %scan3A_135 : i32 to index
        %get3A_138 = arith.constant 0 : index
        %get3A_139 = tpu.vector_load %arg15[%get3A_137, %get3A_138] {strides = array<i32>} : memref<64x128xf32, #tpu.memory_space<vmem>>, vector<1x16xf32>,
        %get3A_140 = vector.shape_cast %get3A_139 : vector<1x16xf32> to vector<16xf32>
        %get3A_141 = arith.index_cast %scan3A_135 : i32 to index
        %get3A_142 = arith.constant 0 : index
        %get3A_143 = tpu.vector_load %arg16[%get3A_141, %get3A_142] {strides = array<i32>} : memref<64x128xf32, #tpu.memory_space<vmem>>, vector<1x16xf32>,
        %get3A_144 = vector.shape_cast %get3A_143 : vector<1x16xf32> to vector<16xf32>
        %add3A_145 = arith.addf %get3A_140, %get3A_144 : vector<16xf32>
        %mul3A_146 = arith.constant 2.000000e-01 : f32
        %mul3A_147 = vector.broadcast %mul3A_146 : f32 to vector<16xf32>
        %mul3A_148 = arith.mulf %mul3A_147, %add3A_145 : vector<16xf32>
        %max3A = arith.maximumf %add3A_145, %mul3A_148 : vector<16xf32>
        %exp3A = math.exp %max3A : vector<16xf32>
        %swap3A_149 = arith.index_cast %scan3A_135 : i32 to index
        %swap3A_150 = arith.constant 0 : index
        %swap3A_151 = tpu.vector_load %arg15[%swap3A_149, %swap3A_150] {strides = array<i32>} : memref<64x128xf32, #tpu.memory_space<vmem>>, vector<1x16xf32>,
        %swap3A_152 = vector.shape_cast %swap3A_151 : vector<1x16xf32> to vector<16xf32>
        %swap3A_153 = vector.shape_cast %exp3A : vector<16xf32> to vector<1x16xf32>
        tpu.vector_store %arg15[%swap3A_149, %swap3A_150], %swap3A_153 {strides = array<i32>} : memref<64x128xf32, #tpu.memory_space<vmem>>, vector<1x16xf32>,
        %get3A_154 = arith.index_cast %scan3A_135 : i32 to index
        %get3A_155 = arith.constant 0 : index
        %get3A_156 = tpu.vector_load %arg17[%get3A_154, %get3A_155] {strides = array<i32>} : memref<64x128xf32, #tpu.memory_space<vmem>>, vector<1x16xf32>,
        %get3A_157 = vector.shape_cast %get3A_156 : vector<1x16xf32> to vector<16xf32>
        %mul3A_158 = arith.mulf %get3A_157, %exp3A : vector<16xf32>
        %swap3A_159 = arith.index_cast %scan3A_135 : i32 to index
        %swap3A_160 = arith.constant 0 : index
        %swap3A_161 = tpu.vector_load %arg17[%swap3A_159, %swap3A_160] {strides = array<i32>} : memref<64x128xf32, #tpu.memory_space<vmem>>, vector<1x16xf32>,
        %swap3A_162 = vector.shape_cast %swap3A_161 : vector<1x16xf32> to vector<16xf32>
        %swap3A_163 = vector.shape_cast %mul3A_158 : vector<16xf32> to vector<1x16xf32>
        tpu.vector_store %arg17[%swap3A_159, %swap3A_160], %swap3A_163 {strides = array<i32>} : memref<64x128xf32, #tpu.memory_space<vmem>>, vector<1x16xf32>,
        %get3A_164 = arith.index_cast %scan3A_135 : i32 to index
        %get3A_165 = arith.constant 0 : index
        %get3A_166 = tpu.vector_load %arg18[%get3A_164, %get3A_165] {strides = array<i32>} : memref<64x128xf32, #tpu.memory_space<vmem>>, vector<1x16xf32>,
        %get3A_167 = vector.shape_cast %get3A_166 : vector<1x16xf32> to vector<16xf32>
        %mul3A_168 = arith.mulf %get3A_167, %exp3A : vector<16xf32>
        %swap3A_169 = arith.index_cast %scan3A_135 : i32 to index
        %swap3A_170 = arith.constant 0 : index
        %swap3A_171 = tpu.vector_load %arg18[%swap3A_169, %swap3A_170] {strides = array<i32>} : memref<64x128xf32, #tpu.memory_space<vmem>>, vector<1x16xf32>,
        %swap3A_172 = vector.shape_cast %swap3A_171 : vector<1x16xf32> to vector<16xf32>
        %swap3A_173 = vector.shape_cast %mul3A_168 : vector<16xf32> to vector<1x16xf32>
        tpu.vector_store %arg18[%swap3A_169, %swap3A_170], %swap3A_173 {strides = array<i32>} : memref<64x128xf32, #tpu.memory_space<vmem>>, vector<1x16xf32>,
        %get3A_174 = arith.index_cast %scan3A_135 : i32 to index
        %get3A_175 = arith.constant 16 : index
        %get3A_176 = tpu.vector_load %arg15[%get3A_174, %get3A_175] {strides = array<i32>} : memref<64x128xf32, #tpu.memory_space<vmem>>, vector<1x16xf32>,
        %get3A_177 = vector.shape_cast %get3A_176 : vector<1x16xf32> to vector<16xf32>
        %get3A_178 = arith.index_cast %scan3A_135 : i32 to index
        %get3A_179 = arith.constant 16 : index
        %get3A_180 = tpu.vector_load %arg16[%get3A_178, %get3A_179] {strides = array<i32>} : memref<64x128xf32, #tpu.memory_space<vmem>>, vector<1x16xf32>,
        %get3A_181 = vector.shape_cast %get3A_180 : vector<1x16xf32> to vector<16xf32>
        %add3A_182 = arith.addf %get3A_177, %get3A_181 : vector<16xf32>
        %mul3A_183 = arith.constant 2.000000e-01 : f32
        %mul3A_184 = vector.broadcast %mul3A_183 : f32 to vector<16xf32>
        %mul3A_185 = arith.mulf %mul3A_184, %add3A_182 : vector<16xf32>
        %max3A_186 = arith.maximumf %add3A_182, %mul3A_185 : vector<16xf32>
        %exp3A_187 = math.exp %max3A_186 : vector<16xf32>
        %swap3A_188 = arith.index_cast %scan3A_135 : i32 to index
        %swap3A_189 = arith.constant 16 : index
        %swap3A_190 = tpu.vector_load %arg15[%swap3A_188, %swap3A_189] {strides = array<i32>} : memref<64x128xf32, #tpu.memory_space<vmem>>, vector<1x16xf32>,
        %swap3A_191 = vector.shape_cast %swap3A_190 : vector<1x16xf32> to vector<16xf32>
        %swap3A_192 = vector.shape_cast %exp3A_187 : vector<16xf32> to vector<1x16xf32>
        tpu.vector_store %arg15[%swap3A_188, %swap3A_189], %swap3A_192 {strides = array<i32>} : memref<64x128xf32, #tpu.memory_space<vmem>>, vector<1x16xf32>,
        %get3A_193 = arith.index_cast %scan3A_135 : i32 to index
        %get3A_194 = arith.constant 16 : index
        %get3A_195 = tpu.vector_load %arg17[%get3A_193, %get3A_194] {strides = array<i32>} : memref<64x128xf32, #tpu.memory_space<vmem>>, vector<1x16xf32>,
        %get3A_196 = vector.shape_cast %get3A_195 : vector<1x16xf32> to vector<16xf32>
        %mul3A_197 = arith.mulf %get3A_196, %exp3A_187 : vector<16xf32>
        %swap3A_198 = arith.index_cast %scan3A_135 : i32 to index
        %swap3A_199 = arith.constant 16 : index
        %swap3A_200 = tpu.vector_load %arg17[%swap3A_198, %swap3A_199] {strides = array<i32>} : memref<64x128xf32, #tpu.memory_space<vmem>>, vector<1x16xf32>,
        %swap3A_201 = vector.shape_cast %swap3A_200 : vector<1x16xf32> to vector<16xf32>
        %swap3A_202 = vector.shape_cast %mul3A_197 : vector<16xf32> to vector<1x16xf32>
        tpu.vector_store %arg17[%swap3A_198, %swap3A_199], %swap3A_202 {strides = array<i32>} : memref<64x128xf32, #tpu.memory_space<vmem>>, vector<1x16xf32>,
        %get3A_203 = arith.index_cast %scan3A_135 : i32 to index
        %get3A_204 = arith.constant 16 : index
        %get3A_205 = tpu.vector_load %arg18[%get3A_203, %get3A_204] {strides = array<i32>} : memref<64x128xf32, #tpu.memory_space<vmem>>, vector<1x16xf32>,
        %get3A_206 = vector.shape_cast %get3A_205 : vector<1x16xf32> to vector<16xf32>
        %mul3A_207 = arith.mulf %get3A_206, %exp3A_187 : vector<16xf32>
        %swap3A_208 = arith.index_cast %scan3A_135 : i32 to index
        %swap3A_209 = arith.constant 16 : index
        %swap3A_210 = tpu.vector_load %arg18[%swap3A_208, %swap3A_209] {strides = array<i32>} : memref<64x128xf32, #tpu.memory_space<vmem>>, vector<1x16xf32>,
        %swap3A_211 = vector.shape_cast %swap3A_210 : vector<1x16xf32> to vector<16xf32>
        %swap3A_212 = vector.shape_cast %mul3A_207 : vector<16xf32> to vector<1x16xf32>
        tpu.vector_store %arg18[%swap3A_208, %swap3A_209], %swap3A_212 {strides = array<i32>} : memref<64x128xf32, #tpu.memory_space<vmem>>, vector<1x16xf32>,
        %get3A_213 = arith.index_cast %scan3A_135 : i32 to index
        %get3A_214 = arith.constant 32 : index
        %get3A_215 = tpu.vector_load %arg15[%get3A_213, %get3A_214] {strides = array<i32>} : memref<64x128xf32, #tpu.memory_space<vmem>>, vector<1x16xf32>,
        %get3A_216 = vector.shape_cast %get3A_215 : vector<1x16xf32> to vector<16xf32>
        %get3A_217 = arith.index_cast %scan3A_135 : i32 to index
        %get3A_218 = arith.constant 32 : index
        %get3A_219 = tpu.vector_load %arg16[%get3A_217, %get3A_218] {strides = array<i32>} : memref<64x128xf32, #tpu.memory_space<vmem>>, vector<1x16xf32>,
        %get3A_220 = vector.shape_cast %get3A_219 : vector<1x16xf32> to vector<16xf32>
        %add3A_221 = arith.addf %get3A_216, %get3A_220 : vector<16xf32>
        %mul3A_222 = arith.constant 2.000000e-01 : f32
        %mul3A_223 = vector.broadcast %mul3A_222 : f32 to vector<16xf32>
        %mul3A_224 = arith.mulf %mul3A_223, %add3A_221 : vector<16xf32>
        %max3A_225 = arith.maximumf %add3A_221, %mul3A_224 : vector<16xf32>
        %exp3A_226 = math.exp %max3A_225 : vector<16xf32>
        %swap3A_227 = arith.index_cast %scan3A_135 : i32 to index
        %swap3A_228 = arith.constant 32 : index
        %swap3A_229 = tpu.vector_load %arg15[%swap3A_227, %swap3A_228] {strides = array<i32>} : memref<64x128xf32, #tpu.memory_space<vmem>>, vector<1x16xf32>,
        %swap3A_230 = vector.shape_cast %swap3A_229 : vector<1x16xf32> to vector<16xf32>
        %swap3A_231 = vector.shape_cast %exp3A_226 : vector<16xf32> to vector<1x16xf32>
        tpu.vector_store %arg15[%swap3A_227, %swap3A_228], %swap3A_231 {strides = array<i32>} : memref<64x128xf32, #tpu.memory_space<vmem>>, vector<1x16xf32>,
        %get3A_232 = arith.index_cast %scan3A_135 : i32 to index
        %get3A_233 = arith.constant 32 : index
        %get3A_234 = tpu.vector_load %arg17[%get3A_232, %get3A_233] {strides = array<i32>} : memref<64x128xf32, #tpu.memory_space<vmem>>, vector<1x16xf32>,
        %get3A_235 = vector.shape_cast %get3A_234 : vector<1x16xf32> to vector<16xf32>
        %mul3A_236 = arith.mulf %get3A_235, %exp3A_226 : vector<16xf32>
        %swap3A_237 = arith.index_cast %scan3A_135 : i32 to index
        %swap3A_238 = arith.constant 32 : index
        %swap3A_239 = tpu.vector_load %arg17[%swap3A_237, %swap3A_238] {strides = array<i32>} : memref<64x128xf32, #tpu.memory_space<vmem>>, vector<1x16xf32>,
        %swap3A_240 = vector.shape_cast %swap3A_239 : vector<1x16xf32> to vector<16xf32>
        %swap3A_241 = vector.shape_cast %mul3A_236 : vector<16xf32> to vector<1x16xf32>
        tpu.vector_store %arg17[%swap3A_237, %swap3A_238], %swap3A_241 {strides = array<i32>} : memref<64x128xf32, #tpu.memory_space<vmem>>, vector<1x16xf32>,
        %get3A_242 = arith.index_cast %scan3A_135 : i32 to index
        %get3A_243 = arith.constant 32 : index
        %get3A_244 = tpu.vector_load %arg18[%get3A_242, %get3A_243] {strides = array<i32>} : memref<64x128xf32, #tpu.memory_space<vmem>>, vector<1x16xf32>,
        %get3A_245 = vector.shape_cast %get3A_244 : vector<1x16xf32> to vector<16xf32>
        %mul3A_246 = arith.mulf %get3A_245, %exp3A_226 : vector<16xf32>
        %swap3A_247 = arith.index_cast %scan3A_135 : i32 to index
        %swap3A_248 = arith.constant 32 : index
        %swap3A_249 = tpu.vector_load %arg18[%swap3A_247, %swap3A_248] {strides = array<i32>} : memref<64x128xf32, #tpu.memory_space<vmem>>, vector<1x16xf32>,
        %swap3A_250 = vector.shape_cast %swap3A_249 : vector<1x16xf32> to vector<16xf32>
        %swap3A_251 = vector.shape_cast %mul3A_246 : vector<16xf32> to vector<1x16xf32>
        tpu.vector_store %arg18[%swap3A_247, %swap3A_248], %swap3A_251 {strides = array<i32>} : memref<64x128xf32, #tpu.memory_space<vmem>>, vector<1x16xf32>,
        %get3A_252 = arith.index_cast %scan3A_135 : i32 to index
        %get3A_253 = arith.constant 48 : index
        %get3A_254 = tpu.vector_load %arg15[%get3A_252, %get3A_253] {strides = array<i32>} : memref<64x128xf32, #tpu.memory_space<vmem>>, vector<1x16xf32>,
        %get3A_255 = vector.shape_cast %get3A_254 : vector<1x16xf32> to vector<16xf32>
        %get3A_256 = arith.index_cast %scan3A_135 : i32 to index
        %get3A_257 = arith.constant 48 : index
        %get3A_258 = tpu.vector_load %arg16[%get3A_256, %get3A_257] {strides = array<i32>} : memref<64x128xf32, #tpu.memory_space<vmem>>, vector<1x16xf32>,
        %get3A_259 = vector.shape_cast %get3A_258 : vector<1x16xf32> to vector<16xf32>
        %add3A_260 = arith.addf %get3A_255, %get3A_259 : vector<16xf32>
        %mul3A_261 = arith.constant 2.000000e-01 : f32
        %mul3A_262 = vector.broadcast %mul3A_261 : f32 to vector<16xf32>
        %mul3A_263 = arith.mulf %mul3A_262, %add3A_260 : vector<16xf32>
        %max3A_264 = arith.maximumf %add3A_260, %mul3A_263 : vector<16xf32>
        %exp3A_265 = math.exp %max3A_264 : vector<16xf32>
        %swap3A_266 = arith.index_cast %scan3A_135 : i32 to index
        %swap3A_267 = arith.constant 48 : index
        %swap3A_268 = tpu.vector_load %arg15[%swap3A_266, %swap3A_267] {strides = array<i32>} : memref<64x128xf32, #tpu.memory_space<vmem>>, vector<1x16xf32>,
        %swap3A_269 = vector.shape_cast %swap3A_268 : vector<1x16xf32> to vector<16xf32>
        %swap3A_270 = vector.shape_cast %exp3A_265 : vector<16xf32> to vector<1x16xf32>
        tpu.vector_store %arg15[%swap3A_266, %swap3A_267], %swap3A_270 {strides = array<i32>} : memref<64x128xf32, #tpu.memory_space<vmem>>, vector<1x16xf32>,
        %get3A_271 = arith.index_cast %scan3A_135 : i32 to index
        %get3A_272 = arith.constant 48 : index
        %get3A_273 = tpu.vector_load %arg17[%get3A_271, %get3A_272] {strides = array<i32>} : memref<64x128xf32, #tpu.memory_space<vmem>>, vector<1x16xf32>,
        %get3A_274 = vector.shape_cast %get3A_273 : vector<1x16xf32> to vector<16xf32>
        %mul3A_275 = arith.mulf %get3A_274, %exp3A_265 : vector<16xf32>
        %swap3A_276 = arith.index_cast %scan3A_135 : i32 to index
        %swap3A_277 = arith.constant 48 : index
        %swap3A_278 = tpu.vector_load %arg17[%swap3A_276, %swap3A_277] {strides = array<i32>} : memref<64x128xf32, #tpu.memory_space<vmem>>, vector<1x16xf32>,
        %swap3A_279 = vector.shape_cast %swap3A_278 : vector<1x16xf32> to vector<16xf32>
        %swap3A_280 = vector.shape_cast %mul3A_275 : vector<16xf32> to vector<1x16xf32>
        tpu.vector_store %arg17[%swap3A_276, %swap3A_277], %swap3A_280 {strides = array<i32>} : memref<64x128xf32, #tpu.memory_space<vmem>>, vector<1x16xf32>,
        %get3A_281 = arith.index_cast %scan3A_135 : i32 to index
        %get3A_282 = arith.constant 48 : index
        %get3A_283 = tpu.vector_load %arg18[%get3A_281, %get3A_282] {strides = array<i32>} : memref<64x128xf32, #tpu.memory_space<vmem>>, vector<1x16xf32>,
        %get3A_284 = vector.shape_cast %get3A_283 : vector<1x16xf32> to vector<16xf32>
        %mul3A_285 = arith.mulf %get3A_284, %exp3A_265 : vector<16xf32>
        %swap3A_286 = arith.index_cast %scan3A_135 : i32 to index
        %swap3A_287 = arith.constant 48 : index
        %swap3A_288 = tpu.vector_load %arg18[%swap3A_286, %swap3A_287] {strides = array<i32>} : memref<64x128xf32, #tpu.memory_space<vmem>>, vector<1x16xf32>,
        %swap3A_289 = vector.shape_cast %swap3A_288 : vector<1x16xf32> to vector<16xf32>
        %swap3A_290 = vector.shape_cast %mul3A_285 : vector<16xf32> to vector<1x16xf32>
        tpu.vector_store %arg18[%swap3A_286, %swap3A_287], %swap3A_290 {strides = array<i32>} : memref<64x128xf32, #tpu.memory_space<vmem>>, vector<1x16xf32>,
        %get3A_291 = arith.index_cast %scan3A_135 : i32 to index
        %get3A_292 = arith.constant 64 : index
        %get3A_293 = tpu.vector_load %arg15[%get3A_291, %get3A_292] {strides = array<i32>} : memref<64x128xf32, #tpu.memory_space<vmem>>, vector<1x16xf32>,
        %get3A_294 = vector.shape_cast %get3A_293 : vector<1x16xf32> to vector<16xf32>
        %get3A_295 = arith.index_cast %scan3A_135 : i32 to index
        %get3A_296 = arith.constant 64 : index
        %get3A_297 = tpu.vector_load %arg16[%get3A_295, %get3A_296] {strides = array<i32>} : memref<64x128xf32, #tpu.memory_space<vmem>>, vector<1x16xf32>,
        %get3A_298 = vector.shape_cast %get3A_297 : vector<1x16xf32> to vector<16xf32>
        %add3A_299 = arith.addf %get3A_294, %get3A_298 : vector<16xf32>
        %mul3A_300 = arith.constant 2.000000e-01 : f32
        %mul3A_301 = vector.broadcast %mul3A_300 : f32 to vector<16xf32>
        %mul3A_302 = arith.mulf %mul3A_301, %add3A_299 : vector<16xf32>
        %max3A_303 = arith.maximumf %add3A_299, %mul3A_302 : vector<16xf32>
        %exp3A_304 = math.exp %max3A_303 : vector<16xf32>
        %swap3A_305 = arith.index_cast %scan3A_135 : i32 to index
        %swap3A_306 = arith.constant 64 : index
        %swap3A_307 = tpu.vector_load %arg15[%swap3A_305, %swap3A_306] {strides = array<i32>} : memref<64x128xf32, #tpu.memory_space<vmem>>, vector<1x16xf32>,
        %swap3A_308 = vector.shape_cast %swap3A_307 : vector<1x16xf32> to vector<16xf32>
        %swap3A_309 = vector.shape_cast %exp3A_304 : vector<16xf32> to vector<1x16xf32>
        tpu.vector_store %arg15[%swap3A_305, %swap3A_306], %swap3A_309 {strides = array<i32>} : memref<64x128xf32, #tpu.memory_space<vmem>>, vector<1x16xf32>,
        %get3A_310 = arith.index_cast %scan3A_135 : i32 to index
        %get3A_311 = arith.constant 64 : index
        %get3A_312 = tpu.vector_load %arg17[%get3A_310, %get3A_311] {strides = array<i32>} : memref<64x128xf32, #tpu.memory_space<vmem>>, vector<1x16xf32>,
        %get3A_313 = vector.shape_cast %get3A_312 : vector<1x16xf32> to vector<16xf32>
        %mul3A_314 = arith.mulf %get3A_313, %exp3A_304 : vector<16xf32>
        %swap3A_315 = arith.index_cast %scan3A_135 : i32 to index
        %swap3A_316 = arith.constant 64 : index
        %swap3A_317 = tpu.vector_load %arg17[%swap3A_315, %swap3A_316] {strides = array<i32>} : memref<64x128xf32, #tpu.memory_space<vmem>>, vector<1x16xf32>,
        %swap3A_318 = vector.shape_cast %swap3A_317 : vector<1x16xf32> to vector<16xf32>
        %swap3A_319 = vector.shape_cast %mul3A_314 : vector<16xf32> to vector<1x16xf32>
        tpu.vector_store %arg17[%swap3A_315, %swap3A_316], %swap3A_319 {strides = array<i32>} : memref<64x128xf32, #tpu.memory_space<vmem>>, vector<1x16xf32>,
        %get3A_320 = arith.index_cast %scan3A_135 : i32 to index
        %get3A_321 = arith.constant 64 : index
        %get3A_322 = tpu.vector_load %arg18[%get3A_320, %get3A_321] {strides = array<i32>} : memref<64x128xf32, #tpu.memory_space<vmem>>, vector<1x16xf32>,
        %get3A_323 = vector.shape_cast %get3A_322 : vector<1x16xf32> to vector<16xf32>
        %mul3A_324 = arith.mulf %get3A_323, %exp3A_304 : vector<16xf32>
        %swap3A_325 = arith.index_cast %scan3A_135 : i32 to index
        %swap3A_326 = arith.constant 64 : index
        %swap3A_327 = tpu.vector_load %arg18[%swap3A_325, %swap3A_326] {strides = array<i32>} : memref<64x128xf32, #tpu.memory_space<vmem>>, vector<1x16xf32>,
        %swap3A_328 = vector.shape_cast %swap3A_327 : vector<1x16xf32> to vector<16xf32>
        %swap3A_329 = vector.shape_cast %mul3A_324 : vector<16xf32> to vector<1x16xf32>
        tpu.vector_store %arg18[%swap3A_325, %swap3A_326], %swap3A_329 {strides = array<i32>} : memref<64x128xf32, #tpu.memory_space<vmem>>, vector<1x16xf32>,
        %get3A_330 = arith.index_cast %scan3A_135 : i32 to index
        %get3A_331 = arith.constant 80 : index
        %get3A_332 = tpu.vector_load %arg15[%get3A_330, %get3A_331] {strides = array<i32>} : memref<64x128xf32, #tpu.memory_space<vmem>>, vector<1x16xf32>,
        %get3A_333 = vector.shape_cast %get3A_332 : vector<1x16xf32> to vector<16xf32>
        %get3A_334 = arith.index_cast %scan3A_135 : i32 to index
        %get3A_335 = arith.constant 80 : index
        %get3A_336 = tpu.vector_load %arg16[%get3A_334, %get3A_335] {strides = array<i32>} : memref<64x128xf32, #tpu.memory_space<vmem>>, vector<1x16xf32>,
        %get3A_337 = vector.shape_cast %get3A_336 : vector<1x16xf32> to vector<16xf32>
        %add3A_338 = arith.addf %get3A_333, %get3A_337 : vector<16xf32>
        %mul3A_339 = arith.constant 2.000000e-01 : f32
        %mul3A_340 = vector.broadcast %mul3A_339 : f32 to vector<16xf32>
        %mul3A_341 = arith.mulf %mul3A_340, %add3A_338 : vector<16xf32>
        %max3A_342 = arith.maximumf %add3A_338, %mul3A_341 : vector<16xf32>
        %exp3A_343 = math.exp %max3A_342 : vector<16xf32>
        %swap3A_344 = arith.index_cast %scan3A_135 : i32 to index
        %swap3A_345 = arith.constant 80 : index
        %swap3A_346 = tpu.vector_load %arg15[%swap3A_344, %swap3A_345] {strides = array<i32>} : memref<64x128xf32, #tpu.memory_space<vmem>>, vector<1x16xf32>,
        %swap3A_347 = vector.shape_cast %swap3A_346 : vector<1x16xf32> to vector<16xf32>
        %swap3A_348 = vector.shape_cast %exp3A_343 : vector<16xf32> to vector<1x16xf32>
        tpu.vector_store %arg15[%swap3A_344, %swap3A_345], %swap3A_348 {strides = array<i32>} : memref<64x128xf32, #tpu.memory_space<vmem>>, vector<1x16xf32>,
        %get3A_349 = arith.index_cast %scan3A_135 : i32 to index
        %get3A_350 = arith.constant 80 : index
        %get3A_351 = tpu.vector_load %arg17[%get3A_349, %get3A_350] {strides = array<i32>} : memref<64x128xf32, #tpu.memory_space<vmem>>, vector<1x16xf32>,
        %get3A_352 = vector.shape_cast %get3A_351 : vector<1x16xf32> to vector<16xf32>
        %mul3A_353 = arith.mulf %get3A_352, %exp3A_343 : vector<16xf32>
        %swap3A_354 = arith.index_cast %scan3A_135 : i32 to index
        %swap3A_355 = arith.constant 80 : index
        %swap3A_356 = tpu.vector_load %arg17[%swap3A_354, %swap3A_355] {strides = array<i32>} : memref<64x128xf32, #tpu.memory_space<vmem>>, vector<1x16xf32>,
        %swap3A_357 = vector.shape_cast %swap3A_356 : vector<1x16xf32> to vector<16xf32>
        %swap3A_358 = vector.shape_cast %mul3A_353 : vector<16xf32> to vector<1x16xf32>
        tpu.vector_store %arg17[%swap3A_354, %swap3A_355], %swap3A_358 {strides = array<i32>} : memref<64x128xf32, #tpu.memory_space<vmem>>, vector<1x16xf32>,
        %get3A_359 = arith.index_cast %scan3A_135 : i32 to index
        %get3A_360 = arith.constant 80 : index
        %get3A_361 = tpu.vector_load %arg18[%get3A_359, %get3A_360] {strides = array<i32>} : memref<64x128xf32, #tpu.memory_space<vmem>>, vector<1x16xf32>,
        %get3A_362 = vector.shape_cast %get3A_361 : vector<1x16xf32> to vector<16xf32>
        %mul3A_363 = arith.mulf %get3A_362, %exp3A_343 : vector<16xf32>
        %swap3A_364 = arith.index_cast %scan3A_135 : i32 to index
        %swap3A_365 = arith.constant 80 : index
        %swap3A_366 = tpu.vector_load %arg18[%swap3A_364, %swap3A_365] {strides = array<i32>} : memref<64x128xf32, #tpu.memory_space<vmem>>, vector<1x16xf32>,
        %swap3A_367 = vector.shape_cast %swap3A_366 : vector<1x16xf32> to vector<16xf32>
        %swap3A_368 = vector.shape_cast %mul3A_363 : vector<16xf32> to vector<1x16xf32>
        tpu.vector_store %arg18[%swap3A_364, %swap3A_365], %swap3A_368 {strides = array<i32>} : memref<64x128xf32, #tpu.memory_space<vmem>>, vector<1x16xf32>,
        %get3A_369 = arith.index_cast %scan3A_135 : i32 to index
        %get3A_370 = arith.constant 96 : index
        %get3A_371 = tpu.vector_load %arg15[%get3A_369, %get3A_370] {strides = array<i32>} : memref<64x128xf32, #tpu.memory_space<vmem>>, vector<1x16xf32>,
        %get3A_372 = vector.shape_cast %get3A_371 : vector<1x16xf32> to vector<16xf32>
        %get3A_373 = arith.index_cast %scan3A_135 : i32 to index
        %get3A_374 = arith.constant 96 : index
        %get3A_375 = tpu.vector_load %arg16[%get3A_373, %get3A_374] {strides = array<i32>} : memref<64x128xf32, #tpu.memory_space<vmem>>, vector<1x16xf32>,
        %get3A_376 = vector.shape_cast %get3A_375 : vector<1x16xf32> to vector<16xf32>
        %add3A_377 = arith.addf %get3A_372, %get3A_376 : vector<16xf32>
        %mul3A_378 = arith.constant 2.000000e-01 : f32
        %mul3A_379 = vector.broadcast %mul3A_378 : f32 to vector<16xf32>
        %mul3A_380 = arith.mulf %mul3A_379, %add3A_377 : vector<16xf32>
        %max3A_381 = arith.maximumf %add3A_377, %mul3A_380 : vector<16xf32>
        %exp3A_382 = math.exp %max3A_381 : vector<16xf32>
        %swap3A_383 = arith.index_cast %scan3A_135 : i32 to index
        %swap3A_384 = arith.constant 96 : index
        %swap3A_385 = tpu.vector_load %arg15[%swap3A_383, %swap3A_384] {strides = array<i32>} : memref<64x128xf32, #tpu.memory_space<vmem>>, vector<1x16xf32>,
        %swap3A_386 = vector.shape_cast %swap3A_385 : vector<1x16xf32> to vector<16xf32>
        %swap3A_387 = vector.shape_cast %exp3A_382 : vector<16xf32> to vector<1x16xf32>
        tpu.vector_store %arg15[%swap3A_383, %swap3A_384], %swap3A_387 {strides = array<i32>} : memref<64x128xf32, #tpu.memory_space<vmem>>, vector<1x16xf32>,
        %get3A_388 = arith.index_cast %scan3A_135 : i32 to index
        %get3A_389 = arith.constant 96 : index
        %get3A_390 = tpu.vector_load %arg17[%get3A_388, %get3A_389] {strides = array<i32>} : memref<64x128xf32, #tpu.memory_space<vmem>>, vector<1x16xf32>,
        %get3A_391 = vector.shape_cast %get3A_390 : vector<1x16xf32> to vector<16xf32>
        %mul3A_392 = arith.mulf %get3A_391, %exp3A_382 : vector<16xf32>
        %swap3A_393 = arith.index_cast %scan3A_135 : i32 to index
        %swap3A_394 = arith.constant 96 : index
        %swap3A_395 = tpu.vector_load %arg17[%swap3A_393, %swap3A_394] {strides = array<i32>} : memref<64x128xf32, #tpu.memory_space<vmem>>, vector<1x16xf32>,
        %swap3A_396 = vector.shape_cast %swap3A_395 : vector<1x16xf32> to vector<16xf32>
        %swap3A_397 = vector.shape_cast %mul3A_392 : vector<16xf32> to vector<1x16xf32>
        tpu.vector_store %arg17[%swap3A_393, %swap3A_394], %swap3A_397 {strides = array<i32>} : memref<64x128xf32, #tpu.memory_space<vmem>>, vector<1x16xf32>,
        %get3A_398 = arith.index_cast %scan3A_135 : i32 to index
        %get3A_399 = arith.constant 96 : index
        %get3A_400 = tpu.vector_load %arg18[%get3A_398, %get3A_399] {strides = array<i32>} : memref<64x128xf32, #tpu.memory_space<vmem>>, vector<1x16xf32>,
        %get3A_401 = vector.shape_cast %get3A_400 : vector<1x16xf32> to vector<16xf32>
        %mul3A_402 = arith.mulf %get3A_401, %exp3A_382 : vector<16xf32>
        %swap3A_403 = arith.index_cast %scan3A_135 : i32 to index
        %swap3A_404 = arith.constant 96 : index
        %swap3A_405 = tpu.vector_load %arg18[%swap3A_403, %swap3A_404] {strides = array<i32>} : memref<64x128xf32, #tpu.memory_space<vmem>>, vector<1x16xf32>,
        %swap3A_406 = vector.shape_cast %swap3A_405 : vector<1x16xf32> to vector<16xf32>
        %swap3A_407 = vector.shape_cast %mul3A_402 : vector<16xf32> to vector<1x16xf32>
        tpu.vector_store %arg18[%swap3A_403, %swap3A_404], %swap3A_407 {strides = array<i32>} : memref<64x128xf32, #tpu.memory_space<vmem>>, vector<1x16xf32>,
        %get3A_408 = arith.index_cast %scan3A_135 : i32 to index
        %get3A_409 = arith.constant 112 : index
        %get3A_410 = tpu.vector_load %arg15[%get3A_408, %get3A_409] {strides = array<i32>} : memref<64x128xf32, #tpu.memory_space<vmem>>, vector<1x16xf32>,
        %get3A_411 = vector.shape_cast %get3A_410 : vector<1x16xf32> to vector<16xf32>
        %get3A_412 = arith.index_cast %scan3A_135 : i32 to index
        %get3A_413 = arith.constant 112 : index
        %get3A_414 = tpu.vector_load %arg16[%get3A_412, %get3A_413] {strides = array<i32>} : memref<64x128xf32, #tpu.memory_space<vmem>>, vector<1x16xf32>,
        %get3A_415 = vector.shape_cast %get3A_414 : vector<1x16xf32> to vector<16xf32>
        %add3A_416 = arith.addf %get3A_411, %get3A_415 : vector<16xf32>
        %mul3A_417 = arith.constant 2.000000e-01 : f32
        %mul3A_418 = vector.broadcast %mul3A_417 : f32 to vector<16xf32>
        %mul3A_419 = arith.mulf %mul3A_418, %add3A_416 : vector<16xf32>
        %max3A_420 = arith.maximumf %add3A_416, %mul3A_419 : vector<16xf32>
        %exp3A_421 = math.exp %max3A_420 : vector<16xf32>
        %swap3A_422 = arith.index_cast %scan3A_135 : i32 to index
        %swap3A_423 = arith.constant 112 : index
        %swap3A_424 = tpu.vector_load %arg15[%swap3A_422, %swap3A_423] {strides = array<i32>} : memref<64x128xf32, #tpu.memory_space<vmem>>, vector<1x16xf32>,
        %swap3A_425 = vector.shape_cast %swap3A_424 : vector<1x16xf32> to vector<16xf32>
        %swap3A_426 = vector.shape_cast %exp3A_421 : vector<16xf32> to vector<1x16xf32>
        tpu.vector_store %arg15[%swap3A_422, %swap3A_423], %swap3A_426 {strides = array<i32>} : memref<64x128xf32, #tpu.memory_space<vmem>>, vector<1x16xf32>,
        %get3A_427 = arith.index_cast %scan3A_135 : i32 to index
        %get3A_428 = arith.constant 112 : index
        %get3A_429 = tpu.vector_load %arg17[%get3A_427, %get3A_428] {strides = array<i32>} : memref<64x128xf32, #tpu.memory_space<vmem>>, vector<1x16xf32>,
        %get3A_430 = vector.shape_cast %get3A_429 : vector<1x16xf32> to vector<16xf32>
        %mul3A_431 = arith.mulf %get3A_430, %exp3A_421 : vector<16xf32>
        %swap3A_432 = arith.index_cast %scan3A_135 : i32 to index
        %swap3A_433 = arith.constant 112 : index
        %swap3A_434 = tpu.vector_load %arg17[%swap3A_432, %swap3A_433] {strides = array<i32>} : memref<64x128xf32, #tpu.memory_space<vmem>>, vector<1x16xf32>,
        %swap3A_435 = vector.shape_cast %swap3A_434 : vector<1x16xf32> to vector<16xf32>
        %swap3A_436 = vector.shape_cast %mul3A_431 : vector<16xf32> to vector<1x16xf32>
        tpu.vector_store %arg17[%swap3A_432, %swap3A_433], %swap3A_436 {strides = array<i32>} : memref<64x128xf32, #tpu.memory_space<vmem>>, vector<1x16xf32>,
        %get3A_437 = arith.index_cast %scan3A_135 : i32 to index
        %get3A_438 = arith.constant 112 : index
        %get3A_439 = tpu.vector_load %arg18[%get3A_437, %get3A_438] {strides = array<i32>} : memref<64x128xf32, #tpu.memory_space<vmem>>, vector<1x16xf32>,
        %get3A_440 = vector.shape_cast %get3A_439 : vector<1x16xf32> to vector<16xf32>
        %mul3A_441 = arith.mulf %get3A_440, %exp3A_421 : vector<16xf32>
        %swap3A_442 = arith.index_cast %scan3A_135 : i32 to index
        %swap3A_443 = arith.constant 112 : index
        %swap3A_444 = tpu.vector_load %arg18[%swap3A_442, %swap3A_443] {strides = array<i32>} : memref<64x128xf32, #tpu.memory_space<vmem>>, vector<1x16xf32>,
        %swap3A_445 = vector.shape_cast %swap3A_444 : vector<1x16xf32> to vector<16xf32>
        %swap3A_446 = vector.shape_cast %mul3A_441 : vector<16xf32> to vector<1x16xf32>
        tpu.vector_store %arg18[%swap3A_442, %swap3A_443], %swap3A_446 {strides = array<i32>} : memref<64x128xf32, #tpu.memory_space<vmem>>, vector<1x16xf32>,
        %scan3A_447 = arith.constant 0 : i32
        scf.yield %scan3A_447 : i32
      }
      %scan3A_133 = arith.constant 64 : i32
      "tpu.region"() ({
        %run_scoped3A = tpu.sem_alloc : memref<!tpu.dma_semaphore, #tpu.memory_space<semaphore_mem>>
        %dma_start3A_135 = arith.constant 0 : i32
        %dma_start3A_136 = arith.constant 0 : i32
        %dma_start3A_137 = tpu.memref_slice %arg19[%dma_start3A_135, %dma_start3A_136] : memref<2048x128xf32, #tpu.memory_space<vmem_shared>> -> memref<2048x128xf32, #tpu.memory_space<vmem_shared>>
        tpu.enqueue_indirect_dma source(%arg17 : memref<64x128xf32, #tpu.memory_space<vmem>>) target(%dma_start3A_137 : memref<2048x128xf32, #tpu.memory_space<vmem_shared>>) offsets(%arg13 : memref<64xi32, #tpu.memory_space<vmem>>) semaphore(%run_scoped3A : memref<!tpu.dma_semaphore, #tpu.memory_space<semaphore_mem>>) {add = true}
        %dma_wait3A_138 = arith.constant 0 : i32
        %dma_wait3A_139 = arith.constant 0 : i32
        %dma_wait3A_140 = tpu.memref_slice %arg19[%dma_wait3A_138, %dma_wait3A_139] : memref<2048x128xf32, #tpu.memory_space<vmem_shared>> -> memref<2048x128xf32, #tpu.memory_space<vmem_shared>>
        tpu.wait_indirect_dma semaphore(%run_scoped3A : memref<!tpu.dma_semaphore, #tpu.memory_space<semaphore_mem>>) src(%arg17 : memref<64x128xf32, #tpu.memory_space<vmem>>) dst(%dma_wait3A_140 : memref<2048x128xf32, #tpu.memory_space<vmem_shared>>)
        tpu.yield
      }) : () -> ()
      "tpu.region"() ({
        %run_scoped3A = tpu.sem_alloc : memref<!tpu.dma_semaphore, #tpu.memory_space<semaphore_mem>>
        %dma_start3A_135 = arith.constant 0 : i32
        %dma_start3A_136 = arith.constant 0 : i32
        %dma_start3A_137 = tpu.memref_slice %arg20[%dma_start3A_135, %dma_start3A_136] : memref<2048x128xf32, #tpu.memory_space<vmem_shared>> -> memref<2048x128xf32, #tpu.memory_space<vmem_shared>>
        tpu.enqueue_indirect_dma source(%arg18 : memref<64x128xf32, #tpu.memory_space<vmem>>) target(%dma_start3A_137 : memref<2048x128xf32, #tpu.memory_space<vmem_shared>>) offsets(%arg13 : memref<64xi32, #tpu.memory_space<vmem>>) semaphore(%run_scoped3A : memref<!tpu.dma_semaphore, #tpu.memory_space<semaphore_mem>>) {add = true}
        %dma_wait3A_138 = arith.constant 0 : i32
        %dma_wait3A_139 = arith.constant 0 : i32
        %dma_wait3A_140 = tpu.memref_slice %arg20[%dma_wait3A_138, %dma_wait3A_139] : memref<2048x128xf32, #tpu.memory_space<vmem_shared>> -> memref<2048x128xf32, #tpu.memory_space<vmem_shared>>
        tpu.wait_indirect_dma semaphore(%run_scoped3A : memref<!tpu.dma_semaphore, #tpu.memory_space<semaphore_mem>>) src(%arg18 : memref<64x128xf32, #tpu.memory_space<vmem>>) dst(%dma_wait3A_140 : memref<2048x128xf32, #tpu.memory_space<vmem_shared>>)
        tpu.yield
      }) : () -> ()
      "tpu.region"() ({
        %run_scoped3A = tpu.sem_alloc : memref<!tpu.dma_semaphore, #tpu.memory_space<semaphore_mem>>
        %dma_start3A_135 = arith.constant 0 : i32
        %dma_start3A_136 = arith.constant 0 : i32
        %dma_start3A_137 = tpu.memref_slice %arg21[%dma_start3A_135, %dma_start3A_136] : memref<2048x128xf32, #tpu.memory_space<vmem_shared>> -> memref<2048x128xf32, #tpu.memory_space<vmem_shared>>
        tpu.enqueue_indirect_dma source(%arg15 : memref<64x128xf32, #tpu.memory_space<vmem>>) target(%dma_start3A_137 : memref<2048x128xf32, #tpu.memory_space<vmem_shared>>) offsets(%arg13 : memref<64xi32, #tpu.memory_space<vmem>>) semaphore(%run_scoped3A : memref<!tpu.dma_semaphore, #tpu.memory_space<semaphore_mem>>) {add = true}
        %dma_wait3A_138 = arith.constant 0 : i32
        %dma_wait3A_139 = arith.constant 0 : i32
        %dma_wait3A_140 = tpu.memref_slice %arg21[%dma_wait3A_138, %dma_wait3A_139] : memref<2048x128xf32, #tpu.memory_space<vmem_shared>> -> memref<2048x128xf32, #tpu.memory_space<vmem_shared>>
        tpu.wait_indirect_dma semaphore(%run_scoped3A : memref<!tpu.dma_semaphore, #tpu.memory_space<semaphore_mem>>) src(%arg15 : memref<64x128xf32, #tpu.memory_space<vmem>>) dst(%dma_wait3A_140 : memref<2048x128xf32, #tpu.memory_space<vmem_shared>>)
        tpu.yield
      }) : () -> ()
      %scan3A_134 = arith.constant 0 : i32
      scf.yield %scan3A_134 : i32
    }
    %scan3A_15 = arith.constant 16 : i32
    %barrier3A_16 = arith.constant 0 : index
    tpu.barrier barrier_id(%barrier3A_16)
    %mul3A_17 = arith.constant 2048 : i32
    %mul3A_18 = arith.muli %arg0, %mul3A_17 : i32
    %mul3A_19 = arith.constant 128 : i32
    %mul3A_20 = arith.muli %arg1, %mul3A_19 : i32
    %add3A_21 = arith.addi %mul3A_18, %mul3A_20 : i32
    %mul3A_22 = arith.constant 128 : i32
    %mul3A_23 = arith.muli %arg1, %mul3A_22 : i32
    "tpu.region"() ({
      %run_scoped3A = tpu.sem_alloc : memref<!tpu.dma_semaphore, #tpu.memory_space<semaphore_mem>>
      %dma_start3A = arith.constant 0 : i32
      %dma_start3A_28 = tpu.memref_slice %arg9[%add3A_21, %dma_start3A] : memref<4096x128xf32, #tpu.memory_space<hbm>> -> memref<128x128xf32, #tpu.memory_space<hbm>>
      %dma_start3A_29 = arith.constant 0 : i32
      %dma_start3A_30 = tpu.memref_slice %arg19[%mul3A_23, %dma_start3A_29] : memref<2048x128xf32, #tpu.memory_space<vmem_shared>> -> memref<128x128xf32, #tpu.memory_space<vmem_shared>>
      tpu.enqueue_dma source(%dma_start3A_30 : memref<128x128xf32, #tpu.memory_space<vmem_shared>>) target(%dma_start3A_28 : memref<128x128xf32, #tpu.memory_space<hbm>>) target_semaphore(%run_scoped3A : memref<!tpu.dma_semaphore, #tpu.memory_space<semaphore_mem>>)
      %dma_wait3A = arith.constant 0 : i32
      %dma_wait3A_31 = tpu.memref_slice %arg9[%add3A_21, %dma_wait3A] : memref<4096x128xf32, #tpu.memory_space<hbm>> -> memref<128x128xf32, #tpu.memory_space<hbm>>
      %dma_wait3A_32 = arith.constant 0 : i32
      %dma_wait3A_33 = tpu.memref_slice %arg19[%mul3A_23, %dma_wait3A_32] : memref<2048x128xf32, #tpu.memory_space<vmem_shared>> -> memref<128x128xf32, #tpu.memory_space<vmem_shared>>
      tpu.wait_dma2 semaphore(%run_scoped3A : memref<!tpu.dma_semaphore, #tpu.memory_space<semaphore_mem>>) src(%dma_wait3A_33 : memref<128x128xf32, #tpu.memory_space<vmem_shared>>) dst(%dma_wait3A_31 : memref<128x128xf32, #tpu.memory_space<hbm>>)
      tpu.yield
    }) : () -> ()
    %mul3A_24 = arith.constant 128 : i32
    %mul3A_25 = arith.muli %arg1, %mul3A_24 : i32
    "tpu.region"() ({
      %run_scoped3A = tpu.sem_alloc : memref<!tpu.dma_semaphore, #tpu.memory_space<semaphore_mem>>
      %dma_start3A = arith.constant 0 : i32
      %dma_start3A_28 = tpu.memref_slice %arg10[%add3A_21, %dma_start3A] : memref<4096x128xf32, #tpu.memory_space<hbm>> -> memref<128x128xf32, #tpu.memory_space<hbm>>
      %dma_start3A_29 = arith.constant 0 : i32
      %dma_start3A_30 = tpu.memref_slice %arg20[%mul3A_25, %dma_start3A_29] : memref<2048x128xf32, #tpu.memory_space<vmem_shared>> -> memref<128x128xf32, #tpu.memory_space<vmem_shared>>
      tpu.enqueue_dma source(%dma_start3A_30 : memref<128x128xf32, #tpu.memory_space<vmem_shared>>) target(%dma_start3A_28 : memref<128x128xf32, #tpu.memory_space<hbm>>) target_semaphore(%run_scoped3A : memref<!tpu.dma_semaphore, #tpu.memory_space<semaphore_mem>>)
      %dma_wait3A = arith.constant 0 : i32
      %dma_wait3A_31 = tpu.memref_slice %arg10[%add3A_21, %dma_wait3A] : memref<4096x128xf32, #tpu.memory_space<hbm>> -> memref<128x128xf32, #tpu.memory_space<hbm>>
      %dma_wait3A_32 = arith.constant 0 : i32
      %dma_wait3A_33 = tpu.memref_slice %arg20[%mul3A_25, %dma_wait3A_32] : memref<2048x128xf32, #tpu.memory_space<vmem_shared>> -> memref<128x128xf32, #tpu.memory_space<vmem_shared>>
      tpu.wait_dma2 semaphore(%run_scoped3A : memref<!tpu.dma_semaphore, #tpu.memory_space<semaphore_mem>>) src(%dma_wait3A_33 : memref<128x128xf32, #tpu.memory_space<vmem_shared>>) dst(%dma_wait3A_31 : memref<128x128xf32, #tpu.memory_space<hbm>>)
      tpu.yield
    }) : () -> ()
    %mul3A_26 = arith.constant 128 : i32
    %mul3A_27 = arith.muli %arg1, %mul3A_26 : i32
    "tpu.region"() ({
      %run_scoped3A = tpu.sem_alloc : memref<!tpu.dma_semaphore, #tpu.memory_space<semaphore_mem>>
      %dma_start3A = arith.constant 0 : i32
      %dma_start3A_28 = tpu.memref_slice %arg11[%add3A_21, %dma_start3A] : memref<4096x128xf32, #tpu.memory_space<hbm>> -> memref<128x128xf32, #tpu.memory_space<hbm>>
      %dma_start3A_29 = arith.constant 0 : i32
      %dma_start3A_30 = tpu.memref_slice %arg21[%mul3A_27, %dma_start3A_29] : memref<2048x128xf32, #tpu.memory_space<vmem_shared>> -> memref<128x128xf32, #tpu.memory_space<vmem_shared>>
      tpu.enqueue_dma source(%dma_start3A_30 : memref<128x128xf32, #tpu.memory_space<vmem_shared>>) target(%dma_start3A_28 : memref<128x128xf32, #tpu.memory_space<hbm>>) target_semaphore(%run_scoped3A : memref<!tpu.dma_semaphore, #tpu.memory_space<semaphore_mem>>)
      %dma_wait3A = arith.constant 0 : i32
      %dma_wait3A_31 = tpu.memref_slice %arg11[%add3A_21, %dma_wait3A] : memref<4096x128xf32, #tpu.memory_space<hbm>> -> memref<128x128xf32, #tpu.memory_space<hbm>>
      %dma_wait3A_32 = arith.constant 0 : i32
      %dma_wait3A_33 = tpu.memref_slice %arg21[%mul3A_27, %dma_wait3A_32] : memref<2048x128xf32, #tpu.memory_space<vmem_shared>> -> memref<128x128xf32, #tpu.memory_space<vmem_shared>>
      tpu.wait_dma2 semaphore(%run_scoped3A : memref<!tpu.dma_semaphore, #tpu.memory_space<semaphore_mem>>) src(%dma_wait3A_33 : memref<128x128xf32, #tpu.memory_space<vmem_shared>>) dst(%dma_wait3A_31 : memref<128x128xf32, #tpu.memory_space<hbm>>)
      tpu.yield
    }) : () -> ()
    return
  }
}

#map = affine_map<(d0, d1) -> (0)>
#map1 = affine_map<(d0, d1) -> (0, 0)>
module attributes {stable_mosaic.version = 14 : i64} {
  func.func @_gat1_body(%arg0: i32, %arg1: i32, %arg2: memref<16384xi32, #tpu.memory_space<hbm>>, %arg3: memref<16384xi32, #tpu.memory_space<hbm>>, %arg4: memref<8192x128xf32, #tpu.memory_space<hbm>>, %arg5: memref<8192x128xf32, #tpu.memory_space<hbm>>, %arg6: memref<8192x128xf32, #tpu.memory_space<hbm>>, %arg7: memref<8192x128xf32, #tpu.memory_space<hbm>>, %arg8: memref<128x128xf32, #tpu.memory_space<hbm>>, %arg9: memref<4096x128xf32, #tpu.memory_space<hbm>>, %arg10: memref<4096x128xf32, #tpu.memory_space<hbm>>, %arg11: memref<4096x128xf32, #tpu.memory_space<hbm>>, %arg12: memref<64xi32, #tpu.memory_space<vmem>>, %arg13: memref<64xi32, #tpu.memory_space<vmem>>, %arg14: memref<64xi32, #tpu.memory_space<vmem>>, %arg15: memref<64x128xf32, #tpu.memory_space<vmem>>, %arg16: memref<64x128xf32, #tpu.memory_space<vmem>>, %arg17: memref<64x128xf32, #tpu.memory_space<vmem>>, %arg18: memref<64x128xf32, #tpu.memory_space<vmem>>, %arg19: memref<2048x128xf32, #tpu.memory_space<vmem_shared>>, %arg20: memref<2048x128xf32, #tpu.memory_space<vmem_shared>>, %arg21: memref<2048x128xf32, #tpu.memory_space<vmem_shared>>, %arg22: memref<!tpu.dma_semaphore, #tpu.memory_space<semaphore_mem>>) attributes {dimension_semantics = [#tpu.dimension_semantics<core_parallel>, #tpu.dimension_semantics<subcore_parallel>], iteration_bounds = array<i64: 2, 16>, scalar_prefetch = 0 : i64, scratch_operands = 11 : i64, tpu.core_type = #tpu.core_type<sc_vector_subcore>, window_params = [{transform_indices = #map}, {transform_indices = #map}, {transform_indices = #map1}, {transform_indices = #map1}, {transform_indices = #map1}, {transform_indices = #map1}, {transform_indices = #map1}, {transform_indices = #map1}, {transform_indices = #map1}, {transform_indices = #map1}]} {
    %mul3A = arith.constant 128 : i32
    %mul3A_0 = arith.muli %arg1, %mul3A : i32
    "tpu.region"() ({
      %run_scoped3A = tpu.sem_alloc : memref<!tpu.dma_semaphore, #tpu.memory_space<semaphore_mem>>
      %dma_start3A = arith.constant 0 : i32
      %dma_start3A_28 = tpu.memref_slice %arg19[%mul3A_0, %dma_start3A] : memref<2048x128xf32, #tpu.memory_space<vmem_shared>> -> memref<128x128xf32, #tpu.memory_space<vmem_shared>>
      tpu.enqueue_dma source(%arg8 : memref<128x128xf32, #tpu.memory_space<hbm>>) target(%dma_start3A_28 : memref<128x128xf32, #tpu.memory_space<vmem_shared>>) target_semaphore(%run_scoped3A : memref<!tpu.dma_semaphore, #tpu.memory_space<semaphore_mem>>)
      %dma_wait3A = arith.constant 0 : i32
      %dma_wait3A_29 = tpu.memref_slice %arg19[%mul3A_0, %dma_wait3A] : memref<2048x128xf32, #tpu.memory_space<vmem_shared>> -> memref<128x128xf32, #tpu.memory_space<vmem_shared>>
      tpu.wait_dma2 semaphore(%run_scoped3A : memref<!tpu.dma_semaphore, #tpu.memory_space<semaphore_mem>>) src(%arg8 : memref<128x128xf32, #tpu.memory_space<hbm>>) dst(%dma_wait3A_29 : memref<128x128xf32, #tpu.memory_space<vmem_shared>>)
      tpu.yield
    }) : () -> ()
    %mul3A_1 = arith.constant 128 : i32
    %mul3A_2 = arith.muli %arg1, %mul3A_1 : i32
    "tpu.region"() ({
      %run_scoped3A = tpu.sem_alloc : memref<!tpu.dma_semaphore, #tpu.memory_space<semaphore_mem>>
      %dma_start3A = arith.constant 0 : i32
      %dma_start3A_28 = tpu.memref_slice %arg20[%mul3A_2, %dma_start3A] : memref<2048x128xf32, #tpu.memory_space<vmem_shared>> -> memref<128x128xf32, #tpu.memory_space<vmem_shared>>
      tpu.enqueue_dma source(%arg8 : memref<128x128xf32, #tpu.memory_space<hbm>>) target(%dma_start3A_28 : memref<128x128xf32, #tpu.memory_space<vmem_shared>>) target_semaphore(%run_scoped3A : memref<!tpu.dma_semaphore, #tpu.memory_space<semaphore_mem>>)
      %dma_wait3A = arith.constant 0 : i32
      %dma_wait3A_29 = tpu.memref_slice %arg20[%mul3A_2, %dma_wait3A] : memref<2048x128xf32, #tpu.memory_space<vmem_shared>> -> memref<128x128xf32, #tpu.memory_space<vmem_shared>>
      tpu.wait_dma2 semaphore(%run_scoped3A : memref<!tpu.dma_semaphore, #tpu.memory_space<semaphore_mem>>) src(%arg8 : memref<128x128xf32, #tpu.memory_space<hbm>>) dst(%dma_wait3A_29 : memref<128x128xf32, #tpu.memory_space<vmem_shared>>)
      tpu.yield
    }) : () -> ()
    %mul3A_3 = arith.constant 128 : i32
    %mul3A_4 = arith.muli %arg1, %mul3A_3 : i32
    "tpu.region"() ({
      %run_scoped3A = tpu.sem_alloc : memref<!tpu.dma_semaphore, #tpu.memory_space<semaphore_mem>>
      %dma_start3A = arith.constant 0 : i32
      %dma_start3A_28 = tpu.memref_slice %arg21[%mul3A_4, %dma_start3A] : memref<2048x128xf32, #tpu.memory_space<vmem_shared>> -> memref<128x128xf32, #tpu.memory_space<vmem_shared>>
      tpu.enqueue_dma source(%arg8 : memref<128x128xf32, #tpu.memory_space<hbm>>) target(%dma_start3A_28 : memref<128x128xf32, #tpu.memory_space<vmem_shared>>) target_semaphore(%run_scoped3A : memref<!tpu.dma_semaphore, #tpu.memory_space<semaphore_mem>>)
      %dma_wait3A = arith.constant 0 : i32
      %dma_wait3A_29 = tpu.memref_slice %arg21[%mul3A_4, %dma_wait3A] : memref<2048x128xf32, #tpu.memory_space<vmem_shared>> -> memref<128x128xf32, #tpu.memory_space<vmem_shared>>
      tpu.wait_dma2 semaphore(%run_scoped3A : memref<!tpu.dma_semaphore, #tpu.memory_space<semaphore_mem>>) src(%arg8 : memref<128x128xf32, #tpu.memory_space<hbm>>) dst(%dma_wait3A_29 : memref<128x128xf32, #tpu.memory_space<vmem_shared>>)
      tpu.yield
    }) : () -> ()
    %barrier3A = arith.constant 0 : index
    tpu.barrier barrier_id(%barrier3A)
    %mul3A_5 = arith.constant 2 : i32
    %mul3A_6 = arith.muli %mul3A_5, %arg0 : i32
    %add3A = arith.constant 0 : i32
    %add3A_7 = arith.addi %mul3A_6, %add3A : i32
    %mul3A_8 = arith.constant 2048 : i32
    %mul3A_9 = arith.muli %add3A_7, %mul3A_8 : i32
    %scan3A = arith.constant 0 : i32
    %scan3A_10 = arith.constant 0 : i32
    %scan3A_11 = arith.constant 16 : i32
    %scan3A_12 = arith.addi %scan3A_10, %scan3A_11 : i32
    %scan3A_13 = arith.constant 1 : i32
    %scan3A_14 = scf.for %scan3A_28 = %scan3A_10 to %scan3A_12 step %scan3A_13 iter_args(%scan3A_29 = %scan3A) -> (i32)  : i32 {
      %mul3A_30 = arith.constant 1024 : i32
      %mul3A_31 = arith.muli %arg1, %mul3A_30 : i32
      %mul3A_32 = arith.constant 64 : i32
      %mul3A_33 = arith.muli %scan3A_28, %mul3A_32 : i32
      %add3A_34 = arith.addi %mul3A_31, %mul3A_33 : i32
      "tpu.region"() ({
        %run_scoped3A = tpu.sem_alloc : memref<!tpu.dma_semaphore, #tpu.memory_space<semaphore_mem>>
        %dma_start3A_135 = tpu.memref_slice %arg2[%add3A_34] : memref<16384xi32, #tpu.memory_space<hbm>> -> memref<64xi32, #tpu.memory_space<hbm>>
        %dma_start3A_136 = tpu.memref_slice %arg2[%add3A_34] : memref<16384xi32, #tpu.memory_space<hbm>> -> memref<64xi32, #tpu.memory_space<hbm>>
        tpu.enqueue_dma source(%dma_start3A_136 : memref<64xi32, #tpu.memory_space<hbm>>) target(%arg12 : memref<64xi32, #tpu.memory_space<vmem>>) target_semaphore(%run_scoped3A : memref<!tpu.dma_semaphore, #tpu.memory_space<semaphore_mem>>)
        %dma_wait3A_137 = tpu.memref_slice %arg2[%add3A_34] : memref<16384xi32, #tpu.memory_space<hbm>> -> memref<64xi32, #tpu.memory_space<hbm>>
        %dma_wait3A_138 = tpu.memref_slice %arg2[%add3A_34] : memref<16384xi32, #tpu.memory_space<hbm>> -> memref<64xi32, #tpu.memory_space<hbm>>
        tpu.wait_dma2 semaphore(%run_scoped3A : memref<!tpu.dma_semaphore, #tpu.memory_space<semaphore_mem>>) src(%dma_wait3A_138 : memref<64xi32, #tpu.memory_space<hbm>>) dst(%arg12 : memref<64xi32, #tpu.memory_space<vmem>>)
        tpu.yield
      }) : () -> ()
      "tpu.region"() ({
        %run_scoped3A = tpu.sem_alloc : memref<!tpu.dma_semaphore, #tpu.memory_space<semaphore_mem>>
        %dma_start3A_135 = tpu.memref_slice %arg3[%add3A_34] : memref<16384xi32, #tpu.memory_space<hbm>> -> memref<64xi32, #tpu.memory_space<hbm>>
        %dma_start3A_136 = tpu.memref_slice %arg3[%add3A_34] : memref<16384xi32, #tpu.memory_space<hbm>> -> memref<64xi32, #tpu.memory_space<hbm>>
        tpu.enqueue_dma source(%dma_start3A_136 : memref<64xi32, #tpu.memory_space<hbm>>) target(%arg13 : memref<64xi32, #tpu.memory_space<vmem>>) target_semaphore(%run_scoped3A : memref<!tpu.dma_semaphore, #tpu.memory_space<semaphore_mem>>)
        %dma_wait3A_137 = tpu.memref_slice %arg3[%add3A_34] : memref<16384xi32, #tpu.memory_space<hbm>> -> memref<64xi32, #tpu.memory_space<hbm>>
        %dma_wait3A_138 = tpu.memref_slice %arg3[%add3A_34] : memref<16384xi32, #tpu.memory_space<hbm>> -> memref<64xi32, #tpu.memory_space<hbm>>
        tpu.wait_dma2 semaphore(%run_scoped3A : memref<!tpu.dma_semaphore, #tpu.memory_space<semaphore_mem>>) src(%dma_wait3A_138 : memref<64xi32, #tpu.memory_space<hbm>>) dst(%arg13 : memref<64xi32, #tpu.memory_space<vmem>>)
        tpu.yield
      }) : () -> ()
      %get3A = arith.constant 0 : index
      %get3A_35 = tpu.vector_load %arg12[%get3A] {strides = array<i32>} : memref<64xi32, #tpu.memory_space<vmem>>, vector<16xi32>,
      %get3A_36 = vector.shape_cast %get3A_35 : vector<16xi32> to vector<16xi32>
      %add3A_37 = vector.broadcast %mul3A_9 : i32 to vector<16xi32>
      %add3A_38 = arith.addi %get3A_36, %add3A_37 : vector<16xi32>
      %swap3A = arith.constant 0 : index
      %swap3A_39 = tpu.vector_load %arg14[%swap3A] {strides = array<i32>} : memref<64xi32, #tpu.memory_space<vmem>>, vector<16xi32>,
      %swap3A_40 = vector.shape_cast %swap3A_39 : vector<16xi32> to vector<16xi32>
      %swap3A_41 = vector.shape_cast %add3A_38 : vector<16xi32> to vector<16xi32>
      tpu.vector_store %arg14[%swap3A], %swap3A_41 {strides = array<i32>} : memref<64xi32, #tpu.memory_space<vmem>>, vector<16xi32>,
      %get3A_42 = arith.constant 16 : index
      %get3A_43 = tpu.vector_load %arg12[%get3A_42] {strides = array<i32>} : memref<64xi32, #tpu.memory_space<vmem>>, vector<16xi32>,
      %get3A_44 = vector.shape_cast %get3A_43 : vector<16xi32> to vector<16xi32>
      %add3A_45 = vector.broadcast %mul3A_9 : i32 to vector<16xi32>
      %add3A_46 = arith.addi %get3A_44, %add3A_45 : vector<16xi32>
      %swap3A_47 = arith.constant 16 : index
      %swap3A_48 = tpu.vector_load %arg14[%swap3A_47] {strides = array<i32>} : memref<64xi32, #tpu.memory_space<vmem>>, vector<16xi32>,
      %swap3A_49 = vector.shape_cast %swap3A_48 : vector<16xi32> to vector<16xi32>
      %swap3A_50 = vector.shape_cast %add3A_46 : vector<16xi32> to vector<16xi32>
      tpu.vector_store %arg14[%swap3A_47], %swap3A_50 {strides = array<i32>} : memref<64xi32, #tpu.memory_space<vmem>>, vector<16xi32>,
      %get3A_51 = arith.constant 32 : index
      %get3A_52 = tpu.vector_load %arg12[%get3A_51] {strides = array<i32>} : memref<64xi32, #tpu.memory_space<vmem>>, vector<16xi32>,
      %get3A_53 = vector.shape_cast %get3A_52 : vector<16xi32> to vector<16xi32>
      %add3A_54 = vector.broadcast %mul3A_9 : i32 to vector<16xi32>
      %add3A_55 = arith.addi %get3A_53, %add3A_54 : vector<16xi32>
      %swap3A_56 = arith.constant 32 : index
      %swap3A_57 = tpu.vector_load %arg14[%swap3A_56] {strides = array<i32>} : memref<64xi32, #tpu.memory_space<vmem>>, vector<16xi32>,
      %swap3A_58 = vector.shape_cast %swap3A_57 : vector<16xi32> to vector<16xi32>
      %swap3A_59 = vector.shape_cast %add3A_55 : vector<16xi32> to vector<16xi32>
      tpu.vector_store %arg14[%swap3A_56], %swap3A_59 {strides = array<i32>} : memref<64xi32, #tpu.memory_space<vmem>>, vector<16xi32>,
      %get3A_60 = arith.constant 48 : index
      %get3A_61 = tpu.vector_load %arg12[%get3A_60] {strides = array<i32>} : memref<64xi32, #tpu.memory_space<vmem>>, vector<16xi32>,
      %get3A_62 = vector.shape_cast %get3A_61 : vector<16xi32> to vector<16xi32>
      %add3A_63 = vector.broadcast %mul3A_9 : i32 to vector<16xi32>
      %add3A_64 = arith.addi %get3A_62, %add3A_63 : vector<16xi32>
      %swap3A_65 = arith.constant 48 : index
      %swap3A_66 = tpu.vector_load %arg14[%swap3A_65] {strides = array<i32>} : memref<64xi32, #tpu.memory_space<vmem>>, vector<16xi32>,
      %swap3A_67 = vector.shape_cast %swap3A_66 : vector<16xi32> to vector<16xi32>
      %swap3A_68 = vector.shape_cast %add3A_64 : vector<16xi32> to vector<16xi32>
      tpu.vector_store %arg14[%swap3A_65], %swap3A_68 {strides = array<i32>} : memref<64xi32, #tpu.memory_space<vmem>>, vector<16xi32>,
      %dma_start3A = arith.constant 0 : i32
      %dma_start3A_69 = arith.constant 0 : i32
      %dma_start3A_70 = tpu.memref_slice %arg6[%dma_start3A, %dma_start3A_69] : memref<8192x128xf32, #tpu.memory_space<hbm>> -> memref<8192x128xf32, #tpu.memory_space<hbm>>
      tpu.enqueue_indirect_dma source(%dma_start3A_70 : memref<8192x128xf32, #tpu.memory_space<hbm>>) target(%arg15 : memref<64x128xf32, #tpu.memory_space<vmem>>) offsets(%arg14 : memref<64xi32, #tpu.memory_space<vmem>>) semaphore(%arg22 : memref<!tpu.dma_semaphore, #tpu.memory_space<semaphore_mem>>)
      %dma_wait3A = arith.constant 0 : i32
      %dma_wait3A_71 = arith.constant 0 : i32
      %dma_wait3A_72 = tpu.memref_slice %arg6[%dma_wait3A, %dma_wait3A_71] : memref<8192x128xf32, #tpu.memory_space<hbm>> -> memref<8192x128xf32, #tpu.memory_space<hbm>>
      tpu.wait_indirect_dma semaphore(%arg22 : memref<!tpu.dma_semaphore, #tpu.memory_space<semaphore_mem>>) src(%dma_wait3A_72 : memref<8192x128xf32, #tpu.memory_space<hbm>>) dst(%arg15 : memref<64x128xf32, #tpu.memory_space<vmem>>)
      %dma_start3A_73 = arith.constant 0 : i32
      %dma_start3A_74 = arith.constant 0 : i32
      %dma_start3A_75 = tpu.memref_slice %arg4[%dma_start3A_73, %dma_start3A_74] : memref<8192x128xf32, #tpu.memory_space<hbm>> -> memref<8192x128xf32, #tpu.memory_space<hbm>>
      tpu.enqueue_indirect_dma source(%dma_start3A_75 : memref<8192x128xf32, #tpu.memory_space<hbm>>) target(%arg17 : memref<64x128xf32, #tpu.memory_space<vmem>>) offsets(%arg14 : memref<64xi32, #tpu.memory_space<vmem>>) semaphore(%arg22 : memref<!tpu.dma_semaphore, #tpu.memory_space<semaphore_mem>>)
      %dma_wait3A_76 = arith.constant 0 : i32
      %dma_wait3A_77 = arith.constant 0 : i32
      %dma_wait3A_78 = tpu.memref_slice %arg4[%dma_wait3A_76, %dma_wait3A_77] : memref<8192x128xf32, #tpu.memory_space<hbm>> -> memref<8192x128xf32, #tpu.memory_space<hbm>>
      tpu.wait_indirect_dma semaphore(%arg22 : memref<!tpu.dma_semaphore, #tpu.memory_space<semaphore_mem>>) src(%dma_wait3A_78 : memref<8192x128xf32, #tpu.memory_space<hbm>>) dst(%arg17 : memref<64x128xf32, #tpu.memory_space<vmem>>)
      %dma_start3A_79 = arith.constant 0 : i32
      %dma_start3A_80 = arith.constant 0 : i32
      %dma_start3A_81 = tpu.memref_slice %arg5[%dma_start3A_79, %dma_start3A_80] : memref<8192x128xf32, #tpu.memory_space<hbm>> -> memref<8192x128xf32, #tpu.memory_space<hbm>>
      tpu.enqueue_indirect_dma source(%dma_start3A_81 : memref<8192x128xf32, #tpu.memory_space<hbm>>) target(%arg18 : memref<64x128xf32, #tpu.memory_space<vmem>>) offsets(%arg14 : memref<64xi32, #tpu.memory_space<vmem>>) semaphore(%arg22 : memref<!tpu.dma_semaphore, #tpu.memory_space<semaphore_mem>>)
      %dma_wait3A_82 = arith.constant 0 : i32
      %dma_wait3A_83 = arith.constant 0 : i32
      %dma_wait3A_84 = tpu.memref_slice %arg5[%dma_wait3A_82, %dma_wait3A_83] : memref<8192x128xf32, #tpu.memory_space<hbm>> -> memref<8192x128xf32, #tpu.memory_space<hbm>>
      tpu.wait_indirect_dma semaphore(%arg22 : memref<!tpu.dma_semaphore, #tpu.memory_space<semaphore_mem>>) src(%dma_wait3A_84 : memref<8192x128xf32, #tpu.memory_space<hbm>>) dst(%arg18 : memref<64x128xf32, #tpu.memory_space<vmem>>)
      %get3A_85 = arith.constant 0 : index
      %get3A_86 = tpu.vector_load %arg13[%get3A_85] {strides = array<i32>} : memref<64xi32, #tpu.memory_space<vmem>>, vector<16xi32>,
      %get3A_87 = vector.shape_cast %get3A_86 : vector<16xi32> to vector<16xi32>
      %add3A_88 = vector.broadcast %mul3A_9 : i32 to vector<16xi32>
      %add3A_89 = arith.addi %get3A_87, %add3A_88 : vector<16xi32>
      %swap3A_90 = arith.constant 0 : index
      %swap3A_91 = tpu.vector_load %arg14[%swap3A_90] {strides = array<i32>} : memref<64xi32, #tpu.memory_space<vmem>>, vector<16xi32>,
      %swap3A_92 = vector.shape_cast %swap3A_91 : vector<16xi32> to vector<16xi32>
      %swap3A_93 = vector.shape_cast %add3A_89 : vector<16xi32> to vector<16xi32>
      tpu.vector_store %arg14[%swap3A_90], %swap3A_93 {strides = array<i32>} : memref<64xi32, #tpu.memory_space<vmem>>, vector<16xi32>,
      %get3A_94 = arith.constant 16 : index
      %get3A_95 = tpu.vector_load %arg13[%get3A_94] {strides = array<i32>} : memref<64xi32, #tpu.memory_space<vmem>>, vector<16xi32>,
      %get3A_96 = vector.shape_cast %get3A_95 : vector<16xi32> to vector<16xi32>
      %add3A_97 = vector.broadcast %mul3A_9 : i32 to vector<16xi32>
      %add3A_98 = arith.addi %get3A_96, %add3A_97 : vector<16xi32>
      %swap3A_99 = arith.constant 16 : index
      %swap3A_100 = tpu.vector_load %arg14[%swap3A_99] {strides = array<i32>} : memref<64xi32, #tpu.memory_space<vmem>>, vector<16xi32>,
      %swap3A_101 = vector.shape_cast %swap3A_100 : vector<16xi32> to vector<16xi32>
      %swap3A_102 = vector.shape_cast %add3A_98 : vector<16xi32> to vector<16xi32>
      tpu.vector_store %arg14[%swap3A_99], %swap3A_102 {strides = array<i32>} : memref<64xi32, #tpu.memory_space<vmem>>, vector<16xi32>,
      %get3A_103 = arith.constant 32 : index
      %get3A_104 = tpu.vector_load %arg13[%get3A_103] {strides = array<i32>} : memref<64xi32, #tpu.memory_space<vmem>>, vector<16xi32>,
      %get3A_105 = vector.shape_cast %get3A_104 : vector<16xi32> to vector<16xi32>
      %add3A_106 = vector.broadcast %mul3A_9 : i32 to vector<16xi32>
      %add3A_107 = arith.addi %get3A_105, %add3A_106 : vector<16xi32>
      %swap3A_108 = arith.constant 32 : index
      %swap3A_109 = tpu.vector_load %arg14[%swap3A_108] {strides = array<i32>} : memref<64xi32, #tpu.memory_space<vmem>>, vector<16xi32>,
      %swap3A_110 = vector.shape_cast %swap3A_109 : vector<16xi32> to vector<16xi32>
      %swap3A_111 = vector.shape_cast %add3A_107 : vector<16xi32> to vector<16xi32>
      tpu.vector_store %arg14[%swap3A_108], %swap3A_111 {strides = array<i32>} : memref<64xi32, #tpu.memory_space<vmem>>, vector<16xi32>,
      %get3A_112 = arith.constant 48 : index
      %get3A_113 = tpu.vector_load %arg13[%get3A_112] {strides = array<i32>} : memref<64xi32, #tpu.memory_space<vmem>>, vector<16xi32>,
      %get3A_114 = vector.shape_cast %get3A_113 : vector<16xi32> to vector<16xi32>
      %add3A_115 = vector.broadcast %mul3A_9 : i32 to vector<16xi32>
      %add3A_116 = arith.addi %get3A_114, %add3A_115 : vector<16xi32>
      %swap3A_117 = arith.constant 48 : index
      %swap3A_118 = tpu.vector_load %arg14[%swap3A_117] {strides = array<i32>} : memref<64xi32, #tpu.memory_space<vmem>>, vector<16xi32>,
      %swap3A_119 = vector.shape_cast %swap3A_118 : vector<16xi32> to vector<16xi32>
      %swap3A_120 = vector.shape_cast %add3A_116 : vector<16xi32> to vector<16xi32>
      tpu.vector_store %arg14[%swap3A_117], %swap3A_120 {strides = array<i32>} : memref<64xi32, #tpu.memory_space<vmem>>, vector<16xi32>,
      %dma_start3A_121 = arith.constant 0 : i32
      %dma_start3A_122 = arith.constant 0 : i32
      %dma_start3A_123 = tpu.memref_slice %arg7[%dma_start3A_121, %dma_start3A_122] : memref<8192x128xf32, #tpu.memory_space<hbm>> -> memref<8192x128xf32, #tpu.memory_space<hbm>>
      tpu.enqueue_indirect_dma source(%dma_start3A_123 : memref<8192x128xf32, #tpu.memory_space<hbm>>) target(%arg16 : memref<64x128xf32, #tpu.memory_space<vmem>>) offsets(%arg14 : memref<64xi32, #tpu.memory_space<vmem>>) semaphore(%arg22 : memref<!tpu.dma_semaphore, #tpu.memory_space<semaphore_mem>>)
      %dma_wait3A_124 = arith.constant 0 : i32
      %dma_wait3A_125 = arith.constant 0 : i32
      %dma_wait3A_126 = tpu.memref_slice %arg7[%dma_wait3A_124, %dma_wait3A_125] : memref<8192x128xf32, #tpu.memory_space<hbm>> -> memref<8192x128xf32, #tpu.memory_space<hbm>>
      tpu.wait_indirect_dma semaphore(%arg22 : memref<!tpu.dma_semaphore, #tpu.memory_space<semaphore_mem>>) src(%dma_wait3A_126 : memref<8192x128xf32, #tpu.memory_space<hbm>>) dst(%arg16 : memref<64x128xf32, #tpu.memory_space<vmem>>)
      %scan3A_127 = arith.constant 0 : i32
      %scan3A_128 = arith.constant 0 : i32
      %scan3A_129 = arith.constant 64 : i32
      %scan3A_130 = arith.addi %scan3A_128, %scan3A_129 : i32
      %scan3A_131 = arith.constant 1 : i32
      %scan3A_132 = scf.for %scan3A_135 = %scan3A_128 to %scan3A_130 step %scan3A_131 iter_args(%scan3A_136 = %scan3A_127) -> (i32)  : i32 {
        %get3A_137 = arith.index_cast %scan3A_135 : i32 to index
        %get3A_138 = arith.constant 0 : index
        %get3A_139 = tpu.vector_load %arg15[%get3A_137, %get3A_138] {strides = array<i32>} : memref<64x128xf32, #tpu.memory_space<vmem>>, vector<1x16xf32>,
        %get3A_140 = vector.shape_cast %get3A_139 : vector<1x16xf32> to vector<16xf32>
        %get3A_141 = arith.index_cast %scan3A_135 : i32 to index
        %get3A_142 = arith.constant 0 : index
        %get3A_143 = tpu.vector_load %arg16[%get3A_141, %get3A_142] {strides = array<i32>} : memref<64x128xf32, #tpu.memory_space<vmem>>, vector<1x16xf32>,
        %get3A_144 = vector.shape_cast %get3A_143 : vector<1x16xf32> to vector<16xf32>
        %add3A_145 = arith.addf %get3A_140, %get3A_144 : vector<16xf32>
        %mul3A_146 = arith.constant 2.000000e-01 : f32
        %mul3A_147 = vector.broadcast %mul3A_146 : f32 to vector<16xf32>
        %mul3A_148 = arith.mulf %mul3A_147, %add3A_145 : vector<16xf32>
        %max3A = arith.maximumf %add3A_145, %mul3A_148 : vector<16xf32>
        %exp3A = math.exp %max3A : vector<16xf32>
        %swap3A_149 = arith.index_cast %scan3A_135 : i32 to index
        %swap3A_150 = arith.constant 0 : index
        %swap3A_151 = tpu.vector_load %arg15[%swap3A_149, %swap3A_150] {strides = array<i32>} : memref<64x128xf32, #tpu.memory_space<vmem>>, vector<1x16xf32>,
        %swap3A_152 = vector.shape_cast %swap3A_151 : vector<1x16xf32> to vector<16xf32>
        %swap3A_153 = vector.shape_cast %exp3A : vector<16xf32> to vector<1x16xf32>
        tpu.vector_store %arg15[%swap3A_149, %swap3A_150], %swap3A_153 {strides = array<i32>} : memref<64x128xf32, #tpu.memory_space<vmem>>, vector<1x16xf32>,
        %get3A_154 = arith.index_cast %scan3A_135 : i32 to index
        %get3A_155 = arith.constant 0 : index
        %get3A_156 = tpu.vector_load %arg17[%get3A_154, %get3A_155] {strides = array<i32>} : memref<64x128xf32, #tpu.memory_space<vmem>>, vector<1x16xf32>,
        %get3A_157 = vector.shape_cast %get3A_156 : vector<1x16xf32> to vector<16xf32>
        %mul3A_158 = arith.mulf %get3A_157, %exp3A : vector<16xf32>
        %swap3A_159 = arith.index_cast %scan3A_135 : i32 to index
        %swap3A_160 = arith.constant 0 : index
        %swap3A_161 = tpu.vector_load %arg17[%swap3A_159, %swap3A_160] {strides = array<i32>} : memref<64x128xf32, #tpu.memory_space<vmem>>, vector<1x16xf32>,
        %swap3A_162 = vector.shape_cast %swap3A_161 : vector<1x16xf32> to vector<16xf32>
        %swap3A_163 = vector.shape_cast %mul3A_158 : vector<16xf32> to vector<1x16xf32>
        tpu.vector_store %arg17[%swap3A_159, %swap3A_160], %swap3A_163 {strides = array<i32>} : memref<64x128xf32, #tpu.memory_space<vmem>>, vector<1x16xf32>,
        %get3A_164 = arith.index_cast %scan3A_135 : i32 to index
        %get3A_165 = arith.constant 0 : index
        %get3A_166 = tpu.vector_load %arg18[%get3A_164, %get3A_165] {strides = array<i32>} : memref<64x128xf32, #tpu.memory_space<vmem>>, vector<1x16xf32>,
        %get3A_167 = vector.shape_cast %get3A_166 : vector<1x16xf32> to vector<16xf32>
        %mul3A_168 = arith.mulf %get3A_167, %exp3A : vector<16xf32>
        %swap3A_169 = arith.index_cast %scan3A_135 : i32 to index
        %swap3A_170 = arith.constant 0 : index
        %swap3A_171 = tpu.vector_load %arg18[%swap3A_169, %swap3A_170] {strides = array<i32>} : memref<64x128xf32, #tpu.memory_space<vmem>>, vector<1x16xf32>,
        %swap3A_172 = vector.shape_cast %swap3A_171 : vector<1x16xf32> to vector<16xf32>
        %swap3A_173 = vector.shape_cast %mul3A_168 : vector<16xf32> to vector<1x16xf32>
        tpu.vector_store %arg18[%swap3A_169, %swap3A_170], %swap3A_173 {strides = array<i32>} : memref<64x128xf32, #tpu.memory_space<vmem>>, vector<1x16xf32>,
        %get3A_174 = arith.index_cast %scan3A_135 : i32 to index
        %get3A_175 = arith.constant 16 : index
        %get3A_176 = tpu.vector_load %arg15[%get3A_174, %get3A_175] {strides = array<i32>} : memref<64x128xf32, #tpu.memory_space<vmem>>, vector<1x16xf32>,
        %get3A_177 = vector.shape_cast %get3A_176 : vector<1x16xf32> to vector<16xf32>
        %get3A_178 = arith.index_cast %scan3A_135 : i32 to index
        %get3A_179 = arith.constant 16 : index
        %get3A_180 = tpu.vector_load %arg16[%get3A_178, %get3A_179] {strides = array<i32>} : memref<64x128xf32, #tpu.memory_space<vmem>>, vector<1x16xf32>,
        %get3A_181 = vector.shape_cast %get3A_180 : vector<1x16xf32> to vector<16xf32>
        %add3A_182 = arith.addf %get3A_177, %get3A_181 : vector<16xf32>
        %mul3A_183 = arith.constant 2.000000e-01 : f32
        %mul3A_184 = vector.broadcast %mul3A_183 : f32 to vector<16xf32>
        %mul3A_185 = arith.mulf %mul3A_184, %add3A_182 : vector<16xf32>
        %max3A_186 = arith.maximumf %add3A_182, %mul3A_185 : vector<16xf32>
        %exp3A_187 = math.exp %max3A_186 : vector<16xf32>
        %swap3A_188 = arith.index_cast %scan3A_135 : i32 to index
        %swap3A_189 = arith.constant 16 : index
        %swap3A_190 = tpu.vector_load %arg15[%swap3A_188, %swap3A_189] {strides = array<i32>} : memref<64x128xf32, #tpu.memory_space<vmem>>, vector<1x16xf32>,
        %swap3A_191 = vector.shape_cast %swap3A_190 : vector<1x16xf32> to vector<16xf32>
        %swap3A_192 = vector.shape_cast %exp3A_187 : vector<16xf32> to vector<1x16xf32>
        tpu.vector_store %arg15[%swap3A_188, %swap3A_189], %swap3A_192 {strides = array<i32>} : memref<64x128xf32, #tpu.memory_space<vmem>>, vector<1x16xf32>,
        %get3A_193 = arith.index_cast %scan3A_135 : i32 to index
        %get3A_194 = arith.constant 16 : index
        %get3A_195 = tpu.vector_load %arg17[%get3A_193, %get3A_194] {strides = array<i32>} : memref<64x128xf32, #tpu.memory_space<vmem>>, vector<1x16xf32>,
        %get3A_196 = vector.shape_cast %get3A_195 : vector<1x16xf32> to vector<16xf32>
        %mul3A_197 = arith.mulf %get3A_196, %exp3A_187 : vector<16xf32>
        %swap3A_198 = arith.index_cast %scan3A_135 : i32 to index
        %swap3A_199 = arith.constant 16 : index
        %swap3A_200 = tpu.vector_load %arg17[%swap3A_198, %swap3A_199] {strides = array<i32>} : memref<64x128xf32, #tpu.memory_space<vmem>>, vector<1x16xf32>,
        %swap3A_201 = vector.shape_cast %swap3A_200 : vector<1x16xf32> to vector<16xf32>
        %swap3A_202 = vector.shape_cast %mul3A_197 : vector<16xf32> to vector<1x16xf32>
        tpu.vector_store %arg17[%swap3A_198, %swap3A_199], %swap3A_202 {strides = array<i32>} : memref<64x128xf32, #tpu.memory_space<vmem>>, vector<1x16xf32>,
        %get3A_203 = arith.index_cast %scan3A_135 : i32 to index
        %get3A_204 = arith.constant 16 : index
        %get3A_205 = tpu.vector_load %arg18[%get3A_203, %get3A_204] {strides = array<i32>} : memref<64x128xf32, #tpu.memory_space<vmem>>, vector<1x16xf32>,
        %get3A_206 = vector.shape_cast %get3A_205 : vector<1x16xf32> to vector<16xf32>
        %mul3A_207 = arith.mulf %get3A_206, %exp3A_187 : vector<16xf32>
        %swap3A_208 = arith.index_cast %scan3A_135 : i32 to index
        %swap3A_209 = arith.constant 16 : index
        %swap3A_210 = tpu.vector_load %arg18[%swap3A_208, %swap3A_209] {strides = array<i32>} : memref<64x128xf32, #tpu.memory_space<vmem>>, vector<1x16xf32>,
        %swap3A_211 = vector.shape_cast %swap3A_210 : vector<1x16xf32> to vector<16xf32>
        %swap3A_212 = vector.shape_cast %mul3A_207 : vector<16xf32> to vector<1x16xf32>
        tpu.vector_store %arg18[%swap3A_208, %swap3A_209], %swap3A_212 {strides = array<i32>} : memref<64x128xf32, #tpu.memory_space<vmem>>, vector<1x16xf32>,
        %get3A_213 = arith.index_cast %scan3A_135 : i32 to index
        %get3A_214 = arith.constant 32 : index
        %get3A_215 = tpu.vector_load %arg15[%get3A_213, %get3A_214] {strides = array<i32>} : memref<64x128xf32, #tpu.memory_space<vmem>>, vector<1x16xf32>,
        %get3A_216 = vector.shape_cast %get3A_215 : vector<1x16xf32> to vector<16xf32>
        %get3A_217 = arith.index_cast %scan3A_135 : i32 to index
        %get3A_218 = arith.constant 32 : index
        %get3A_219 = tpu.vector_load %arg16[%get3A_217, %get3A_218] {strides = array<i32>} : memref<64x128xf32, #tpu.memory_space<vmem>>, vector<1x16xf32>,
        %get3A_220 = vector.shape_cast %get3A_219 : vector<1x16xf32> to vector<16xf32>
        %add3A_221 = arith.addf %get3A_216, %get3A_220 : vector<16xf32>
        %mul3A_222 = arith.constant 2.000000e-01 : f32
        %mul3A_223 = vector.broadcast %mul3A_222 : f32 to vector<16xf32>
        %mul3A_224 = arith.mulf %mul3A_223, %add3A_221 : vector<16xf32>
        %max3A_225 = arith.maximumf %add3A_221, %mul3A_224 : vector<16xf32>
        %exp3A_226 = math.exp %max3A_225 : vector<16xf32>
        %swap3A_227 = arith.index_cast %scan3A_135 : i32 to index
        %swap3A_228 = arith.constant 32 : index
        %swap3A_229 = tpu.vector_load %arg15[%swap3A_227, %swap3A_228] {strides = array<i32>} : memref<64x128xf32, #tpu.memory_space<vmem>>, vector<1x16xf32>,
        %swap3A_230 = vector.shape_cast %swap3A_229 : vector<1x16xf32> to vector<16xf32>
        %swap3A_231 = vector.shape_cast %exp3A_226 : vector<16xf32> to vector<1x16xf32>
        tpu.vector_store %arg15[%swap3A_227, %swap3A_228], %swap3A_231 {strides = array<i32>} : memref<64x128xf32, #tpu.memory_space<vmem>>, vector<1x16xf32>,
        %get3A_232 = arith.index_cast %scan3A_135 : i32 to index
        %get3A_233 = arith.constant 32 : index
        %get3A_234 = tpu.vector_load %arg17[%get3A_232, %get3A_233] {strides = array<i32>} : memref<64x128xf32, #tpu.memory_space<vmem>>, vector<1x16xf32>,
        %get3A_235 = vector.shape_cast %get3A_234 : vector<1x16xf32> to vector<16xf32>
        %mul3A_236 = arith.mulf %get3A_235, %exp3A_226 : vector<16xf32>
        %swap3A_237 = arith.index_cast %scan3A_135 : i32 to index
        %swap3A_238 = arith.constant 32 : index
        %swap3A_239 = tpu.vector_load %arg17[%swap3A_237, %swap3A_238] {strides = array<i32>} : memref<64x128xf32, #tpu.memory_space<vmem>>, vector<1x16xf32>,
        %swap3A_240 = vector.shape_cast %swap3A_239 : vector<1x16xf32> to vector<16xf32>
        %swap3A_241 = vector.shape_cast %mul3A_236 : vector<16xf32> to vector<1x16xf32>
        tpu.vector_store %arg17[%swap3A_237, %swap3A_238], %swap3A_241 {strides = array<i32>} : memref<64x128xf32, #tpu.memory_space<vmem>>, vector<1x16xf32>,
        %get3A_242 = arith.index_cast %scan3A_135 : i32 to index
        %get3A_243 = arith.constant 32 : index
        %get3A_244 = tpu.vector_load %arg18[%get3A_242, %get3A_243] {strides = array<i32>} : memref<64x128xf32, #tpu.memory_space<vmem>>, vector<1x16xf32>,
        %get3A_245 = vector.shape_cast %get3A_244 : vector<1x16xf32> to vector<16xf32>
        %mul3A_246 = arith.mulf %get3A_245, %exp3A_226 : vector<16xf32>
        %swap3A_247 = arith.index_cast %scan3A_135 : i32 to index
        %swap3A_248 = arith.constant 32 : index
        %swap3A_249 = tpu.vector_load %arg18[%swap3A_247, %swap3A_248] {strides = array<i32>} : memref<64x128xf32, #tpu.memory_space<vmem>>, vector<1x16xf32>,
        %swap3A_250 = vector.shape_cast %swap3A_249 : vector<1x16xf32> to vector<16xf32>
        %swap3A_251 = vector.shape_cast %mul3A_246 : vector<16xf32> to vector<1x16xf32>
        tpu.vector_store %arg18[%swap3A_247, %swap3A_248], %swap3A_251 {strides = array<i32>} : memref<64x128xf32, #tpu.memory_space<vmem>>, vector<1x16xf32>,
        %get3A_252 = arith.index_cast %scan3A_135 : i32 to index
        %get3A_253 = arith.constant 48 : index
        %get3A_254 = tpu.vector_load %arg15[%get3A_252, %get3A_253] {strides = array<i32>} : memref<64x128xf32, #tpu.memory_space<vmem>>, vector<1x16xf32>,
        %get3A_255 = vector.shape_cast %get3A_254 : vector<1x16xf32> to vector<16xf32>
        %get3A_256 = arith.index_cast %scan3A_135 : i32 to index
        %get3A_257 = arith.constant 48 : index
        %get3A_258 = tpu.vector_load %arg16[%get3A_256, %get3A_257] {strides = array<i32>} : memref<64x128xf32, #tpu.memory_space<vmem>>, vector<1x16xf32>,
        %get3A_259 = vector.shape_cast %get3A_258 : vector<1x16xf32> to vector<16xf32>
        %add3A_260 = arith.addf %get3A_255, %get3A_259 : vector<16xf32>
        %mul3A_261 = arith.constant 2.000000e-01 : f32
        %mul3A_262 = vector.broadcast %mul3A_261 : f32 to vector<16xf32>
        %mul3A_263 = arith.mulf %mul3A_262, %add3A_260 : vector<16xf32>
        %max3A_264 = arith.maximumf %add3A_260, %mul3A_263 : vector<16xf32>
        %exp3A_265 = math.exp %max3A_264 : vector<16xf32>
        %swap3A_266 = arith.index_cast %scan3A_135 : i32 to index
        %swap3A_267 = arith.constant 48 : index
        %swap3A_268 = tpu.vector_load %arg15[%swap3A_266, %swap3A_267] {strides = array<i32>} : memref<64x128xf32, #tpu.memory_space<vmem>>, vector<1x16xf32>,
        %swap3A_269 = vector.shape_cast %swap3A_268 : vector<1x16xf32> to vector<16xf32>
        %swap3A_270 = vector.shape_cast %exp3A_265 : vector<16xf32> to vector<1x16xf32>
        tpu.vector_store %arg15[%swap3A_266, %swap3A_267], %swap3A_270 {strides = array<i32>} : memref<64x128xf32, #tpu.memory_space<vmem>>, vector<1x16xf32>,
        %get3A_271 = arith.index_cast %scan3A_135 : i32 to index
        %get3A_272 = arith.constant 48 : index
        %get3A_273 = tpu.vector_load %arg17[%get3A_271, %get3A_272] {strides = array<i32>} : memref<64x128xf32, #tpu.memory_space<vmem>>, vector<1x16xf32>,
        %get3A_274 = vector.shape_cast %get3A_273 : vector<1x16xf32> to vector<16xf32>
        %mul3A_275 = arith.mulf %get3A_274, %exp3A_265 : vector<16xf32>
        %swap3A_276 = arith.index_cast %scan3A_135 : i32 to index
        %swap3A_277 = arith.constant 48 : index
        %swap3A_278 = tpu.vector_load %arg17[%swap3A_276, %swap3A_277] {strides = array<i32>} : memref<64x128xf32, #tpu.memory_space<vmem>>, vector<1x16xf32>,
        %swap3A_279 = vector.shape_cast %swap3A_278 : vector<1x16xf32> to vector<16xf32>
        %swap3A_280 = vector.shape_cast %mul3A_275 : vector<16xf32> to vector<1x16xf32>
        tpu.vector_store %arg17[%swap3A_276, %swap3A_277], %swap3A_280 {strides = array<i32>} : memref<64x128xf32, #tpu.memory_space<vmem>>, vector<1x16xf32>,
        %get3A_281 = arith.index_cast %scan3A_135 : i32 to index
        %get3A_282 = arith.constant 48 : index
        %get3A_283 = tpu.vector_load %arg18[%get3A_281, %get3A_282] {strides = array<i32>} : memref<64x128xf32, #tpu.memory_space<vmem>>, vector<1x16xf32>,
        %get3A_284 = vector.shape_cast %get3A_283 : vector<1x16xf32> to vector<16xf32>
        %mul3A_285 = arith.mulf %get3A_284, %exp3A_265 : vector<16xf32>
        %swap3A_286 = arith.index_cast %scan3A_135 : i32 to index
        %swap3A_287 = arith.constant 48 : index
        %swap3A_288 = tpu.vector_load %arg18[%swap3A_286, %swap3A_287] {strides = array<i32>} : memref<64x128xf32, #tpu.memory_space<vmem>>, vector<1x16xf32>,
        %swap3A_289 = vector.shape_cast %swap3A_288 : vector<1x16xf32> to vector<16xf32>
        %swap3A_290 = vector.shape_cast %mul3A_285 : vector<16xf32> to vector<1x16xf32>
        tpu.vector_store %arg18[%swap3A_286, %swap3A_287], %swap3A_290 {strides = array<i32>} : memref<64x128xf32, #tpu.memory_space<vmem>>, vector<1x16xf32>,
        %get3A_291 = arith.index_cast %scan3A_135 : i32 to index
        %get3A_292 = arith.constant 64 : index
        %get3A_293 = tpu.vector_load %arg15[%get3A_291, %get3A_292] {strides = array<i32>} : memref<64x128xf32, #tpu.memory_space<vmem>>, vector<1x16xf32>,
        %get3A_294 = vector.shape_cast %get3A_293 : vector<1x16xf32> to vector<16xf32>
        %get3A_295 = arith.index_cast %scan3A_135 : i32 to index
        %get3A_296 = arith.constant 64 : index
        %get3A_297 = tpu.vector_load %arg16[%get3A_295, %get3A_296] {strides = array<i32>} : memref<64x128xf32, #tpu.memory_space<vmem>>, vector<1x16xf32>,
        %get3A_298 = vector.shape_cast %get3A_297 : vector<1x16xf32> to vector<16xf32>
        %add3A_299 = arith.addf %get3A_294, %get3A_298 : vector<16xf32>
        %mul3A_300 = arith.constant 2.000000e-01 : f32
        %mul3A_301 = vector.broadcast %mul3A_300 : f32 to vector<16xf32>
        %mul3A_302 = arith.mulf %mul3A_301, %add3A_299 : vector<16xf32>
        %max3A_303 = arith.maximumf %add3A_299, %mul3A_302 : vector<16xf32>
        %exp3A_304 = math.exp %max3A_303 : vector<16xf32>
        %swap3A_305 = arith.index_cast %scan3A_135 : i32 to index
        %swap3A_306 = arith.constant 64 : index
        %swap3A_307 = tpu.vector_load %arg15[%swap3A_305, %swap3A_306] {strides = array<i32>} : memref<64x128xf32, #tpu.memory_space<vmem>>, vector<1x16xf32>,
        %swap3A_308 = vector.shape_cast %swap3A_307 : vector<1x16xf32> to vector<16xf32>
        %swap3A_309 = vector.shape_cast %exp3A_304 : vector<16xf32> to vector<1x16xf32>
        tpu.vector_store %arg15[%swap3A_305, %swap3A_306], %swap3A_309 {strides = array<i32>} : memref<64x128xf32, #tpu.memory_space<vmem>>, vector<1x16xf32>,
        %get3A_310 = arith.index_cast %scan3A_135 : i32 to index
        %get3A_311 = arith.constant 64 : index
        %get3A_312 = tpu.vector_load %arg17[%get3A_310, %get3A_311] {strides = array<i32>} : memref<64x128xf32, #tpu.memory_space<vmem>>, vector<1x16xf32>,
        %get3A_313 = vector.shape_cast %get3A_312 : vector<1x16xf32> to vector<16xf32>
        %mul3A_314 = arith.mulf %get3A_313, %exp3A_304 : vector<16xf32>
        %swap3A_315 = arith.index_cast %scan3A_135 : i32 to index
        %swap3A_316 = arith.constant 64 : index
        %swap3A_317 = tpu.vector_load %arg17[%swap3A_315, %swap3A_316] {strides = array<i32>} : memref<64x128xf32, #tpu.memory_space<vmem>>, vector<1x16xf32>,
        %swap3A_318 = vector.shape_cast %swap3A_317 : vector<1x16xf32> to vector<16xf32>
        %swap3A_319 = vector.shape_cast %mul3A_314 : vector<16xf32> to vector<1x16xf32>
        tpu.vector_store %arg17[%swap3A_315, %swap3A_316], %swap3A_319 {strides = array<i32>} : memref<64x128xf32, #tpu.memory_space<vmem>>, vector<1x16xf32>,
        %get3A_320 = arith.index_cast %scan3A_135 : i32 to index
        %get3A_321 = arith.constant 64 : index
        %get3A_322 = tpu.vector_load %arg18[%get3A_320, %get3A_321] {strides = array<i32>} : memref<64x128xf32, #tpu.memory_space<vmem>>, vector<1x16xf32>,
        %get3A_323 = vector.shape_cast %get3A_322 : vector<1x16xf32> to vector<16xf32>
        %mul3A_324 = arith.mulf %get3A_323, %exp3A_304 : vector<16xf32>
        %swap3A_325 = arith.index_cast %scan3A_135 : i32 to index
        %swap3A_326 = arith.constant 64 : index
        %swap3A_327 = tpu.vector_load %arg18[%swap3A_325, %swap3A_326] {strides = array<i32>} : memref<64x128xf32, #tpu.memory_space<vmem>>, vector<1x16xf32>,
        %swap3A_328 = vector.shape_cast %swap3A_327 : vector<1x16xf32> to vector<16xf32>
        %swap3A_329 = vector.shape_cast %mul3A_324 : vector<16xf32> to vector<1x16xf32>
        tpu.vector_store %arg18[%swap3A_325, %swap3A_326], %swap3A_329 {strides = array<i32>} : memref<64x128xf32, #tpu.memory_space<vmem>>, vector<1x16xf32>,
        %get3A_330 = arith.index_cast %scan3A_135 : i32 to index
        %get3A_331 = arith.constant 80 : index
        %get3A_332 = tpu.vector_load %arg15[%get3A_330, %get3A_331] {strides = array<i32>} : memref<64x128xf32, #tpu.memory_space<vmem>>, vector<1x16xf32>,
        %get3A_333 = vector.shape_cast %get3A_332 : vector<1x16xf32> to vector<16xf32>
        %get3A_334 = arith.index_cast %scan3A_135 : i32 to index
        %get3A_335 = arith.constant 80 : index
        %get3A_336 = tpu.vector_load %arg16[%get3A_334, %get3A_335] {strides = array<i32>} : memref<64x128xf32, #tpu.memory_space<vmem>>, vector<1x16xf32>,
        %get3A_337 = vector.shape_cast %get3A_336 : vector<1x16xf32> to vector<16xf32>
        %add3A_338 = arith.addf %get3A_333, %get3A_337 : vector<16xf32>
        %mul3A_339 = arith.constant 2.000000e-01 : f32
        %mul3A_340 = vector.broadcast %mul3A_339 : f32 to vector<16xf32>
        %mul3A_341 = arith.mulf %mul3A_340, %add3A_338 : vector<16xf32>
        %max3A_342 = arith.maximumf %add3A_338, %mul3A_341 : vector<16xf32>
        %exp3A_343 = math.exp %max3A_342 : vector<16xf32>
        %swap3A_344 = arith.index_cast %scan3A_135 : i32 to index
        %swap3A_345 = arith.constant 80 : index
        %swap3A_346 = tpu.vector_load %arg15[%swap3A_344, %swap3A_345] {strides = array<i32>} : memref<64x128xf32, #tpu.memory_space<vmem>>, vector<1x16xf32>,
        %swap3A_347 = vector.shape_cast %swap3A_346 : vector<1x16xf32> to vector<16xf32>
        %swap3A_348 = vector.shape_cast %exp3A_343 : vector<16xf32> to vector<1x16xf32>
        tpu.vector_store %arg15[%swap3A_344, %swap3A_345], %swap3A_348 {strides = array<i32>} : memref<64x128xf32, #tpu.memory_space<vmem>>, vector<1x16xf32>,
        %get3A_349 = arith.index_cast %scan3A_135 : i32 to index
        %get3A_350 = arith.constant 80 : index
        %get3A_351 = tpu.vector_load %arg17[%get3A_349, %get3A_350] {strides = array<i32>} : memref<64x128xf32, #tpu.memory_space<vmem>>, vector<1x16xf32>,
        %get3A_352 = vector.shape_cast %get3A_351 : vector<1x16xf32> to vector<16xf32>
        %mul3A_353 = arith.mulf %get3A_352, %exp3A_343 : vector<16xf32>
        %swap3A_354 = arith.index_cast %scan3A_135 : i32 to index
        %swap3A_355 = arith.constant 80 : index
        %swap3A_356 = tpu.vector_load %arg17[%swap3A_354, %swap3A_355] {strides = array<i32>} : memref<64x128xf32, #tpu.memory_space<vmem>>, vector<1x16xf32>,
        %swap3A_357 = vector.shape_cast %swap3A_356 : vector<1x16xf32> to vector<16xf32>
        %swap3A_358 = vector.shape_cast %mul3A_353 : vector<16xf32> to vector<1x16xf32>
        tpu.vector_store %arg17[%swap3A_354, %swap3A_355], %swap3A_358 {strides = array<i32>} : memref<64x128xf32, #tpu.memory_space<vmem>>, vector<1x16xf32>,
        %get3A_359 = arith.index_cast %scan3A_135 : i32 to index
        %get3A_360 = arith.constant 80 : index
        %get3A_361 = tpu.vector_load %arg18[%get3A_359, %get3A_360] {strides = array<i32>} : memref<64x128xf32, #tpu.memory_space<vmem>>, vector<1x16xf32>,
        %get3A_362 = vector.shape_cast %get3A_361 : vector<1x16xf32> to vector<16xf32>
        %mul3A_363 = arith.mulf %get3A_362, %exp3A_343 : vector<16xf32>
        %swap3A_364 = arith.index_cast %scan3A_135 : i32 to index
        %swap3A_365 = arith.constant 80 : index
        %swap3A_366 = tpu.vector_load %arg18[%swap3A_364, %swap3A_365] {strides = array<i32>} : memref<64x128xf32, #tpu.memory_space<vmem>>, vector<1x16xf32>,
        %swap3A_367 = vector.shape_cast %swap3A_366 : vector<1x16xf32> to vector<16xf32>
        %swap3A_368 = vector.shape_cast %mul3A_363 : vector<16xf32> to vector<1x16xf32>
        tpu.vector_store %arg18[%swap3A_364, %swap3A_365], %swap3A_368 {strides = array<i32>} : memref<64x128xf32, #tpu.memory_space<vmem>>, vector<1x16xf32>,
        %get3A_369 = arith.index_cast %scan3A_135 : i32 to index
        %get3A_370 = arith.constant 96 : index
        %get3A_371 = tpu.vector_load %arg15[%get3A_369, %get3A_370] {strides = array<i32>} : memref<64x128xf32, #tpu.memory_space<vmem>>, vector<1x16xf32>,
        %get3A_372 = vector.shape_cast %get3A_371 : vector<1x16xf32> to vector<16xf32>
        %get3A_373 = arith.index_cast %scan3A_135 : i32 to index
        %get3A_374 = arith.constant 96 : index
        %get3A_375 = tpu.vector_load %arg16[%get3A_373, %get3A_374] {strides = array<i32>} : memref<64x128xf32, #tpu.memory_space<vmem>>, vector<1x16xf32>,
        %get3A_376 = vector.shape_cast %get3A_375 : vector<1x16xf32> to vector<16xf32>
        %add3A_377 = arith.addf %get3A_372, %get3A_376 : vector<16xf32>
        %mul3A_378 = arith.constant 2.000000e-01 : f32
        %mul3A_379 = vector.broadcast %mul3A_378 : f32 to vector<16xf32>
        %mul3A_380 = arith.mulf %mul3A_379, %add3A_377 : vector<16xf32>
        %max3A_381 = arith.maximumf %add3A_377, %mul3A_380 : vector<16xf32>
        %exp3A_382 = math.exp %max3A_381 : vector<16xf32>
        %swap3A_383 = arith.index_cast %scan3A_135 : i32 to index
        %swap3A_384 = arith.constant 96 : index
        %swap3A_385 = tpu.vector_load %arg15[%swap3A_383, %swap3A_384] {strides = array<i32>} : memref<64x128xf32, #tpu.memory_space<vmem>>, vector<1x16xf32>,
        %swap3A_386 = vector.shape_cast %swap3A_385 : vector<1x16xf32> to vector<16xf32>
        %swap3A_387 = vector.shape_cast %exp3A_382 : vector<16xf32> to vector<1x16xf32>
        tpu.vector_store %arg15[%swap3A_383, %swap3A_384], %swap3A_387 {strides = array<i32>} : memref<64x128xf32, #tpu.memory_space<vmem>>, vector<1x16xf32>,
        %get3A_388 = arith.index_cast %scan3A_135 : i32 to index
        %get3A_389 = arith.constant 96 : index
        %get3A_390 = tpu.vector_load %arg17[%get3A_388, %get3A_389] {strides = array<i32>} : memref<64x128xf32, #tpu.memory_space<vmem>>, vector<1x16xf32>,
        %get3A_391 = vector.shape_cast %get3A_390 : vector<1x16xf32> to vector<16xf32>
        %mul3A_392 = arith.mulf %get3A_391, %exp3A_382 : vector<16xf32>
        %swap3A_393 = arith.index_cast %scan3A_135 : i32 to index
        %swap3A_394 = arith.constant 96 : index
        %swap3A_395 = tpu.vector_load %arg17[%swap3A_393, %swap3A_394] {strides = array<i32>} : memref<64x128xf32, #tpu.memory_space<vmem>>, vector<1x16xf32>,
        %swap3A_396 = vector.shape_cast %swap3A_395 : vector<1x16xf32> to vector<16xf32>
        %swap3A_397 = vector.shape_cast %mul3A_392 : vector<16xf32> to vector<1x16xf32>
        tpu.vector_store %arg17[%swap3A_393, %swap3A_394], %swap3A_397 {strides = array<i32>} : memref<64x128xf32, #tpu.memory_space<vmem>>, vector<1x16xf32>,
        %get3A_398 = arith.index_cast %scan3A_135 : i32 to index
        %get3A_399 = arith.constant 96 : index
        %get3A_400 = tpu.vector_load %arg18[%get3A_398, %get3A_399] {strides = array<i32>} : memref<64x128xf32, #tpu.memory_space<vmem>>, vector<1x16xf32>,
        %get3A_401 = vector.shape_cast %get3A_400 : vector<1x16xf32> to vector<16xf32>
        %mul3A_402 = arith.mulf %get3A_401, %exp3A_382 : vector<16xf32>
        %swap3A_403 = arith.index_cast %scan3A_135 : i32 to index
        %swap3A_404 = arith.constant 96 : index
        %swap3A_405 = tpu.vector_load %arg18[%swap3A_403, %swap3A_404] {strides = array<i32>} : memref<64x128xf32, #tpu.memory_space<vmem>>, vector<1x16xf32>,
        %swap3A_406 = vector.shape_cast %swap3A_405 : vector<1x16xf32> to vector<16xf32>
        %swap3A_407 = vector.shape_cast %mul3A_402 : vector<16xf32> to vector<1x16xf32>
        tpu.vector_store %arg18[%swap3A_403, %swap3A_404], %swap3A_407 {strides = array<i32>} : memref<64x128xf32, #tpu.memory_space<vmem>>, vector<1x16xf32>,
        %get3A_408 = arith.index_cast %scan3A_135 : i32 to index
        %get3A_409 = arith.constant 112 : index
        %get3A_410 = tpu.vector_load %arg15[%get3A_408, %get3A_409] {strides = array<i32>} : memref<64x128xf32, #tpu.memory_space<vmem>>, vector<1x16xf32>,
        %get3A_411 = vector.shape_cast %get3A_410 : vector<1x16xf32> to vector<16xf32>
        %get3A_412 = arith.index_cast %scan3A_135 : i32 to index
        %get3A_413 = arith.constant 112 : index
        %get3A_414 = tpu.vector_load %arg16[%get3A_412, %get3A_413] {strides = array<i32>} : memref<64x128xf32, #tpu.memory_space<vmem>>, vector<1x16xf32>,
        %get3A_415 = vector.shape_cast %get3A_414 : vector<1x16xf32> to vector<16xf32>
        %add3A_416 = arith.addf %get3A_411, %get3A_415 : vector<16xf32>
        %mul3A_417 = arith.constant 2.000000e-01 : f32
        %mul3A_418 = vector.broadcast %mul3A_417 : f32 to vector<16xf32>
        %mul3A_419 = arith.mulf %mul3A_418, %add3A_416 : vector<16xf32>
        %max3A_420 = arith.maximumf %add3A_416, %mul3A_419 : vector<16xf32>
        %exp3A_421 = math.exp %max3A_420 : vector<16xf32>
        %swap3A_422 = arith.index_cast %scan3A_135 : i32 to index
        %swap3A_423 = arith.constant 112 : index
        %swap3A_424 = tpu.vector_load %arg15[%swap3A_422, %swap3A_423] {strides = array<i32>} : memref<64x128xf32, #tpu.memory_space<vmem>>, vector<1x16xf32>,
        %swap3A_425 = vector.shape_cast %swap3A_424 : vector<1x16xf32> to vector<16xf32>
        %swap3A_426 = vector.shape_cast %exp3A_421 : vector<16xf32> to vector<1x16xf32>
        tpu.vector_store %arg15[%swap3A_422, %swap3A_423], %swap3A_426 {strides = array<i32>} : memref<64x128xf32, #tpu.memory_space<vmem>>, vector<1x16xf32>,
        %get3A_427 = arith.index_cast %scan3A_135 : i32 to index
        %get3A_428 = arith.constant 112 : index
        %get3A_429 = tpu.vector_load %arg17[%get3A_427, %get3A_428] {strides = array<i32>} : memref<64x128xf32, #tpu.memory_space<vmem>>, vector<1x16xf32>,
        %get3A_430 = vector.shape_cast %get3A_429 : vector<1x16xf32> to vector<16xf32>
        %mul3A_431 = arith.mulf %get3A_430, %exp3A_421 : vector<16xf32>
        %swap3A_432 = arith.index_cast %scan3A_135 : i32 to index
        %swap3A_433 = arith.constant 112 : index
        %swap3A_434 = tpu.vector_load %arg17[%swap3A_432, %swap3A_433] {strides = array<i32>} : memref<64x128xf32, #tpu.memory_space<vmem>>, vector<1x16xf32>,
        %swap3A_435 = vector.shape_cast %swap3A_434 : vector<1x16xf32> to vector<16xf32>
        %swap3A_436 = vector.shape_cast %mul3A_431 : vector<16xf32> to vector<1x16xf32>
        tpu.vector_store %arg17[%swap3A_432, %swap3A_433], %swap3A_436 {strides = array<i32>} : memref<64x128xf32, #tpu.memory_space<vmem>>, vector<1x16xf32>,
        %get3A_437 = arith.index_cast %scan3A_135 : i32 to index
        %get3A_438 = arith.constant 112 : index
        %get3A_439 = tpu.vector_load %arg18[%get3A_437, %get3A_438] {strides = array<i32>} : memref<64x128xf32, #tpu.memory_space<vmem>>, vector<1x16xf32>,
        %get3A_440 = vector.shape_cast %get3A_439 : vector<1x16xf32> to vector<16xf32>
        %mul3A_441 = arith.mulf %get3A_440, %exp3A_421 : vector<16xf32>
        %swap3A_442 = arith.index_cast %scan3A_135 : i32 to index
        %swap3A_443 = arith.constant 112 : index
        %swap3A_444 = tpu.vector_load %arg18[%swap3A_442, %swap3A_443] {strides = array<i32>} : memref<64x128xf32, #tpu.memory_space<vmem>>, vector<1x16xf32>,
        %swap3A_445 = vector.shape_cast %swap3A_444 : vector<1x16xf32> to vector<16xf32>
        %swap3A_446 = vector.shape_cast %mul3A_441 : vector<16xf32> to vector<1x16xf32>
        tpu.vector_store %arg18[%swap3A_442, %swap3A_443], %swap3A_446 {strides = array<i32>} : memref<64x128xf32, #tpu.memory_space<vmem>>, vector<1x16xf32>,
        %scan3A_447 = arith.constant 0 : i32
        scf.yield %scan3A_447 : i32
      }
      %scan3A_133 = arith.constant 64 : i32
      "tpu.region"() ({
        %run_scoped3A = tpu.sem_alloc : memref<!tpu.dma_semaphore, #tpu.memory_space<semaphore_mem>>
        %dma_start3A_135 = arith.constant 0 : i32
        %dma_start3A_136 = arith.constant 0 : i32
        %dma_start3A_137 = tpu.memref_slice %arg19[%dma_start3A_135, %dma_start3A_136] : memref<2048x128xf32, #tpu.memory_space<vmem_shared>> -> memref<2048x128xf32, #tpu.memory_space<vmem_shared>>
        tpu.enqueue_indirect_dma source(%arg17 : memref<64x128xf32, #tpu.memory_space<vmem>>) target(%dma_start3A_137 : memref<2048x128xf32, #tpu.memory_space<vmem_shared>>) offsets(%arg13 : memref<64xi32, #tpu.memory_space<vmem>>) semaphore(%run_scoped3A : memref<!tpu.dma_semaphore, #tpu.memory_space<semaphore_mem>>) {add = true}
        %dma_wait3A_138 = arith.constant 0 : i32
        %dma_wait3A_139 = arith.constant 0 : i32
        %dma_wait3A_140 = tpu.memref_slice %arg19[%dma_wait3A_138, %dma_wait3A_139] : memref<2048x128xf32, #tpu.memory_space<vmem_shared>> -> memref<2048x128xf32, #tpu.memory_space<vmem_shared>>
        tpu.wait_indirect_dma semaphore(%run_scoped3A : memref<!tpu.dma_semaphore, #tpu.memory_space<semaphore_mem>>) src(%arg17 : memref<64x128xf32, #tpu.memory_space<vmem>>) dst(%dma_wait3A_140 : memref<2048x128xf32, #tpu.memory_space<vmem_shared>>)
        tpu.yield
      }) : () -> ()
      "tpu.region"() ({
        %run_scoped3A = tpu.sem_alloc : memref<!tpu.dma_semaphore, #tpu.memory_space<semaphore_mem>>
        %dma_start3A_135 = arith.constant 0 : i32
        %dma_start3A_136 = arith.constant 0 : i32
        %dma_start3A_137 = tpu.memref_slice %arg20[%dma_start3A_135, %dma_start3A_136] : memref<2048x128xf32, #tpu.memory_space<vmem_shared>> -> memref<2048x128xf32, #tpu.memory_space<vmem_shared>>
        tpu.enqueue_indirect_dma source(%arg18 : memref<64x128xf32, #tpu.memory_space<vmem>>) target(%dma_start3A_137 : memref<2048x128xf32, #tpu.memory_space<vmem_shared>>) offsets(%arg13 : memref<64xi32, #tpu.memory_space<vmem>>) semaphore(%run_scoped3A : memref<!tpu.dma_semaphore, #tpu.memory_space<semaphore_mem>>) {add = true}
        %dma_wait3A_138 = arith.constant 0 : i32
        %dma_wait3A_139 = arith.constant 0 : i32
        %dma_wait3A_140 = tpu.memref_slice %arg20[%dma_wait3A_138, %dma_wait3A_139] : memref<2048x128xf32, #tpu.memory_space<vmem_shared>> -> memref<2048x128xf32, #tpu.memory_space<vmem_shared>>
        tpu.wait_indirect_dma semaphore(%run_scoped3A : memref<!tpu.dma_semaphore, #tpu.memory_space<semaphore_mem>>) src(%arg18 : memref<64x128xf32, #tpu.memory_space<vmem>>) dst(%dma_wait3A_140 : memref<2048x128xf32, #tpu.memory_space<vmem_shared>>)
        tpu.yield
      }) : () -> ()
      "tpu.region"() ({
        %run_scoped3A = tpu.sem_alloc : memref<!tpu.dma_semaphore, #tpu.memory_space<semaphore_mem>>
        %dma_start3A_135 = arith.constant 0 : i32
        %dma_start3A_136 = arith.constant 0 : i32
        %dma_start3A_137 = tpu.memref_slice %arg21[%dma_start3A_135, %dma_start3A_136] : memref<2048x128xf32, #tpu.memory_space<vmem_shared>> -> memref<2048x128xf32, #tpu.memory_space<vmem_shared>>
        tpu.enqueue_indirect_dma source(%arg15 : memref<64x128xf32, #tpu.memory_space<vmem>>) target(%dma_start3A_137 : memref<2048x128xf32, #tpu.memory_space<vmem_shared>>) offsets(%arg13 : memref<64xi32, #tpu.memory_space<vmem>>) semaphore(%run_scoped3A : memref<!tpu.dma_semaphore, #tpu.memory_space<semaphore_mem>>) {add = true}
        %dma_wait3A_138 = arith.constant 0 : i32
        %dma_wait3A_139 = arith.constant 0 : i32
        %dma_wait3A_140 = tpu.memref_slice %arg21[%dma_wait3A_138, %dma_wait3A_139] : memref<2048x128xf32, #tpu.memory_space<vmem_shared>> -> memref<2048x128xf32, #tpu.memory_space<vmem_shared>>
        tpu.wait_indirect_dma semaphore(%run_scoped3A : memref<!tpu.dma_semaphore, #tpu.memory_space<semaphore_mem>>) src(%arg15 : memref<64x128xf32, #tpu.memory_space<vmem>>) dst(%dma_wait3A_140 : memref<2048x128xf32, #tpu.memory_space<vmem_shared>>)
        tpu.yield
      }) : () -> ()
      %scan3A_134 = arith.constant 0 : i32
      scf.yield %scan3A_134 : i32
    }
    %scan3A_15 = arith.constant 16 : i32
    %barrier3A_16 = arith.constant 0 : index
    tpu.barrier barrier_id(%barrier3A_16)
    %mul3A_17 = arith.constant 2048 : i32
    %mul3A_18 = arith.muli %arg0, %mul3A_17 : i32
    %mul3A_19 = arith.constant 128 : i32
    %mul3A_20 = arith.muli %arg1, %mul3A_19 : i32
    %add3A_21 = arith.addi %mul3A_18, %mul3A_20 : i32
    %mul3A_22 = arith.constant 128 : i32
    %mul3A_23 = arith.muli %arg1, %mul3A_22 : i32
    "tpu.region"() ({
      %run_scoped3A = tpu.sem_alloc : memref<!tpu.dma_semaphore, #tpu.memory_space<semaphore_mem>>
      %dma_start3A = arith.constant 0 : i32
      %dma_start3A_28 = tpu.memref_slice %arg9[%add3A_21, %dma_start3A] : memref<4096x128xf32, #tpu.memory_space<hbm>> -> memref<128x128xf32, #tpu.memory_space<hbm>>
      %dma_start3A_29 = arith.constant 0 : i32
      %dma_start3A_30 = tpu.memref_slice %arg19[%mul3A_23, %dma_start3A_29] : memref<2048x128xf32, #tpu.memory_space<vmem_shared>> -> memref<128x128xf32, #tpu.memory_space<vmem_shared>>
      tpu.enqueue_dma source(%dma_start3A_30 : memref<128x128xf32, #tpu.memory_space<vmem_shared>>) target(%dma_start3A_28 : memref<128x128xf32, #tpu.memory_space<hbm>>) target_semaphore(%run_scoped3A : memref<!tpu.dma_semaphore, #tpu.memory_space<semaphore_mem>>)
      %dma_wait3A = arith.constant 0 : i32
      %dma_wait3A_31 = tpu.memref_slice %arg9[%add3A_21, %dma_wait3A] : memref<4096x128xf32, #tpu.memory_space<hbm>> -> memref<128x128xf32, #tpu.memory_space<hbm>>
      %dma_wait3A_32 = arith.constant 0 : i32
      %dma_wait3A_33 = tpu.memref_slice %arg19[%mul3A_23, %dma_wait3A_32] : memref<2048x128xf32, #tpu.memory_space<vmem_shared>> -> memref<128x128xf32, #tpu.memory_space<vmem_shared>>
      tpu.wait_dma2 semaphore(%run_scoped3A : memref<!tpu.dma_semaphore, #tpu.memory_space<semaphore_mem>>) src(%dma_wait3A_33 : memref<128x128xf32, #tpu.memory_space<vmem_shared>>) dst(%dma_wait3A_31 : memref<128x128xf32, #tpu.memory_space<hbm>>)
      tpu.yield
    }) : () -> ()
    %mul3A_24 = arith.constant 128 : i32
    %mul3A_25 = arith.muli %arg1, %mul3A_24 : i32
    "tpu.region"() ({
      %run_scoped3A = tpu.sem_alloc : memref<!tpu.dma_semaphore, #tpu.memory_space<semaphore_mem>>
      %dma_start3A = arith.constant 0 : i32
      %dma_start3A_28 = tpu.memref_slice %arg10[%add3A_21, %dma_start3A] : memref<4096x128xf32, #tpu.memory_space<hbm>> -> memref<128x128xf32, #tpu.memory_space<hbm>>
      %dma_start3A_29 = arith.constant 0 : i32
      %dma_start3A_30 = tpu.memref_slice %arg20[%mul3A_25, %dma_start3A_29] : memref<2048x128xf32, #tpu.memory_space<vmem_shared>> -> memref<128x128xf32, #tpu.memory_space<vmem_shared>>
      tpu.enqueue_dma source(%dma_start3A_30 : memref<128x128xf32, #tpu.memory_space<vmem_shared>>) target(%dma_start3A_28 : memref<128x128xf32, #tpu.memory_space<hbm>>) target_semaphore(%run_scoped3A : memref<!tpu.dma_semaphore, #tpu.memory_space<semaphore_mem>>)
      %dma_wait3A = arith.constant 0 : i32
      %dma_wait3A_31 = tpu.memref_slice %arg10[%add3A_21, %dma_wait3A] : memref<4096x128xf32, #tpu.memory_space<hbm>> -> memref<128x128xf32, #tpu.memory_space<hbm>>
      %dma_wait3A_32 = arith.constant 0 : i32
      %dma_wait3A_33 = tpu.memref_slice %arg20[%mul3A_25, %dma_wait3A_32] : memref<2048x128xf32, #tpu.memory_space<vmem_shared>> -> memref<128x128xf32, #tpu.memory_space<vmem_shared>>
      tpu.wait_dma2 semaphore(%run_scoped3A : memref<!tpu.dma_semaphore, #tpu.memory_space<semaphore_mem>>) src(%dma_wait3A_33 : memref<128x128xf32, #tpu.memory_space<vmem_shared>>) dst(%dma_wait3A_31 : memref<128x128xf32, #tpu.memory_space<hbm>>)
      tpu.yield
    }) : () -> ()
    %mul3A_26 = arith.constant 128 : i32
    %mul3A_27 = arith.muli %arg1, %mul3A_26 : i32
    "tpu.region"() ({
      %run_scoped3A = tpu.sem_alloc : memref<!tpu.dma_semaphore, #tpu.memory_space<semaphore_mem>>
      %dma_start3A = arith.constant 0 : i32
      %dma_start3A_28 = tpu.memref_slice %arg11[%add3A_21, %dma_start3A] : memref<4096x128xf32, #tpu.memory_space<hbm>> -> memref<128x128xf32, #tpu.memory_space<hbm>>
      %dma_start3A_29 = arith.constant 0 : i32
      %dma_start3A_30 = tpu.memref_slice %arg21[%mul3A_27, %dma_start3A_29] : memref<2048x128xf32, #tpu.memory_space<vmem_shared>> -> memref<128x128xf32, #tpu.memory_space<vmem_shared>>
      tpu.enqueue_dma source(%dma_start3A_30 : memref<128x128xf32, #tpu.memory_space<vmem_shared>>) target(%dma_start3A_28 : memref<128x128xf32, #tpu.memory_space<hbm>>) target_semaphore(%run_scoped3A : memref<!tpu.dma_semaphore, #tpu.memory_space<semaphore_mem>>)
      %dma_wait3A = arith.constant 0 : i32
      %dma_wait3A_31 = tpu.memref_slice %arg11[%add3A_21, %dma_wait3A] : memref<4096x128xf32, #tpu.memory_space<hbm>> -> memref<128x128xf32, #tpu.memory_space<hbm>>
      %dma_wait3A_32 = arith.constant 0 : i32
      %dma_wait3A_33 = tpu.memref_slice %arg21[%mul3A_27, %dma_wait3A_32] : memref<2048x128xf32, #tpu.memory_space<vmem_shared>> -> memref<128x128xf32, #tpu.memory_space<vmem_shared>>
      tpu.wait_dma2 semaphore(%run_scoped3A : memref<!tpu.dma_semaphore, #tpu.memory_space<semaphore_mem>>) src(%dma_wait3A_33 : memref<128x128xf32, #tpu.memory_space<vmem_shared>>) dst(%dma_wait3A_31 : memref<128x128xf32, #tpu.memory_space<hbm>>)
      tpu.yield
    }) : () -> ()
    return
  }
}

#map = affine_map<(d0, d1) -> (0)>
#map1 = affine_map<(d0, d1) -> (0, 0)>
module attributes {stable_mosaic.version = 14 : i64} {
  func.func @_segsum_esplit_body(%arg0: i32, %arg1: i32, %arg2: memref<163840xi32, #tpu.memory_space<hbm>>, %arg3: memref<163840xi32, #tpu.memory_space<hbm>>, %arg4: memref<10240x128xf32, #tpu.memory_space<hbm>>, %arg5: memref<128x128xf32, #tpu.memory_space<hbm>>, %arg6: memref<20480x128xf32, #tpu.memory_space<hbm>>, %arg7: memref<128xi32, #tpu.memory_space<vmem>>, %arg8: memref<128xi32, #tpu.memory_space<vmem>>, %arg9: memref<128x128xf32, #tpu.memory_space<vmem>>, %arg10: memref<10240x128xf32, #tpu.memory_space<vmem_shared>>, %arg11: memref<!tpu.dma_semaphore, #tpu.memory_space<semaphore_mem>>) attributes {dimension_semantics = [#tpu.dimension_semantics<core_parallel>, #tpu.dimension_semantics<subcore_parallel>], iteration_bounds = array<i64: 2, 16>, scalar_prefetch = 0 : i64, scratch_operands = 5 : i64, tpu.core_type = #tpu.core_type<sc_vector_subcore>, window_params = [{transform_indices = #map}, {transform_indices = #map}, {transform_indices = #map1}, {transform_indices = #map1}, {transform_indices = #map1}]} {
    %mul3A = arith.constant 640 : i32
    %mul3A_0 = arith.muli %arg1, %mul3A : i32
    %add3A = arith.constant 0 : i32
    %add3A_1 = arith.addi %mul3A_0, %add3A : i32
    "tpu.region"() ({
      %run_scoped3A = tpu.sem_alloc : memref<!tpu.dma_semaphore, #tpu.memory_space<semaphore_mem>>
      %dma_start3A = arith.constant 0 : i32
      %dma_start3A_32 = tpu.memref_slice %arg10[%add3A_1, %dma_start3A] : memref<10240x128xf32, #tpu.memory_space<vmem_shared>> -> memref<128x128xf32, #tpu.memory_space<vmem_shared>>
      tpu.enqueue_dma source(%arg5 : memref<128x128xf32, #tpu.memory_space<hbm>>) target(%dma_start3A_32 : memref<128x128xf32, #tpu.memory_space<vmem_shared>>) target_semaphore(%run_scoped3A : memref<!tpu.dma_semaphore, #tpu.memory_space<semaphore_mem>>)
      %dma_wait3A = arith.constant 0 : i32
      %dma_wait3A_33 = tpu.memref_slice %arg10[%add3A_1, %dma_wait3A] : memref<10240x128xf32, #tpu.memory_space<vmem_shared>> -> memref<128x128xf32, #tpu.memory_space<vmem_shared>>
      tpu.wait_dma2 semaphore(%run_scoped3A : memref<!tpu.dma_semaphore, #tpu.memory_space<semaphore_mem>>) src(%arg5 : memref<128x128xf32, #tpu.memory_space<hbm>>) dst(%dma_wait3A_33 : memref<128x128xf32, #tpu.memory_space<vmem_shared>>)
      tpu.yield
    }) : () -> ()
    %mul3A_2 = arith.constant 640 : i32
    %mul3A_3 = arith.muli %arg1, %mul3A_2 : i32
    %add3A_4 = arith.constant 128 : i32
    %add3A_5 = arith.addi %mul3A_3, %add3A_4 : i32
    "tpu.region"() ({
      %run_scoped3A = tpu.sem_alloc : memref<!tpu.dma_semaphore, #tpu.memory_space<semaphore_mem>>
      %dma_start3A = arith.constant 0 : i32
      %dma_start3A_32 = tpu.memref_slice %arg10[%add3A_5, %dma_start3A] : memref<10240x128xf32, #tpu.memory_space<vmem_shared>> -> memref<128x128xf32, #tpu.memory_space<vmem_shared>>
      tpu.enqueue_dma source(%arg5 : memref<128x128xf32, #tpu.memory_space<hbm>>) target(%dma_start3A_32 : memref<128x128xf32, #tpu.memory_space<vmem_shared>>) target_semaphore(%run_scoped3A : memref<!tpu.dma_semaphore, #tpu.memory_space<semaphore_mem>>)
      %dma_wait3A = arith.constant 0 : i32
      %dma_wait3A_33 = tpu.memref_slice %arg10[%add3A_5, %dma_wait3A] : memref<10240x128xf32, #tpu.memory_space<vmem_shared>> -> memref<128x128xf32, #tpu.memory_space<vmem_shared>>
      tpu.wait_dma2 semaphore(%run_scoped3A : memref<!tpu.dma_semaphore, #tpu.memory_space<semaphore_mem>>) src(%arg5 : memref<128x128xf32, #tpu.memory_space<hbm>>) dst(%dma_wait3A_33 : memref<128x128xf32, #tpu.memory_space<vmem_shared>>)
      tpu.yield
    }) : () -> ()
    %mul3A_6 = arith.constant 640 : i32
    %mul3A_7 = arith.muli %arg1, %mul3A_6 : i32
    %add3A_8 = arith.constant 256 : i32
    %add3A_9 = arith.addi %mul3A_7, %add3A_8 : i32
    "tpu.region"() ({
      %run_scoped3A = tpu.sem_alloc : memref<!tpu.dma_semaphore, #tpu.memory_space<semaphore_mem>>
      %dma_start3A = arith.constant 0 : i32
      %dma_start3A_32 = tpu.memref_slice %arg10[%add3A_9, %dma_start3A] : memref<10240x128xf32, #tpu.memory_space<vmem_shared>> -> memref<128x128xf32, #tpu.memory_space<vmem_shared>>
      tpu.enqueue_dma source(%arg5 : memref<128x128xf32, #tpu.memory_space<hbm>>) target(%dma_start3A_32 : memref<128x128xf32, #tpu.memory_space<vmem_shared>>) target_semaphore(%run_scoped3A : memref<!tpu.dma_semaphore, #tpu.memory_space<semaphore_mem>>)
      %dma_wait3A = arith.constant 0 : i32
      %dma_wait3A_33 = tpu.memref_slice %arg10[%add3A_9, %dma_wait3A] : memref<10240x128xf32, #tpu.memory_space<vmem_shared>> -> memref<128x128xf32, #tpu.memory_space<vmem_shared>>
      tpu.wait_dma2 semaphore(%run_scoped3A : memref<!tpu.dma_semaphore, #tpu.memory_space<semaphore_mem>>) src(%arg5 : memref<128x128xf32, #tpu.memory_space<hbm>>) dst(%dma_wait3A_33 : memref<128x128xf32, #tpu.memory_space<vmem_shared>>)
      tpu.yield
    }) : () -> ()
    %mul3A_10 = arith.constant 640 : i32
    %mul3A_11 = arith.muli %arg1, %mul3A_10 : i32
    %add3A_12 = arith.constant 384 : i32
    %add3A_13 = arith.addi %mul3A_11, %add3A_12 : i32
    "tpu.region"() ({
      %run_scoped3A = tpu.sem_alloc : memref<!tpu.dma_semaphore, #tpu.memory_space<semaphore_mem>>
      %dma_start3A = arith.constant 0 : i32
      %dma_start3A_32 = tpu.memref_slice %arg10[%add3A_13, %dma_start3A] : memref<10240x128xf32, #tpu.memory_space<vmem_shared>> -> memref<128x128xf32, #tpu.memory_space<vmem_shared>>
      tpu.enqueue_dma source(%arg5 : memref<128x128xf32, #tpu.memory_space<hbm>>) target(%dma_start3A_32 : memref<128x128xf32, #tpu.memory_space<vmem_shared>>) target_semaphore(%run_scoped3A : memref<!tpu.dma_semaphore, #tpu.memory_space<semaphore_mem>>)
      %dma_wait3A = arith.constant 0 : i32
      %dma_wait3A_33 = tpu.memref_slice %arg10[%add3A_13, %dma_wait3A] : memref<10240x128xf32, #tpu.memory_space<vmem_shared>> -> memref<128x128xf32, #tpu.memory_space<vmem_shared>>
      tpu.wait_dma2 semaphore(%run_scoped3A : memref<!tpu.dma_semaphore, #tpu.memory_space<semaphore_mem>>) src(%arg5 : memref<128x128xf32, #tpu.memory_space<hbm>>) dst(%dma_wait3A_33 : memref<128x128xf32, #tpu.memory_space<vmem_shared>>)
      tpu.yield
    }) : () -> ()
    %mul3A_14 = arith.constant 640 : i32
    %mul3A_15 = arith.muli %arg1, %mul3A_14 : i32
    %add3A_16 = arith.constant 512 : i32
    %add3A_17 = arith.addi %mul3A_15, %add3A_16 : i32
    "tpu.region"() ({
      %run_scoped3A = tpu.sem_alloc : memref<!tpu.dma_semaphore, #tpu.memory_space<semaphore_mem>>
      %dma_start3A = arith.constant 0 : i32
      %dma_start3A_32 = tpu.memref_slice %arg10[%add3A_17, %dma_start3A] : memref<10240x128xf32, #tpu.memory_space<vmem_shared>> -> memref<128x128xf32, #tpu.memory_space<vmem_shared>>
      tpu.enqueue_dma source(%arg5 : memref<128x128xf32, #tpu.memory_space<hbm>>) target(%dma_start3A_32 : memref<128x128xf32, #tpu.memory_space<vmem_shared>>) target_semaphore(%run_scoped3A : memref<!tpu.dma_semaphore, #tpu.memory_space<semaphore_mem>>)
      %dma_wait3A = arith.constant 0 : i32
      %dma_wait3A_33 = tpu.memref_slice %arg10[%add3A_17, %dma_wait3A] : memref<10240x128xf32, #tpu.memory_space<vmem_shared>> -> memref<128x128xf32, #tpu.memory_space<vmem_shared>>
      tpu.wait_dma2 semaphore(%run_scoped3A : memref<!tpu.dma_semaphore, #tpu.memory_space<semaphore_mem>>) src(%arg5 : memref<128x128xf32, #tpu.memory_space<hbm>>) dst(%dma_wait3A_33 : memref<128x128xf32, #tpu.memory_space<vmem_shared>>)
      tpu.yield
    }) : () -> ()
    %barrier3A = arith.constant 0 : index
    tpu.barrier barrier_id(%barrier3A)
    %scan3A = arith.constant 0 : i32
    %scan3A_18 = arith.constant 0 : i32
    %scan3A_19 = arith.constant 40 : i32
    %scan3A_20 = arith.addi %scan3A_18, %scan3A_19 : i32
    %scan3A_21 = arith.constant 1 : i32
    %scan3A_22 = scf.for %scan3A_32 = %scan3A_18 to %scan3A_20 step %scan3A_21 iter_args(%scan3A_33 = %scan3A) -> (i32)  : i32 {
      %mul3A_34 = arith.constant 16 : i32
      %mul3A_35 = arith.muli %arg0, %mul3A_34 : i32
      %add3A_36 = arith.addi %mul3A_35, %arg1 : i32
      %mul3A_37 = arith.constant 5120 : i32
      %mul3A_38 = arith.muli %add3A_36, %mul3A_37 : i32
      %mul3A_39 = arith.constant 128 : i32
      %mul3A_40 = arith.muli %scan3A_32, %mul3A_39 : i32
      %add3A_41 = arith.addi %mul3A_38, %mul3A_40 : i32
      "tpu.region"() ({
        %run_scoped3A = tpu.sem_alloc : memref<!tpu.dma_semaphore, #tpu.memory_space<semaphore_mem>>
        %dma_start3A_47 = tpu.memref_slice %arg2[%add3A_41] : memref<163840xi32, #tpu.memory_space<hbm>> -> memref<128xi32, #tpu.memory_space<hbm>>
        %dma_start3A_48 = tpu.memref_slice %arg2[%add3A_41] : memref<163840xi32, #tpu.memory_space<hbm>> -> memref<128xi32, #tpu.memory_space<hbm>>
        tpu.enqueue_dma source(%dma_start3A_48 : memref<128xi32, #tpu.memory_space<hbm>>) target(%arg7 : memref<128xi32, #tpu.memory_space<vmem>>) target_semaphore(%run_scoped3A : memref<!tpu.dma_semaphore, #tpu.memory_space<semaphore_mem>>)
        %dma_wait3A_49 = tpu.memref_slice %arg2[%add3A_41] : memref<163840xi32, #tpu.memory_space<hbm>> -> memref<128xi32, #tpu.memory_space<hbm>>
        %dma_wait3A_50 = tpu.memref_slice %arg2[%add3A_41] : memref<163840xi32, #tpu.memory_space<hbm>> -> memref<128xi32, #tpu.memory_space<hbm>>
        tpu.wait_dma2 semaphore(%run_scoped3A : memref<!tpu.dma_semaphore, #tpu.memory_space<semaphore_mem>>) src(%dma_wait3A_50 : memref<128xi32, #tpu.memory_space<hbm>>) dst(%arg7 : memref<128xi32, #tpu.memory_space<vmem>>)
        tpu.yield
      }) : () -> ()
      "tpu.region"() ({
        %run_scoped3A = tpu.sem_alloc : memref<!tpu.dma_semaphore, #tpu.memory_space<semaphore_mem>>
        %dma_start3A_47 = tpu.memref_slice %arg3[%add3A_41] : memref<163840xi32, #tpu.memory_space<hbm>> -> memref<128xi32, #tpu.memory_space<hbm>>
        %dma_start3A_48 = tpu.memref_slice %arg3[%add3A_41] : memref<163840xi32, #tpu.memory_space<hbm>> -> memref<128xi32, #tpu.memory_space<hbm>>
        tpu.enqueue_dma source(%dma_start3A_48 : memref<128xi32, #tpu.memory_space<hbm>>) target(%arg8 : memref<128xi32, #tpu.memory_space<vmem>>) target_semaphore(%run_scoped3A : memref<!tpu.dma_semaphore, #tpu.memory_space<semaphore_mem>>)
        %dma_wait3A_49 = tpu.memref_slice %arg3[%add3A_41] : memref<163840xi32, #tpu.memory_space<hbm>> -> memref<128xi32, #tpu.memory_space<hbm>>
        %dma_wait3A_50 = tpu.memref_slice %arg3[%add3A_41] : memref<163840xi32, #tpu.memory_space<hbm>> -> memref<128xi32, #tpu.memory_space<hbm>>
        tpu.wait_dma2 semaphore(%run_scoped3A : memref<!tpu.dma_semaphore, #tpu.memory_space<semaphore_mem>>) src(%dma_wait3A_50 : memref<128xi32, #tpu.memory_space<hbm>>) dst(%arg8 : memref<128xi32, #tpu.memory_space<vmem>>)
        tpu.yield
      }) : () -> ()
      %dma_start3A = arith.constant 0 : i32
      %dma_start3A_42 = arith.constant 0 : i32
      %dma_start3A_43 = tpu.memref_slice %arg4[%dma_start3A, %dma_start3A_42] : memref<10240x128xf32, #tpu.memory_space<hbm>> -> memref<10240x128xf32, #tpu.memory_space<hbm>>
      tpu.enqueue_indirect_dma source(%dma_start3A_43 : memref<10240x128xf32, #tpu.memory_space<hbm>>) target(%arg9 : memref<128x128xf32, #tpu.memory_space<vmem>>) offsets(%arg7 : memref<128xi32, #tpu.memory_space<vmem>>) semaphore(%arg11 : memref<!tpu.dma_semaphore, #tpu.memory_space<semaphore_mem>>)
      %dma_wait3A = arith.constant 0 : i32
      %dma_wait3A_44 = arith.constant 0 : i32
      %dma_wait3A_45 = tpu.memref_slice %arg4[%dma_wait3A, %dma_wait3A_44] : memref<10240x128xf32, #tpu.memory_space<hbm>> -> memref<10240x128xf32, #tpu.memory_space<hbm>>
      tpu.wait_indirect_dma semaphore(%arg11 : memref<!tpu.dma_semaphore, #tpu.memory_space<semaphore_mem>>) src(%dma_wait3A_45 : memref<10240x128xf32, #tpu.memory_space<hbm>>) dst(%arg9 : memref<128x128xf32, #tpu.memory_space<vmem>>)
      "tpu.region"() ({
        %run_scoped3A = tpu.sem_alloc : memref<!tpu.dma_semaphore, #tpu.memory_space<semaphore_mem>>
        %dma_start3A_47 = arith.constant 0 : i32
        %dma_start3A_48 = arith.constant 0 : i32
        %dma_start3A_49 = tpu.memref_slice %arg10[%dma_start3A_47, %dma_start3A_48] : memref<10240x128xf32, #tpu.memory_space<vmem_shared>> -> memref<10240x128xf32, #tpu.memory_space<vmem_shared>>
        tpu.enqueue_indirect_dma source(%arg9 : memref<128x128xf32, #tpu.memory_space<vmem>>) target(%dma_start3A_49 : memref<10240x128xf32, #tpu.memory_space<vmem_shared>>) offsets(%arg8 : memref<128xi32, #tpu.memory_space<vmem>>) semaphore(%run_scoped3A : memref<!tpu.dma_semaphore, #tpu.memory_space<semaphore_mem>>) {add = true}
        %dma_wait3A_50 = arith.constant 0 : i32
        %dma_wait3A_51 = arith.constant 0 : i32
        %dma_wait3A_52 = tpu.memref_slice %arg10[%dma_wait3A_50, %dma_wait3A_51] : memref<10240x128xf32, #tpu.memory_space<vmem_shared>> -> memref<10240x128xf32, #tpu.memory_space<vmem_shared>>
        tpu.wait_indirect_dma semaphore(%run_scoped3A : memref<!tpu.dma_semaphore, #tpu.memory_space<semaphore_mem>>) src(%arg9 : memref<128x128xf32, #tpu.memory_space<vmem>>) dst(%dma_wait3A_52 : memref<10240x128xf32, #tpu.memory_space<vmem_shared>>)
        tpu.yield
      }) : () -> ()
      %scan3A_46 = arith.constant 0 : i32
      scf.yield %scan3A_46 : i32
    }
    %scan3A_23 = arith.constant 40 : i32
    %barrier3A_24 = arith.constant 0 : index
    tpu.barrier barrier_id(%barrier3A_24)
    %mul3A_25 = arith.constant 640 : i32
    %mul3A_26 = arith.muli %arg1, %mul3A_25 : i32
    %mul3A_27 = arith.constant 10240 : i32
    %mul3A_28 = arith.muli %arg0, %mul3A_27 : i32
    %mul3A_29 = arith.constant 640 : i32
    %mul3A_30 = arith.muli %arg1, %mul3A_29 : i32
    %add3A_31 = arith.addi %mul3A_28, %mul3A_30 : i32
    "tpu.region"() ({
      %run_scoped3A = tpu.sem_alloc : memref<!tpu.dma_semaphore, #tpu.memory_space<semaphore_mem>>
      %dma_start3A = arith.constant 0 : i32
      %dma_start3A_32 = tpu.memref_slice %arg6[%add3A_31, %dma_start3A] : memref<20480x128xf32, #tpu.memory_space<hbm>> -> memref<640x128xf32, #tpu.memory_space<hbm>>
      %dma_start3A_33 = arith.constant 0 : i32
      %dma_start3A_34 = tpu.memref_slice %arg10[%mul3A_26, %dma_start3A_33] : memref<10240x128xf32, #tpu.memory_space<vmem_shared>> -> memref<640x128xf32, #tpu.memory_space<vmem_shared>>
      tpu.enqueue_dma source(%dma_start3A_34 : memref<640x128xf32, #tpu.memory_space<vmem_shared>>) target(%dma_start3A_32 : memref<640x128xf32, #tpu.memory_space<hbm>>) target_semaphore(%run_scoped3A : memref<!tpu.dma_semaphore, #tpu.memory_space<semaphore_mem>>)
      %dma_wait3A = arith.constant 0 : i32
      %dma_wait3A_35 = tpu.memref_slice %arg6[%add3A_31, %dma_wait3A] : memref<20480x128xf32, #tpu.memory_space<hbm>> -> memref<640x128xf32, #tpu.memory_space<hbm>>
      %dma_wait3A_36 = arith.constant 0 : i32
      %dma_wait3A_37 = tpu.memref_slice %arg10[%mul3A_26, %dma_wait3A_36] : memref<10240x128xf32, #tpu.memory_space<vmem_shared>> -> memref<640x128xf32, #tpu.memory_space<vmem_shared>>
      tpu.wait_dma2 semaphore(%run_scoped3A : memref<!tpu.dma_semaphore, #tpu.memory_space<semaphore_mem>>) src(%dma_wait3A_37 : memref<640x128xf32, #tpu.memory_space<vmem_shared>>) dst(%dma_wait3A_35 : memref<640x128xf32, #tpu.memory_space<hbm>>)
      tpu.yield
    }) : () -> ()
    return
  }
}

#map = affine_map<(d0, d1) -> (0)>
#map1 = affine_map<(d0, d1) -> (0, 0)>
module attributes {stable_mosaic.version = 14 : i64} {
  func.func @_gat2_body(%arg0: i32, %arg1: i32, %arg2: memref<16384xi32, #tpu.memory_space<hbm>>, %arg3: memref<16384xi32, #tpu.memory_space<hbm>>, %arg4: memref<2048x128xf32, #tpu.memory_space<hbm>>, %arg5: memref<2048x128xf32, #tpu.memory_space<hbm>>, %arg6: memref<2048x128xf32, #tpu.memory_space<hbm>>, %arg7: memref<128x128xf32, #tpu.memory_space<hbm>>, %arg8: memref<4096x128xf32, #tpu.memory_space<hbm>>, %arg9: memref<4096x128xf32, #tpu.memory_space<hbm>>, %arg10: memref<128xi32, #tpu.memory_space<vmem>>, %arg11: memref<128xi32, #tpu.memory_space<vmem>>, %arg12: memref<128x128xf32, #tpu.memory_space<vmem>>, %arg13: memref<128x128xf32, #tpu.memory_space<vmem>>, %arg14: memref<128x128xf32, #tpu.memory_space<vmem>>, %arg15: memref<2048x128xf32, #tpu.memory_space<vmem_shared>>, %arg16: memref<2048x128xf32, #tpu.memory_space<vmem_shared>>, %arg17: memref<!tpu.dma_semaphore, #tpu.memory_space<semaphore_mem>>) attributes {dimension_semantics = [#tpu.dimension_semantics<core_parallel>, #tpu.dimension_semantics<subcore_parallel>], iteration_bounds = array<i64: 2, 16>, scalar_prefetch = 0 : i64, scratch_operands = 8 : i64, tpu.core_type = #tpu.core_type<sc_vector_subcore>, window_params = [{transform_indices = #map}, {transform_indices = #map}, {transform_indices = #map1}, {transform_indices = #map1}, {transform_indices = #map1}, {transform_indices = #map1}, {transform_indices = #map1}, {transform_indices = #map1}]} {
    %mul3A = arith.constant 128 : i32
    %mul3A_0 = arith.muli %arg1, %mul3A : i32
    "tpu.region"() ({
      %run_scoped3A = tpu.sem_alloc : memref<!tpu.dma_semaphore, #tpu.memory_space<semaphore_mem>>
      %dma_start3A = arith.constant 0 : i32
      %dma_start3A_23 = tpu.memref_slice %arg15[%mul3A_0, %dma_start3A] : memref<2048x128xf32, #tpu.memory_space<vmem_shared>> -> memref<128x128xf32, #tpu.memory_space<vmem_shared>>
      tpu.enqueue_dma source(%arg7 : memref<128x128xf32, #tpu.memory_space<hbm>>) target(%dma_start3A_23 : memref<128x128xf32, #tpu.memory_space<vmem_shared>>) target_semaphore(%run_scoped3A : memref<!tpu.dma_semaphore, #tpu.memory_space<semaphore_mem>>)
      %dma_wait3A = arith.constant 0 : i32
      %dma_wait3A_24 = tpu.memref_slice %arg15[%mul3A_0, %dma_wait3A] : memref<2048x128xf32, #tpu.memory_space<vmem_shared>> -> memref<128x128xf32, #tpu.memory_space<vmem_shared>>
      tpu.wait_dma2 semaphore(%run_scoped3A : memref<!tpu.dma_semaphore, #tpu.memory_space<semaphore_mem>>) src(%arg7 : memref<128x128xf32, #tpu.memory_space<hbm>>) dst(%dma_wait3A_24 : memref<128x128xf32, #tpu.memory_space<vmem_shared>>)
      tpu.yield
    }) : () -> ()
    %mul3A_1 = arith.constant 128 : i32
    %mul3A_2 = arith.muli %arg1, %mul3A_1 : i32
    "tpu.region"() ({
      %run_scoped3A = tpu.sem_alloc : memref<!tpu.dma_semaphore, #tpu.memory_space<semaphore_mem>>
      %dma_start3A = arith.constant 0 : i32
      %dma_start3A_23 = tpu.memref_slice %arg16[%mul3A_2, %dma_start3A] : memref<2048x128xf32, #tpu.memory_space<vmem_shared>> -> memref<128x128xf32, #tpu.memory_space<vmem_shared>>
      tpu.enqueue_dma source(%arg7 : memref<128x128xf32, #tpu.memory_space<hbm>>) target(%dma_start3A_23 : memref<128x128xf32, #tpu.memory_space<vmem_shared>>) target_semaphore(%run_scoped3A : memref<!tpu.dma_semaphore, #tpu.memory_space<semaphore_mem>>)
      %dma_wait3A = arith.constant 0 : i32
      %dma_wait3A_24 = tpu.memref_slice %arg16[%mul3A_2, %dma_wait3A] : memref<2048x128xf32, #tpu.memory_space<vmem_shared>> -> memref<128x128xf32, #tpu.memory_space<vmem_shared>>
      tpu.wait_dma2 semaphore(%run_scoped3A : memref<!tpu.dma_semaphore, #tpu.memory_space<semaphore_mem>>) src(%arg7 : memref<128x128xf32, #tpu.memory_space<hbm>>) dst(%dma_wait3A_24 : memref<128x128xf32, #tpu.memory_space<vmem_shared>>)
      tpu.yield
    }) : () -> ()
    %barrier3A = arith.constant 0 : index
    tpu.barrier barrier_id(%barrier3A)
    %scan3A = arith.constant 0 : i32
    %scan3A_3 = arith.constant 0 : i32
    %scan3A_4 = arith.constant 4 : i32
    %scan3A_5 = arith.addi %scan3A_3, %scan3A_4 : i32
    %scan3A_6 = arith.constant 1 : i32
    %scan3A_7 = scf.for %scan3A_23 = %scan3A_3 to %scan3A_5 step %scan3A_6 iter_args(%scan3A_24 = %scan3A) -> (i32)  : i32 {
      %mul3A_25 = arith.constant 16 : i32
      %mul3A_26 = arith.muli %arg0, %mul3A_25 : i32
      %add3A_27 = arith.addi %mul3A_26, %arg1 : i32
      %mul3A_28 = arith.constant 512 : i32
      %mul3A_29 = arith.muli %add3A_27, %mul3A_28 : i32
      %mul3A_30 = arith.constant 128 : i32
      %mul3A_31 = arith.muli %scan3A_23, %mul3A_30 : i32
      %add3A_32 = arith.addi %mul3A_29, %mul3A_31 : i32
      "tpu.region"() ({
        %run_scoped3A = tpu.sem_alloc : memref<!tpu.dma_semaphore, #tpu.memory_space<semaphore_mem>>
        %dma_start3A_57 = tpu.memref_slice %arg2[%add3A_32] : memref<16384xi32, #tpu.memory_space<hbm>> -> memref<128xi32, #tpu.memory_space<hbm>>
        %dma_start3A_58 = tpu.memref_slice %arg2[%add3A_32] : memref<16384xi32, #tpu.memory_space<hbm>> -> memref<128xi32, #tpu.memory_space<hbm>>
        tpu.enqueue_dma source(%dma_start3A_58 : memref<128xi32, #tpu.memory_space<hbm>>) target(%arg10 : memref<128xi32, #tpu.memory_space<vmem>>) target_semaphore(%run_scoped3A : memref<!tpu.dma_semaphore, #tpu.memory_space<semaphore_mem>>)
        %dma_wait3A_59 = tpu.memref_slice %arg2[%add3A_32] : memref<16384xi32, #tpu.memory_space<hbm>> -> memref<128xi32, #tpu.memory_space<hbm>>
        %dma_wait3A_60 = tpu.memref_slice %arg2[%add3A_32] : memref<16384xi32, #tpu.memory_space<hbm>> -> memref<128xi32, #tpu.memory_space<hbm>>
        tpu.wait_dma2 semaphore(%run_scoped3A : memref<!tpu.dma_semaphore, #tpu.memory_space<semaphore_mem>>) src(%dma_wait3A_60 : memref<128xi32, #tpu.memory_space<hbm>>) dst(%arg10 : memref<128xi32, #tpu.memory_space<vmem>>)
        tpu.yield
      }) : () -> ()
      "tpu.region"() ({
        %run_scoped3A = tpu.sem_alloc : memref<!tpu.dma_semaphore, #tpu.memory_space<semaphore_mem>>
        %dma_start3A_57 = tpu.memref_slice %arg3[%add3A_32] : memref<16384xi32, #tpu.memory_space<hbm>> -> memref<128xi32, #tpu.memory_space<hbm>>
        %dma_start3A_58 = tpu.memref_slice %arg3[%add3A_32] : memref<16384xi32, #tpu.memory_space<hbm>> -> memref<128xi32, #tpu.memory_space<hbm>>
        tpu.enqueue_dma source(%dma_start3A_58 : memref<128xi32, #tpu.memory_space<hbm>>) target(%arg11 : memref<128xi32, #tpu.memory_space<vmem>>) target_semaphore(%run_scoped3A : memref<!tpu.dma_semaphore, #tpu.memory_space<semaphore_mem>>)
        %dma_wait3A_59 = tpu.memref_slice %arg3[%add3A_32] : memref<16384xi32, #tpu.memory_space<hbm>> -> memref<128xi32, #tpu.memory_space<hbm>>
        %dma_wait3A_60 = tpu.memref_slice %arg3[%add3A_32] : memref<16384xi32, #tpu.memory_space<hbm>> -> memref<128xi32, #tpu.memory_space<hbm>>
        tpu.wait_dma2 semaphore(%run_scoped3A : memref<!tpu.dma_semaphore, #tpu.memory_space<semaphore_mem>>) src(%dma_wait3A_60 : memref<128xi32, #tpu.memory_space<hbm>>) dst(%arg11 : memref<128xi32, #tpu.memory_space<vmem>>)
        tpu.yield
      }) : () -> ()
      %dma_start3A = arith.constant 0 : i32
      %dma_start3A_33 = arith.constant 0 : i32
      %dma_start3A_34 = tpu.memref_slice %arg4[%dma_start3A, %dma_start3A_33] : memref<2048x128xf32, #tpu.memory_space<hbm>> -> memref<2048x128xf32, #tpu.memory_space<hbm>>
      tpu.enqueue_indirect_dma source(%dma_start3A_34 : memref<2048x128xf32, #tpu.memory_space<hbm>>) target(%arg12 : memref<128x128xf32, #tpu.memory_space<vmem>>) offsets(%arg10 : memref<128xi32, #tpu.memory_space<vmem>>) semaphore(%arg17 : memref<!tpu.dma_semaphore, #tpu.memory_space<semaphore_mem>>)
      %dma_wait3A = arith.constant 0 : i32
      %dma_wait3A_35 = arith.constant 0 : i32
      %dma_wait3A_36 = tpu.memref_slice %arg4[%dma_wait3A, %dma_wait3A_35] : memref<2048x128xf32, #tpu.memory_space<hbm>> -> memref<2048x128xf32, #tpu.memory_space<hbm>>
      tpu.wait_indirect_dma semaphore(%arg17 : memref<!tpu.dma_semaphore, #tpu.memory_space<semaphore_mem>>) src(%dma_wait3A_36 : memref<2048x128xf32, #tpu.memory_space<hbm>>) dst(%arg12 : memref<128x128xf32, #tpu.memory_space<vmem>>)
      %dma_start3A_37 = arith.constant 0 : i32
      %dma_start3A_38 = arith.constant 0 : i32
      %dma_start3A_39 = tpu.memref_slice %arg5[%dma_start3A_37, %dma_start3A_38] : memref<2048x128xf32, #tpu.memory_space<hbm>> -> memref<2048x128xf32, #tpu.memory_space<hbm>>
      tpu.enqueue_indirect_dma source(%dma_start3A_39 : memref<2048x128xf32, #tpu.memory_space<hbm>>) target(%arg13 : memref<128x128xf32, #tpu.memory_space<vmem>>) offsets(%arg10 : memref<128xi32, #tpu.memory_space<vmem>>) semaphore(%arg17 : memref<!tpu.dma_semaphore, #tpu.memory_space<semaphore_mem>>)
      %dma_wait3A_40 = arith.constant 0 : i32
      %dma_wait3A_41 = arith.constant 0 : i32
      %dma_wait3A_42 = tpu.memref_slice %arg5[%dma_wait3A_40, %dma_wait3A_41] : memref<2048x128xf32, #tpu.memory_space<hbm>> -> memref<2048x128xf32, #tpu.memory_space<hbm>>
      tpu.wait_indirect_dma semaphore(%arg17 : memref<!tpu.dma_semaphore, #tpu.memory_space<semaphore_mem>>) src(%dma_wait3A_42 : memref<2048x128xf32, #tpu.memory_space<hbm>>) dst(%arg13 : memref<128x128xf32, #tpu.memory_space<vmem>>)
      %dma_start3A_43 = arith.constant 0 : i32
      %dma_start3A_44 = arith.constant 0 : i32
      %dma_start3A_45 = tpu.memref_slice %arg6[%dma_start3A_43, %dma_start3A_44] : memref<2048x128xf32, #tpu.memory_space<hbm>> -> memref<2048x128xf32, #tpu.memory_space<hbm>>
      tpu.enqueue_indirect_dma source(%dma_start3A_45 : memref<2048x128xf32, #tpu.memory_space<hbm>>) target(%arg14 : memref<128x128xf32, #tpu.memory_space<vmem>>) offsets(%arg11 : memref<128xi32, #tpu.memory_space<vmem>>) semaphore(%arg17 : memref<!tpu.dma_semaphore, #tpu.memory_space<semaphore_mem>>)
      %dma_wait3A_46 = arith.constant 0 : i32
      %dma_wait3A_47 = arith.constant 0 : i32
      %dma_wait3A_48 = tpu.memref_slice %arg6[%dma_wait3A_46, %dma_wait3A_47] : memref<2048x128xf32, #tpu.memory_space<hbm>> -> memref<2048x128xf32, #tpu.memory_space<hbm>>
      tpu.wait_indirect_dma semaphore(%arg17 : memref<!tpu.dma_semaphore, #tpu.memory_space<semaphore_mem>>) src(%dma_wait3A_48 : memref<2048x128xf32, #tpu.memory_space<hbm>>) dst(%arg14 : memref<128x128xf32, #tpu.memory_space<vmem>>)
      %scan3A_49 = arith.constant 0 : i32
      %scan3A_50 = arith.constant 0 : i32
      %scan3A_51 = arith.constant 128 : i32
      %scan3A_52 = arith.addi %scan3A_50, %scan3A_51 : i32
      %scan3A_53 = arith.constant 1 : i32
      %scan3A_54 = scf.for %scan3A_57 = %scan3A_50 to %scan3A_52 step %scan3A_53 iter_args(%scan3A_58 = %scan3A_49) -> (i32)  : i32 {
        %get3A = arith.index_cast %scan3A_57 : i32 to index
        %get3A_59 = arith.constant 0 : index
        %get3A_60 = tpu.vector_load %arg13[%get3A, %get3A_59] {strides = array<i32>} : memref<128x128xf32, #tpu.memory_space<vmem>>, vector<1x16xf32>,
        %get3A_61 = vector.shape_cast %get3A_60 : vector<1x16xf32> to vector<16xf32>
        %get3A_62 = arith.index_cast %scan3A_57 : i32 to index
        %get3A_63 = arith.constant 0 : index
        %get3A_64 = tpu.vector_load %arg14[%get3A_62, %get3A_63] {strides = array<i32>} : memref<128x128xf32, #tpu.memory_space<vmem>>, vector<1x16xf32>,
        %get3A_65 = vector.shape_cast %get3A_64 : vector<1x16xf32> to vector<16xf32>
        %add3A_66 = arith.addf %get3A_61, %get3A_65 : vector<16xf32>
        %mul3A_67 = arith.constant 2.000000e-01 : f32
        %mul3A_68 = vector.broadcast %mul3A_67 : f32 to vector<16xf32>
        %mul3A_69 = arith.mulf %mul3A_68, %add3A_66 : vector<16xf32>
        %max3A = arith.maximumf %add3A_66, %mul3A_69 : vector<16xf32>
        %exp3A = math.exp %max3A : vector<16xf32>
        %swap3A = arith.index_cast %scan3A_57 : i32 to index
        %swap3A_70 = arith.constant 0 : index
        %swap3A_71 = tpu.vector_load %arg13[%swap3A, %swap3A_70] {strides = array<i32>} : memref<128x128xf32, #tpu.memory_space<vmem>>, vector<1x16xf32>,
        %swap3A_72 = vector.shape_cast %swap3A_71 : vector<1x16xf32> to vector<16xf32>
        %swap3A_73 = vector.shape_cast %exp3A : vector<16xf32> to vector<1x16xf32>
        tpu.vector_store %arg13[%swap3A, %swap3A_70], %swap3A_73 {strides = array<i32>} : memref<128x128xf32, #tpu.memory_space<vmem>>, vector<1x16xf32>,
        %get3A_74 = arith.index_cast %scan3A_57 : i32 to index
        %get3A_75 = arith.constant 0 : index
        %get3A_76 = tpu.vector_load %arg12[%get3A_74, %get3A_75] {strides = array<i32>} : memref<128x128xf32, #tpu.memory_space<vmem>>, vector<1x16xf32>,
        %get3A_77 = vector.shape_cast %get3A_76 : vector<1x16xf32> to vector<16xf32>
        %mul3A_78 = arith.mulf %get3A_77, %exp3A : vector<16xf32>
        %swap3A_79 = arith.index_cast %scan3A_57 : i32 to index
        %swap3A_80 = arith.constant 0 : index
        %swap3A_81 = tpu.vector_load %arg12[%swap3A_79, %swap3A_80] {strides = array<i32>} : memref<128x128xf32, #tpu.memory_space<vmem>>, vector<1x16xf32>,
        %swap3A_82 = vector.shape_cast %swap3A_81 : vector<1x16xf32> to vector<16xf32>
        %swap3A_83 = vector.shape_cast %mul3A_78 : vector<16xf32> to vector<1x16xf32>
        tpu.vector_store %arg12[%swap3A_79, %swap3A_80], %swap3A_83 {strides = array<i32>} : memref<128x128xf32, #tpu.memory_space<vmem>>, vector<1x16xf32>,
        %get3A_84 = arith.index_cast %scan3A_57 : i32 to index
        %get3A_85 = arith.constant 16 : index
        %get3A_86 = tpu.vector_load %arg13[%get3A_84, %get3A_85] {strides = array<i32>} : memref<128x128xf32, #tpu.memory_space<vmem>>, vector<1x16xf32>,
        %get3A_87 = vector.shape_cast %get3A_86 : vector<1x16xf32> to vector<16xf32>
        %get3A_88 = arith.index_cast %scan3A_57 : i32 to index
        %get3A_89 = arith.constant 16 : index
        %get3A_90 = tpu.vector_load %arg14[%get3A_88, %get3A_89] {strides = array<i32>} : memref<128x128xf32, #tpu.memory_space<vmem>>, vector<1x16xf32>,
        %get3A_91 = vector.shape_cast %get3A_90 : vector<1x16xf32> to vector<16xf32>
        %add3A_92 = arith.addf %get3A_87, %get3A_91 : vector<16xf32>
        %mul3A_93 = arith.constant 2.000000e-01 : f32
        %mul3A_94 = vector.broadcast %mul3A_93 : f32 to vector<16xf32>
        %mul3A_95 = arith.mulf %mul3A_94, %add3A_92 : vector<16xf32>
        %max3A_96 = arith.maximumf %add3A_92, %mul3A_95 : vector<16xf32>
        %exp3A_97 = math.exp %max3A_96 : vector<16xf32>
        %swap3A_98 = arith.index_cast %scan3A_57 : i32 to index
        %swap3A_99 = arith.constant 16 : index
        %swap3A_100 = tpu.vector_load %arg13[%swap3A_98, %swap3A_99] {strides = array<i32>} : memref<128x128xf32, #tpu.memory_space<vmem>>, vector<1x16xf32>,
        %swap3A_101 = vector.shape_cast %swap3A_100 : vector<1x16xf32> to vector<16xf32>
        %swap3A_102 = vector.shape_cast %exp3A_97 : vector<16xf32> to vector<1x16xf32>
        tpu.vector_store %arg13[%swap3A_98, %swap3A_99], %swap3A_102 {strides = array<i32>} : memref<128x128xf32, #tpu.memory_space<vmem>>, vector<1x16xf32>,
        %get3A_103 = arith.index_cast %scan3A_57 : i32 to index
        %get3A_104 = arith.constant 16 : index
        %get3A_105 = tpu.vector_load %arg12[%get3A_103, %get3A_104] {strides = array<i32>} : memref<128x128xf32, #tpu.memory_space<vmem>>, vector<1x16xf32>,
        %get3A_106 = vector.shape_cast %get3A_105 : vector<1x16xf32> to vector<16xf32>
        %mul3A_107 = arith.mulf %get3A_106, %exp3A_97 : vector<16xf32>
        %swap3A_108 = arith.index_cast %scan3A_57 : i32 to index
        %swap3A_109 = arith.constant 16 : index
        %swap3A_110 = tpu.vector_load %arg12[%swap3A_108, %swap3A_109] {strides = array<i32>} : memref<128x128xf32, #tpu.memory_space<vmem>>, vector<1x16xf32>,
        %swap3A_111 = vector.shape_cast %swap3A_110 : vector<1x16xf32> to vector<16xf32>
        %swap3A_112 = vector.shape_cast %mul3A_107 : vector<16xf32> to vector<1x16xf32>
        tpu.vector_store %arg12[%swap3A_108, %swap3A_109], %swap3A_112 {strides = array<i32>} : memref<128x128xf32, #tpu.memory_space<vmem>>, vector<1x16xf32>,
        %get3A_113 = arith.index_cast %scan3A_57 : i32 to index
        %get3A_114 = arith.constant 32 : index
        %get3A_115 = tpu.vector_load %arg13[%get3A_113, %get3A_114] {strides = array<i32>} : memref<128x128xf32, #tpu.memory_space<vmem>>, vector<1x16xf32>,
        %get3A_116 = vector.shape_cast %get3A_115 : vector<1x16xf32> to vector<16xf32>
        %get3A_117 = arith.index_cast %scan3A_57 : i32 to index
        %get3A_118 = arith.constant 32 : index
        %get3A_119 = tpu.vector_load %arg14[%get3A_117, %get3A_118] {strides = array<i32>} : memref<128x128xf32, #tpu.memory_space<vmem>>, vector<1x16xf32>,
        %get3A_120 = vector.shape_cast %get3A_119 : vector<1x16xf32> to vector<16xf32>
        %add3A_121 = arith.addf %get3A_116, %get3A_120 : vector<16xf32>
        %mul3A_122 = arith.constant 2.000000e-01 : f32
        %mul3A_123 = vector.broadcast %mul3A_122 : f32 to vector<16xf32>
        %mul3A_124 = arith.mulf %mul3A_123, %add3A_121 : vector<16xf32>
        %max3A_125 = arith.maximumf %add3A_121, %mul3A_124 : vector<16xf32>
        %exp3A_126 = math.exp %max3A_125 : vector<16xf32>
        %swap3A_127 = arith.index_cast %scan3A_57 : i32 to index
        %swap3A_128 = arith.constant 32 : index
        %swap3A_129 = tpu.vector_load %arg13[%swap3A_127, %swap3A_128] {strides = array<i32>} : memref<128x128xf32, #tpu.memory_space<vmem>>, vector<1x16xf32>,
        %swap3A_130 = vector.shape_cast %swap3A_129 : vector<1x16xf32> to vector<16xf32>
        %swap3A_131 = vector.shape_cast %exp3A_126 : vector<16xf32> to vector<1x16xf32>
        tpu.vector_store %arg13[%swap3A_127, %swap3A_128], %swap3A_131 {strides = array<i32>} : memref<128x128xf32, #tpu.memory_space<vmem>>, vector<1x16xf32>,
        %get3A_132 = arith.index_cast %scan3A_57 : i32 to index
        %get3A_133 = arith.constant 32 : index
        %get3A_134 = tpu.vector_load %arg12[%get3A_132, %get3A_133] {strides = array<i32>} : memref<128x128xf32, #tpu.memory_space<vmem>>, vector<1x16xf32>,
        %get3A_135 = vector.shape_cast %get3A_134 : vector<1x16xf32> to vector<16xf32>
        %mul3A_136 = arith.mulf %get3A_135, %exp3A_126 : vector<16xf32>
        %swap3A_137 = arith.index_cast %scan3A_57 : i32 to index
        %swap3A_138 = arith.constant 32 : index
        %swap3A_139 = tpu.vector_load %arg12[%swap3A_137, %swap3A_138] {strides = array<i32>} : memref<128x128xf32, #tpu.memory_space<vmem>>, vector<1x16xf32>,
        %swap3A_140 = vector.shape_cast %swap3A_139 : vector<1x16xf32> to vector<16xf32>
        %swap3A_141 = vector.shape_cast %mul3A_136 : vector<16xf32> to vector<1x16xf32>
        tpu.vector_store %arg12[%swap3A_137, %swap3A_138], %swap3A_141 {strides = array<i32>} : memref<128x128xf32, #tpu.memory_space<vmem>>, vector<1x16xf32>,
        %get3A_142 = arith.index_cast %scan3A_57 : i32 to index
        %get3A_143 = arith.constant 48 : index
        %get3A_144 = tpu.vector_load %arg13[%get3A_142, %get3A_143] {strides = array<i32>} : memref<128x128xf32, #tpu.memory_space<vmem>>, vector<1x16xf32>,
        %get3A_145 = vector.shape_cast %get3A_144 : vector<1x16xf32> to vector<16xf32>
        %get3A_146 = arith.index_cast %scan3A_57 : i32 to index
        %get3A_147 = arith.constant 48 : index
        %get3A_148 = tpu.vector_load %arg14[%get3A_146, %get3A_147] {strides = array<i32>} : memref<128x128xf32, #tpu.memory_space<vmem>>, vector<1x16xf32>,
        %get3A_149 = vector.shape_cast %get3A_148 : vector<1x16xf32> to vector<16xf32>
        %add3A_150 = arith.addf %get3A_145, %get3A_149 : vector<16xf32>
        %mul3A_151 = arith.constant 2.000000e-01 : f32
        %mul3A_152 = vector.broadcast %mul3A_151 : f32 to vector<16xf32>
        %mul3A_153 = arith.mulf %mul3A_152, %add3A_150 : vector<16xf32>
        %max3A_154 = arith.maximumf %add3A_150, %mul3A_153 : vector<16xf32>
        %exp3A_155 = math.exp %max3A_154 : vector<16xf32>
        %swap3A_156 = arith.index_cast %scan3A_57 : i32 to index
        %swap3A_157 = arith.constant 48 : index
        %swap3A_158 = tpu.vector_load %arg13[%swap3A_156, %swap3A_157] {strides = array<i32>} : memref<128x128xf32, #tpu.memory_space<vmem>>, vector<1x16xf32>,
        %swap3A_159 = vector.shape_cast %swap3A_158 : vector<1x16xf32> to vector<16xf32>
        %swap3A_160 = vector.shape_cast %exp3A_155 : vector<16xf32> to vector<1x16xf32>
        tpu.vector_store %arg13[%swap3A_156, %swap3A_157], %swap3A_160 {strides = array<i32>} : memref<128x128xf32, #tpu.memory_space<vmem>>, vector<1x16xf32>,
        %get3A_161 = arith.index_cast %scan3A_57 : i32 to index
        %get3A_162 = arith.constant 48 : index
        %get3A_163 = tpu.vector_load %arg12[%get3A_161, %get3A_162] {strides = array<i32>} : memref<128x128xf32, #tpu.memory_space<vmem>>, vector<1x16xf32>,
        %get3A_164 = vector.shape_cast %get3A_163 : vector<1x16xf32> to vector<16xf32>
        %mul3A_165 = arith.mulf %get3A_164, %exp3A_155 : vector<16xf32>
        %swap3A_166 = arith.index_cast %scan3A_57 : i32 to index
        %swap3A_167 = arith.constant 48 : index
        %swap3A_168 = tpu.vector_load %arg12[%swap3A_166, %swap3A_167] {strides = array<i32>} : memref<128x128xf32, #tpu.memory_space<vmem>>, vector<1x16xf32>,
        %swap3A_169 = vector.shape_cast %swap3A_168 : vector<1x16xf32> to vector<16xf32>
        %swap3A_170 = vector.shape_cast %mul3A_165 : vector<16xf32> to vector<1x16xf32>
        tpu.vector_store %arg12[%swap3A_166, %swap3A_167], %swap3A_170 {strides = array<i32>} : memref<128x128xf32, #tpu.memory_space<vmem>>, vector<1x16xf32>,
        %get3A_171 = arith.index_cast %scan3A_57 : i32 to index
        %get3A_172 = arith.constant 64 : index
        %get3A_173 = tpu.vector_load %arg13[%get3A_171, %get3A_172] {strides = array<i32>} : memref<128x128xf32, #tpu.memory_space<vmem>>, vector<1x16xf32>,
        %get3A_174 = vector.shape_cast %get3A_173 : vector<1x16xf32> to vector<16xf32>
        %get3A_175 = arith.index_cast %scan3A_57 : i32 to index
        %get3A_176 = arith.constant 64 : index
        %get3A_177 = tpu.vector_load %arg14[%get3A_175, %get3A_176] {strides = array<i32>} : memref<128x128xf32, #tpu.memory_space<vmem>>, vector<1x16xf32>,
        %get3A_178 = vector.shape_cast %get3A_177 : vector<1x16xf32> to vector<16xf32>
        %add3A_179 = arith.addf %get3A_174, %get3A_178 : vector<16xf32>
        %mul3A_180 = arith.constant 2.000000e-01 : f32
        %mul3A_181 = vector.broadcast %mul3A_180 : f32 to vector<16xf32>
        %mul3A_182 = arith.mulf %mul3A_181, %add3A_179 : vector<16xf32>
        %max3A_183 = arith.maximumf %add3A_179, %mul3A_182 : vector<16xf32>
        %exp3A_184 = math.exp %max3A_183 : vector<16xf32>
        %swap3A_185 = arith.index_cast %scan3A_57 : i32 to index
        %swap3A_186 = arith.constant 64 : index
        %swap3A_187 = tpu.vector_load %arg13[%swap3A_185, %swap3A_186] {strides = array<i32>} : memref<128x128xf32, #tpu.memory_space<vmem>>, vector<1x16xf32>,
        %swap3A_188 = vector.shape_cast %swap3A_187 : vector<1x16xf32> to vector<16xf32>
        %swap3A_189 = vector.shape_cast %exp3A_184 : vector<16xf32> to vector<1x16xf32>
        tpu.vector_store %arg13[%swap3A_185, %swap3A_186], %swap3A_189 {strides = array<i32>} : memref<128x128xf32, #tpu.memory_space<vmem>>, vector<1x16xf32>,
        %get3A_190 = arith.index_cast %scan3A_57 : i32 to index
        %get3A_191 = arith.constant 64 : index
        %get3A_192 = tpu.vector_load %arg12[%get3A_190, %get3A_191] {strides = array<i32>} : memref<128x128xf32, #tpu.memory_space<vmem>>, vector<1x16xf32>,
        %get3A_193 = vector.shape_cast %get3A_192 : vector<1x16xf32> to vector<16xf32>
        %mul3A_194 = arith.mulf %get3A_193, %exp3A_184 : vector<16xf32>
        %swap3A_195 = arith.index_cast %scan3A_57 : i32 to index
        %swap3A_196 = arith.constant 64 : index
        %swap3A_197 = tpu.vector_load %arg12[%swap3A_195, %swap3A_196] {strides = array<i32>} : memref<128x128xf32, #tpu.memory_space<vmem>>, vector<1x16xf32>,
        %swap3A_198 = vector.shape_cast %swap3A_197 : vector<1x16xf32> to vector<16xf32>
        %swap3A_199 = vector.shape_cast %mul3A_194 : vector<16xf32> to vector<1x16xf32>
        tpu.vector_store %arg12[%swap3A_195, %swap3A_196], %swap3A_199 {strides = array<i32>} : memref<128x128xf32, #tpu.memory_space<vmem>>, vector<1x16xf32>,
        %get3A_200 = arith.index_cast %scan3A_57 : i32 to index
        %get3A_201 = arith.constant 80 : index
        %get3A_202 = tpu.vector_load %arg13[%get3A_200, %get3A_201] {strides = array<i32>} : memref<128x128xf32, #tpu.memory_space<vmem>>, vector<1x16xf32>,
        %get3A_203 = vector.shape_cast %get3A_202 : vector<1x16xf32> to vector<16xf32>
        %get3A_204 = arith.index_cast %scan3A_57 : i32 to index
        %get3A_205 = arith.constant 80 : index
        %get3A_206 = tpu.vector_load %arg14[%get3A_204, %get3A_205] {strides = array<i32>} : memref<128x128xf32, #tpu.memory_space<vmem>>, vector<1x16xf32>,
        %get3A_207 = vector.shape_cast %get3A_206 : vector<1x16xf32> to vector<16xf32>
        %add3A_208 = arith.addf %get3A_203, %get3A_207 : vector<16xf32>
        %mul3A_209 = arith.constant 2.000000e-01 : f32
        %mul3A_210 = vector.broadcast %mul3A_209 : f32 to vector<16xf32>
        %mul3A_211 = arith.mulf %mul3A_210, %add3A_208 : vector<16xf32>
        %max3A_212 = arith.maximumf %add3A_208, %mul3A_211 : vector<16xf32>
        %exp3A_213 = math.exp %max3A_212 : vector<16xf32>
        %swap3A_214 = arith.index_cast %scan3A_57 : i32 to index
        %swap3A_215 = arith.constant 80 : index
        %swap3A_216 = tpu.vector_load %arg13[%swap3A_214, %swap3A_215] {strides = array<i32>} : memref<128x128xf32, #tpu.memory_space<vmem>>, vector<1x16xf32>,
        %swap3A_217 = vector.shape_cast %swap3A_216 : vector<1x16xf32> to vector<16xf32>
        %swap3A_218 = vector.shape_cast %exp3A_213 : vector<16xf32> to vector<1x16xf32>
        tpu.vector_store %arg13[%swap3A_214, %swap3A_215], %swap3A_218 {strides = array<i32>} : memref<128x128xf32, #tpu.memory_space<vmem>>, vector<1x16xf32>,
        %get3A_219 = arith.index_cast %scan3A_57 : i32 to index
        %get3A_220 = arith.constant 80 : index
        %get3A_221 = tpu.vector_load %arg12[%get3A_219, %get3A_220] {strides = array<i32>} : memref<128x128xf32, #tpu.memory_space<vmem>>, vector<1x16xf32>,
        %get3A_222 = vector.shape_cast %get3A_221 : vector<1x16xf32> to vector<16xf32>
        %mul3A_223 = arith.mulf %get3A_222, %exp3A_213 : vector<16xf32>
        %swap3A_224 = arith.index_cast %scan3A_57 : i32 to index
        %swap3A_225 = arith.constant 80 : index
        %swap3A_226 = tpu.vector_load %arg12[%swap3A_224, %swap3A_225] {strides = array<i32>} : memref<128x128xf32, #tpu.memory_space<vmem>>, vector<1x16xf32>,
        %swap3A_227 = vector.shape_cast %swap3A_226 : vector<1x16xf32> to vector<16xf32>
        %swap3A_228 = vector.shape_cast %mul3A_223 : vector<16xf32> to vector<1x16xf32>
        tpu.vector_store %arg12[%swap3A_224, %swap3A_225], %swap3A_228 {strides = array<i32>} : memref<128x128xf32, #tpu.memory_space<vmem>>, vector<1x16xf32>,
        %get3A_229 = arith.index_cast %scan3A_57 : i32 to index
        %get3A_230 = arith.constant 96 : index
        %get3A_231 = tpu.vector_load %arg13[%get3A_229, %get3A_230] {strides = array<i32>} : memref<128x128xf32, #tpu.memory_space<vmem>>, vector<1x16xf32>,
        %get3A_232 = vector.shape_cast %get3A_231 : vector<1x16xf32> to vector<16xf32>
        %get3A_233 = arith.index_cast %scan3A_57 : i32 to index
        %get3A_234 = arith.constant 96 : index
        %get3A_235 = tpu.vector_load %arg14[%get3A_233, %get3A_234] {strides = array<i32>} : memref<128x128xf32, #tpu.memory_space<vmem>>, vector<1x16xf32>,
        %get3A_236 = vector.shape_cast %get3A_235 : vector<1x16xf32> to vector<16xf32>
        %add3A_237 = arith.addf %get3A_232, %get3A_236 : vector<16xf32>
        %mul3A_238 = arith.constant 2.000000e-01 : f32
        %mul3A_239 = vector.broadcast %mul3A_238 : f32 to vector<16xf32>
        %mul3A_240 = arith.mulf %mul3A_239, %add3A_237 : vector<16xf32>
        %max3A_241 = arith.maximumf %add3A_237, %mul3A_240 : vector<16xf32>
        %exp3A_242 = math.exp %max3A_241 : vector<16xf32>
        %swap3A_243 = arith.index_cast %scan3A_57 : i32 to index
        %swap3A_244 = arith.constant 96 : index
        %swap3A_245 = tpu.vector_load %arg13[%swap3A_243, %swap3A_244] {strides = array<i32>} : memref<128x128xf32, #tpu.memory_space<vmem>>, vector<1x16xf32>,
        %swap3A_246 = vector.shape_cast %swap3A_245 : vector<1x16xf32> to vector<16xf32>
        %swap3A_247 = vector.shape_cast %exp3A_242 : vector<16xf32> to vector<1x16xf32>
        tpu.vector_store %arg13[%swap3A_243, %swap3A_244], %swap3A_247 {strides = array<i32>} : memref<128x128xf32, #tpu.memory_space<vmem>>, vector<1x16xf32>,
        %get3A_248 = arith.index_cast %scan3A_57 : i32 to index
        %get3A_249 = arith.constant 96 : index
        %get3A_250 = tpu.vector_load %arg12[%get3A_248, %get3A_249] {strides = array<i32>} : memref<128x128xf32, #tpu.memory_space<vmem>>, vector<1x16xf32>,
        %get3A_251 = vector.shape_cast %get3A_250 : vector<1x16xf32> to vector<16xf32>
        %mul3A_252 = arith.mulf %get3A_251, %exp3A_242 : vector<16xf32>
        %swap3A_253 = arith.index_cast %scan3A_57 : i32 to index
        %swap3A_254 = arith.constant 96 : index
        %swap3A_255 = tpu.vector_load %arg12[%swap3A_253, %swap3A_254] {strides = array<i32>} : memref<128x128xf32, #tpu.memory_space<vmem>>, vector<1x16xf32>,
        %swap3A_256 = vector.shape_cast %swap3A_255 : vector<1x16xf32> to vector<16xf32>
        %swap3A_257 = vector.shape_cast %mul3A_252 : vector<16xf32> to vector<1x16xf32>
        tpu.vector_store %arg12[%swap3A_253, %swap3A_254], %swap3A_257 {strides = array<i32>} : memref<128x128xf32, #tpu.memory_space<vmem>>, vector<1x16xf32>,
        %get3A_258 = arith.index_cast %scan3A_57 : i32 to index
        %get3A_259 = arith.constant 112 : index
        %get3A_260 = tpu.vector_load %arg13[%get3A_258, %get3A_259] {strides = array<i32>} : memref<128x128xf32, #tpu.memory_space<vmem>>, vector<1x16xf32>,
        %get3A_261 = vector.shape_cast %get3A_260 : vector<1x16xf32> to vector<16xf32>
        %get3A_262 = arith.index_cast %scan3A_57 : i32 to index
        %get3A_263 = arith.constant 112 : index
        %get3A_264 = tpu.vector_load %arg14[%get3A_262, %get3A_263] {strides = array<i32>} : memref<128x128xf32, #tpu.memory_space<vmem>>, vector<1x16xf32>,
        %get3A_265 = vector.shape_cast %get3A_264 : vector<1x16xf32> to vector<16xf32>
        %add3A_266 = arith.addf %get3A_261, %get3A_265 : vector<16xf32>
        %mul3A_267 = arith.constant 2.000000e-01 : f32
        %mul3A_268 = vector.broadcast %mul3A_267 : f32 to vector<16xf32>
        %mul3A_269 = arith.mulf %mul3A_268, %add3A_266 : vector<16xf32>
        %max3A_270 = arith.maximumf %add3A_266, %mul3A_269 : vector<16xf32>
        %exp3A_271 = math.exp %max3A_270 : vector<16xf32>
        %swap3A_272 = arith.index_cast %scan3A_57 : i32 to index
        %swap3A_273 = arith.constant 112 : index
        %swap3A_274 = tpu.vector_load %arg13[%swap3A_272, %swap3A_273] {strides = array<i32>} : memref<128x128xf32, #tpu.memory_space<vmem>>, vector<1x16xf32>,
        %swap3A_275 = vector.shape_cast %swap3A_274 : vector<1x16xf32> to vector<16xf32>
        %swap3A_276 = vector.shape_cast %exp3A_271 : vector<16xf32> to vector<1x16xf32>
        tpu.vector_store %arg13[%swap3A_272, %swap3A_273], %swap3A_276 {strides = array<i32>} : memref<128x128xf32, #tpu.memory_space<vmem>>, vector<1x16xf32>,
        %get3A_277 = arith.index_cast %scan3A_57 : i32 to index
        %get3A_278 = arith.constant 112 : index
        %get3A_279 = tpu.vector_load %arg12[%get3A_277, %get3A_278] {strides = array<i32>} : memref<128x128xf32, #tpu.memory_space<vmem>>, vector<1x16xf32>,
        %get3A_280 = vector.shape_cast %get3A_279 : vector<1x16xf32> to vector<16xf32>
        %mul3A_281 = arith.mulf %get3A_280, %exp3A_271 : vector<16xf32>
        %swap3A_282 = arith.index_cast %scan3A_57 : i32 to index
        %swap3A_283 = arith.constant 112 : index
        %swap3A_284 = tpu.vector_load %arg12[%swap3A_282, %swap3A_283] {strides = array<i32>} : memref<128x128xf32, #tpu.memory_space<vmem>>, vector<1x16xf32>,
        %swap3A_285 = vector.shape_cast %swap3A_284 : vector<1x16xf32> to vector<16xf32>
        %swap3A_286 = vector.shape_cast %mul3A_281 : vector<16xf32> to vector<1x16xf32>
        tpu.vector_store %arg12[%swap3A_282, %swap3A_283], %swap3A_286 {strides = array<i32>} : memref<128x128xf32, #tpu.memory_space<vmem>>, vector<1x16xf32>,
        %scan3A_287 = arith.constant 0 : i32
        scf.yield %scan3A_287 : i32
      }
      %scan3A_55 = arith.constant 128 : i32
      "tpu.region"() ({
        %run_scoped3A = tpu.sem_alloc : memref<!tpu.dma_semaphore, #tpu.memory_space<semaphore_mem>>
        %dma_start3A_57 = arith.constant 0 : i32
        %dma_start3A_58 = arith.constant 0 : i32
        %dma_start3A_59 = tpu.memref_slice %arg15[%dma_start3A_57, %dma_start3A_58] : memref<2048x128xf32, #tpu.memory_space<vmem_shared>> -> memref<2048x128xf32, #tpu.memory_space<vmem_shared>>
        tpu.enqueue_indirect_dma source(%arg12 : memref<128x128xf32, #tpu.memory_space<vmem>>) target(%dma_start3A_59 : memref<2048x128xf32, #tpu.memory_space<vmem_shared>>) offsets(%arg11 : memref<128xi32, #tpu.memory_space<vmem>>) semaphore(%run_scoped3A : memref<!tpu.dma_semaphore, #tpu.memory_space<semaphore_mem>>) {add = true}
        %dma_wait3A_60 = arith.constant 0 : i32
        %dma_wait3A_61 = arith.constant 0 : i32
        %dma_wait3A_62 = tpu.memref_slice %arg15[%dma_wait3A_60, %dma_wait3A_61] : memref<2048x128xf32, #tpu.memory_space<vmem_shared>> -> memref<2048x128xf32, #tpu.memory_space<vmem_shared>>
        tpu.wait_indirect_dma semaphore(%run_scoped3A : memref<!tpu.dma_semaphore, #tpu.memory_space<semaphore_mem>>) src(%arg12 : memref<128x128xf32, #tpu.memory_space<vmem>>) dst(%dma_wait3A_62 : memref<2048x128xf32, #tpu.memory_space<vmem_shared>>)
        tpu.yield
      }) : () -> ()
      "tpu.region"() ({
        %run_scoped3A = tpu.sem_alloc : memref<!tpu.dma_semaphore, #tpu.memory_space<semaphore_mem>>
        %dma_start3A_57 = arith.constant 0 : i32
        %dma_start3A_58 = arith.constant 0 : i32
        %dma_start3A_59 = tpu.memref_slice %arg16[%dma_start3A_57, %dma_start3A_58] : memref<2048x128xf32, #tpu.memory_space<vmem_shared>> -> memref<2048x128xf32, #tpu.memory_space<vmem_shared>>
        tpu.enqueue_indirect_dma source(%arg13 : memref<128x128xf32, #tpu.memory_space<vmem>>) target(%dma_start3A_59 : memref<2048x128xf32, #tpu.memory_space<vmem_shared>>) offsets(%arg11 : memref<128xi32, #tpu.memory_space<vmem>>) semaphore(%run_scoped3A : memref<!tpu.dma_semaphore, #tpu.memory_space<semaphore_mem>>) {add = true}
        %dma_wait3A_60 = arith.constant 0 : i32
        %dma_wait3A_61 = arith.constant 0 : i32
        %dma_wait3A_62 = tpu.memref_slice %arg16[%dma_wait3A_60, %dma_wait3A_61] : memref<2048x128xf32, #tpu.memory_space<vmem_shared>> -> memref<2048x128xf32, #tpu.memory_space<vmem_shared>>
        tpu.wait_indirect_dma semaphore(%run_scoped3A : memref<!tpu.dma_semaphore, #tpu.memory_space<semaphore_mem>>) src(%arg13 : memref<128x128xf32, #tpu.memory_space<vmem>>) dst(%dma_wait3A_62 : memref<2048x128xf32, #tpu.memory_space<vmem_shared>>)
        tpu.yield
      }) : () -> ()
      %scan3A_56 = arith.constant 0 : i32
      scf.yield %scan3A_56 : i32
    }
    %scan3A_8 = arith.constant 4 : i32
    %barrier3A_9 = arith.constant 0 : index
    tpu.barrier barrier_id(%barrier3A_9)
    %mul3A_10 = arith.constant 128 : i32
    %mul3A_11 = arith.muli %arg1, %mul3A_10 : i32
    %mul3A_12 = arith.constant 2048 : i32
    %mul3A_13 = arith.muli %arg0, %mul3A_12 : i32
    %mul3A_14 = arith.constant 128 : i32
    %mul3A_15 = arith.muli %arg1, %mul3A_14 : i32
    %add3A = arith.addi %mul3A_13, %mul3A_15 : i32
    "tpu.region"() ({
      %run_scoped3A = tpu.sem_alloc : memref<!tpu.dma_semaphore, #tpu.memory_space<semaphore_mem>>
      %dma_start3A = arith.constant 0 : i32
      %dma_start3A_23 = tpu.memref_slice %arg8[%add3A, %dma_start3A] : memref<4096x128xf32, #tpu.memory_space<hbm>> -> memref<128x128xf32, #tpu.memory_space<hbm>>
      %dma_start3A_24 = arith.constant 0 : i32
      %dma_start3A_25 = tpu.memref_slice %arg15[%mul3A_11, %dma_start3A_24] : memref<2048x128xf32, #tpu.memory_space<vmem_shared>> -> memref<128x128xf32, #tpu.memory_space<vmem_shared>>
      tpu.enqueue_dma source(%dma_start3A_25 : memref<128x128xf32, #tpu.memory_space<vmem_shared>>) target(%dma_start3A_23 : memref<128x128xf32, #tpu.memory_space<hbm>>) target_semaphore(%run_scoped3A : memref<!tpu.dma_semaphore, #tpu.memory_space<semaphore_mem>>)
      %dma_wait3A = arith.constant 0 : i32
      %dma_wait3A_26 = tpu.memref_slice %arg8[%add3A, %dma_wait3A] : memref<4096x128xf32, #tpu.memory_space<hbm>> -> memref<128x128xf32, #tpu.memory_space<hbm>>
      %dma_wait3A_27 = arith.constant 0 : i32
      %dma_wait3A_28 = tpu.memref_slice %arg15[%mul3A_11, %dma_wait3A_27] : memref<2048x128xf32, #tpu.memory_space<vmem_shared>> -> memref<128x128xf32, #tpu.memory_space<vmem_shared>>
      tpu.wait_dma2 semaphore(%run_scoped3A : memref<!tpu.dma_semaphore, #tpu.memory_space<semaphore_mem>>) src(%dma_wait3A_28 : memref<128x128xf32, #tpu.memory_space<vmem_shared>>) dst(%dma_wait3A_26 : memref<128x128xf32, #tpu.memory_space<hbm>>)
      tpu.yield
    }) : () -> ()
    %mul3A_16 = arith.constant 128 : i32
    %mul3A_17 = arith.muli %arg1, %mul3A_16 : i32
    %mul3A_18 = arith.constant 2048 : i32
    %mul3A_19 = arith.muli %arg0, %mul3A_18 : i32
    %mul3A_20 = arith.constant 128 : i32
    %mul3A_21 = arith.muli %arg1, %mul3A_20 : i32
    %add3A_22 = arith.addi %mul3A_19, %mul3A_21 : i32
    "tpu.region"() ({
      %run_scoped3A = tpu.sem_alloc : memref<!tpu.dma_semaphore, #tpu.memory_space<semaphore_mem>>
      %dma_start3A = arith.constant 0 : i32
      %dma_start3A_23 = tpu.memref_slice %arg9[%add3A_22, %dma_start3A] : memref<4096x128xf32, #tpu.memory_space<hbm>> -> memref<128x128xf32, #tpu.memory_space<hbm>>
      %dma_start3A_24 = arith.constant 0 : i32
      %dma_start3A_25 = tpu.memref_slice %arg16[%mul3A_17, %dma_start3A_24] : memref<2048x128xf32, #tpu.memory_space<vmem_shared>> -> memref<128x128xf32, #tpu.memory_space<vmem_shared>>
      tpu.enqueue_dma source(%dma_start3A_25 : memref<128x128xf32, #tpu.memory_space<vmem_shared>>) target(%dma_start3A_23 : memref<128x128xf32, #tpu.memory_space<hbm>>) target_semaphore(%run_scoped3A : memref<!tpu.dma_semaphore, #tpu.memory_space<semaphore_mem>>)
      %dma_wait3A = arith.constant 0 : i32
      %dma_wait3A_26 = tpu.memref_slice %arg9[%add3A_22, %dma_wait3A] : memref<4096x128xf32, #tpu.memory_space<hbm>> -> memref<128x128xf32, #tpu.memory_space<hbm>>
      %dma_wait3A_27 = arith.constant 0 : i32
      %dma_wait3A_28 = tpu.memref_slice %arg16[%mul3A_17, %dma_wait3A_27] : memref<2048x128xf32, #tpu.memory_space<vmem_shared>> -> memref<128x128xf32, #tpu.memory_space<vmem_shared>>
      tpu.wait_dma2 semaphore(%run_scoped3A : memref<!tpu.dma_semaphore, #tpu.memory_space<semaphore_mem>>) src(%dma_wait3A_28 : memref<128x128xf32, #tpu.memory_space<vmem_shared>>) dst(%dma_wait3A_26 : memref<128x128xf32, #tpu.memory_space<hbm>>)
      tpu.yield
    }) : () -> ()
    return
  }
}

#map = affine_map<(d0, d1) -> (0, 0)>
#map1 = affine_map<(d0, d1) -> (0)>
module attributes {stable_mosaic.version = 14 : i64} {
  func.func @_sc_gather_body(%arg0: i32, %arg1: i32, %arg2: memref<10240x128xf32, #tpu.memory_space<hbm>>, %arg3: memref<2048xi32, #tpu.memory_space<hbm>>, %arg4: memref<2048x128xf32, #tpu.memory_space<hbm>>, %arg5: memref<64xi32, #tpu.memory_space<vmem>>, %arg6: memref<64x128xf32, #tpu.memory_space<vmem>>, %arg7: memref<!tpu.dma_semaphore, #tpu.memory_space<semaphore_mem>>) attributes {dimension_semantics = [#tpu.dimension_semantics<core_parallel>, #tpu.dimension_semantics<subcore_parallel>], iteration_bounds = array<i64: 2, 16>, scalar_prefetch = 0 : i64, scratch_operands = 3 : i64, tpu.core_type = #tpu.core_type<sc_vector_subcore>, window_params = [{transform_indices = #map}, {transform_indices = #map1}, {transform_indices = #map}]} {
    %mul3A = arith.constant 2 : i32
    %mul3A_0 = arith.muli %arg1, %mul3A : i32
    %add3A = arith.addi %mul3A_0, %arg0 : i32
    %mul3A_1 = arith.constant 64 : i32
    %mul3A_2 = arith.muli %add3A, %mul3A_1 : i32
    "tpu.region"() ({
      %run_scoped3A = tpu.sem_alloc : memref<!tpu.dma_semaphore, #tpu.memory_space<semaphore_mem>>
      %dma_start3A_7 = tpu.memref_slice %arg3[%mul3A_2] : memref<2048xi32, #tpu.memory_space<hbm>> -> memref<64xi32, #tpu.memory_space<hbm>>
      %dma_start3A_8 = tpu.memref_slice %arg3[%mul3A_2] : memref<2048xi32, #tpu.memory_space<hbm>> -> memref<64xi32, #tpu.memory_space<hbm>>
      tpu.enqueue_dma source(%dma_start3A_8 : memref<64xi32, #tpu.memory_space<hbm>>) target(%arg5 : memref<64xi32, #tpu.memory_space<vmem>>) target_semaphore(%run_scoped3A : memref<!tpu.dma_semaphore, #tpu.memory_space<semaphore_mem>>)
      %dma_wait3A_9 = tpu.memref_slice %arg3[%mul3A_2] : memref<2048xi32, #tpu.memory_space<hbm>> -> memref<64xi32, #tpu.memory_space<hbm>>
      %dma_wait3A_10 = tpu.memref_slice %arg3[%mul3A_2] : memref<2048xi32, #tpu.memory_space<hbm>> -> memref<64xi32, #tpu.memory_space<hbm>>
      tpu.wait_dma2 semaphore(%run_scoped3A : memref<!tpu.dma_semaphore, #tpu.memory_space<semaphore_mem>>) src(%dma_wait3A_10 : memref<64xi32, #tpu.memory_space<hbm>>) dst(%arg5 : memref<64xi32, #tpu.memory_space<vmem>>)
      tpu.yield
    }) : () -> ()
    %dma_start3A = arith.constant 0 : i32
    %dma_start3A_3 = arith.constant 0 : i32
    %dma_start3A_4 = tpu.memref_slice %arg2[%dma_start3A, %dma_start3A_3] : memref<10240x128xf32, #tpu.memory_space<hbm>> -> memref<10240x128xf32, #tpu.memory_space<hbm>>
    tpu.enqueue_indirect_dma source(%dma_start3A_4 : memref<10240x128xf32, #tpu.memory_space<hbm>>) target(%arg6 : memref<64x128xf32, #tpu.memory_space<vmem>>) offsets(%arg5 : memref<64xi32, #tpu.memory_space<vmem>>) semaphore(%arg7 : memref<!tpu.dma_semaphore, #tpu.memory_space<semaphore_mem>>)
    %dma_wait3A = arith.constant 0 : i32
    %dma_wait3A_5 = arith.constant 0 : i32
    %dma_wait3A_6 = tpu.memref_slice %arg2[%dma_wait3A, %dma_wait3A_5] : memref<10240x128xf32, #tpu.memory_space<hbm>> -> memref<10240x128xf32, #tpu.memory_space<hbm>>
    tpu.wait_indirect_dma semaphore(%arg7 : memref<!tpu.dma_semaphore, #tpu.memory_space<semaphore_mem>>) src(%dma_wait3A_6 : memref<10240x128xf32, #tpu.memory_space<hbm>>) dst(%arg6 : memref<64x128xf32, #tpu.memory_space<vmem>>)
    "tpu.region"() ({
      %run_scoped3A = tpu.sem_alloc : memref<!tpu.dma_semaphore, #tpu.memory_space<semaphore_mem>>
      %dma_start3A_7 = arith.constant 0 : i32
      %dma_start3A_8 = tpu.memref_slice %arg4[%mul3A_2, %dma_start3A_7] : memref<2048x128xf32, #tpu.memory_space<hbm>> -> memref<64x128xf32, #tpu.memory_space<hbm>>
      %dma_start3A_9 = arith.constant 0 : i32
      %dma_start3A_10 = tpu.memref_slice %arg4[%mul3A_2, %dma_start3A_9] : memref<2048x128xf32, #tpu.memory_space<hbm>> -> memref<64x128xf32, #tpu.memory_space<hbm>>
      tpu.enqueue_dma source(%arg6 : memref<64x128xf32, #tpu.memory_space<vmem>>) target(%dma_start3A_10 : memref<64x128xf32, #tpu.memory_space<hbm>>) target_semaphore(%run_scoped3A : memref<!tpu.dma_semaphore, #tpu.memory_space<semaphore_mem>>)
      %dma_wait3A_11 = arith.constant 0 : i32
      %dma_wait3A_12 = tpu.memref_slice %arg4[%mul3A_2, %dma_wait3A_11] : memref<2048x128xf32, #tpu.memory_space<hbm>> -> memref<64x128xf32, #tpu.memory_space<hbm>>
      %dma_wait3A_13 = arith.constant 0 : i32
      %dma_wait3A_14 = tpu.memref_slice %arg4[%mul3A_2, %dma_wait3A_13] : memref<2048x128xf32, #tpu.memory_space<hbm>> -> memref<64x128xf32, #tpu.memory_space<hbm>>
      tpu.wait_dma2 semaphore(%run_scoped3A : memref<!tpu.dma_semaphore, #tpu.memory_space<semaphore_mem>>) src(%arg6 : memref<64x128xf32, #tpu.memory_space<vmem>>) dst(%dma_wait3A_14 : memref<64x128xf32, #tpu.memory_space<hbm>>)
      tpu.yield
    }) : () -> ()
    return
  }
}

module attributes {stable_mosaic.version = 14 : i64} {
  func.func @_m4_body(%arg0: i32, %arg1: i32, %arg2: memref<1024x256xf32, #tpu.memory_space<vmem>>, %arg3: memref<256x128xf32, #tpu.memory_space<vmem>>, %arg4: memref<1024x1xf32, #tpu.memory_space<vmem>>, %arg5: memref<1024x128xf32, #tpu.memory_space<vmem>>) attributes {dimension_semantics = [#tpu.dimension_semantics<arbitrary>, #tpu.dimension_semantics<arbitrary>], iteration_bounds = array<i64: 10, 2>, scalar_prefetch = 0 : i64, scratch_operands = 0 : i64, tpu.core_type = #tpu.core_type<tc>, window_params = [{transform_indices = @transform_0, window_bounds = array<i64: 1024, 256>}, {transform_indices = @transform_1, window_bounds = array<i64: 256, 128>}, {transform_indices = @transform_2, window_bounds = array<i64: 1024, 1>}, {transform_indices = @transform_3, window_bounds = array<i64: 1024, 128>}]} {
    %get3A = arith.constant 0 : index
    %get3A_0 = arith.constant 0 : index
    %get3A_1 = vector.load %arg2[%get3A, %get3A_0] : memref<1024x256xf32, #tpu.memory_space<vmem>>, vector<1024x256xf32>
    %get3A_2 = arith.constant 0 : index
    %get3A_3 = arith.constant 0 : index
    %get3A_4 = vector.load %arg3[%get3A_2, %get3A_3] : memref<256x128xf32, #tpu.memory_space<vmem>>, vector<256x128xf32>
    %dot_general3A = arith.constant dense<0.000000e+00> : vector<1024x128xf32>
    %dot_general3A_5 = tpu.matmul %get3A_1, %get3A_4, %dot_general3A {dimension_numbers = #tpu.dot_dimension_numbers<[1], [0], [0], [1], [0, 0, 1, 1], [], []>, transpose_lhs_hint = false} : vector<1024x256xf32>, vector<256x128xf32>, vector<1024x128xf32> -> vector<1024x128xf32>
    %get3A_6 = arith.constant 0 : index
    %get3A_7 = arith.constant 0 : index
    %get3A_8 = vector.load %arg4[%get3A_6, %get3A_7] : memref<1024x1xf32, #tpu.memory_space<vmem>>, vector<1024x1xf32>
    %mul3A = vector.broadcast %get3A_8 : vector<1024x1xf32> to vector<1024x128xf32>
    %mul3A_9 = arith.mulf %dot_general3A_5, %mul3A : vector<1024x128xf32>
    %swap3A = arith.constant 0 : index
    %swap3A_10 = arith.constant 0 : index
    %swap3A_11 = vector.load %arg5[%swap3A, %swap3A_10] : memref<1024x128xf32, #tpu.memory_space<vmem>>, vector<1024x128xf32>
    tpu.vector_store %arg5[%swap3A, %swap3A_10], %mul3A_9 {strides = array<i32>} : memref<1024x128xf32, #tpu.memory_space<vmem>>, vector<1024x128xf32>,
    return
  }
  func.func @transform_0(%arg0: i32, %arg1: i32) -> (i32, i32) {
    %c0_i32 = arith.constant 0 : i32
    %c0_i32_0 = arith.constant 0 : i32
    return %arg0, %c0_i32 : i32, i32
  }
  func.func @transform_1(%arg0: i32, %arg1: i32) -> (i32, i32) {
    %c0_i32 = arith.constant 0 : i32
    %c0_i32_0 = arith.constant 0 : i32
    return %c0_i32, %arg1 : i32, i32
  }
  func.func @transform_2(%arg0: i32, %arg1: i32) -> (i32, i32) {
    %c0_i32 = arith.constant 0 : i32
    %c0_i32_0 = arith.constant 0 : i32
    return %arg0, %c0_i32 : i32, i32
  }
  func.func @transform_3(%arg0: i32, %arg1: i32) -> (i32, i32) {
    %mul3A = arith.constant 10 : i32
    %mul3A_0 = arith.muli %mul3A, %arg1 : i32
    %add3A = arith.addi %arg0, %mul3A_0 : i32
    %c0_i32 = arith.constant 0 : i32
    %c0_i32_1 = arith.constant 0 : i32
    return %add3A, %c0_i32 : i32, i32
  }
}

module attributes {stable_mosaic.version = 14 : i64} {
  func.func @_m5_body(%arg0: i32, %arg1: memref<1024x128xf32, #tpu.memory_space<vmem>>, %arg2: memref<1024x128xf32, #tpu.memory_space<vmem>>, %arg3: memref<1024x1xf32, #tpu.memory_space<vmem>>) attributes {dimension_semantics = [#tpu.dimension_semantics<arbitrary>], iteration_bounds = array<i64: 10>, scalar_prefetch = 0 : i64, scratch_operands = 0 : i64, tpu.core_type = #tpu.core_type<tc>, window_params = [{transform_indices = @transform_0, window_bounds = array<i64: 1024, 128>}, {transform_indices = @transform_1, window_bounds = array<i64: 1024, 128>}, {transform_indices = @transform_2, window_bounds = array<i64: 1024, 1>}]} {
    %get3A = arith.constant 0 : index
    %get3A_0 = arith.constant 0 : index
    %get3A_1 = vector.load %arg1[%get3A, %get3A_0] : memref<1024x128xf32, #tpu.memory_space<vmem>>, vector<1024x1xf32>
    %get3A_2 = arith.constant 0 : index
    %get3A_3 = arith.constant 0 : index
    %get3A_4 = vector.load %arg2[%get3A_2, %get3A_3] : memref<1024x128xf32, #tpu.memory_space<vmem>>, vector<1024x1xf32>
    %add3A = arith.addf %get3A_1, %get3A_4 : vector<1024x1xf32>
    %add3A_5 = arith.constant 1.000000e+00 : f32
    %add3A_6 = vector.broadcast %add3A_5 : f32 to vector<1024x1xf32>
    %add3A_7 = arith.addf %add3A, %add3A_6 : vector<1024x1xf32>
    %rsqrt3A = math.rsqrt %add3A_7 : vector<1024x1xf32>
    %swap3A = arith.constant 0 : index
    %swap3A_8 = arith.constant 0 : index
    %swap3A_9 = vector.load %arg3[%swap3A, %swap3A_8] : memref<1024x1xf32, #tpu.memory_space<vmem>>, vector<1024x1xf32>
    tpu.vector_store %arg3[%swap3A, %swap3A_8], %rsqrt3A {strides = array<i32>} : memref<1024x1xf32, #tpu.memory_space<vmem>>, vector<1024x1xf32>,
    return
  }
  func.func @transform_0(%arg0: i32) -> (i32, i32) {
    %c0_i32 = arith.constant 0 : i32
    %c0_i32_0 = arith.constant 0 : i32
    return %arg0, %c0_i32 : i32, i32
  }
  func.func @transform_1(%arg0: i32) -> (i32, i32) {
    %add3A = arith.constant 10 : i32
    %add3A_0 = arith.addi %arg0, %add3A : i32
    %c0_i32 = arith.constant 0 : i32
    %c0_i32_1 = arith.constant 0 : i32
    return %add3A_0, %c0_i32 : i32, i32
  }
  func.func @transform_2(%arg0: i32) -> (i32, i32) {
    %c0_i32 = arith.constant 0 : i32
    %c0_i32_0 = arith.constant 0 : i32
    return %arg0, %c0_i32 : i32, i32
  }
}

module attributes {stable_mosaic.version = 14 : i64} {
  func.func @_mf1_body(%arg0: i32, %arg1: i32, %arg2: memref<512x256xf32, #tpu.memory_space<vmem>>, %arg3: memref<256x256xf32, #tpu.memory_space<vmem>>, %arg4: memref<256x1xf32, #tpu.memory_space<vmem>>, %arg5: memref<256x1xf32, #tpu.memory_space<vmem>>, %arg6: memref<512x128xf32, #tpu.memory_space<vmem>>, %arg7: memref<512x128xf32, #tpu.memory_space<vmem>>, %arg8: memref<512x128xf32, #tpu.memory_space<vmem>>, %arg9: memref<512x128xf32, #tpu.memory_space<vmem>>) attributes {dimension_semantics = [#tpu.dimension_semantics<arbitrary>, #tpu.dimension_semantics<arbitrary>], iteration_bounds = array<i64: 4, 4>, scalar_prefetch = 0 : i64, scratch_operands = 0 : i64, tpu.core_type = #tpu.core_type<tc>, window_params = [{transform_indices = @transform_0, window_bounds = array<i64: 512, 256>}, {transform_indices = @transform_1, window_bounds = array<i64: 256, 256>}, {transform_indices = @transform_2, window_bounds = array<i64: 256, 1>}, {transform_indices = @transform_3, window_bounds = array<i64: 256, 1>}, {transform_indices = @transform_4, window_bounds = array<i64: 512, 128>}, {transform_indices = @transform_5, window_bounds = array<i64: 512, 128>}, {transform_indices = @transform_6, window_bounds = array<i64: 512, 128>}, {transform_indices = @transform_7, window_bounds = array<i64: 512, 128>}]} {
    %get3A = arith.constant 0 : index
    %get3A_0 = arith.constant 0 : index
    %get3A_1 = vector.load %arg2[%get3A, %get3A_0] : memref<512x256xf32, #tpu.memory_space<vmem>>, vector<512x256xf32>
    %get3A_2 = arith.constant 0 : index
    %get3A_3 = arith.constant 0 : index
    %get3A_4 = vector.load %arg3[%get3A_2, %get3A_3] : memref<256x256xf32, #tpu.memory_space<vmem>>, vector<256x256xf32>
    %dot_general3A = arith.constant dense<0.000000e+00> : vector<512x256xf32>
    %dot_general3A_5 = tpu.matmul %get3A_1, %get3A_4, %dot_general3A {dimension_numbers = #tpu.dot_dimension_numbers<[1], [0], [0], [1], [0, 0, 1, 1], [], []>, transpose_lhs_hint = false} : vector<512x256xf32>, vector<256x256xf32>, vector<512x256xf32> -> vector<512x256xf32>
    %slice3A = vector.extract_strided_slice %dot_general3A_5 {offsets = [0, 0], sizes = [512, 128], strides = [1, 1]} : vector<512x256xf32> to vector<512x128xf32>
    %swap3A = arith.constant 0 : index
    %swap3A_6 = arith.constant 0 : index
    %swap3A_7 = vector.load %arg6[%swap3A, %swap3A_6] : memref<512x128xf32, #tpu.memory_space<vmem>>, vector<512x128xf32>
    tpu.vector_store %arg6[%swap3A, %swap3A_6], %slice3A {strides = array<i32>} : memref<512x128xf32, #tpu.memory_space<vmem>>, vector<512x128xf32>,
    %slice3A_8 = vector.extract_strided_slice %dot_general3A_5 {offsets = [0, 128], sizes = [512, 128], strides = [1, 1]} : vector<512x256xf32> to vector<512x128xf32>
    %swap3A_9 = arith.constant 0 : index
    %swap3A_10 = arith.constant 0 : index
    %swap3A_11 = vector.load %arg7[%swap3A_9, %swap3A_10] : memref<512x128xf32, #tpu.memory_space<vmem>>, vector<512x128xf32>
    tpu.vector_store %arg7[%swap3A_9, %swap3A_10], %slice3A_8 {strides = array<i32>} : memref<512x128xf32, #tpu.memory_space<vmem>>, vector<512x128xf32>,
    %get3A_12 = arith.constant 0 : index
    %get3A_13 = arith.constant 0 : index
    %get3A_14 = vector.load %arg4[%get3A_12, %get3A_13] : memref<256x1xf32, #tpu.memory_space<vmem>>, vector<256x1xf32>
    %dot_general3A_15 = arith.constant dense<0.000000e+00> : vector<512x1xf32>
    %dot_general3A_16 = tpu.matmul %dot_general3A_5, %get3A_14, %dot_general3A_15 {dimension_numbers = #tpu.dot_dimension_numbers<[1], [0], [0], [1], [0, 0, 1, 1], [], []>, transpose_lhs_hint = false} : vector<512x256xf32>, vector<256x1xf32>, vector<512x1xf32> -> vector<512x1xf32>
    %get3A_17 = arith.constant 0 : index
    %get3A_18 = arith.constant 0 : index
    %get3A_19 = vector.load %arg5[%get3A_17, %get3A_18] : memref<256x1xf32, #tpu.memory_space<vmem>>, vector<256x1xf32>
    %dot_general3A_20 = arith.constant dense<0.000000e+00> : vector<512x1xf32>
    %dot_general3A_21 = tpu.matmul %dot_general3A_5, %get3A_19, %dot_general3A_20 {dimension_numbers = #tpu.dot_dimension_numbers<[1], [0], [0], [1], [0, 0, 1, 1], [], []>, transpose_lhs_hint = false} : vector<512x256xf32>, vector<256x1xf32>, vector<512x1xf32> -> vector<512x1xf32>
    %broadcast_in_dim3A = vector.shape_cast %dot_general3A_16 : vector<512x1xf32> to vector<512x1xf32>
    %broadcast_in_dim3A_22 = vector.broadcast %broadcast_in_dim3A : vector<512x1xf32> to vector<512x128xf32>
    %swap3A_23 = arith.constant 0 : index
    %swap3A_24 = arith.constant 0 : index
    %swap3A_25 = vector.load %arg8[%swap3A_23, %swap3A_24] : memref<512x128xf32, #tpu.memory_space<vmem>>, vector<512x128xf32>
    tpu.vector_store %arg8[%swap3A_23, %swap3A_24], %broadcast_in_dim3A_22 {strides = array<i32>} : memref<512x128xf32, #tpu.memory_space<vmem>>, vector<512x128xf32>,
    %broadcast_in_dim3A_26 = vector.shape_cast %dot_general3A_21 : vector<512x1xf32> to vector<512x1xf32>
    %broadcast_in_dim3A_27 = vector.broadcast %broadcast_in_dim3A_26 : vector<512x1xf32> to vector<512x128xf32>
    %swap3A_28 = arith.constant 0 : index
    %swap3A_29 = arith.constant 0 : index
    %swap3A_30 = vector.load %arg9[%swap3A_28, %swap3A_29] : memref<512x128xf32, #tpu.memory_space<vmem>>, vector<512x128xf32>
    tpu.vector_store %arg9[%swap3A_28, %swap3A_29], %broadcast_in_dim3A_27 {strides = array<i32>} : memref<512x128xf32, #tpu.memory_space<vmem>>, vector<512x128xf32>,
    return
  }
  func.func @transform_0(%arg0: i32, %arg1: i32) -> (i32, i32) {
    %c0_i32 = arith.constant 0 : i32
    %c0_i32_0 = arith.constant 0 : i32
    return %arg0, %c0_i32 : i32, i32
  }
  func.func @transform_1(%arg0: i32, %arg1: i32) -> (i32, i32) {
    %c0_i32 = arith.constant 0 : i32
    %c0_i32_0 = arith.constant 0 : i32
    return %c0_i32, %arg1 : i32, i32
  }
  func.func @transform_2(%arg0: i32, %arg1: i32) -> (i32, i32) {
    %c0_i32 = arith.constant 0 : i32
    %c0_i32_0 = arith.constant 0 : i32
    return %arg1, %c0_i32 : i32, i32
  }
  func.func @transform_3(%arg0: i32, %arg1: i32) -> (i32, i32) {
    %c0_i32 = arith.constant 0 : i32
    %c0_i32_0 = arith.constant 0 : i32
    return %arg1, %c0_i32 : i32, i32
  }
  func.func @transform_4(%arg0: i32, %arg1: i32) -> (i32, i32) {
    %mul3A = arith.constant 4 : i32
    %mul3A_0 = arith.muli %mul3A, %arg1 : i32
    %add3A = arith.addi %arg0, %mul3A_0 : i32
    %c0_i32 = arith.constant 0 : i32
    %c0_i32_1 = arith.constant 0 : i32
    return %add3A, %c0_i32 : i32, i32
  }
  func.func @transform_5(%arg0: i32, %arg1: i32) -> (i32, i32) {
    %mul3A = arith.constant 4 : i32
    %mul3A_0 = arith.muli %mul3A, %arg1 : i32
    %add3A = arith.addi %arg0, %mul3A_0 : i32
    %c0_i32 = arith.constant 0 : i32
    %c0_i32_1 = arith.constant 0 : i32
    return %add3A, %c0_i32 : i32, i32
  }
  func.func @transform_6(%arg0: i32, %arg1: i32) -> (i32, i32) {
    %mul3A = arith.constant 4 : i32
    %mul3A_0 = arith.muli %mul3A, %arg1 : i32
    %add3A = arith.addi %arg0, %mul3A_0 : i32
    %c0_i32 = arith.constant 0 : i32
    %c0_i32_1 = arith.constant 0 : i32
    return %add3A, %c0_i32 : i32, i32
  }
  func.func @transform_7(%arg0: i32, %arg1: i32) -> (i32, i32) {
    %mul3A = arith.constant 4 : i32
    %mul3A_0 = arith.muli %mul3A, %arg1 : i32
    %add3A = arith.addi %arg0, %mul3A_0 : i32
    %c0_i32 = arith.constant 0 : i32
    %c0_i32_1 = arith.constant 0 : i32
    return %add3A, %c0_i32 : i32, i32
  }
}

module attributes {stable_mosaic.version = 14 : i64} {
  func.func @_m7_body(%arg0: i32, %arg1: memref<1024x128xf32, #tpu.memory_space<vmem>>, %arg2: memref<1024x128xf32, #tpu.memory_space<vmem>>, %arg3: memref<128x128xf32, #tpu.memory_space<vmem>>, %arg4: memref<128x128xf32, #tpu.memory_space<vmem>>, %arg5: memref<1024x1xf32, #tpu.memory_space<vmem>>, %arg6: memref<1024x128xf32, #tpu.memory_space<vmem>>) attributes {dimension_semantics = [#tpu.dimension_semantics<arbitrary>], iteration_bounds = array<i64: 10>, scalar_prefetch = 0 : i64, scratch_operands = 0 : i64, tpu.core_type = #tpu.core_type<tc>, window_params = [{transform_indices = @transform_0, window_bounds = array<i64: 1024, 128>}, {transform_indices = @transform_1, window_bounds = array<i64: 1024, 128>}, {pipeline_mode = #tpu.pipeline_mode<synchronous>, transform_indices = @transform_2, window_bounds = array<i64: 128, 128>}, {pipeline_mode = #tpu.pipeline_mode<synchronous>, transform_indices = @transform_3, window_bounds = array<i64: 128, 128>}, {transform_indices = @transform_4, window_bounds = array<i64: 1024, 1>}, {transform_indices = @transform_5, window_bounds = array<i64: 1024, 128>}]} {
    %get3A = arith.constant 0 : index
    %get3A_0 = arith.constant 0 : index
    %get3A_1 = vector.load %arg1[%get3A, %get3A_0] : memref<1024x128xf32, #tpu.memory_space<vmem>>, vector<1024x128xf32>
    %get3A_2 = arith.constant 0 : index
    %get3A_3 = arith.constant 0 : index
    %get3A_4 = vector.load %arg3[%get3A_2, %get3A_3] : memref<128x128xf32, #tpu.memory_space<vmem>>, vector<128x128xf32>
    %dot_general3A = arith.constant dense<0.000000e+00> : vector<1024x128xf32>
    %dot_general3A_5 = tpu.matmul %get3A_1, %get3A_4, %dot_general3A {dimension_numbers = #tpu.dot_dimension_numbers<[1], [0], [0], [1], [0, 0, 1, 1], [], []>, transpose_lhs_hint = false} : vector<1024x128xf32>, vector<128x128xf32>, vector<1024x128xf32> -> vector<1024x128xf32>
    %get3A_6 = arith.constant 0 : index
    %get3A_7 = arith.constant 0 : index
    %get3A_8 = vector.load %arg2[%get3A_6, %get3A_7] : memref<1024x128xf32, #tpu.memory_space<vmem>>, vector<1024x128xf32>
    %get3A_9 = arith.constant 0 : index
    %get3A_10 = arith.constant 0 : index
    %get3A_11 = vector.load %arg4[%get3A_9, %get3A_10] : memref<128x128xf32, #tpu.memory_space<vmem>>, vector<128x128xf32>
    %dot_general3A_12 = arith.constant dense<0.000000e+00> : vector<1024x128xf32>
    %dot_general3A_13 = tpu.matmul %get3A_8, %get3A_11, %dot_general3A_12 {dimension_numbers = #tpu.dot_dimension_numbers<[1], [0], [0], [1], [0, 0, 1, 1], [], []>, transpose_lhs_hint = false} : vector<1024x128xf32>, vector<128x128xf32>, vector<1024x128xf32> -> vector<1024x128xf32>
    %add3A = arith.addf %dot_general3A_5, %dot_general3A_13 : vector<1024x128xf32>
    %get3A_14 = arith.constant 0 : index
    %get3A_15 = arith.constant 0 : index
    %get3A_16 = vector.load %arg5[%get3A_14, %get3A_15] : memref<1024x1xf32, #tpu.memory_space<vmem>>, vector<1024x1xf32>
    %mul3A = vector.broadcast %get3A_16 : vector<1024x1xf32> to vector<1024x128xf32>
    %mul3A_17 = arith.mulf %add3A, %mul3A : vector<1024x128xf32>
    %swap3A = arith.constant 0 : index
    %swap3A_18 = arith.constant 0 : index
    %swap3A_19 = vector.load %arg6[%swap3A, %swap3A_18] : memref<1024x128xf32, #tpu.memory_space<vmem>>, vector<1024x128xf32>
    tpu.vector_store %arg6[%swap3A, %swap3A_18], %mul3A_17 {strides = array<i32>} : memref<1024x128xf32, #tpu.memory_space<vmem>>, vector<1024x128xf32>,
    return
  }
  func.func @transform_0(%arg0: i32) -> (i32, i32) {
    %c0_i32 = arith.constant 0 : i32
    %c0_i32_0 = arith.constant 0 : i32
    return %arg0, %c0_i32 : i32, i32
  }
  func.func @transform_1(%arg0: i32) -> (i32, i32) {
    %add3A = arith.constant 10 : i32
    %add3A_0 = arith.addi %arg0, %add3A : i32
    %c0_i32 = arith.constant 0 : i32
    %c0_i32_1 = arith.constant 0 : i32
    return %add3A_0, %c0_i32 : i32, i32
  }
  func.func @transform_2(%arg0: i32) -> (i32, i32) {
    %c0_i32 = arith.constant 0 : i32
    %c0_i32_0 = arith.constant 0 : i32
    %c0_i32_1 = arith.constant 0 : i32
    return %c0_i32, %c0_i32_0 : i32, i32
  }
  func.func @transform_3(%arg0: i32) -> (i32, i32) {
    %c0_i32 = arith.constant 0 : i32
    %c0_i32_0 = arith.constant 0 : i32
    %c0_i32_1 = arith.constant 0 : i32
    return %c0_i32, %c0_i32_0 : i32, i32
  }
  func.func @transform_4(%arg0: i32) -> (i32, i32) {
    %c0_i32 = arith.constant 0 : i32
    %c0_i32_0 = arith.constant 0 : i32
    return %arg0, %c0_i32 : i32, i32
  }
  func.func @transform_5(%arg0: i32) -> (i32, i32) {
    %c0_i32 = arith.constant 0 : i32
    %c0_i32_0 = arith.constant 0 : i32
    return %arg0, %c0_i32 : i32, i32
  }
}

module attributes {stable_mosaic.version = 14 : i64} {
  func.func @_m6_body(%arg0: i32, %arg1: i32, %arg2: memref<1024x128xf32, #tpu.memory_space<vmem>>, %arg3: memref<1024x128xf32, #tpu.memory_space<vmem>>, %arg4: memref<1024x1xf32, #tpu.memory_space<vmem>>, %arg5: memref<1024x128xf32, #tpu.memory_space<vmem>>) attributes {dimension_semantics = [#tpu.dimension_semantics<arbitrary>, #tpu.dimension_semantics<arbitrary>], iteration_bounds = array<i64: 10, 2>, scalar_prefetch = 0 : i64, scratch_operands = 0 : i64, tpu.core_type = #tpu.core_type<tc>, window_params = [{transform_indices = @transform_0, window_bounds = array<i64: 1024, 128>}, {transform_indices = @transform_1, window_bounds = array<i64: 1024, 128>}, {transform_indices = @transform_2, window_bounds = array<i64: 1024, 1>}, {transform_indices = @transform_3, window_bounds = array<i64: 1024, 128>}]} {
    %get3A = arith.constant 0 : index
    %get3A_0 = arith.constant 0 : index
    %get3A_1 = vector.load %arg4[%get3A, %get3A_0] : memref<1024x1xf32, #tpu.memory_space<vmem>>, vector<1024x1xf32>
    %get3A_2 = arith.constant 0 : index
    %get3A_3 = arith.constant 0 : index
    %get3A_4 = vector.load %arg2[%get3A_2, %get3A_3] : memref<1024x128xf32, #tpu.memory_space<vmem>>, vector<1024x128xf32>
    %mul3A = vector.broadcast %get3A_1 : vector<1024x1xf32> to vector<1024x128xf32>
    %mul3A_5 = arith.mulf %mul3A, %get3A_4 : vector<1024x128xf32>
    %get3A_6 = arith.constant 0 : index
    %get3A_7 = arith.constant 0 : index
    %get3A_8 = vector.load %arg3[%get3A_6, %get3A_7] : memref<1024x128xf32, #tpu.memory_space<vmem>>, vector<1024x128xf32>
    %mul3A_9 = vector.broadcast %get3A_1 : vector<1024x1xf32> to vector<1024x128xf32>
    %mul3A_10 = arith.mulf %get3A_8, %mul3A_9 : vector<1024x128xf32>
    %add3A = arith.addf %mul3A_5, %mul3A_10 : vector<1024x128xf32>
    %max3A = arith.constant 0.000000e+00 : f32
    %max3A_11 = vector.broadcast %max3A : f32 to vector<1024x128xf32>
    %max3A_12 = arith.maximumf %add3A, %max3A_11 : vector<1024x128xf32>
    %swap3A = arith.constant 0 : index
    %swap3A_13 = arith.constant 0 : index
    %swap3A_14 = vector.load %arg5[%swap3A, %swap3A_13] : memref<1024x128xf32, #tpu.memory_space<vmem>>, vector<1024x128xf32>
    tpu.vector_store %arg5[%swap3A, %swap3A_13], %max3A_12 {strides = array<i32>} : memref<1024x128xf32, #tpu.memory_space<vmem>>, vector<1024x128xf32>,
    return
  }
  func.func @transform_0(%arg0: i32, %arg1: i32) -> (i32, i32) {
    %mul3A = arith.constant 10 : i32
    %mul3A_0 = arith.muli %mul3A, %arg1 : i32
    %add3A = arith.addi %arg0, %mul3A_0 : i32
    %c0_i32 = arith.constant 0 : i32
    %c0_i32_1 = arith.constant 0 : i32
    return %add3A, %c0_i32 : i32, i32
  }
  func.func @transform_1(%arg0: i32, %arg1: i32) -> (i32, i32) {
    %mul3A = arith.constant 10 : i32
    %mul3A_0 = arith.muli %mul3A, %arg1 : i32
    %add3A = arith.addi %arg0, %mul3A_0 : i32
    %c0_i32 = arith.constant 0 : i32
    %c0_i32_1 = arith.constant 0 : i32
    return %add3A, %c0_i32 : i32, i32
  }
  func.func @transform_2(%arg0: i32, %arg1: i32) -> (i32, i32) {
    %c0_i32 = arith.constant 0 : i32
    %c0_i32_0 = arith.constant 0 : i32
    return %arg0, %c0_i32 : i32, i32
  }
  func.func @transform_3(%arg0: i32, %arg1: i32) -> (i32, i32) {
    %mul3A = arith.constant 10 : i32
    %mul3A_0 = arith.muli %mul3A, %arg1 : i32
    %add3A = arith.addi %arg0, %mul3A_0 : i32
    %c0_i32 = arith.constant 0 : i32
    %c0_i32_1 = arith.constant 0 : i32
    return %add3A, %c0_i32 : i32, i32
  }
}

module attributes {stable_mosaic.version = 14 : i64} {
  func.func @_m2_body(%arg0: i32, %arg1: memref<512x128xf32, #tpu.memory_space<vmem>>, %arg2: memref<512x128xf32, #tpu.memory_space<vmem>>, %arg3: memref<512x128xf32, #tpu.memory_space<vmem>>, %arg4: memref<512x128xf32, #tpu.memory_space<vmem>>, %arg5: memref<512x128xf32, #tpu.memory_space<vmem>>, %arg6: memref<512x128xf32, #tpu.memory_space<vmem>>, %arg7: memref<512x128xf32, #tpu.memory_space<vmem>>, %arg8: memref<512x128xf32, #tpu.memory_space<vmem>>, %arg9: memref<512x128xf32, #tpu.memory_space<vmem>>, %arg10: memref<512x128xf32, #tpu.memory_space<vmem>>, %arg11: memref<512x128xf32, #tpu.memory_space<vmem>>, %arg12: memref<512x128xf32, #tpu.memory_space<vmem>>, %arg13: memref<1024x128xf32, #tpu.memory_space<vmem>>, %arg14: memref<1024x1xf32, #tpu.memory_space<vmem>>, %arg15: memref<1024x1xf32, #tpu.memory_space<vmem>>, %arg16: memref<512x128xf32, #tpu.memory_space<vmem>>, %arg17: memref<512x128xf32, #tpu.memory_space<vmem>>, %arg18: memref<512x128xf32, #tpu.memory_space<vmem>>) attributes {dimension_semantics = [#tpu.dimension_semantics<arbitrary>], iteration_bounds = array<i64: 4>, scalar_prefetch = 0 : i64, scratch_operands = 0 : i64, tpu.core_type = #tpu.core_type<tc>, window_params = [{transform_indices = @transform_0, window_bounds = array<i64: 512, 128>}, {transform_indices = @transform_1, window_bounds = array<i64: 512, 128>}, {transform_indices = @transform_2, window_bounds = array<i64: 512, 128>}, {transform_indices = @transform_3, window_bounds = array<i64: 512, 128>}, {transform_indices = @transform_4, window_bounds = array<i64: 512, 128>}, {transform_indices = @transform_5, window_bounds = array<i64: 512, 128>}, {transform_indices = @transform_6, window_bounds = array<i64: 512, 128>}, {transform_indices = @transform_7, window_bounds = array<i64: 512, 128>}, {transform_indices = @transform_8, window_bounds = array<i64: 512, 128>}, {transform_indices = @transform_9, window_bounds = array<i64: 512, 128>}, {transform_indices = @transform_10, window_bounds = array<i64: 512, 128>}, {transform_indices = @transform_11, window_bounds = array<i64: 512, 128>}, {pipeline_mode = #tpu.pipeline_mode<synchronous>, transform_indices = @transform_12, window_bounds = array<i64: 1024, 128>}, {pipeline_mode = #tpu.pipeline_mode<synchronous>, transform_indices = @transform_13, window_bounds = array<i64: 1024, 1>}, {pipeline_mode = #tpu.pipeline_mode<synchronous>, transform_indices = @transform_14, window_bounds = array<i64: 1024, 1>}, {transform_indices = @transform_15, window_bounds = array<i64: 512, 128>}, {transform_indices = @transform_16, window_bounds = array<i64: 512, 128>}, {transform_indices = @transform_17, window_bounds = array<i64: 512, 128>}]} {
    %get3A = arith.constant 0 : index
    %get3A_0 = arith.constant 0 : index
    %get3A_1 = vector.load %arg9[%get3A, %get3A_0] : memref<512x128xf32, #tpu.memory_space<vmem>>, vector<512x1xf32>
    %add3A = arith.constant 9.99999971E-10 : f32
    %add3A_2 = vector.broadcast %add3A : f32 to vector<512x1xf32>
    %add3A_3 = arith.addf %get3A_1, %add3A_2 : vector<512x1xf32>
    %div3A = arith.constant 1.000000e+00 : f32
    %div3A_4 = vector.broadcast %div3A : f32 to vector<512x1xf32>
    %div3A_5 = arith.divf %div3A_4, %add3A_3 : vector<512x1xf32>
    %get3A_6 = arith.constant 0 : index
    %get3A_7 = arith.constant 0 : index
    %get3A_8 = vector.load %arg1[%get3A_6, %get3A_7] : memref<512x128xf32, #tpu.memory_space<vmem>>, vector<512x128xf32>
    %mul3A = vector.broadcast %div3A_5 : vector<512x1xf32> to vector<512x128xf32>
    %mul3A_9 = arith.mulf %get3A_8, %mul3A : vector<512x128xf32>
    %max3A = arith.constant 0.000000e+00 : f32
    %max3A_10 = vector.broadcast %max3A : f32 to vector<512x128xf32>
    %max3A_11 = arith.maximumf %mul3A_9, %max3A_10 : vector<512x128xf32>
    %get3A_12 = arith.constant 0 : index
    %get3A_13 = arith.constant 0 : index
    %get3A_14 = vector.load %arg5[%get3A_12, %get3A_13] : memref<512x128xf32, #tpu.memory_space<vmem>>, vector<512x128xf32>
    %mul3A_15 = vector.broadcast %div3A_5 : vector<512x1xf32> to vector<512x128xf32>
    %mul3A_16 = arith.mulf %get3A_14, %mul3A_15 : vector<512x128xf32>
    %max3A_17 = arith.constant 0.000000e+00 : f32
    %max3A_18 = vector.broadcast %max3A_17 : f32 to vector<512x128xf32>
    %max3A_19 = arith.maximumf %mul3A_16, %max3A_18 : vector<512x128xf32>
    %get3A_20 = arith.constant 0 : index
    %get3A_21 = arith.constant 0 : index
    %get3A_22 = vector.load %arg10[%get3A_20, %get3A_21] : memref<512x128xf32, #tpu.memory_space<vmem>>, vector<512x1xf32>
    %add3A_23 = arith.constant 9.99999971E-10 : f32
    %add3A_24 = vector.broadcast %add3A_23 : f32 to vector<512x1xf32>
    %add3A_25 = arith.addf %get3A_22, %add3A_24 : vector<512x1xf32>
    %div3A_26 = arith.constant 1.000000e+00 : f32
    %div3A_27 = vector.broadcast %div3A_26 : f32 to vector<512x1xf32>
    %div3A_28 = arith.divf %div3A_27, %add3A_25 : vector<512x1xf32>
    %get3A_29 = arith.constant 0 : index
    %get3A_30 = arith.constant 0 : index
    %get3A_31 = vector.load %arg2[%get3A_29, %get3A_30] : memref<512x128xf32, #tpu.memory_space<vmem>>, vector<512x128xf32>
    %mul3A_32 = vector.broadcast %div3A_28 : vector<512x1xf32> to vector<512x128xf32>
    %mul3A_33 = arith.mulf %get3A_31, %mul3A_32 : vector<512x128xf32>
    %max3A_34 = arith.constant 0.000000e+00 : f32
    %max3A_35 = vector.broadcast %max3A_34 : f32 to vector<512x128xf32>
    %max3A_36 = arith.maximumf %mul3A_33, %max3A_35 : vector<512x128xf32>
    %get3A_37 = arith.constant 0 : index
    %get3A_38 = arith.constant 0 : index
    %get3A_39 = vector.load %arg6[%get3A_37, %get3A_38] : memref<512x128xf32, #tpu.memory_space<vmem>>, vector<512x128xf32>
    %mul3A_40 = vector.broadcast %div3A_28 : vector<512x1xf32> to vector<512x128xf32>
    %mul3A_41 = arith.mulf %get3A_39, %mul3A_40 : vector<512x128xf32>
    %max3A_42 = arith.constant 0.000000e+00 : f32
    %max3A_43 = vector.broadcast %max3A_42 : f32 to vector<512x128xf32>
    %max3A_44 = arith.maximumf %mul3A_41, %max3A_43 : vector<512x128xf32>
    %get3A_45 = arith.constant 0 : index
    %get3A_46 = arith.constant 0 : index
    %get3A_47 = vector.load %arg11[%get3A_45, %get3A_46] : memref<512x128xf32, #tpu.memory_space<vmem>>, vector<512x1xf32>
    %add3A_48 = arith.constant 9.99999971E-10 : f32
    %add3A_49 = vector.broadcast %add3A_48 : f32 to vector<512x1xf32>
    %add3A_50 = arith.addf %get3A_47, %add3A_49 : vector<512x1xf32>
    %div3A_51 = arith.constant 1.000000e+00 : f32
    %div3A_52 = vector.broadcast %div3A_51 : f32 to vector<512x1xf32>
    %div3A_53 = arith.divf %div3A_52, %add3A_50 : vector<512x1xf32>
    %get3A_54 = arith.constant 0 : index
    %get3A_55 = arith.constant 0 : index
    %get3A_56 = vector.load %arg3[%get3A_54, %get3A_55] : memref<512x128xf32, #tpu.memory_space<vmem>>, vector<512x128xf32>
    %mul3A_57 = vector.broadcast %div3A_53 : vector<512x1xf32> to vector<512x128xf32>
    %mul3A_58 = arith.mulf %get3A_56, %mul3A_57 : vector<512x128xf32>
    %max3A_59 = arith.constant 0.000000e+00 : f32
    %max3A_60 = vector.broadcast %max3A_59 : f32 to vector<512x128xf32>
    %max3A_61 = arith.maximumf %mul3A_58, %max3A_60 : vector<512x128xf32>
    %get3A_62 = arith.constant 0 : index
    %get3A_63 = arith.constant 0 : index
    %get3A_64 = vector.load %arg7[%get3A_62, %get3A_63] : memref<512x128xf32, #tpu.memory_space<vmem>>, vector<512x128xf32>
    %mul3A_65 = vector.broadcast %div3A_53 : vector<512x1xf32> to vector<512x128xf32>
    %mul3A_66 = arith.mulf %get3A_64, %mul3A_65 : vector<512x128xf32>
    %max3A_67 = arith.constant 0.000000e+00 : f32
    %max3A_68 = vector.broadcast %max3A_67 : f32 to vector<512x128xf32>
    %max3A_69 = arith.maximumf %mul3A_66, %max3A_68 : vector<512x128xf32>
    %get3A_70 = arith.constant 0 : index
    %get3A_71 = arith.constant 0 : index
    %get3A_72 = vector.load %arg12[%get3A_70, %get3A_71] : memref<512x128xf32, #tpu.memory_space<vmem>>, vector<512x1xf32>
    %add3A_73 = arith.constant 9.99999971E-10 : f32
    %add3A_74 = vector.broadcast %add3A_73 : f32 to vector<512x1xf32>
    %add3A_75 = arith.addf %get3A_72, %add3A_74 : vector<512x1xf32>
    %div3A_76 = arith.constant 1.000000e+00 : f32
    %div3A_77 = vector.broadcast %div3A_76 : f32 to vector<512x1xf32>
    %div3A_78 = arith.divf %div3A_77, %add3A_75 : vector<512x1xf32>
    %get3A_79 = arith.constant 0 : index
    %get3A_80 = arith.constant 0 : index
    %get3A_81 = vector.load %arg4[%get3A_79, %get3A_80] : memref<512x128xf32, #tpu.memory_space<vmem>>, vector<512x128xf32>
    %mul3A_82 = vector.broadcast %div3A_78 : vector<512x1xf32> to vector<512x128xf32>
    %mul3A_83 = arith.mulf %get3A_81, %mul3A_82 : vector<512x128xf32>
    %max3A_84 = arith.constant 0.000000e+00 : f32
    %max3A_85 = vector.broadcast %max3A_84 : f32 to vector<512x128xf32>
    %max3A_86 = arith.maximumf %mul3A_83, %max3A_85 : vector<512x128xf32>
    %get3A_87 = arith.constant 0 : index
    %get3A_88 = arith.constant 0 : index
    %get3A_89 = vector.load %arg8[%get3A_87, %get3A_88] : memref<512x128xf32, #tpu.memory_space<vmem>>, vector<512x128xf32>
    %mul3A_90 = vector.broadcast %div3A_78 : vector<512x1xf32> to vector<512x128xf32>
    %mul3A_91 = arith.mulf %get3A_89, %mul3A_90 : vector<512x128xf32>
    %max3A_92 = arith.constant 0.000000e+00 : f32
    %max3A_93 = vector.broadcast %max3A_92 : f32 to vector<512x128xf32>
    %max3A_94 = arith.maximumf %mul3A_91, %max3A_93 : vector<512x128xf32>
    %concatenate3A = tpu.concatenate %max3A_11, %max3A_19, %max3A_36, %max3A_44, %max3A_61, %max3A_69, %max3A_86, %max3A_94 in 1 : vector<512x128xf32>, vector<512x128xf32>, vector<512x128xf32>, vector<512x128xf32>, vector<512x128xf32>, vector<512x128xf32>, vector<512x128xf32>, vector<512x128xf32> -> vector<512x1024xf32>
    %get3A_95 = arith.constant 0 : index
    %get3A_96 = arith.constant 0 : index
    %get3A_97 = vector.load %arg13[%get3A_95, %get3A_96] : memref<1024x128xf32, #tpu.memory_space<vmem>>, vector<1024x128xf32>
    %dot_general3A = arith.constant dense<0.000000e+00> : vector<512x128xf32>
    %dot_general3A_98 = tpu.matmul %concatenate3A, %get3A_97, %dot_general3A {dimension_numbers = #tpu.dot_dimension_numbers<[1], [0], [0], [1], [0, 0, 1, 1], [], []>, transpose_lhs_hint = false} : vector<512x1024xf32>, vector<1024x128xf32>, vector<512x128xf32> -> vector<512x128xf32>
    %swap3A = arith.constant 0 : index
    %swap3A_99 = arith.constant 0 : index
    %swap3A_100 = vector.load %arg16[%swap3A, %swap3A_99] : memref<512x128xf32, #tpu.memory_space<vmem>>, vector<512x128xf32>
    tpu.vector_store %arg16[%swap3A, %swap3A_99], %dot_general3A_98 {strides = array<i32>} : memref<512x128xf32, #tpu.memory_space<vmem>>, vector<512x128xf32>,
    %get3A_101 = arith.constant 0 : index
    %get3A_102 = arith.constant 0 : index
    %get3A_103 = vector.load %arg14[%get3A_101, %get3A_102] : memref<1024x1xf32, #tpu.memory_space<vmem>>, vector<1024x1xf32>
    %dot_general3A_104 = arith.constant dense<0.000000e+00> : vector<512x1xf32>
    %dot_general3A_105 = tpu.matmul %concatenate3A, %get3A_103, %dot_general3A_104 {dimension_numbers = #tpu.dot_dimension_numbers<[1], [0], [0], [1], [0, 0, 1, 1], [], []>, transpose_lhs_hint = false} : vector<512x1024xf32>, vector<1024x1xf32>, vector<512x1xf32> -> vector<512x1xf32>
    %get3A_106 = arith.constant 0 : index
    %get3A_107 = arith.constant 0 : index
    %get3A_108 = vector.load %arg15[%get3A_106, %get3A_107] : memref<1024x1xf32, #tpu.memory_space<vmem>>, vector<1024x1xf32>
    %dot_general3A_109 = arith.constant dense<0.000000e+00> : vector<512x1xf32>
    %dot_general3A_110 = tpu.matmul %concatenate3A, %get3A_108, %dot_general3A_109 {dimension_numbers = #tpu.dot_dimension_numbers<[1], [0], [0], [1], [0, 0, 1, 1], [], []>, transpose_lhs_hint = false} : vector<512x1024xf32>, vector<1024x1xf32>, vector<512x1xf32> -> vector<512x1xf32>
    %broadcast_in_dim3A = vector.shape_cast %dot_general3A_105 : vector<512x1xf32> to vector<512x1xf32>
    %broadcast_in_dim3A_111 = vector.broadcast %broadcast_in_dim3A : vector<512x1xf32> to vector<512x128xf32>
    %swap3A_112 = arith.constant 0 : index
    %swap3A_113 = arith.constant 0 : index
    %swap3A_114 = vector.load %arg17[%swap3A_112, %swap3A_113] : memref<512x128xf32, #tpu.memory_space<vmem>>, vector<512x128xf32>
    tpu.vector_store %arg17[%swap3A_112, %swap3A_113], %broadcast_in_dim3A_111 {strides = array<i32>} : memref<512x128xf32, #tpu.memory_space<vmem>>, vector<512x128xf32>,
    %broadcast_in_dim3A_115 = vector.shape_cast %dot_general3A_110 : vector<512x1xf32> to vector<512x1xf32>
    %broadcast_in_dim3A_116 = vector.broadcast %broadcast_in_dim3A_115 : vector<512x1xf32> to vector<512x128xf32>
    %swap3A_117 = arith.constant 0 : index
    %swap3A_118 = arith.constant 0 : index
    %swap3A_119 = vector.load %arg18[%swap3A_117, %swap3A_118] : memref<512x128xf32, #tpu.memory_space<vmem>>, vector<512x128xf32>
    tpu.vector_store %arg18[%swap3A_117, %swap3A_118], %broadcast_in_dim3A_116 {strides = array<i32>} : memref<512x128xf32, #tpu.memory_space<vmem>>, vector<512x128xf32>,
    return
  }
  func.func @transform_0(%arg0: i32) -> (i32, i32) {
    %add3A = arith.constant 0 : i32
    %add3A_0 = arith.addi %arg0, %add3A : i32
    %c0_i32 = arith.constant 0 : i32
    %c0_i32_1 = arith.constant 0 : i32
    return %add3A_0, %c0_i32 : i32, i32
  }
  func.func @transform_1(%arg0: i32) -> (i32, i32) {
    %add3A = arith.constant 0 : i32
    %add3A_0 = arith.addi %arg0, %add3A : i32
    %c0_i32 = arith.constant 0 : i32
    %c0_i32_1 = arith.constant 0 : i32
    return %add3A_0, %c0_i32 : i32, i32
  }
  func.func @transform_2(%arg0: i32) -> (i32, i32) {
    %add3A = arith.constant 4 : i32
    %add3A_0 = arith.addi %arg0, %add3A : i32
    %c0_i32 = arith.constant 0 : i32
    %c0_i32_1 = arith.constant 0 : i32
    return %add3A_0, %c0_i32 : i32, i32
  }
  func.func @transform_3(%arg0: i32) -> (i32, i32) {
    %add3A = arith.constant 4 : i32
    %add3A_0 = arith.addi %arg0, %add3A : i32
    %c0_i32 = arith.constant 0 : i32
    %c0_i32_1 = arith.constant 0 : i32
    return %add3A_0, %c0_i32 : i32, i32
  }
  func.func @transform_4(%arg0: i32) -> (i32, i32) {
    %add3A = arith.constant 0 : i32
    %add3A_0 = arith.addi %arg0, %add3A : i32
    %c0_i32 = arith.constant 0 : i32
    %c0_i32_1 = arith.constant 0 : i32
    return %add3A_0, %c0_i32 : i32, i32
  }
  func.func @transform_5(%arg0: i32) -> (i32, i32) {
    %add3A = arith.constant 0 : i32
    %add3A_0 = arith.addi %arg0, %add3A : i32
    %c0_i32 = arith.constant 0 : i32
    %c0_i32_1 = arith.constant 0 : i32
    return %add3A_0, %c0_i32 : i32, i32
  }
  func.func @transform_6(%arg0: i32) -> (i32, i32) {
    %add3A = arith.constant 4 : i32
    %add3A_0 = arith.addi %arg0, %add3A : i32
    %c0_i32 = arith.constant 0 : i32
    %c0_i32_1 = arith.constant 0 : i32
    return %add3A_0, %c0_i32 : i32, i32
  }
  func.func @transform_7(%arg0: i32) -> (i32, i32) {
    %add3A = arith.constant 4 : i32
    %add3A_0 = arith.addi %arg0, %add3A : i32
    %c0_i32 = arith.constant 0 : i32
    %c0_i32_1 = arith.constant 0 : i32
    return %add3A_0, %c0_i32 : i32, i32
  }
  func.func @transform_8(%arg0: i32) -> (i32, i32) {
    %add3A = arith.constant 0 : i32
    %add3A_0 = arith.addi %arg0, %add3A : i32
    %c0_i32 = arith.constant 0 : i32
    %c0_i32_1 = arith.constant 0 : i32
    return %add3A_0, %c0_i32 : i32, i32
  }
  func.func @transform_9(%arg0: i32) -> (i32, i32) {
    %add3A = arith.constant 0 : i32
    %add3A_0 = arith.addi %arg0, %add3A : i32
    %c0_i32 = arith.constant 0 : i32
    %c0_i32_1 = arith.constant 0 : i32
    return %add3A_0, %c0_i32 : i32, i32
  }
  func.func @transform_10(%arg0: i32) -> (i32, i32) {
    %add3A = arith.constant 4 : i32
    %add3A_0 = arith.addi %arg0, %add3A : i32
    %c0_i32 = arith.constant 0 : i32
    %c0_i32_1 = arith.constant 0 : i32
    return %add3A_0, %c0_i32 : i32, i32
  }
  func.func @transform_11(%arg0: i32) -> (i32, i32) {
    %add3A = arith.constant 4 : i32
    %add3A_0 = arith.addi %arg0, %add3A : i32
    %c0_i32 = arith.constant 0 : i32
    %c0_i32_1 = arith.constant 0 : i32
    return %add3A_0, %c0_i32 : i32, i32
  }
  func.func @transform_12(%arg0: i32) -> (i32, i32) {
    %c0_i32 = arith.constant 0 : i32
    %c0_i32_0 = arith.constant 0 : i32
    %c0_i32_1 = arith.constant 0 : i32
    return %c0_i32, %c0_i32_0 : i32, i32
  }
  func.func @transform_13(%arg0: i32) -> (i32, i32) {
    %c0_i32 = arith.constant 0 : i32
    %c0_i32_0 = arith.constant 0 : i32
    %c0_i32_1 = arith.constant 0 : i32
    return %c0_i32, %c0_i32_0 : i32, i32
  }
  func.func @transform_14(%arg0: i32) -> (i32, i32) {
    %c0_i32 = arith.constant 0 : i32
    %c0_i32_0 = arith.constant 0 : i32
    %c0_i32_1 = arith.constant 0 : i32
    return %c0_i32, %c0_i32_0 : i32, i32
  }
  func.func @transform_15(%arg0: i32) -> (i32, i32) {
    %c0_i32 = arith.constant 0 : i32
    %c0_i32_0 = arith.constant 0 : i32
    return %arg0, %c0_i32 : i32, i32
  }
  func.func @transform_16(%arg0: i32) -> (i32, i32) {
    %c0_i32 = arith.constant 0 : i32
    %c0_i32_0 = arith.constant 0 : i32
    return %arg0, %c0_i32 : i32, i32
  }
  func.func @transform_17(%arg0: i32) -> (i32, i32) {
    %c0_i32 = arith.constant 0 : i32
    %c0_i32_0 = arith.constant 0 : i32
    return %arg0, %c0_i32 : i32, i32
  }
}

module attributes {stable_mosaic.version = 14 : i64} {
  func.func @_m8_body(%arg0: i32, %arg1: memref<1024x128xf32, #tpu.memory_space<vmem>>, %arg2: memref<1024x128xf32, #tpu.memory_space<vmem>>, %arg3: memref<1024x128xf32, #tpu.memory_space<vmem>>, %arg4: memref<1024x1xf32, #tpu.memory_space<vmem>>, %arg5: memref<1024x128xf32, #tpu.memory_space<vmem>>) attributes {dimension_semantics = [#tpu.dimension_semantics<arbitrary>], iteration_bounds = array<i64: 10>, scalar_prefetch = 0 : i64, scratch_operands = 0 : i64, tpu.core_type = #tpu.core_type<tc>, window_params = [{transform_indices = @transform_0, window_bounds = array<i64: 1024, 128>}, {transform_indices = @transform_1, window_bounds = array<i64: 1024, 128>}, {transform_indices = @transform_2, window_bounds = array<i64: 1024, 128>}, {transform_indices = @transform_3, window_bounds = array<i64: 1024, 1>}, {transform_indices = @transform_4, window_bounds = array<i64: 1024, 128>}]} {
    %get3A = arith.constant 0 : index
    %get3A_0 = arith.constant 0 : index
    %get3A_1 = vector.load %arg4[%get3A, %get3A_0] : memref<1024x1xf32, #tpu.memory_space<vmem>>, vector<1024x1xf32>
    %get3A_2 = arith.constant 0 : index
    %get3A_3 = arith.constant 0 : index
    %get3A_4 = vector.load %arg1[%get3A_2, %get3A_3] : memref<1024x128xf32, #tpu.memory_space<vmem>>, vector<1024x128xf32>
    %get3A_5 = arith.constant 0 : index
    %get3A_6 = arith.constant 0 : index
    %get3A_7 = vector.load %arg2[%get3A_5, %get3A_6] : memref<1024x128xf32, #tpu.memory_space<vmem>>, vector<1024x128xf32>
    %add3A = arith.addf %get3A_4, %get3A_7 : vector<1024x128xf32>
    %get3A_8 = arith.constant 0 : index
    %get3A_9 = arith.constant 0 : index
    %get3A_10 = vector.load %arg3[%get3A_8, %get3A_9] : memref<1024x128xf32, #tpu.memory_space<vmem>>, vector<1024x128xf32>
    %add3A_11 = arith.addf %add3A, %get3A_10 : vector<1024x128xf32>
    %mul3A = vector.broadcast %get3A_1 : vector<1024x1xf32> to vector<1024x128xf32>
    %mul3A_12 = arith.mulf %mul3A, %add3A_11 : vector<1024x128xf32>
    %swap3A = arith.constant 0 : index
    %swap3A_13 = arith.constant 0 : index
    %swap3A_14 = vector.load %arg5[%swap3A, %swap3A_13] : memref<1024x128xf32, #tpu.memory_space<vmem>>, vector<1024x128xf32>
    tpu.vector_store %arg5[%swap3A, %swap3A_13], %mul3A_12 {strides = array<i32>} : memref<1024x128xf32, #tpu.memory_space<vmem>>, vector<1024x128xf32>,
    return
  }
  func.func @transform_0(%arg0: i32) -> (i32, i32) {
    %c0_i32 = arith.constant 0 : i32
    %c0_i32_0 = arith.constant 0 : i32
    return %arg0, %c0_i32 : i32, i32
  }
  func.func @transform_1(%arg0: i32) -> (i32, i32) {
    %add3A = arith.constant 10 : i32
    %add3A_0 = arith.addi %arg0, %add3A : i32
    %c0_i32 = arith.constant 0 : i32
    %c0_i32_1 = arith.constant 0 : i32
    return %add3A_0, %c0_i32 : i32, i32
  }
  func.func @transform_2(%arg0: i32) -> (i32, i32) {
    %c0_i32 = arith.constant 0 : i32
    %c0_i32_0 = arith.constant 0 : i32
    return %arg0, %c0_i32 : i32, i32
  }
  func.func @transform_3(%arg0: i32) -> (i32, i32) {
    %c0_i32 = arith.constant 0 : i32
    %c0_i32_0 = arith.constant 0 : i32
    return %arg0, %c0_i32 : i32, i32
  }
  func.func @transform_4(%arg0: i32) -> (i32, i32) {
    %c0_i32 = arith.constant 0 : i32
    %c0_i32_0 = arith.constant 0 : i32
    return %arg0, %c0_i32 : i32, i32
  }
}

module attributes {stable_mosaic.version = 14 : i64} {
  func.func @_m3_body(%arg0: i32, %arg1: memref<512x128xf32, #tpu.memory_space<vmem>>, %arg2: memref<512x128xf32, #tpu.memory_space<vmem>>, %arg3: memref<512x128xf32, #tpu.memory_space<vmem>>, %arg4: memref<512x128xf32, #tpu.memory_space<vmem>>, %arg5: memref<512x128xf32, #tpu.memory_space<vmem>>) attributes {dimension_semantics = [#tpu.dimension_semantics<arbitrary>], iteration_bounds = array<i64: 4>, scalar_prefetch = 0 : i64, scratch_operands = 0 : i64, tpu.core_type = #tpu.core_type<tc>, window_params = [{transform_indices = @transform_0, window_bounds = array<i64: 512, 128>}, {transform_indices = @transform_1, window_bounds = array<i64: 512, 128>}, {transform_indices = @transform_2, window_bounds = array<i64: 512, 128>}, {transform_indices = @transform_3, window_bounds = array<i64: 512, 128>}, {transform_indices = @transform_4, window_bounds = array<i64: 512, 128>}]} {
    %get3A = arith.constant 0 : index
    %get3A_0 = arith.constant 0 : index
    %get3A_1 = vector.load %arg3[%get3A, %get3A_0] : memref<512x128xf32, #tpu.memory_space<vmem>>, vector<512x1xf32>
    %get3A_2 = arith.constant 0 : index
    %get3A_3 = arith.constant 0 : index
    %get3A_4 = vector.load %arg4[%get3A_2, %get3A_3] : memref<512x128xf32, #tpu.memory_space<vmem>>, vector<512x1xf32>
    %add3A = arith.addf %get3A_1, %get3A_4 : vector<512x1xf32>
    %get3A_5 = arith.constant 0 : index
    %get3A_6 = arith.constant 0 : index
    %get3A_7 = vector.load %arg1[%get3A_5, %get3A_6] : memref<512x128xf32, #tpu.memory_space<vmem>>, vector<512x128xf32>
    %get3A_8 = arith.constant 0 : index
    %get3A_9 = arith.constant 0 : index
    %get3A_10 = vector.load %arg2[%get3A_8, %get3A_9] : memref<512x128xf32, #tpu.memory_space<vmem>>, vector<512x128xf32>
    %add3A_11 = arith.addf %get3A_7, %get3A_10 : vector<512x128xf32>
    %add3A_12 = arith.constant 9.99999971E-10 : f32
    %add3A_13 = vector.broadcast %add3A_12 : f32 to vector<512x1xf32>
    %add3A_14 = arith.addf %add3A, %add3A_13 : vector<512x1xf32>
    %div3A = arith.constant 1.000000e+00 : f32
    %div3A_15 = vector.broadcast %div3A : f32 to vector<512x1xf32>
    %div3A_16 = arith.divf %div3A_15, %add3A_14 : vector<512x1xf32>
    %mul3A = vector.broadcast %div3A_16 : vector<512x1xf32> to vector<512x128xf32>
    %mul3A_17 = arith.mulf %add3A_11, %mul3A : vector<512x128xf32>
    %max3A = arith.constant 0.000000e+00 : f32
    %max3A_18 = vector.broadcast %max3A : f32 to vector<512x128xf32>
    %max3A_19 = arith.maximumf %mul3A_17, %max3A_18 : vector<512x128xf32>
    %swap3A = arith.constant 0 : index
    %swap3A_20 = arith.constant 0 : index
    %swap3A_21 = vector.load %arg5[%swap3A, %swap3A_20] : memref<512x128xf32, #tpu.memory_space<vmem>>, vector<512x128xf32>
    tpu.vector_store %arg5[%swap3A, %swap3A_20], %max3A_19 {strides = array<i32>} : memref<512x128xf32, #tpu.memory_space<vmem>>, vector<512x128xf32>,
    return
  }
  func.func @transform_0(%arg0: i32) -> (i32, i32) {
    %c0_i32 = arith.constant 0 : i32
    %c0_i32_0 = arith.constant 0 : i32
    return %arg0, %c0_i32 : i32, i32
  }
  func.func @transform_1(%arg0: i32) -> (i32, i32) {
    %add3A = arith.constant 4 : i32
    %add3A_0 = arith.addi %arg0, %add3A : i32
    %c0_i32 = arith.constant 0 : i32
    %c0_i32_1 = arith.constant 0 : i32
    return %add3A_0, %c0_i32 : i32, i32
  }
  func.func @transform_2(%arg0: i32) -> (i32, i32) {
    %c0_i32 = arith.constant 0 : i32
    %c0_i32_0 = arith.constant 0 : i32
    return %arg0, %c0_i32 : i32, i32
  }
  func.func @transform_3(%arg0: i32) -> (i32, i32) {
    %add3A = arith.constant 4 : i32
    %add3A_0 = arith.addi %arg0, %add3A : i32
    %c0_i32 = arith.constant 0 : i32
    %c0_i32_1 = arith.constant 0 : i32
    return %add3A_0, %c0_i32 : i32, i32
  }
  func.func @transform_4(%arg0: i32) -> (i32, i32) {
    %c0_i32 = arith.constant 0 : i32
    %c0_i32_0 = arith.constant 0 : i32
    return %arg0, %c0_i32 : i32, i32
  }
}

module attributes {stable_mosaic.version = 14 : i64} {
  func.func @_u0_body(%arg0: i32, %arg1: memref<512x128xf32, #tpu.memory_space<vmem>>, %arg2: memref<128x1024xf32, #tpu.memory_space<vmem>>, %arg3: memref<128x1024xf32, #tpu.memory_space<vmem>>, %arg4: memref<1x1024xf32, #tpu.memory_space<vmem>>, %arg5: memref<1x1024xf32, #tpu.memory_space<vmem>>, %arg6: memref<512x1024xf32, #tpu.memory_space<vmem>>, %arg7: memref<512x1024xf32, #tpu.memory_space<vmem>>) attributes {dimension_semantics = [#tpu.dimension_semantics<arbitrary>], iteration_bounds = array<i64: 8>, scalar_prefetch = 0 : i64, scratch_operands = 0 : i64, tpu.core_type = #tpu.core_type<tc>, window_params = [{transform_indices = @transform_0, window_bounds = array<i64: 512, 128>}, {pipeline_mode = #tpu.pipeline_mode<synchronous>, transform_indices = @transform_1, window_bounds = array<i64: 128, 1024>}, {pipeline_mode = #tpu.pipeline_mode<synchronous>, transform_indices = @transform_2, window_bounds = array<i64: 128, 1024>}, {pipeline_mode = #tpu.pipeline_mode<synchronous>, transform_indices = @transform_3, window_bounds = array<i64: 1, 1024>}, {pipeline_mode = #tpu.pipeline_mode<synchronous>, transform_indices = @transform_4, window_bounds = array<i64: 1, 1024>}, {transform_indices = @transform_5, window_bounds = array<i64: 512, 1024>}, {transform_indices = @transform_6, window_bounds = array<i64: 512, 1024>}]} {
    %get3A = arith.constant 0 : index
    %get3A_0 = arith.constant 0 : index
    %get3A_1 = vector.load %arg1[%get3A, %get3A_0] : memref<512x128xf32, #tpu.memory_space<vmem>>, vector<512x128xf32>
    %get3A_2 = arith.constant 0 : index
    %get3A_3 = arith.constant 0 : index
    %get3A_4 = vector.load %arg2[%get3A_2, %get3A_3] : memref<128x1024xf32, #tpu.memory_space<vmem>>, vector<128x1024xf32>
    %dot_general3A = arith.constant dense<0.000000e+00> : vector<512x1024xf32>
    %dot_general3A_5 = tpu.matmul %get3A_1, %get3A_4, %dot_general3A {dimension_numbers = #tpu.dot_dimension_numbers<[1], [0], [0], [1], [0, 0, 1, 1], [], []>, transpose_lhs_hint = false} : vector<512x128xf32>, vector<128x1024xf32>, vector<512x1024xf32> -> vector<512x1024xf32>
    %get3A_6 = arith.constant 0 : index
    %get3A_7 = arith.constant 0 : index
    %get3A_8 = vector.load %arg4[%get3A_6, %get3A_7] : memref<1x1024xf32, #tpu.memory_space<vmem>>, vector<1x1024xf32>
    %add3A = vector.broadcast %get3A_8 : vector<1x1024xf32> to vector<512x1024xf32>
    %add3A_9 = arith.addf %dot_general3A_5, %add3A : vector<512x1024xf32>
    %swap3A = arith.constant 0 : index
    %swap3A_10 = arith.constant 0 : index
    %swap3A_11 = vector.load %arg6[%swap3A, %swap3A_10] : memref<512x1024xf32, #tpu.memory_space<vmem>>, vector<512x1024xf32>
    tpu.vector_store %arg6[%swap3A, %swap3A_10], %add3A_9 {strides = array<i32>} : memref<512x1024xf32, #tpu.memory_space<vmem>>, vector<512x1024xf32>,
    %get3A_12 = arith.constant 0 : index
    %get3A_13 = arith.constant 0 : index
    %get3A_14 = vector.load %arg3[%get3A_12, %get3A_13] : memref<128x1024xf32, #tpu.memory_space<vmem>>, vector<128x1024xf32>
    %dot_general3A_15 = arith.constant dense<0.000000e+00> : vector<512x1024xf32>
    %dot_general3A_16 = tpu.matmul %get3A_1, %get3A_14, %dot_general3A_15 {dimension_numbers = #tpu.dot_dimension_numbers<[1], [0], [0], [1], [0, 0, 1, 1], [], []>, transpose_lhs_hint = false} : vector<512x128xf32>, vector<128x1024xf32>, vector<512x1024xf32> -> vector<512x1024xf32>
    %get3A_17 = arith.constant 0 : index
    %get3A_18 = arith.constant 0 : index
    %get3A_19 = vector.load %arg5[%get3A_17, %get3A_18] : memref<1x1024xf32, #tpu.memory_space<vmem>>, vector<1x1024xf32>
    %add3A_20 = vector.broadcast %get3A_19 : vector<1x1024xf32> to vector<512x1024xf32>
    %add3A_21 = arith.addf %dot_general3A_16, %add3A_20 : vector<512x1024xf32>
    %swap3A_22 = arith.constant 0 : index
    %swap3A_23 = arith.constant 0 : index
    %swap3A_24 = vector.load %arg7[%swap3A_22, %swap3A_23] : memref<512x1024xf32, #tpu.memory_space<vmem>>, vector<512x1024xf32>
    tpu.vector_store %arg7[%swap3A_22, %swap3A_23], %add3A_21 {strides = array<i32>} : memref<512x1024xf32, #tpu.memory_space<vmem>>, vector<512x1024xf32>,
    return
  }
  func.func @transform_0(%arg0: i32) -> (i32, i32) {
    %c0_i32 = arith.constant 0 : i32
    %c0_i32_0 = arith.constant 0 : i32
    return %arg0, %c0_i32 : i32, i32
  }
  func.func @transform_1(%arg0: i32) -> (i32, i32) {
    %c0_i32 = arith.constant 0 : i32
    %c0_i32_0 = arith.constant 0 : i32
    %c0_i32_1 = arith.constant 0 : i32
    return %c0_i32, %c0_i32_0 : i32, i32
  }
  func.func @transform_2(%arg0: i32) -> (i32, i32) {
    %c0_i32 = arith.constant 0 : i32
    %c0_i32_0 = arith.constant 0 : i32
    %c0_i32_1 = arith.constant 0 : i32
    return %c0_i32, %c0_i32_0 : i32, i32
  }
  func.func @transform_3(%arg0: i32) -> (i32, i32) {
    %c0_i32 = arith.constant 0 : i32
    %c0_i32_0 = arith.constant 0 : i32
    %c0_i32_1 = arith.constant 0 : i32
    return %c0_i32, %c0_i32_0 : i32, i32
  }
  func.func @transform_4(%arg0: i32) -> (i32, i32) {
    %c0_i32 = arith.constant 0 : i32
    %c0_i32_0 = arith.constant 0 : i32
    %c0_i32_1 = arith.constant 0 : i32
    return %c0_i32, %c0_i32_0 : i32, i32
  }
  func.func @transform_5(%arg0: i32) -> (i32, i32) {
    %c0_i32 = arith.constant 0 : i32
    %c0_i32_0 = arith.constant 0 : i32
    return %arg0, %c0_i32 : i32, i32
  }
  func.func @transform_6(%arg0: i32) -> (i32, i32) {
    %c0_i32 = arith.constant 0 : i32
    %c0_i32_0 = arith.constant 0 : i32
    return %arg0, %c0_i32 : i32, i32
  }
}

module attributes {stable_mosaic.version = 14 : i64} {
  func.func @_lstm0_body(%arg0: i32, %arg1: memref<512x1024xf32, #tpu.memory_space<vmem>>, %arg2: memref<512x1024xf32, #tpu.memory_space<vmem>>, %arg3: memref<256x1024xf32, #tpu.memory_space<vmem>>, %arg4: memref<256x1024xf32, #tpu.memory_space<vmem>>, %arg5: memref<512x256xf32, #tpu.memory_space<vmem>>, %arg6: memref<512x256xf32, #tpu.memory_space<vmem>>, %arg7: memref<4x256xf32, #tpu.memory_space<vmem>>) attributes {dimension_semantics = [#tpu.dimension_semantics<arbitrary>], iteration_bounds = array<i64: 8>, scalar_prefetch = 0 : i64, scratch_operands = 1 : i64, tpu.core_type = #tpu.core_type<tc>, window_params = [{transform_indices = @transform_0, window_bounds = array<i64: 512, 1024>}, {transform_indices = @transform_1, window_bounds = array<i64: 512, 1024>}, {pipeline_mode = #tpu.pipeline_mode<synchronous>, transform_indices = @transform_2, window_bounds = array<i64: 256, 1024>}, {pipeline_mode = #tpu.pipeline_mode<synchronous>, transform_indices = @transform_3, window_bounds = array<i64: 256, 1024>}, {transform_indices = @transform_4, window_bounds = array<i64: 512, 256>}, {transform_indices = @transform_5, window_bounds = array<i64: 512, 256>}]} {
    %eq3A = arith.constant 0 : i32
    %eq3A_0 = arith.cmpi eq, %arg0, %eq3A : i32
    %convert_element_type3A = arith.extui %eq3A_0 : i1 to i32
    %cond3A = arith.constant 0 : i32
    %cond3A_1 = arith.cmpi ne, %convert_element_type3A, %cond3A : i32
    scf.if %cond3A_1 {
      %broadcast_in_dim3A = arith.constant 0.000000e+00 : f32
      %broadcast_in_dim3A_35 = vector.broadcast %broadcast_in_dim3A : f32 to vector<4x256xf32>
      %swap3A_36 = arith.constant 0 : index
      %swap3A_37 = arith.constant 0 : index
      %swap3A_38 = vector.load %arg7[%swap3A_36, %swap3A_37] : memref<4x256xf32, #tpu.memory_space<vmem>>, vector<4x256xf32>
      tpu.vector_store %arg7[%swap3A_36, %swap3A_37], %broadcast_in_dim3A_35 {strides = array<i32>} : memref<4x256xf32, #tpu.memory_space<vmem>>, vector<4x256xf32>,
    } else {
    }
    %get3A = arith.constant 0 : index
    %get3A_2 = arith.constant 0 : index
    %get3A_3 = vector.load %arg3[%get3A, %get3A_2] : memref<256x1024xf32, #tpu.memory_space<vmem>>, vector<256x1024xf32>
    %get3A_4 = arith.constant 0 : index
    %get3A_5 = arith.constant 0 : index
    %get3A_6 = vector.load %arg4[%get3A_4, %get3A_5] : memref<256x1024xf32, #tpu.memory_space<vmem>>, vector<256x1024xf32>
    %get3A_7 = arith.constant 0 : index
    %get3A_8 = arith.constant 0 : index
    %get3A_9 = vector.load %arg7[%get3A_7, %get3A_8] : memref<4x256xf32, #tpu.memory_space<vmem>>, vector<1x256xf32>
    %get3A_10 = arith.constant 1 : index
    %get3A_11 = arith.constant 0 : index
    %get3A_12 = vector.load %arg7[%get3A_10, %get3A_11] : memref<4x256xf32, #tpu.memory_space<vmem>>, vector<1x256xf32>
    %get3A_13 = arith.constant 2 : index
    %get3A_14 = arith.constant 0 : index
    %get3A_15 = vector.load %arg7[%get3A_13, %get3A_14] : memref<4x256xf32, #tpu.memory_space<vmem>>, vector<1x256xf32>
    %get3A_16 = arith.constant 3 : index
    %get3A_17 = arith.constant 0 : index
    %get3A_18 = vector.load %arg7[%get3A_16, %get3A_17] : memref<4x256xf32, #tpu.memory_space<vmem>>, vector<1x256xf32>
    %scan3A = arith.constant 0 : i32
    %scan3A_19 = arith.constant 512 : i32
    %scan3A_20 = arith.addi %scan3A, %scan3A_19 : i32
    %scan3A_21 = arith.constant 1 : i32
    %scan3A_22:4 = scf.for %scan3A_35 = %scan3A to %scan3A_20 step %scan3A_21 iter_args(%scan3A_36 = %get3A_9, %scan3A_37 = %get3A_12, %scan3A_38 = %get3A_15, %scan3A_39 = %get3A_18) -> (vector<1x256xf32>, vector<1x256xf32>, vector<1x256xf32>, vector<1x256xf32>)  : i32 {
      %get3A_40 = arith.index_cast %scan3A_35 : i32 to index
      %get3A_41 = arith.constant 0 : index
      %get3A_42 = vector.load %arg1[%get3A_40, %get3A_41] : memref<512x1024xf32, #tpu.memory_space<vmem>>, vector<1x1024xf32>
      %dot_general3A = arith.constant dense<0.000000e+00> : vector<1x1024xf32>
      %dot_general3A_43 = tpu.matmul %scan3A_36, %get3A_3, %dot_general3A {dimension_numbers = #tpu.dot_dimension_numbers<[1], [0], [0], [1], [0, 0, 1, 1], [], []>, transpose_lhs_hint = false} : vector<1x256xf32>, vector<256x1024xf32>, vector<1x1024xf32> -> vector<1x1024xf32>
      %add3A = arith.addf %get3A_42, %dot_general3A_43 : vector<1x1024xf32>
      %slice3A = vector.extract_strided_slice %add3A {offsets = [0, 0], sizes = [1, 256], strides = [1, 1]} : vector<1x1024xf32> to vector<1x256xf32>
      %logistic3A = arith.negf %slice3A : vector<1x256xf32>
      %logistic3A_44 = math.exp %logistic3A : vector<1x256xf32>
      %logistic3A_45 = arith.constant 1.000000e+00 : f32
      %logistic3A_46 = vector.broadcast %logistic3A_45 : f32 to vector<1x256xf32>
      %logistic3A_47 = arith.addf %logistic3A_46, %logistic3A_44 : vector<1x256xf32>
      %logistic3A_48 = arith.divf %logistic3A_46, %logistic3A_47 : vector<1x256xf32>
      %slice3A_49 = vector.extract_strided_slice %add3A {offsets = [0, 256], sizes = [1, 256], strides = [1, 1]} : vector<1x1024xf32> to vector<1x256xf32>
      %logistic3A_50 = arith.negf %slice3A_49 : vector<1x256xf32>
      %logistic3A_51 = math.exp %logistic3A_50 : vector<1x256xf32>
      %logistic3A_52 = arith.constant 1.000000e+00 : f32
      %logistic3A_53 = vector.broadcast %logistic3A_52 : f32 to vector<1x256xf32>
      %logistic3A_54 = arith.addf %logistic3A_53, %logistic3A_51 : vector<1x256xf32>
      %logistic3A_55 = arith.divf %logistic3A_53, %logistic3A_54 : vector<1x256xf32>
      %slice3A_56 = vector.extract_strided_slice %add3A {offsets = [0, 512], sizes = [1, 256], strides = [1, 1]} : vector<1x1024xf32> to vector<1x256xf32>
      %tanh3A = math.tanh %slice3A_56 : vector<1x256xf32>
      %slice3A_57 = vector.extract_strided_slice %add3A {offsets = [0, 768], sizes = [1, 256], strides = [1, 1]} : vector<1x1024xf32> to vector<1x256xf32>
      %logistic3A_58 = arith.negf %slice3A_57 : vector<1x256xf32>
      %logistic3A_59 = math.exp %logistic3A_58 : vector<1x256xf32>
      %logistic3A_60 = arith.constant 1.000000e+00 : f32
      %logistic3A_61 = vector.broadcast %logistic3A_60 : f32 to vector<1x256xf32>
      %logistic3A_62 = arith.addf %logistic3A_61, %logistic3A_59 : vector<1x256xf32>
      %logistic3A_63 = arith.divf %logistic3A_61, %logistic3A_62 : vector<1x256xf32>
      %mul3A = arith.mulf %logistic3A_55, %scan3A_37 : vector<1x256xf32>
      %mul3A_64 = arith.mulf %logistic3A_48, %tanh3A : vector<1x256xf32>
      %add3A_65 = arith.addf %mul3A, %mul3A_64 : vector<1x256xf32>
      %tanh3A_66 = math.tanh %add3A_65 : vector<1x256xf32>
      %mul3A_67 = arith.mulf %logistic3A_63, %tanh3A_66 : vector<1x256xf32>
      %swap3A_68 = arith.index_cast %scan3A_35 : i32 to index
      %swap3A_69 = arith.constant 0 : index
      %swap3A_70 = vector.load %arg5[%swap3A_68, %swap3A_69] : memref<512x256xf32, #tpu.memory_space<vmem>>, vector<1x256xf32>
      tpu.vector_store %arg5[%swap3A_68, %swap3A_69], %mul3A_67 {strides = array<i32>} : memref<512x256xf32, #tpu.memory_space<vmem>>, vector<1x256xf32>,
      %sub3A = arith.constant 511 : i32
      %sub3A_71 = arith.subi %sub3A, %scan3A_35 : i32
      %get3A_72 = arith.index_cast %sub3A_71 : i32 to index
      %get3A_73 = arith.constant 0 : index
      %get3A_74 = vector.load %arg2[%get3A_72, %get3A_73] : memref<512x1024xf32, #tpu.memory_space<vmem>>, vector<1x1024xf32>
      %dot_general3A_75 = arith.constant dense<0.000000e+00> : vector<1x1024xf32>
      %dot_general3A_76 = tpu.matmul %scan3A_38, %get3A_6, %dot_general3A_75 {dimension_numbers = #tpu.dot_dimension_numbers<[1], [0], [0], [1], [0, 0, 1, 1], [], []>, transpose_lhs_hint = false} : vector<1x256xf32>, vector<256x1024xf32>, vector<1x1024xf32> -> vector<1x1024xf32>
      %add3A_77 = arith.addf %get3A_74, %dot_general3A_76 : vector<1x1024xf32>
      %slice3A_78 = vector.extract_strided_slice %add3A_77 {offsets = [0, 0], sizes = [1, 256], strides = [1, 1]} : vector<1x1024xf32> to vector<1x256xf32>
      %logistic3A_79 = arith.negf %slice3A_78 : vector<1x256xf32>
      %logistic3A_80 = math.exp %logistic3A_79 : vector<1x256xf32>
      %logistic3A_81 = arith.constant 1.000000e+00 : f32
      %logistic3A_82 = vector.broadcast %logistic3A_81 : f32 to vector<1x256xf32>
      %logistic3A_83 = arith.addf %logistic3A_82, %logistic3A_80 : vector<1x256xf32>
      %logistic3A_84 = arith.divf %logistic3A_82, %logistic3A_83 : vector<1x256xf32>
      %slice3A_85 = vector.extract_strided_slice %add3A_77 {offsets = [0, 256], sizes = [1, 256], strides = [1, 1]} : vector<1x1024xf32> to vector<1x256xf32>
      %logistic3A_86 = arith.negf %slice3A_85 : vector<1x256xf32>
      %logistic3A_87 = math.exp %logistic3A_86 : vector<1x256xf32>
      %logistic3A_88 = arith.constant 1.000000e+00 : f32
      %logistic3A_89 = vector.broadcast %logistic3A_88 : f32 to vector<1x256xf32>
      %logistic3A_90 = arith.addf %logistic3A_89, %logistic3A_87 : vector<1x256xf32>
      %logistic3A_91 = arith.divf %logistic3A_89, %logistic3A_90 : vector<1x256xf32>
      %slice3A_92 = vector.extract_strided_slice %add3A_77 {offsets = [0, 512], sizes = [1, 256], strides = [1, 1]} : vector<1x1024xf32> to vector<1x256xf32>
      %tanh3A_93 = math.tanh %slice3A_92 : vector<1x256xf32>
      %slice3A_94 = vector.extract_strided_slice %add3A_77 {offsets = [0, 768], sizes = [1, 256], strides = [1, 1]} : vector<1x1024xf32> to vector<1x256xf32>
      %logistic3A_95 = arith.negf %slice3A_94 : vector<1x256xf32>
      %logistic3A_96 = math.exp %logistic3A_95 : vector<1x256xf32>
      %logistic3A_97 = arith.constant 1.000000e+00 : f32
      %logistic3A_98 = vector.broadcast %logistic3A_97 : f32 to vector<1x256xf32>
      %logistic3A_99 = arith.addf %logistic3A_98, %logistic3A_96 : vector<1x256xf32>
      %logistic3A_100 = arith.divf %logistic3A_98, %logistic3A_99 : vector<1x256xf32>
      %mul3A_101 = arith.mulf %logistic3A_91, %scan3A_39 : vector<1x256xf32>
      %mul3A_102 = arith.mulf %logistic3A_84, %tanh3A_93 : vector<1x256xf32>
      %add3A_103 = arith.addf %mul3A_101, %mul3A_102 : vector<1x256xf32>
      %tanh3A_104 = math.tanh %add3A_103 : vector<1x256xf32>
      %mul3A_105 = arith.mulf %logistic3A_100, %tanh3A_104 : vector<1x256xf32>
      %swap3A_106 = arith.index_cast %sub3A_71 : i32 to index
      %swap3A_107 = arith.constant 0 : index
      %swap3A_108 = vector.load %arg6[%swap3A_106, %swap3A_107] : memref<512x256xf32, #tpu.memory_space<vmem>>, vector<1x256xf32>
      tpu.vector_store %arg6[%swap3A_106, %swap3A_107], %mul3A_105 {strides = array<i32>} : memref<512x256xf32, #tpu.memory_space<vmem>>, vector<1x256xf32>,
      scf.yield %mul3A_67, %add3A_65, %mul3A_105, %add3A_103 : vector<1x256xf32>, vector<1x256xf32>, vector<1x256xf32>, vector<1x256xf32>
    }
    %scan3A_23 = arith.constant 512 : i32
    %swap3A = arith.constant 0 : index
    %swap3A_24 = arith.constant 0 : index
    %swap3A_25 = vector.load %arg7[%swap3A, %swap3A_24] : memref<4x256xf32, #tpu.memory_space<vmem>>, vector<1x256xf32>
    tpu.vector_store %arg7[%swap3A, %swap3A_24], %scan3A_22#0 {strides = array<i32>} : memref<4x256xf32, #tpu.memory_space<vmem>>, vector<1x256xf32>,
    %swap3A_26 = arith.constant 1 : index
    %swap3A_27 = arith.constant 0 : index
    %swap3A_28 = vector.load %arg7[%swap3A_26, %swap3A_27] : memref<4x256xf32, #tpu.memory_space<vmem>>, vector<1x256xf32>
    tpu.vector_store %arg7[%swap3A_26, %swap3A_27], %scan3A_22#1 {strides = array<i32>} : memref<4x256xf32, #tpu.memory_space<vmem>>, vector<1x256xf32>,
    %swap3A_29 = arith.constant 2 : index
    %swap3A_30 = arith.constant 0 : index
    %swap3A_31 = vector.load %arg7[%swap3A_29, %swap3A_30] : memref<4x256xf32, #tpu.memory_space<vmem>>, vector<1x256xf32>
    tpu.vector_store %arg7[%swap3A_29, %swap3A_30], %scan3A_22#2 {strides = array<i32>} : memref<4x256xf32, #tpu.memory_space<vmem>>, vector<1x256xf32>,
    %swap3A_32 = arith.constant 3 : index
    %swap3A_33 = arith.constant 0 : index
    %swap3A_34 = vector.load %arg7[%swap3A_32, %swap3A_33] : memref<4x256xf32, #tpu.memory_space<vmem>>, vector<1x256xf32>
    tpu.vector_store %arg7[%swap3A_32, %swap3A_33], %scan3A_22#3 {strides = array<i32>} : memref<4x256xf32, #tpu.memory_space<vmem>>, vector<1x256xf32>,
    return
  }
  func.func @transform_0(%arg0: i32) -> (i32, i32) {
    %c0_i32 = arith.constant 0 : i32
    %c0_i32_0 = arith.constant 0 : i32
    return %arg0, %c0_i32 : i32, i32
  }
  func.func @transform_1(%arg0: i32) -> (i32, i32) {
    %sub3A = arith.constant 7 : i32
    %sub3A_0 = arith.subi %sub3A, %arg0 : i32
    %c0_i32 = arith.constant 0 : i32
    %c0_i32_1 = arith.constant 0 : i32
    return %sub3A_0, %c0_i32 : i32, i32
  }
  func.func @transform_2(%arg0: i32) -> (i32, i32) {
    %c0_i32 = arith.constant 0 : i32
    %c0_i32_0 = arith.constant 0 : i32
    %c0_i32_1 = arith.constant 0 : i32
    return %c0_i32, %c0_i32_0 : i32, i32
  }
  func.func @transform_3(%arg0: i32) -> (i32, i32) {
    %c0_i32 = arith.constant 0 : i32
    %c0_i32_0 = arith.constant 0 : i32
    %c0_i32_1 = arith.constant 0 : i32
    return %c0_i32, %c0_i32_0 : i32, i32
  }
  func.func @transform_4(%arg0: i32) -> (i32, i32) {
    %c0_i32 = arith.constant 0 : i32
    %c0_i32_0 = arith.constant 0 : i32
    return %arg0, %c0_i32 : i32, i32
  }
  func.func @transform_5(%arg0: i32) -> (i32, i32) {
    %sub3A = arith.constant 7 : i32
    %sub3A_0 = arith.subi %sub3A, %arg0 : i32
    %c0_i32 = arith.constant 0 : i32
    %c0_i32_1 = arith.constant 0 : i32
    return %sub3A_0, %c0_i32 : i32, i32
  }
}

module attributes {stable_mosaic.version = 14 : i64} {
  func.func @_u1_body(%arg0: i32, %arg1: memref<512x256xf32, #tpu.memory_space<vmem>>, %arg2: memref<512x256xf32, #tpu.memory_space<vmem>>, %arg3: memref<256x1024xf32, #tpu.memory_space<vmem>>, %arg4: memref<256x1024xf32, #tpu.memory_space<vmem>>, %arg5: memref<256x1024xf32, #tpu.memory_space<vmem>>, %arg6: memref<256x1024xf32, #tpu.memory_space<vmem>>, %arg7: memref<1x1024xf32, #tpu.memory_space<vmem>>, %arg8: memref<1x1024xf32, #tpu.memory_space<vmem>>, %arg9: memref<512x1024xf32, #tpu.memory_space<vmem>>, %arg10: memref<512x1024xf32, #tpu.memory_space<vmem>>) attributes {dimension_semantics = [#tpu.dimension_semantics<arbitrary>], iteration_bounds = array<i64: 8>, scalar_prefetch = 0 : i64, scratch_operands = 0 : i64, tpu.core_type = #tpu.core_type<tc>, window_params = [{transform_indices = @transform_0, window_bounds = array<i64: 512, 256>}, {transform_indices = @transform_1, window_bounds = array<i64: 512, 256>}, {pipeline_mode = #tpu.pipeline_mode<synchronous>, transform_indices = @transform_2, window_bounds = array<i64: 256, 1024>}, {pipeline_mode = #tpu.pipeline_mode<synchronous>, transform_indices = @transform_3, window_bounds = array<i64: 256, 1024>}, {pipeline_mode = #tpu.pipeline_mode<synchronous>, transform_indices = @transform_4, window_bounds = array<i64: 256, 1024>}, {pipeline_mode = #tpu.pipeline_mode<synchronous>, transform_indices = @transform_5, window_bounds = array<i64: 256, 1024>}, {pipeline_mode = #tpu.pipeline_mode<synchronous>, transform_indices = @transform_6, window_bounds = array<i64: 1, 1024>}, {pipeline_mode = #tpu.pipeline_mode<synchronous>, transform_indices = @transform_7, window_bounds = array<i64: 1, 1024>}, {transform_indices = @transform_8, window_bounds = array<i64: 512, 1024>}, {transform_indices = @transform_9, window_bounds = array<i64: 512, 1024>}]} {
    %get3A = arith.constant 0 : index
    %get3A_0 = arith.constant 0 : index
    %get3A_1 = vector.load %arg1[%get3A, %get3A_0] : memref<512x256xf32, #tpu.memory_space<vmem>>, vector<512x256xf32>
    %get3A_2 = arith.constant 0 : index
    %get3A_3 = arith.constant 0 : index
    %get3A_4 = vector.load %arg2[%get3A_2, %get3A_3] : memref<512x256xf32, #tpu.memory_space<vmem>>, vector<512x256xf32>
    %get3A_5 = arith.constant 0 : index
    %get3A_6 = arith.constant 0 : index
    %get3A_7 = vector.load %arg3[%get3A_5, %get3A_6] : memref<256x1024xf32, #tpu.memory_space<vmem>>, vector<256x1024xf32>
    %dot_general3A = arith.constant dense<0.000000e+00> : vector<512x1024xf32>
    %dot_general3A_8 = tpu.matmul %get3A_1, %get3A_7, %dot_general3A {dimension_numbers = #tpu.dot_dimension_numbers<[1], [0], [0], [1], [0, 0, 1, 1], [], []>, transpose_lhs_hint = false} : vector<512x256xf32>, vector<256x1024xf32>, vector<512x1024xf32> -> vector<512x1024xf32>
    %get3A_9 = arith.constant 0 : index
    %get3A_10 = arith.constant 0 : index
    %get3A_11 = vector.load %arg4[%get3A_9, %get3A_10] : memref<256x1024xf32, #tpu.memory_space<vmem>>, vector<256x1024xf32>
    %dot_general3A_12 = arith.constant dense<0.000000e+00> : vector<512x1024xf32>
    %dot_general3A_13 = tpu.matmul %get3A_4, %get3A_11, %dot_general3A_12 {dimension_numbers = #tpu.dot_dimension_numbers<[1], [0], [0], [1], [0, 0, 1, 1], [], []>, transpose_lhs_hint = false} : vector<512x256xf32>, vector<256x1024xf32>, vector<512x1024xf32> -> vector<512x1024xf32>
    %add3A = arith.addf %dot_general3A_8, %dot_general3A_13 : vector<512x1024xf32>
    %get3A_14 = arith.constant 0 : index
    %get3A_15 = arith.constant 0 : index
    %get3A_16 = vector.load %arg7[%get3A_14, %get3A_15] : memref<1x1024xf32, #tpu.memory_space<vmem>>, vector<1x1024xf32>
    %add3A_17 = vector.broadcast %get3A_16 : vector<1x1024xf32> to vector<512x1024xf32>
    %add3A_18 = arith.addf %add3A, %add3A_17 : vector<512x1024xf32>
    %swap3A = arith.constant 0 : index
    %swap3A_19 = arith.constant 0 : index
    %swap3A_20 = vector.load %arg9[%swap3A, %swap3A_19] : memref<512x1024xf32, #tpu.memory_space<vmem>>, vector<512x1024xf32>
    tpu.vector_store %arg9[%swap3A, %swap3A_19], %add3A_18 {strides = array<i32>} : memref<512x1024xf32, #tpu.memory_space<vmem>>, vector<512x1024xf32>,
    %get3A_21 = arith.constant 0 : index
    %get3A_22 = arith.constant 0 : index
    %get3A_23 = vector.load %arg5[%get3A_21, %get3A_22] : memref<256x1024xf32, #tpu.memory_space<vmem>>, vector<256x1024xf32>
    %dot_general3A_24 = arith.constant dense<0.000000e+00> : vector<512x1024xf32>
    %dot_general3A_25 = tpu.matmul %get3A_1, %get3A_23, %dot_general3A_24 {dimension_numbers = #tpu.dot_dimension_numbers<[1], [0], [0], [1], [0, 0, 1, 1], [], []>, transpose_lhs_hint = false} : vector<512x256xf32>, vector<256x1024xf32>, vector<512x1024xf32> -> vector<512x1024xf32>
    %get3A_26 = arith.constant 0 : index
    %get3A_27 = arith.constant 0 : index
    %get3A_28 = vector.load %arg6[%get3A_26, %get3A_27] : memref<256x1024xf32, #tpu.memory_space<vmem>>, vector<256x1024xf32>
    %dot_general3A_29 = arith.constant dense<0.000000e+00> : vector<512x1024xf32>
    %dot_general3A_30 = tpu.matmul %get3A_4, %get3A_28, %dot_general3A_29 {dimension_numbers = #tpu.dot_dimension_numbers<[1], [0], [0], [1], [0, 0, 1, 1], [], []>, transpose_lhs_hint = false} : vector<512x256xf32>, vector<256x1024xf32>, vector<512x1024xf32> -> vector<512x1024xf32>
    %add3A_31 = arith.addf %dot_general3A_25, %dot_general3A_30 : vector<512x1024xf32>
    %get3A_32 = arith.constant 0 : index
    %get3A_33 = arith.constant 0 : index
    %get3A_34 = vector.load %arg8[%get3A_32, %get3A_33] : memref<1x1024xf32, #tpu.memory_space<vmem>>, vector<1x1024xf32>
    %add3A_35 = vector.broadcast %get3A_34 : vector<1x1024xf32> to vector<512x1024xf32>
    %add3A_36 = arith.addf %add3A_31, %add3A_35 : vector<512x1024xf32>
    %swap3A_37 = arith.constant 0 : index
    %swap3A_38 = arith.constant 0 : index
    %swap3A_39 = vector.load %arg10[%swap3A_37, %swap3A_38] : memref<512x1024xf32, #tpu.memory_space<vmem>>, vector<512x1024xf32>
    tpu.vector_store %arg10[%swap3A_37, %swap3A_38], %add3A_36 {strides = array<i32>} : memref<512x1024xf32, #tpu.memory_space<vmem>>, vector<512x1024xf32>,
    return
  }
  func.func @transform_0(%arg0: i32) -> (i32, i32) {
    %c0_i32 = arith.constant 0 : i32
    %c0_i32_0 = arith.constant 0 : i32
    return %arg0, %c0_i32 : i32, i32
  }
  func.func @transform_1(%arg0: i32) -> (i32, i32) {
    %c0_i32 = arith.constant 0 : i32
    %c0_i32_0 = arith.constant 0 : i32
    return %arg0, %c0_i32 : i32, i32
  }
  func.func @transform_2(%arg0: i32) -> (i32, i32) {
    %c0_i32 = arith.constant 0 : i32
    %c0_i32_0 = arith.constant 0 : i32
    %c0_i32_1 = arith.constant 0 : i32
    return %c0_i32, %c0_i32_0 : i32, i32
  }
  func.func @transform_3(%arg0: i32) -> (i32, i32) {
    %c0_i32 = arith.constant 0 : i32
    %c0_i32_0 = arith.constant 0 : i32
    %c0_i32_1 = arith.constant 0 : i32
    return %c0_i32, %c0_i32_0 : i32, i32
  }
  func.func @transform_4(%arg0: i32) -> (i32, i32) {
    %c0_i32 = arith.constant 0 : i32
    %c0_i32_0 = arith.constant 0 : i32
    %c0_i32_1 = arith.constant 0 : i32
    return %c0_i32, %c0_i32_0 : i32, i32
  }
  func.func @transform_5(%arg0: i32) -> (i32, i32) {
    %c0_i32 = arith.constant 0 : i32
    %c0_i32_0 = arith.constant 0 : i32
    %c0_i32_1 = arith.constant 0 : i32
    return %c0_i32, %c0_i32_0 : i32, i32
  }
  func.func @transform_6(%arg0: i32) -> (i32, i32) {
    %c0_i32 = arith.constant 0 : i32
    %c0_i32_0 = arith.constant 0 : i32
    %c0_i32_1 = arith.constant 0 : i32
    return %c0_i32, %c0_i32_0 : i32, i32
  }
  func.func @transform_7(%arg0: i32) -> (i32, i32) {
    %c0_i32 = arith.constant 0 : i32
    %c0_i32_0 = arith.constant 0 : i32
    %c0_i32_1 = arith.constant 0 : i32
    return %c0_i32, %c0_i32_0 : i32, i32
  }
  func.func @transform_8(%arg0: i32) -> (i32, i32) {
    %c0_i32 = arith.constant 0 : i32
    %c0_i32_0 = arith.constant 0 : i32
    return %arg0, %c0_i32 : i32, i32
  }
  func.func @transform_9(%arg0: i32) -> (i32, i32) {
    %c0_i32 = arith.constant 0 : i32
    %c0_i32_0 = arith.constant 0 : i32
    return %arg0, %c0_i32 : i32, i32
  }
}

module attributes {stable_mosaic.version = 14 : i64} {
  func.func @_lstm1_body(%arg0: i32, %arg1: memref<512x1024xf32, #tpu.memory_space<vmem>>, %arg2: memref<512x1024xf32, #tpu.memory_space<vmem>>, %arg3: memref<256x1024xf32, #tpu.memory_space<vmem>>, %arg4: memref<256x1024xf32, #tpu.memory_space<vmem>>, %arg5: memref<512x128xf32, #tpu.memory_space<vmem>>, %arg6: memref<1x128xf32, #tpu.memory_space<vmem>>, %arg7: memref<1x128xf32, #tpu.memory_space<vmem>>, %arg8: memref<4x256xf32, #tpu.memory_space<vmem>>) attributes {dimension_semantics = [#tpu.dimension_semantics<arbitrary>], iteration_bounds = array<i64: 8>, scalar_prefetch = 0 : i64, scratch_operands = 1 : i64, tpu.core_type = #tpu.core_type<tc>, window_params = [{transform_indices = @transform_0, window_bounds = array<i64: 512, 1024>}, {transform_indices = @transform_1, window_bounds = array<i64: 512, 1024>}, {pipeline_mode = #tpu.pipeline_mode<synchronous>, transform_indices = @transform_2, window_bounds = array<i64: 256, 1024>}, {pipeline_mode = #tpu.pipeline_mode<synchronous>, transform_indices = @transform_3, window_bounds = array<i64: 256, 1024>}, {pipeline_mode = #tpu.pipeline_mode<synchronous>, transform_indices = @transform_4, window_bounds = array<i64: 512, 128>}, {pipeline_mode = #tpu.pipeline_mode<synchronous>, transform_indices = @transform_5, window_bounds = array<i64: 1, 128>}, {pipeline_mode = #tpu.pipeline_mode<synchronous>, transform_indices = @transform_6, window_bounds = array<i64: 1, 128>}]} {
    %eq3A = arith.constant 0 : i32
    %eq3A_0 = arith.cmpi eq, %arg0, %eq3A : i32
    %convert_element_type3A = arith.extui %eq3A_0 : i1 to i32
    %cond3A = arith.constant 0 : i32
    %cond3A_1 = arith.cmpi ne, %convert_element_type3A, %cond3A : i32
    scf.if %cond3A_1 {
      %broadcast_in_dim3A = arith.constant 0.000000e+00 : f32
      %broadcast_in_dim3A_40 = vector.broadcast %broadcast_in_dim3A : f32 to vector<4x256xf32>
      %swap3A_41 = arith.constant 0 : index
      %swap3A_42 = arith.constant 0 : index
      %swap3A_43 = vector.load %arg8[%swap3A_41, %swap3A_42] : memref<4x256xf32, #tpu.memory_space<vmem>>, vector<4x256xf32>
      tpu.vector_store %arg8[%swap3A_41, %swap3A_42], %broadcast_in_dim3A_40 {strides = array<i32>} : memref<4x256xf32, #tpu.memory_space<vmem>>, vector<4x256xf32>,
    } else {
    }
    %get3A = arith.constant 0 : index
    %get3A_2 = arith.constant 0 : index
    %get3A_3 = vector.load %arg3[%get3A, %get3A_2] : memref<256x1024xf32, #tpu.memory_space<vmem>>, vector<256x1024xf32>
    %get3A_4 = arith.constant 0 : index
    %get3A_5 = arith.constant 0 : index
    %get3A_6 = vector.load %arg4[%get3A_4, %get3A_5] : memref<256x1024xf32, #tpu.memory_space<vmem>>, vector<256x1024xf32>
    %get3A_7 = arith.constant 0 : index
    %get3A_8 = arith.constant 0 : index
    %get3A_9 = vector.load %arg8[%get3A_7, %get3A_8] : memref<4x256xf32, #tpu.memory_space<vmem>>, vector<1x256xf32>
    %get3A_10 = arith.constant 1 : index
    %get3A_11 = arith.constant 0 : index
    %get3A_12 = vector.load %arg8[%get3A_10, %get3A_11] : memref<4x256xf32, #tpu.memory_space<vmem>>, vector<1x256xf32>
    %get3A_13 = arith.constant 2 : index
    %get3A_14 = arith.constant 0 : index
    %get3A_15 = vector.load %arg8[%get3A_13, %get3A_14] : memref<4x256xf32, #tpu.memory_space<vmem>>, vector<1x256xf32>
    %get3A_16 = arith.constant 3 : index
    %get3A_17 = arith.constant 0 : index
    %get3A_18 = vector.load %arg8[%get3A_16, %get3A_17] : memref<4x256xf32, #tpu.memory_space<vmem>>, vector<1x256xf32>
    %scan3A = arith.constant 0 : i32
    %scan3A_19 = arith.constant 512 : i32
    %scan3A_20 = arith.addi %scan3A, %scan3A_19 : i32
    %scan3A_21 = arith.constant 1 : i32
    %scan3A_22:4 = scf.for %scan3A_40 = %scan3A to %scan3A_20 step %scan3A_21 iter_args(%scan3A_41 = %get3A_9, %scan3A_42 = %get3A_12, %scan3A_43 = %get3A_15, %scan3A_44 = %get3A_18) -> (vector<1x256xf32>, vector<1x256xf32>, vector<1x256xf32>, vector<1x256xf32>)  : i32 {
      %get3A_45 = arith.index_cast %scan3A_40 : i32 to index
      %get3A_46 = arith.constant 0 : index
      %get3A_47 = vector.load %arg1[%get3A_45, %get3A_46] : memref<512x1024xf32, #tpu.memory_space<vmem>>, vector<1x1024xf32>
      %dot_general3A = arith.constant dense<0.000000e+00> : vector<1x1024xf32>
      %dot_general3A_48 = tpu.matmul %scan3A_41, %get3A_3, %dot_general3A {dimension_numbers = #tpu.dot_dimension_numbers<[1], [0], [0], [1], [0, 0, 1, 1], [], []>, transpose_lhs_hint = false} : vector<1x256xf32>, vector<256x1024xf32>, vector<1x1024xf32> -> vector<1x1024xf32>
      %add3A = arith.addf %get3A_47, %dot_general3A_48 : vector<1x1024xf32>
      %slice3A = vector.extract_strided_slice %add3A {offsets = [0, 0], sizes = [1, 256], strides = [1, 1]} : vector<1x1024xf32> to vector<1x256xf32>
      %logistic3A = arith.negf %slice3A : vector<1x256xf32>
      %logistic3A_49 = math.exp %logistic3A : vector<1x256xf32>
      %logistic3A_50 = arith.constant 1.000000e+00 : f32
      %logistic3A_51 = vector.broadcast %logistic3A_50 : f32 to vector<1x256xf32>
      %logistic3A_52 = arith.addf %logistic3A_51, %logistic3A_49 : vector<1x256xf32>
      %logistic3A_53 = arith.divf %logistic3A_51, %logistic3A_52 : vector<1x256xf32>
      %slice3A_54 = vector.extract_strided_slice %add3A {offsets = [0, 256], sizes = [1, 256], strides = [1, 1]} : vector<1x1024xf32> to vector<1x256xf32>
      %logistic3A_55 = arith.negf %slice3A_54 : vector<1x256xf32>
      %logistic3A_56 = math.exp %logistic3A_55 : vector<1x256xf32>
      %logistic3A_57 = arith.constant 1.000000e+00 : f32
      %logistic3A_58 = vector.broadcast %logistic3A_57 : f32 to vector<1x256xf32>
      %logistic3A_59 = arith.addf %logistic3A_58, %logistic3A_56 : vector<1x256xf32>
      %logistic3A_60 = arith.divf %logistic3A_58, %logistic3A_59 : vector<1x256xf32>
      %slice3A_61 = vector.extract_strided_slice %add3A {offsets = [0, 512], sizes = [1, 256], strides = [1, 1]} : vector<1x1024xf32> to vector<1x256xf32>
      %tanh3A = math.tanh %slice3A_61 : vector<1x256xf32>
      %slice3A_62 = vector.extract_strided_slice %add3A {offsets = [0, 768], sizes = [1, 256], strides = [1, 1]} : vector<1x1024xf32> to vector<1x256xf32>
      %logistic3A_63 = arith.negf %slice3A_62 : vector<1x256xf32>
      %logistic3A_64 = math.exp %logistic3A_63 : vector<1x256xf32>
      %logistic3A_65 = arith.constant 1.000000e+00 : f32
      %logistic3A_66 = vector.broadcast %logistic3A_65 : f32 to vector<1x256xf32>
      %logistic3A_67 = arith.addf %logistic3A_66, %logistic3A_64 : vector<1x256xf32>
      %logistic3A_68 = arith.divf %logistic3A_66, %logistic3A_67 : vector<1x256xf32>
      %mul3A = arith.mulf %logistic3A_60, %scan3A_42 : vector<1x256xf32>
      %mul3A_69 = arith.mulf %logistic3A_53, %tanh3A : vector<1x256xf32>
      %add3A_70 = arith.addf %mul3A, %mul3A_69 : vector<1x256xf32>
      %tanh3A_71 = math.tanh %add3A_70 : vector<1x256xf32>
      %mul3A_72 = arith.mulf %logistic3A_68, %tanh3A_71 : vector<1x256xf32>
      %sub3A = arith.constant 511 : i32
      %sub3A_73 = arith.subi %sub3A, %scan3A_40 : i32
      %get3A_74 = arith.index_cast %sub3A_73 : i32 to index
      %get3A_75 = arith.constant 0 : index
      %get3A_76 = vector.load %arg2[%get3A_74, %get3A_75] : memref<512x1024xf32, #tpu.memory_space<vmem>>, vector<1x1024xf32>
      %dot_general3A_77 = arith.constant dense<0.000000e+00> : vector<1x1024xf32>
      %dot_general3A_78 = tpu.matmul %scan3A_43, %get3A_6, %dot_general3A_77 {dimension_numbers = #tpu.dot_dimension_numbers<[1], [0], [0], [1], [0, 0, 1, 1], [], []>, transpose_lhs_hint = false} : vector<1x256xf32>, vector<256x1024xf32>, vector<1x1024xf32> -> vector<1x1024xf32>
      %add3A_79 = arith.addf %get3A_76, %dot_general3A_78 : vector<1x1024xf32>
      %slice3A_80 = vector.extract_strided_slice %add3A_79 {offsets = [0, 0], sizes = [1, 256], strides = [1, 1]} : vector<1x1024xf32> to vector<1x256xf32>
      %logistic3A_81 = arith.negf %slice3A_80 : vector<1x256xf32>
      %logistic3A_82 = math.exp %logistic3A_81 : vector<1x256xf32>
      %logistic3A_83 = arith.constant 1.000000e+00 : f32
      %logistic3A_84 = vector.broadcast %logistic3A_83 : f32 to vector<1x256xf32>
      %logistic3A_85 = arith.addf %logistic3A_84, %logistic3A_82 : vector<1x256xf32>
      %logistic3A_86 = arith.divf %logistic3A_84, %logistic3A_85 : vector<1x256xf32>
      %slice3A_87 = vector.extract_strided_slice %add3A_79 {offsets = [0, 256], sizes = [1, 256], strides = [1, 1]} : vector<1x1024xf32> to vector<1x256xf32>
      %logistic3A_88 = arith.negf %slice3A_87 : vector<1x256xf32>
      %logistic3A_89 = math.exp %logistic3A_88 : vector<1x256xf32>
      %logistic3A_90 = arith.constant 1.000000e+00 : f32
      %logistic3A_91 = vector.broadcast %logistic3A_90 : f32 to vector<1x256xf32>
      %logistic3A_92 = arith.addf %logistic3A_91, %logistic3A_89 : vector<1x256xf32>
      %logistic3A_93 = arith.divf %logistic3A_91, %logistic3A_92 : vector<1x256xf32>
      %slice3A_94 = vector.extract_strided_slice %add3A_79 {offsets = [0, 512], sizes = [1, 256], strides = [1, 1]} : vector<1x1024xf32> to vector<1x256xf32>
      %tanh3A_95 = math.tanh %slice3A_94 : vector<1x256xf32>
      %slice3A_96 = vector.extract_strided_slice %add3A_79 {offsets = [0, 768], sizes = [1, 256], strides = [1, 1]} : vector<1x1024xf32> to vector<1x256xf32>
      %logistic3A_97 = arith.negf %slice3A_96 : vector<1x256xf32>
      %logistic3A_98 = math.exp %logistic3A_97 : vector<1x256xf32>
      %logistic3A_99 = arith.constant 1.000000e+00 : f32
      %logistic3A_100 = vector.broadcast %logistic3A_99 : f32 to vector<1x256xf32>
      %logistic3A_101 = arith.addf %logistic3A_100, %logistic3A_98 : vector<1x256xf32>
      %logistic3A_102 = arith.divf %logistic3A_100, %logistic3A_101 : vector<1x256xf32>
      %mul3A_103 = arith.mulf %logistic3A_93, %scan3A_44 : vector<1x256xf32>
      %mul3A_104 = arith.mulf %logistic3A_86, %tanh3A_95 : vector<1x256xf32>
      %add3A_105 = arith.addf %mul3A_103, %mul3A_104 : vector<1x256xf32>
      %tanh3A_106 = math.tanh %add3A_105 : vector<1x256xf32>
      %mul3A_107 = arith.mulf %logistic3A_102, %tanh3A_106 : vector<1x256xf32>
      scf.yield %mul3A_72, %add3A_70, %mul3A_107, %add3A_105 : vector<1x256xf32>, vector<1x256xf32>, vector<1x256xf32>, vector<1x256xf32>
    }
    %scan3A_23 = arith.constant 512 : i32
    %swap3A = arith.constant 0 : index
    %swap3A_24 = arith.constant 0 : index
    %swap3A_25 = vector.load %arg8[%swap3A, %swap3A_24] : memref<4x256xf32, #tpu.memory_space<vmem>>, vector<1x256xf32>
    tpu.vector_store %arg8[%swap3A, %swap3A_24], %scan3A_22#0 {strides = array<i32>} : memref<4x256xf32, #tpu.memory_space<vmem>>, vector<1x256xf32>,
    %swap3A_26 = arith.constant 1 : index
    %swap3A_27 = arith.constant 0 : index
    %swap3A_28 = vector.load %arg8[%swap3A_26, %swap3A_27] : memref<4x256xf32, #tpu.memory_space<vmem>>, vector<1x256xf32>
    tpu.vector_store %arg8[%swap3A_26, %swap3A_27], %scan3A_22#1 {strides = array<i32>} : memref<4x256xf32, #tpu.memory_space<vmem>>, vector<1x256xf32>,
    %swap3A_29 = arith.constant 2 : index
    %swap3A_30 = arith.constant 0 : index
    %swap3A_31 = vector.load %arg8[%swap3A_29, %swap3A_30] : memref<4x256xf32, #tpu.memory_space<vmem>>, vector<1x256xf32>
    tpu.vector_store %arg8[%swap3A_29, %swap3A_30], %scan3A_22#2 {strides = array<i32>} : memref<4x256xf32, #tpu.memory_space<vmem>>, vector<1x256xf32>,
    %swap3A_32 = arith.constant 3 : index
    %swap3A_33 = arith.constant 0 : index
    %swap3A_34 = vector.load %arg8[%swap3A_32, %swap3A_33] : memref<4x256xf32, #tpu.memory_space<vmem>>, vector<1x256xf32>
    tpu.vector_store %arg8[%swap3A_32, %swap3A_33], %scan3A_22#3 {strides = array<i32>} : memref<4x256xf32, #tpu.memory_space<vmem>>, vector<1x256xf32>,
    %eq3A_35 = arith.constant 7 : i32
    %eq3A_36 = arith.cmpi eq, %arg0, %eq3A_35 : i32
    %convert_element_type3A_37 = arith.extui %eq3A_36 : i1 to i32
    %cond3A_38 = arith.constant 0 : i32
    %cond3A_39 = arith.cmpi ne, %convert_element_type3A_37, %cond3A_38 : i32
    scf.if %cond3A_39 {
      %concatenate3A = tpu.concatenate %scan3A_22#0, %scan3A_22#2 in 1 : vector<1x256xf32>, vector<1x256xf32> -> vector<1x512xf32>
      %get3A_40 = arith.constant 0 : index
      %get3A_41 = arith.constant 0 : index
      %get3A_42 = vector.load %arg5[%get3A_40, %get3A_41] : memref<512x128xf32, #tpu.memory_space<vmem>>, vector<512x128xf32>
      %dot_general3A = arith.constant dense<0.000000e+00> : vector<1x128xf32>
      %dot_general3A_43 = tpu.matmul %concatenate3A, %get3A_42, %dot_general3A {dimension_numbers = #tpu.dot_dimension_numbers<[1], [0], [0], [1], [0, 0, 1, 1], [], []>, transpose_lhs_hint = false} : vector<1x512xf32>, vector<512x128xf32>, vector<1x128xf32> -> vector<1x128xf32>
      %get3A_44 = arith.constant 0 : index
      %get3A_45 = arith.constant 0 : index
      %get3A_46 = vector.load %arg6[%get3A_44, %get3A_45] : memref<1x128xf32, #tpu.memory_space<vmem>>, vector<1x128xf32>
      %add3A = arith.addf %dot_general3A_43, %get3A_46 : vector<1x128xf32>
      %swap3A_47 = arith.constant 0 : index
      %swap3A_48 = arith.constant 0 : index
      %swap3A_49 = vector.load %arg7[%swap3A_47, %swap3A_48] : memref<1x128xf32, #tpu.memory_space<vmem>>, vector<1x128xf32>
      tpu.vector_store %arg7[%swap3A_47, %swap3A_48], %add3A {strides = array<i32>} : memref<1x128xf32, #tpu.memory_space<vmem>>, vector<1x128xf32>,
    } else {
    }
    return
  }
  func.func @transform_0(%arg0: i32) -> (i32, i32) {
    %c0_i32 = arith.constant 0 : i32
    %c0_i32_0 = arith.constant 0 : i32
    return %arg0, %c0_i32 : i32, i32
  }
  func.func @transform_1(%arg0: i32) -> (i32, i32) {
    %sub3A = arith.constant 7 : i32
    %sub3A_0 = arith.subi %sub3A, %arg0 : i32
    %c0_i32 = arith.constant 0 : i32
    %c0_i32_1 = arith.constant 0 : i32
    return %sub3A_0, %c0_i32 : i32, i32
  }
  func.func @transform_2(%arg0: i32) -> (i32, i32) {
    %c0_i32 = arith.constant 0 : i32
    %c0_i32_0 = arith.constant 0 : i32
    %c0_i32_1 = arith.constant 0 : i32
    return %c0_i32, %c0_i32_0 : i32, i32
  }
  func.func @transform_3(%arg0: i32) -> (i32, i32) {
    %c0_i32 = arith.constant 0 : i32
    %c0_i32_0 = arith.constant 0 : i32
    %c0_i32_1 = arith.constant 0 : i32
    return %c0_i32, %c0_i32_0 : i32, i32
  }
  func.func @transform_4(%arg0: i32) -> (i32, i32) {
    %c0_i32 = arith.constant 0 : i32
    %c0_i32_0 = arith.constant 0 : i32
    %c0_i32_1 = arith.constant 0 : i32
    return %c0_i32, %c0_i32_0 : i32, i32
  }
  func.func @transform_5(%arg0: i32) -> (i32, i32) {
    %c0_i32 = arith.constant 0 : i32
    %c0_i32_0 = arith.constant 0 : i32
    %c0_i32_1 = arith.constant 0 : i32
    return %c0_i32, %c0_i32_0 : i32, i32
  }
  func.func @transform_6(%arg0: i32) -> (i32, i32) {
    %c0_i32 = arith.constant 0 : i32
    %c0_i32_0 = arith.constant 0 : i32
    %c0_i32_1 = arith.constant 0 : i32
    return %c0_i32, %c0_i32_0 : i32, i32
  }
}

</mosaic_0001>

<sc_bundles>
// kernel: kernel.21.cloned.1.call-start
scs
__scs_entry_jumppad:
0x0: {  	(pc) =	sbr.rel $0x88, $3  }
0x1: {  	(tag) =	ssettag $0x0;
	lr =	simm.s32 $0x1  }
0x2: {  	[smem:$0x3F86] =	sst lr;
	_ =	strace $0xD0000000  }
0x3: {  	_ = 	snop  }
0x4: {  	_ = 	snop  }
0x5: {  	_ = 	snop  }
0x6: {  	_ = 	snop  }
0x7: {  	_ = 	snop  }
__scs_overlays_trampoline_lowered:
0x8: {  	[smem:$0x3F95] =	sst s0  }
0x9: {  	[smem:$0x3F96] =	sst s1  }
0xa: {  	[smem:$0x3F97] =	sst s2  }
0xb: {  	[smem:$0x3F98] =	sst s3  }
0xc: {  	[smem:$0x3F99] =	sst s4  }
0xd: {  	[smem:$0x3F9A] =	sst s5  }
0xe: {  	[smem:$0x3F9B] =	sst s6  }
0xf: {  	[smem:$0x3F9C] =	sst s7  }
0x10: {  	[smem:$0x3F9D] =	sst s8  }
0x11: {  	[smem:$0x3F9E] =	sst s9;
	s0 =	simm.s32 @!p0 $0x0  }
0x12: {  	s1 =	sld [smem:$0x3F84];
	s0 =	simm.s32 @p0 $0x1  }
0x13: {  	[smem:$0x3F9F] =	sst s0;
	s0 =	simm.s32 @!p1 $0x0  }
0x14: {  	s2 =	sld [smem:$0x3F83];
	s0 =	simm.s32 @p1 $0x1  }
0x15: {  	[smem:$0x3FA0] =	sst s0;
	s0 =	simm.s32 @!p2 $0x0  }
0x16: {  	s3 =	sld [smem:$0x3FDB];
	s0 =	simm.s32 @p2 $0x1  }
0x17: {  	s4 =	simm.s32 $0x1BF5;
	[smem:$0x3FA2] =	sst s0  }
0x18: {  	s0 =	sld [smem:$0x3F85];
	_ =	swait.ge [sflag:s4], $0x0  }
0x19: {  	s7 =	sld [smem:$0x3F86]  }
0x1a: {  	s8 =	sadd.s32 $0xFFFFE003, lr  }
0x1b: {  	s9 =	sadd.s32 $0xFFFFFEF7, lr;
	s5 =	simm.s32 $0xFFFFFFFF;
	p2 =	slt.u32 s8, $0xFFFFF086  }
0x1c: {  	p1 =	slt.u32 s9, $0xF7A;
	s5 =	simm.s32 @!p2 $0x0  }
0x1d: {  	s5 =	simm.s32 @p1 $0x1;
	p0 =	seq.s32 s7, s2  }
0x1e: {  	s7 =	smul.u32 @!p0 $0xF7A, s2;
	p2 =	seq.s32 @!p0 s5, $0x0  }
0x1f: {  	s9 =	smul.u32 $0xF7A, s1;
	s8 =	simm.s32 @!p0 $0x1BF5;
	p2 =	por !p2, p0  }
0x20: {  	[sflag:s8] =	ssyncset.s32 @!p0 $0xFFFFF086;
	s6 =	sadd.s32 @!p0 s3, s7;
	s7 =	simm.s32 @!p0 $0x108  }
0x21: {  	s3 =	sadd.s32 s3, s9;
	s6 =	sadd.s32 @!p0 $0x88, s6;
	s7 =	simm.s32 @p2 $0x1082  }
0x22: {  	[simem:s7], [sflag:s8] =	dma.local @!p0 [hbm:s6], $0xF7A  }
0x23: {  	s9 =	sor.u32 $0xD0000000, s2;
	s6 =	simm.s32 $0x108;
	_ =	swait.ge @!p0 [sflag:s8], $0x0  }
0x24: {  	s3 =	sadd.s32 $0x88, s3;
	s6 =	simm.s32 @!p1 $0x1082;
	[sflag:s4] =	ssyncset.s32 $0xFFFFF086  }
0x25: {  	[simem:s6], [sflag:s4] =	dma.local [hbm:s3], $0xF7A  }
0x26: {  	[smem:$0x3F86] =	sst s1;
	(tag) =	ssettag s2;
	_ =	strace s9  }
0x27: {  	s1 =	sld [smem:$0x3F96]  }
0x28: {  	s2 =	sld [smem:$0x3F97]  }
0x29: {  	s4 =	sld [smem:$0x3F99]  }
0x2a: {  	p0 =	seq.s32 s5, $0x0;
	s5 =	sld [smem:$0x3F9A]  }
0x2b: {  	s6 =	sld [smem:$0x3F9B]  }
0x2c: {  	s7 =	sld [smem:$0x3F9C]  }
0x2d: {  	s3 =	simm.s32 $0x108;
	s8 =	sld [smem:$0x3F9D]  }
0x2e: {  	s3 =	simm.s32 @!p0 $0x1082;
	s9 =	sld [smem:$0x3F9E]  }
0x2f: {  	lr =	sadd.s32 s0, s3;
	s0 =	sld [smem:$0x3F95]  }
0x30: {  	s3 =	sld [smem:$0x3F98]  }
0x31: {  	[smem:$0x3FA1] =	sst s10  }
0x32: {  	s10 =	sld [smem:$0x3F9F];
	_ =	sdelay $0x3  }
0x33: {  	p0 =	seq.s32 s10, $0x1;
	s10 =	sld [smem:$0x3FA1];
	_ =	sdelay $0x3  }
0x34: {  	[smem:$0x3FA1] =	sst s10  }
0x35: {  	s10 =	sld [smem:$0x3FA0];
	_ =	sdelay $0x3  }
0x36: {  	p1 =	seq.s32 s10, $0x1;
	s10 =	sld [smem:$0x3FA1];
	_ =	sdelay $0x3  }
0x37: {  	[smem:$0x3FA1] =	sst s10  }
0x38: {  	s10 =	sld [smem:$0x3FA2]  }
0x39: {  	_ = 	snop;
	(pc) =	sbr.ind lr, $3  }
0x3a: {  	_ = 	snop  }
0x3b: {  	_ = 	snop  }
0x3c: {  	p2 =	seq.s32 s10, $0x1;
	s10 =	sld [smem:$0x3FA1]  }
0x3d: {  	_ =	shalt  }
0x3e: {  	_ =	shalt  }
0x3f: {  	_ =	shalt  }
0x40: {  	_ =	shalt  }
0x41: {  	_ =	shalt  }
0x42: {  	_ =	shalt  }
0x43: {  	_ =	shalt  }
0x44: {  	_ =	shalt  }
0x45: {  	_ =	shalt  }
0x46: {  	_ =	shalt  }
0x47: {  	_ =	shalt  }
0x48: {  	_ =	shalt  }
0x49: {  	_ =	shalt  }
0x4a: {  	_ =	shalt  }
0x4b: {  	_ =	shalt  }
0x4c: {  	_ =	shalt  }
0x4d: {  	_ =	shalt  }
0x4e: {  	_ =	shalt  }
0x4f: {  	_ =	shalt  }
0x50: {  	_ =	shalt  }
0x51: {  	_ =	shalt  }
0x52: {  	_ =	shalt  }
0x53: {  	_ =	shalt  }
0x54: {  	_ =	shalt  }
0x55: {  	_ =	shalt  }
0x56: {  	_ =	shalt  }
0x57: {  	_ =	shalt  }
0x58: {  	_ =	shalt  }
0x59: {  	_ =	shalt  }
0x5a: {  	_ =	shalt  }
0x5b: {  	_ =	shalt  }
0x5c: {  	_ =	shalt  }
0x5d: {  	_ =	shalt  }
0x5e: {  	_ =	shalt  }
0x5f: {  	_ =	shalt  }
0x60: {  	_ =	shalt  }
0x61: {  	_ =	shalt  }
0x62: {  	_ =	shalt  }
0x63: {  	_ =	shalt  }
0x64: {  	_ =	shalt  }
0x65: {  	_ =	shalt  }
0x66: {  	_ =	shalt  }
0x67: {  	_ =	shalt  }
0x68: {  	_ =	shalt  }
0x69: {  	_ =	shalt  }
0x6a: {  	_ =	shalt  }
0x6b: {  	_ =	shalt  }
0x6c: {  	_ =	shalt  }
0x6d: {  	_ =	shalt  }
0x6e: {  	_ =	shalt  }
0x6f: {  	_ =	shalt  }
0x70: {  	_ =	shalt  }
0x71: {  	_ =	shalt  }
0x72: {  	_ =	shalt  }
0x73: {  	_ =	shalt  }
0x74: {  	_ =	shalt  }
0x75: {  	_ =	shalt  }
0x76: {  	_ =	shalt  }
0x77: {  	_ =	shalt  }
0x78: {  	_ =	shalt  }
0x79: {  	_ =	shalt  }
0x7a: {  	_ =	shalt  }
0x7b: {  	_ =	shalt  }
0x7c: {  	_ =	shalt  }
0x7d: {  	_ =	shalt  }
0x7e: {  	_ =	shalt  }
0x7f: {  	_ =	shalt  }
0x80: {  	_ =	shalt  }
0x81: {  	_ =	shalt  }
0x82: {  	_ =	shalt  }
0x83: {  	_ =	shalt  }
0x84: {  	_ =	shalt  }
0x85: {  	_ =	shalt  }
0x86: {  	_ =	shalt  }
0x87: {  	_ =	shalt  }
.Lfunc_end0:
.L_simem_size_0:
called_computation_lowered:
.L_overlay_start_0:
0x88: {  	s2 =	sld [smem:$0x3FD9]  }
0x89: {  	s3 =	sld [smem:$0x3FFE];
	_ =	sdelay $0x1  }
0x8a: {  	s1 =	srdreg.scid  }
0x8b: {  	s0 =	sand.u32 $0x1, s1  }
0x8c: {  	s17 =	sshll.u32 s0, $0xA;
	s2 =	sadd.s32 s3, s2  }
0x8d: {  	s2 =	sadd.s32 s2, s17  }
0x8e: {  	[smem:$0x3FAD] =	sst s2  }
0x8f: {  	_ = 	snop  }
0x90: {  	(tm) =	ssettm $0x1  }
0x91: {  	s18 =	sld [smem:$0x3FFB];
	_ =	sdelay $0x3  }
0x92: {  	_ =	strace s18  }
0x93: {  	s2 =	sld [smem:$0x3FFC];
	_ =	sdelay $0x3  }
0x94: {  	_ =	strace s2  }
0x95: {  	s2 =	sld [smem:$0x3FFD];
	_ =	sdelay $0x3  }
0x96: {  	_ =	strace s2  }
0x97: {  	_ =	strace $0x8FFFFFFF  }
0x98: {  	s19 =	sld [smem:$0x3FDB];
	_ =	sdelay $0x1  }
0x99: {  	s20 =	simm.s32 $_scs_section_size  }
0x9a: {  	s4 =	simm.s32 $_size__tile_overlayer_lowered;
	s5 =	simm.s32 $_tile_overlayer_lowered  }
0x9b: {  	s6 =	simm.s32 $0x1BFF;
	s21 =	sshll.u32 s5, $0x1;
	s3 =	sadd.s32 s20, s19  }
0x9c: {  	s22 =	simm.s32 $0x0;
	s4 =	sshll.u32 s4, $0x1;
	s5 =	sadd.s32 s21, s3  }
0x9d: {  	[timem:s22], [sflag:s6] =	dma.local [hbm:s5], s4  }
0x9e: {  	_ =	swait.ge [sflag:s6], s4  }
0x9f: {  	s4 =	ssub.s32 $0x0, s4;
	[sflag:s6] =	ssyncset.done $0x0  }
0xa0: {  	[sflag:s6] =	ssyncadd.s32 s4;
	_ =	sdelay $0x1  }
0xa1: {  	s23 =	simm.s32 $0x1B8B  }
0xa2: {  	_ =	swait.ge [sflag:s23], $0x1  }
0xa3: {  	[sflag:s23] =	ssyncset.done $0x0  }
0xa4: {  	[sflag:s23] =	ssyncadd.s32 $0xFFFFFFFF  }
0xa5: {  	s4 =	sld [smem:$0x0]  }
0xa6: {  	s5 =	sand.u32 $0xFFFFFFFE, s1  }
0xa7: {  	p0 =	sne.s32 s1, s5  }
0xa8: {  	s5 =	sshll.u32 @p0 s5, $0xE  }
0xa9: {  	s5 =	sadd.s32 @p0 $0x11B8D, s5;
	s6 =	sshll.u32 @p0 s4, $0x11  }
0xaa: {  	s5 =	sor.u32 @p0 s6, s5  }
0xab: {  	[sflag:s5] =	ssyncadd.remote.s32 @p0 $0x1;
	_ =	sdelay $0x1  }
0xac: {  	s5 =	simm.s32 @p0 $0x1B8D  }
0xad: {  	_ =	swait.eq @p0 [sflag:s5], $0x1  }
0xae: {  	[sflag:s5] =	ssyncadd.s32 @p0 $0xFFFFFFFF  }
0xaf: {  	s6 =	sshll.u32 @!p0 s1, $0xE  }
0xb0: {  	s6 =	sor.u32 @!p0 $0x4000, s6;
	s5 =	simm.s32 @!p0 $0x1B8D  }
0xb1: {  	s4 =	sshll.u32 @!p0 s4, $0x11;
	s6 =	sadd.s32 @!p0 $0x11B8D, s6;
	_ =	swait.eq @!p0 [sflag:s5], $0x1  }
0xb2: {  	s4 =	sor.u32 @!p0 s4, s6;
	[sflag:s5] =	ssyncadd.s32 @!p0 $0xFFFFFFFF  }
0xb3: {  	s25 =	simm.s32 $0x1B8E;
	s24 =	sld [smem:$0x3FFE];
	[sflag:s4] =	ssyncadd.remote.s32 @!p0 $0x1  }
0xb4: {  	s26 =	simm.s32 $execute0_lowered;
	[smem:$0x3FD2] =	sst s25  }
0xb5: {  	s5 =	sshll.u32 s26, $0x1;
	_ =	strace $0x8000004F;
	[dreg:$0x1] =	wrdreg $0xFFFFFFFF  }
0xb6: {  	s28 =	simm.s32 $_size_execute0_lowered;
	s3 =	sadd.s32 s3, s5;
	[dreg:$0x0] =	wrdreg $0x0  }
0xb7: {  	s5 =	sshll.u32 s28, $0x1;
	[dreg:$0x2] =	wrdreg s3  }
0xb8: {  	[dreg:$0x3] =	wrdreg s5  }
0xb9: {  	[dreg:$0x4] =	wrdreg $0xC0  }
0xba: {  	_ =	task [dreg:s22], $0x5FFFF  }
0xbb: {  	[dreg:$0x1] =	wrdreg $0xFFFFFFFF  }
0xbc: {  	[dreg:$0x0] =	wrdreg $0x60  }
0xbd: {  	[dreg:$0x2] =	wrdreg s24  }
0xbe: {  	[dreg:$0x3] =	wrdreg $0x81800  }
0xbf: {  	[dreg:$0x4] =	wrdreg $0xC1800  }
0xc0: {  	[dreg:$0x5] =	wrdreg $0x101800  }
0xc1: {  	[dreg:$0x6] =	wrdreg $0x9  }
0xc2: {  	_ =	task.clear_ibuf [dreg:s22], $0x7FFFF;
	_ =	strace $0x9000004F  }
0xc3: {  	s29 =	simm.s32 $0x9;
	_ =	strace $0x80000051  }
0xc4: {  	_ =	swait.ge [sflag:s29], $0x1  }
0xc5: {  	[sflag:s29] =	ssyncadd.s32 $0xFFFFFFFF  }
0xc6: {  	_ =	strace $0x90000051  }
0xc7: {  	_ =	sfence  }
0xc8: {  	s30 =	sld [smem:$0x0];
	_ =	sdelay $0x2  }
0xc9: {  	s31 =	sshll.u32 s1, $0xD;
	s1 =	sshrl.u32 s1, $0x2  }
0xca: {  	s4 =	sand.u32 $0x4000, s31;
	s1 =	sadd.s32 s1, s30  }
0xcb: {  	s0 =	sor.u32 s4, s0;
	s1 =	sshll.u32 s1, $0x11  }
0xcc: {  	s0 =	sor.u32 s1, s0  }
0xcd: {  	s0 =	sadd.s32 $0x8F2B, s0  }
0xce: {  	[sflag:s0] =	ssyncadd.remote.s32 $0x1  }
0xcf: {  	_ =	sfence.sel $0xFFFF  }
0xd0: {  	[dreg:$0x0] =	wrdreg $0xFFFFFFFF;
	(pc) =	sbr.abs _section_cstart, $3  }
0xd1: {  	[dreg:$0x1] =	wrdreg $0xFFFFFFFF  }
0xd2: {  	_ =	task.clear_ibuf [dreg:s22], $0x2FFFF;
	_ =	strace $0x9FFFFFFF  }
0xd3: {  	(tm) =	ssettm $0x7FFFFFFF  }
tec
execute0_lowered:
.L_overlay_start_1:
0x0: {  	(tag) =	ssettag $0x1  }
0x1: {  	s0 =	rddreg [dreg:$0x0]  }
0x2: {  	s1 =	rddreg [dreg:$0x1]  }
0x3: {  	s2 =	rddreg [dreg:$0x2]  }
0x4: {  	s3 =	rddreg [dreg:$0x3];
	s4 =	simm.s32 $0x0  }
0x5: {  	s5 =	srdreg.scid;
	s17 =	stileid.u32;
	s20 =	simm.s32 $0x2  }
0x6: {  	s28 =	simm.s32 $0x1;
	s29 =	simm.s32 $0x4180;
	s30 =	simm.s32 $0x6180  }
0x7: {  	s31 =	simm.s32 $0x2180;
	[smem:$0x7FF] =	sst s4;
	s6 =	sadd.s32 $0x134C00, s0  }
0x8: {  	s7 =	sadd.s32 $0x134400, s0;
	s5 =	sand.u32 $0x1, s5;
	s8 =	sadd.s32 $0xB4400, s0  }
0x9: {  	s14 =	sshll.u32 s17, $0xE;
	s9 =	sadd.s32 $0xD4400, s0;
	s10 =	sadd.s32 $0xF4400, s0  }
0xa: {  	s24 =	sshll.u32 s17, $0x6;
	_ =	strace $0x80000050;
	s11 =	sshll.u32 s5, $0x12  }
0xb: {  	s15 =	ssub.s32 $0x2, s5;
	s16 =	sadd.s32 s14, s1;
	s21 =	sadd.s32 s14, s2  }
0xc: {  	s22 =	sadd.s32 s14, s3;
	s5 =	sshll.u32 s5, $0xC;
	s12 =	sor.u32 s14, s11  }
0xd: {  	s11 =	sadd.s32 $0x114400, s0;
	s23 =	sshrl.u32 s15, $0x1;
	s14 =	sshll.u32 s17, $0x7  }
0xe: {  	s19 =	sshrl.u32 s16, $0x3;
	s21 =	sshrl.u32 s21, $0x3;
	s22 =	sshrl.u32 s22, $0x3  }
0xf: {  	s13 =	sshrl.u32 s12, $0x3;
	s12 =	sadd.s32 $0x63C00, s0;
	s15 =	ssub.s32 s15, s23  }
0x10: {  	s23 =	simm.s32 $0x80;
	s0 =	sadd.s32 s13, s0;
	s13 =	sor.u32 $0x1C02, s24  }
0x11: {  	s18 =	smax.u32 s15, $0x1;
	s24 =	simm.s32 $0x40;
	s25 =	sadd.s32 $0x165400, s0  }
0x12: {  	s26 =	sadd.s32 $0x175400, s0;
	s17 =	sadd.s32 $0x185400, s0;
	[dreg:$0x5] =	wrdreg s25  }
0x13: {  	v0 =	vmov s5;
	[dreg:$0x6] =	wrdreg s26;
	s25 =	simm.s32 $0x100;
	s26 =	simm.s32 $0x180  }
.LBB2_1:
0x14: {  	[spmem:s19], [sflag:s13] =	dma.local [hbm:s12], $0x800  }
0x15: {  	_ =	swait.ge [sflag:s20], $0x800  }
0x16: {  	[sflag:s20] =	ssyncset.done $0x0  }
0x17: {  	[sflag:s20] =	ssyncadd.s32 $0xFFFFF800  }
0x18: {  	[spmem:s21], [sflag:s13] =	dma.local [hbm:s12], $0x800  }
0x19: {  	_ =	swait.ge [sflag:s20], $0x800  }
0x1a: {  	[sflag:s20] =	ssyncset.done $0x0  }
0x1b: {  	[sflag:s20] =	ssyncadd.s32 $0xFFFFF800  }
0x1c: {  	[spmem:s22], [sflag:s13] =	dma.local [hbm:s12], $0x800  }
0x1d: {  	_ =	swait.ge [sflag:s20], $0x800  }
0x1e: {  	[sflag:s20] =	ssyncset.done $0x0  }
0x1f: {  	[sflag:s20] =	ssyncadd.s32 $0xFFFFF800  }
0x20: {  	s0 =	simm.s32 $0x0;
	[bflag:$0x0] =	sbarrier.arrive $0xFFFF  }
.LBB2_2:
0x21: {  	s5 =	sshll.u32 s0, $0x3  }
0x22: {  	s5 =	sadd.s32 s14, s5  }
0x23: {  	s16 =	simm.s32 $0x0;
	s15 =	sadd.s32 s6, s5  }
0x24: {  	[tilespmem:s16], [sflag:$0x2] =	stream.linear.gather [hbm4b:s15+s16], $0x40, $0x38;
	[tilespmem:$0x14180] =	vst v63  }
0x25: {  	_ =	swait.ge [sflag:s20], $0x40  }
0x26: {  	[sflag:s20] =	ssyncset.done $0x0  }
0x27: {  	s5 =	sadd.s32 s7, s5;
	[sflag:s20] =	ssyncadd.s32 $0xFFFFFFC0  }
0x28: {  	[tilespmem:s23], [sflag:$0x2] =	stream.linear.gather [hbm4b:s5+s16], $0x40, $0x38;
	[tilespmem:$0x14180] =	vst v63  }
0x29: {  	_ =	swait.ge [sflag:s20], $0x40  }
0x2a: {  	[sflag:s20] =	ssyncset.done $0x0  }
0x2b: {  	[sflag:s20] =	ssyncadd.s32 $0xFFFFFFC0  }
0x2c: {  	v1 =	vld [tilespmem:$0x0]  }
0x2d: {  	v2 =	vld [tilespmem:$0x10]  }
0x2e: {  	v3 =	vld [tilespmem:$0x20]  }
0x2f: {  	v4 =	vld [tilespmem:$0x30];
	_ =	sdelay $0x1  }
0x30: {  	v1 =	vadd.s32 v0, v1  }
0x31: {  	[tilespmem:$0x100] =	vst v1;
	v1 =	vadd.s32 v0, v2  }
0x32: {  	[tilespmem:$0x110] =	vst v1;
	v1 =	vadd.s32 v0, v3  }
0x33: {  	[tilespmem:$0x120] =	vst v1;
	v1 =	vadd.s32 v0, v4  }
0x34: {  	[tilespmem:$0x130] =	vst v1  }
0x35: {  	[tilespmem:s26], [sflag:$0x1] =	stream.indirect.gather [hbm4b:s10+s24], $0x80, s25, s24, $0xb8;
	[tilespmem:$0x14180] =	vst v63  }
0x36: {  	_ =	swait.ge [sflag:s28], $0x2000  }
0x37: {  	[sflag:s28] =	ssyncset.done $0x0  }
0x38: {  	[sflag:s28] =	ssyncadd.s32 $0xFFFFE000  }
0x39: {  	[tilespmem:s29], [sflag:$0x1] =	stream.indirect.gather [hbm4b:s8+s24], $0x80, s25, s24, $0xb8;
	[tilespmem:$0x14180] =	vst v63  }
0x3a: {  	_ =	swait.ge [sflag:s28], $0x2000  }
0x3b: {  	[sflag:s28] =	ssyncset.done $0x0  }
0x3c: {  	[sflag:s28] =	ssyncadd.s32 $0xFFFFE000  }
0x3d: {  	[tilespmem:s30], [sflag:$0x1] =	stream.indirect.gather [hbm4b:s9+s24], $0x80, s25, s24, $0xb8;
	[tilespmem:$0x14180] =	vst v63  }
0x3e: {  	_ =	swait.ge [sflag:s28], $0x2000  }
0x3f: {  	[sflag:s28] =	ssyncset.done $0x0  }
0x40: {  	[sflag:s28] =	ssyncadd.s32 $0xFFFFE000  }
0x41: {  	v1 =	vld [tilespmem:$0x80]  }
0x42: {  	v2 =	vld [tilespmem:$0x90]  }
0x43: {  	v3 =	vld [tilespmem:$0xA0]  }
0x44: {  	v4 =	vld [tilespmem:$0xB0];
	_ =	sdelay $0x1  }
0x45: {  	v1 =	vadd.s32 v0, v1  }
0x46: {  	[tilespmem:$0x100] =	vst v1;
	v1 =	vadd.s32 v0, v2  }
0x47: {  	[tilespmem:$0x110] =	vst v1;
	v1 =	vadd.s32 v0, v3  }
0x48: {  	[tilespmem:$0x120] =	vst v1;
	v1 =	vadd.s32 v0, v4  }
0x49: {  	[tilespmem:$0x130] =	vst v1  }
0x4a: {  	[tilespmem:s31], [sflag:$0x1] =	stream.indirect.gather [hbm4b:s11+s24], $0x80, s25, s24, $0xb8;
	[tilespmem:$0x14180] =	vst v63  }
0x4b: {  	_ =	swait.ge [sflag:s28], $0x2000  }
0x4c: {  	[sflag:s28] =	ssyncset.done $0x0  }
0x4d: {  	s5 =	simm.s32 $0x0;
	[sflag:s28] =	ssyncadd.s32 $0xFFFFE000  }
0x4e: {  	v1 =	vld [tilespmem:s5+$0x21B0]  }
0x4f: {  	v7 =	vld [tilespmem:s5+$0x21F0]  }
0x50: {  	v2 =	vld [tilespmem:s5+$0x180]  }
0x51: {  	v3 =	vld [tilespmem:s5+$0x1E0]  }
0x52: {  	v4 =	vld [tilespmem:s5+$0x1D0]  }
0x53: {  	v5 =	vld [tilespmem:s5+$0x21E0]  }
0x54: {  	v6 =	vld [tilespmem:s5+$0x1B0]  }
0x55: {  	v8 =	vld [tilespmem:s5+$0x190]  }
0x56: {  	v9 =	vld [tilespmem:s5+$0x21D0]  }
0x57: {  	v10 =	vld [tilespmem:s5+$0x2180]  }
0x58: {  	v11 =	vld [tilespmem:s5+$0x21C0]  }
0x59: {  	v12 =	vld [tilespmem:s5+$0x2190];
	v3 =	vadd.f32 v5, v3  }
0x5a: {  	v13 =	vld [tilespmem:s5+$0x21A0]  }
0x5b: {  	v14 =	vld [tilespmem:s5+$0x1A0];
	v6 =	vadd.f32 v1, v6;
	v5 =	vmul.f32 $2.000000030e-01, v3  }
0x5c: {  	v15 =	vld [tilespmem:s5+$0x1F0]  }
0x5d: {  	v17 =	vld [tilespmem:s5+$0x61E0];
	v10 =	vadd.f32 v10, v2;
	v16 =	vmul.f32 $2.000000030e-01, v6;
	v3 =	vmax.f32 v3, v5  }
0x5e: {  	v18 =	vld [tilespmem:s5+$0x41E0];
	v3 =	vmul.f32 $1.442695020e+00, v3  }
0x5f: {  	v19 =	vld [tilespmem:s5+$0x41B0];
	v2 =	vmax.f32 v6, v16;
	v6 =	vadd.f32 v9, v4;
	v9 =	vmul.f32 $2.000000030e-01, v10  }
0x60: {  	v20 =	vld [tilespmem:s5+$0x61B0];
	v8 =	vadd.f32 v12, v8;
	v16 =	vmul.f32 $1.442695020e+00, v2;
	(erf) = vpow2.f32 v3  }
0x61: {  	v1 =	vld [tilespmem:s5+$0x4190];
	v12 =	vmul.f32 $2.000000030e-01, v6;
	v9 =	vmax.f32 v10, v9  }
0x62: {  	v5 =	vld [tilespmem:s5+$0x6180];
	v10 =	vadd.f32 v13, v14;
	v14 =	vmul.f32 $2.000000030e-01, v8;
	(erf) = vpow2.f32 v16  }
0x63: {  	v4 =	vld [tilespmem:s5+$0x61A0];
	v9 =	vmul.f32 $1.442695020e+00, v9;
	v12 =	vmax.f32 v6, v12  }
0x64: {  	v13 =	vld [tilespmem:s5+$0x1C0];
	v16 =	vmul.f32 $2.000000030e-01, v10;
	v8 =	vmax.f32 v8, v14;
	v12 =	vmul.f32 $1.442695020e+00, v12  }
0x65: {  	v2 =	vld [tilespmem:s5+$0x41F0];
	v14 =	vadd.f32 v7, v15;
	(erf) = vpow2.f32 v9;
	v8 =	vmul.f32 $1.442695020e+00, v8  }
0x66: {  	v3 =	vld [tilespmem:s5+$0x6190];
	v7 =	vmax.f32 v10, v16;
	(erf) = vpow2.f32 v12  }
0x67: {  	v6 =	vld [tilespmem:s5+$0x41A0];
	v15 =	vmul.f32 $2.000000030e-01, v14;
	v12 =	vmul.f32 $1.442695020e+00, v7  }
0x68: {  	v9 =	vld [tilespmem:s5+$0x61D0];
	(erf) = vpow2.f32 v8  }
0x69: {  	v10 =	vld [tilespmem:s5+$0x4180];
	v13 =	vadd.f32 v11, v13;
	v11 =	vmax.f32 v14, v15;
	v8 =	vpop (erf);
	(erf) = vpow2.f32 v12  }
0x6a: {  	v7 =	vld [tilespmem:s5+$0x61F0];
	v15 =	vmul.f32 $1.442695020e+00, v11;
	v21 =	vmul.f32 v8, v18  }
0x6b: {  	v11 =	vld [tilespmem:s5+$0x41D0];
	v16 =	vmul.f32 $2.000000030e-01, v13;
	[tilespmem:s5+$0x1E0] =	vst v8;
	v17 =	vmul.f32 v8, v17;
	v14 =	vpop (erf)  }
0x6c: {  	s15 =	simm.s32 $0x200;
	v8 =	vld [tilespmem:s5+$0x41C0];
	v18 =	vmul.f32 v14, v19;
	v12 =	vmul.f32 v14, v20;
	[tilespmem:s5+$0x41E0] =	vst v21  }
.LBB2_3:
0x6d: {  	s16 =	sshra.s32 s15, $0x2;
	p0 =	sne.s32 s15, $0x7E00;
	s15 =	sadd.s32 $0x200, s15;
	v13 =	vmax.f32 v13, v16;
	v16 =	vld [tilespmem:s5+$0x61C0];
	[tilespmem:s5+$0x61E0] =	vst v17;
	(erf) = vpow2.f32 v15  }
0x6e: {  	v15 =	vld [tilespmem:s16+$0x21B0];
	[tilespmem:s5+$0x41B0] =	vst v18;
	v13 =	vmul.f32 $1.442695020e+00, v13;
	v17 =	vpop (erf)  }
0x6f: {  	v18 =	vld [tilespmem:s16+$0x21F0];
	[tilespmem:s5+$0x180] =	vst v17;
	v10 =	vmul.f32 v17, v10;
	v5 =	vmul.f32 v17, v5;
	v17 =	vpop (erf)  }
0x70: {  	v19 =	vld [tilespmem:s16+$0x180];
	[tilespmem:s5+$0x1B0] =	vst v14;
	v11 =	vmul.f32 v17, v11;
	(erf) = vpow2.f32 v13  }
0x71: {  	v9 =	vmul.f32 v17, v9;
	v13 =	vld [tilespmem:s16+$0x1E0];
	[tilespmem:s5+$0x1D0] =	vst v17;
	v14 =	vpop (erf)  }
0x72: {  	v17 =	vld [tilespmem:s16+$0x1D0];
	v1 =	vmul.f32 v14, v1;
	v3 =	vmul.f32 v14, v3;
	[tilespmem:s5+$0x61B0] =	vst v12;
	v12 =	vpop (erf)  }
0x73: {  	v20 =	vld [tilespmem:s16+$0x21E0];
	[tilespmem:s5+$0x6180] =	vst v5;
	v5 =	vmul.f32 v12, v6;
	v4 =	vmul.f32 v12, v4  }
0x74: {  	v6 =	vld [tilespmem:s16+$0x1B0];
	[tilespmem:s5+$0x190] =	vst v14  }
0x75: {  	v14 =	vld [tilespmem:s16+$0x190];
	[tilespmem:s5+$0x1A0] =	vst v12  }
0x76: {  	v12 =	vld [tilespmem:s16+$0x21D0];
	[tilespmem:s5+$0x61D0] =	vst v9;
	v9 =	vpop (erf)  }
0x77: {  	v21 =	vld [tilespmem:s16+$0x2180];
	[tilespmem:s5+$0x4180] =	vst v10;
	v2 =	vmul.f32 v9, v2;
	v7 =	vmul.f32 v9, v7  }
0x78: {  	v10 =	vld [tilespmem:s16+$0x21C0];
	v13 =	vadd.f32 v20, v13;
	[tilespmem:s5+$0x61A0] =	vst v4  }
0x79: {  	v4 =	vld [tilespmem:s16+$0x2190];
	[tilespmem:s5+$0x41A0] =	vst v5;
	v20 =	vpop (erf)  }
0x7a: {  	v5 =	vadd.f32 v15, v6;
	v22 =	vld [tilespmem:s16+$0x21A0];
	v6 =	vmul.f32 $2.000000030e-01, v13;
	v8 =	vmul.f32 v20, v8;
	[tilespmem:s5+$0x1F0] =	vst v9  }
0x7b: {  	v15 =	vmul.f32 v20, v16;
	v9 =	vld [tilespmem:s16+$0x1A0];
	[tilespmem:s5+$0x41D0] =	vst v11  }
0x7c: {  	v11 =	vmul.f32 $2.000000030e-01, v5;
	v6 =	vmax.f32 v13, v6;
	v13 =	vld [tilespmem:s16+$0x1F0];
	[tilespmem:s5+$0x4190] =	vst v1  }
0x7d: {  	v16 =	vadd.f32 v21, v19;
	v1 =	vld [tilespmem:s16+$0x4190];
	v6 =	vmul.f32 $1.442695020e+00, v6;
	[tilespmem:s5+$0x41F0] =	vst v2  }
0x7e: {  	v2 =	vmax.f32 v5, v11;
	v11 =	vadd.f32 v12, v17;
	v12 =	vld [tilespmem:s16+$0x61E0];
	[tilespmem:s5+$0x41C0] =	vst v8  }
0x7f: {  	v8 =	vmul.f32 $2.000000030e-01, v16;
	v4 =	vadd.f32 v4, v14;
	v14 =	vmul.f32 $1.442695020e+00, v2;
	v17 =	vld [tilespmem:s16+$0x41E0];
	[tilespmem:s5+$0x61F0] =	vst v7  }
0x80: {  	v2 =	vmul.f32 $2.000000030e-01, v11;
	v5 =	vld [tilespmem:s16+$0x6180];
	(erf) = vpow2.f32 v6;
	[tilespmem:s5+$0x6190] =	vst v3  }
0x81: {  	v6 =	vmax.f32 v16, v8;
	v7 =	vmul.f32 $2.000000030e-01, v4;
	v8 =	vadd.f32 v22, v9;
	v3 =	vld [tilespmem:s16+$0x6190];
	[tilespmem:s5+$0x1C0] =	vst v20  }
0x82: {  	v9 =	vmax.f32 v11, v2;
	v2 =	vld [tilespmem:s16+$0x41F0];
	(erf) = vpow2.f32 v14;
	[tilespmem:s5+$0x61C0] =	vst v15;
	s5 =	smov.u32 s16  }
0x83: {  	v11 =	vmul.f32 $1.442695020e+00, v6;
	v7 =	vmax.f32 v4, v7;
	v4 =	vld [tilespmem:s5+$0x61A0]  }
0x84: {  	v16 =	vadd.f32 v18, v13;
	v14 =	vmul.f32 $2.000000030e-01, v8;
	v9 =	vmul.f32 $1.442695020e+00, v9;
	v15 =	vld [tilespmem:s5+$0x1C0]  }
0x85: {  	v6 =	vld [tilespmem:s5+$0x41A0];
	(erf) = vpow2.f32 v11  }
0x86: {  	v7 =	vmul.f32 $1.442695020e+00, v7;
	v8 =	vmax.f32 v8, v14;
	v18 =	vld [tilespmem:s5+$0x41B0];
	(erf) = vpow2.f32 v9  }
0x87: {  	v14 =	vmul.f32 $1.442695020e+00, v8;
	v11 =	vmul.f32 $2.000000030e-01, v16;
	v19 =	vld [tilespmem:s5+$0x61B0]  }
.Ltmp0:
0x88: {  	v9 =	vld [tilespmem:s5+$0x61D0];
	(erf) = vpow2.f32 v7;
	(pc) =	sbr.rel @p0 .LBB2_3-.Ltmp0, $4  }
0x89: {  	v11 =	vmax.f32 v16, v11;
	v13 =	vadd.f32 v10, v15;
	v7 =	vld [tilespmem:s5+$0x61F0];
	(erf) = vpow2.f32 v14;
	v8 =	vpop (erf)  }
0x8a: {  	v15 =	vmul.f32 $1.442695020e+00, v11;
	v10 =	vld [tilespmem:s5+$0x4180];
	[tilespmem:s5+$0x1E0] =	vst v8;
	v20 =	vmul.f32 v8, v17  }
0x8b: {  	v17 =	vmul.f32 v8, v12;
	v16 =	vmul.f32 $2.000000030e-01, v13;
	v11 =	vld [tilespmem:s5+$0x41D0];
	v14 =	vpop (erf)  }
0x8c: {  	v18 =	vmul.f32 v14, v18;
	v12 =	vmul.f32 v14, v19;
	v8 =	vld [tilespmem:s5+$0x41C0];
	[tilespmem:s5+$0x41E0] =	vst v20  }
0x8d: {  	[tilespmem:s5+$0x61E0] =	vst v17  }
0x8e: {  	[tilespmem:s5+$0x1B0] =	vst v14  }
0x8f: {  	[tilespmem:s5+$0x41B0] =	vst v18  }
0x90: {  	v54 =	vpop (erf);
	[tilespmem:s5+$0x61B0] =	vst v12  }
0x91: {  	v13 =	vmax.f32 v13, v16;
	(erf) = vpow2.f32 v15;
	[tilespmem:s5+$0x180] =	vst v54;
	v55 =	vpop (erf);
	v5 =	vmul.f32 v54, v5  }
0x92: {  	v13 =	vmul.f32 $1.442695020e+00, v13;
	v10 =	vmul.f32 v54, v10;
	[tilespmem:s5+$0x1D0] =	vst v55  }
0x93: {  	[tilespmem:s5+$0x6180] =	vst v5  }
0x94: {  	(erf) = vpow2.f32 v13;
	v57 =	vmul.f32 v55, v9;
	v56 =	vpop (erf);
	[tilespmem:s5+$0x4180] =	vst v10  }
0x95: {  	v60 =	vmul.f32 v55, v11;
	[tilespmem:s5+$0x190] =	vst v56  }
0x96: {  	[tilespmem:s5+$0x61D0] =	vst v57  }
0x97: {  	v58 =	vpop (erf);
	v1 =	vmul.f32 v56, v1;
	[tilespmem:s5+$0x41D0] =	vst v60  }
0x98: {  	[tilespmem:s5+$0x1A0] =	vst v58;
	v4 =	vmul.f32 v58, v4  }
0x99: {  	v59 =	vmul.f32 v58, v6;
	[tilespmem:s5+$0x4190] =	vst v1  }
0x9a: {  	[tilespmem:s5+$0x61A0] =	vst v4;
	v61 =	vpop (erf)  }
0x9b: {  	v19 =	vld [tilespmem:s5+$0x61C0];
	[tilespmem:s5+$0x41A0] =	vst v59;
	v2 =	vmul.f32 v61, v2  }
0x9c: {  	[tilespmem:s5+$0x1F0] =	vst v61;
	v1 =	vmul.f32 v61, v7  }
0x9d: {  	v62 =	vpop (erf);
	[tilespmem:s5+$0x41F0] =	vst v2  }
0x9e: {  	v63 =	vmul.f32 v62, v8;
	[tilespmem:s5+$0x61F0] =	vst v1  }
0x9f: {  	v2 =	vmul.f32 v56, v3;
	[tilespmem:s5+$0x1C0] =	vst v62  }
0xa0: {  	v1 =	vmul.f32 v62, v19;
	[tilespmem:s5+$0x41C0] =	vst v63  }
0xa1: {  	[tilespmem:s5+$0x6190] =	vst v2  }
0xa2: {  	[tilespmem:s5+$0x61C0] =	vst v1  }
0xa3: {  	[spmem:s1] =	stream.indirect.scatter.add.f32 [tilespmem:s29], [sflag:$0x2], $0x80, s23, s24, $0xb8;
	[tilespmem:$0x14180] =	vst v63  }
0xa4: {  	_ =	swait.ge [sflag:s20], $0x2000  }
0xa5: {  	[sflag:s20] =	ssyncset.done $0x0  }
0xa6: {  	[sflag:s20] =	ssyncadd.s32 $0xFFFFE000  }
0xa7: {  	[spmem:s2] =	stream.indirect.scatter.add.f32 [tilespmem:s30], [sflag:$0x2], $0x80, s23, s24, $0xb8;
	[tilespmem:$0x14180] =	vst v63  }
0xa8: {  	s0 =	sadd.s32 $0x1, s0;
	_ =	swait.ge [sflag:s20], $0x2000  }
0xa9: {  	p0 =	sne.s32 s0, $0x10;
	[sflag:s20] =	ssyncset.done $0x0  }
.Ltmp1:
0xaa: {  	[sflag:s20] =	ssyncadd.s32 $0xFFFFE000;
	(pc) =	sbr.rel @p0 .LBB2_2-.Ltmp1, $4  }
0xab: {  	[spmem:s3] =	stream.indirect.scatter.add.f32 [tilespmem:s26], [sflag:$0x2], $0x80, s23, s24, $0xb8;
	[tilespmem:$0x14180] =	vst v63  }
0xac: {  	_ =	swait.ge [sflag:s20], $0x2000  }
0xad: {  	[sflag:s20] =	ssyncset.done $0x0  }
0xae: {  	[sflag:s20] =	ssyncadd.s32 $0xFFFFE000  }
0xaf: {  	[bflag:$0x0] =	sbarrier.arrive $0xFFFF  }
0xb0: {  	s0 =	rddreg [dreg:$0x5]  }
0xb1: {  	[hbm:s0], [sflag:s13] =	dma.local [spmem:s19], $0x800  }
0xb2: {  	_ =	swait.ge [sflag:s20], $0x800  }
0xb3: {  	[sflag:s20] =	ssyncset.done $0x0  }
0xb4: {  	s16 =	rddreg [dreg:$0x6];
	[sflag:s20] =	ssyncadd.s32 $0xFFFFF800  }
0xb5: {  	[hbm:s16], [sflag:s13] =	dma.local [spmem:s21], $0x800  }
0xb6: {  	s4 =	sadd.s32 $0x1, s4;
	_ =	swait.ge [sflag:s20], $0x800  }
0xb7: {  	p0 =	sne.s32 s4, s18;
	[sflag:s20] =	ssyncset.done $0x0  }
.Ltmp2:
0xb8: {  	[sflag:s20] =	ssyncadd.s32 $0xFFFFF800;
	(pc) =	sbr.rel @p0 .LBB2_1-.Ltmp2, $4  }
0xb9: {  	[hbm:s17], [sflag:s13] =	dma.local [spmem:s22], $0x800  }
0xba: {  	_ =	swait.ge [sflag:s20], $0x800  }
0xbb: {  	[sflag:s20] =	ssyncset.done $0x0  }
0xbc: {  	[sflag:s20] =	ssyncadd.s32 $0xFFFFF800  }
0xbd: {  	_ =	sfence.sel $0x180000  }
0xbe: {  	[bflag:$0x0] =	sbarrier.arrive $0xFFFF  }
0xbf: {  	_ =	strace $0x90000050  }
0xc0: {  	s0 =	stileid.u32;
	[bflag:$0x2] =	sbarrier.arrive $0xFFFF  }
0xc1: {  	p0 =	sne.s32 s0, $0x0;
	s0 =	rddreg [dreg:$0x4]  }
0xc2: {  	s0 =	sadd.s32 @!p0 $0x100000, s0  }
0xc3: {  	[sflag:s0] =	ssyncadd.tile.s32 @!p0 $0x1;
	_ =	shalt  }
.Lfunc_end2:
_tile_overlayer_lowered:
.L_overlay_start_2:
0xc4: {  	(tag) =	ssettag $0x2  }
0xc5: {  	s0 =	rddreg [dreg:$0x0];
	s2 =	stileid.u32  }
0xc6: {  	s1 =	rddreg [dreg:$0x1];
	p0 =	sne.s32 s2, $0x0  }
0xc7: {  	s3 =	rddreg [dreg:$0x2];
	[bflag:$0x3] =	sbarrier.arrive $0xFFFF;
	s2 =	simm.s32 @!p0 $0x1C02  }
0xc8: {  	[timem:s3], [sflag:s2] =	dma.local @!p0 [hbm:s0], s1  }
0xc9: {  	s0 =	simm.s32 @!p0 $0x2  }
0xca: {  	_ =	swait.ge @!p0 [sflag:s0], s1  }
0xcb: {  	s1 =	ssub.s32 @!p0 $0x0, s1;
	[sflag:s0] =	ssyncset.done @!p0 $0x0  }
0xcc: {  	[sflag:s0] =	ssyncadd.s32 @!p0 s1  }
0xcd: {  	[bflag:$0x3] =	sbarrier.arrive $0xFFFF  }
0xce: {  	_ =	shalt  }

// kernel: kernel.24.cloned.1.call-start
scs
__scs_entry_jumppad:
0x0: {  	(pc) =	sbr.rel $0x88, $3  }
0x1: {  	(tag) =	ssettag $0x0;
	lr =	simm.s32 $0x1  }
0x2: {  	[smem:$0x3F86] =	sst lr;
	_ =	strace $0xD0000000  }
0x3: {  	_ = 	snop  }
0x4: {  	_ = 	snop  }
0x5: {  	_ = 	snop  }
0x6: {  	_ = 	snop  }
0x7: {  	_ = 	snop  }
__scs_overlays_trampoline_lowered:
0x8: {  	[smem:$0x3F95] =	sst s0  }
0x9: {  	[smem:$0x3F96] =	sst s1  }
0xa: {  	[smem:$0x3F97] =	sst s2  }
0xb: {  	[smem:$0x3F98] =	sst s3  }
0xc: {  	[smem:$0x3F99] =	sst s4  }
0xd: {  	[smem:$0x3F9A] =	sst s5  }
0xe: {  	[smem:$0x3F9B] =	sst s6  }
0xf: {  	[smem:$0x3F9C] =	sst s7  }
0x10: {  	[smem:$0x3F9D] =	sst s8  }
0x11: {  	[smem:$0x3F9E] =	sst s9;
	s0 =	simm.s32 @!p0 $0x0  }
0x12: {  	s1 =	sld [smem:$0x3F84];
	s0 =	simm.s32 @p0 $0x1  }
0x13: {  	[smem:$0x3F9F] =	sst s0;
	s0 =	simm.s32 @!p1 $0x0  }
0x14: {  	s2 =	sld [smem:$0x3F83];
	s0 =	simm.s32 @p1 $0x1  }
0x15: {  	[smem:$0x3FA0] =	sst s0;
	s0 =	simm.s32 @!p2 $0x0  }
0x16: {  	s3 =	sld [smem:$0x3FDB];
	s0 =	simm.s32 @p2 $0x1  }
0x17: {  	s4 =	simm.s32 $0x1BF5;
	[smem:$0x3FA2] =	sst s0  }
0x18: {  	s0 =	sld [smem:$0x3F85];
	_ =	swait.ge [sflag:s4], $0x0  }
0x19: {  	s7 =	sld [smem:$0x3F86]  }
0x1a: {  	s8 =	sadd.s32 $0xFFFFE003, lr  }
0x1b: {  	s9 =	sadd.s32 $0xFFFFFEF7, lr;
	s5 =	simm.s32 $0xFFFFFFFF;
	p2 =	slt.u32 s8, $0xFFFFF086  }
0x1c: {  	p1 =	slt.u32 s9, $0xF7A;
	s5 =	simm.s32 @!p2 $0x0  }
0x1d: {  	s5 =	simm.s32 @p1 $0x1;
	p0 =	seq.s32 s7, s2  }
0x1e: {  	s7 =	smul.u32 @!p0 $0xF7A, s2;
	p2 =	seq.s32 @!p0 s5, $0x0  }
0x1f: {  	s9 =	smul.u32 $0xF7A, s1;
	s8 =	simm.s32 @!p0 $0x1BF5;
	p2 =	por !p2, p0  }
0x20: {  	[sflag:s8] =	ssyncset.s32 @!p0 $0xFFFFF086;
	s6 =	sadd.s32 @!p0 s3, s7;
	s7 =	simm.s32 @!p0 $0x108  }
0x21: {  	s3 =	sadd.s32 s3, s9;
	s6 =	sadd.s32 @!p0 $0x88, s6;
	s7 =	simm.s32 @p2 $0x1082  }
0x22: {  	[simem:s7], [sflag:s8] =	dma.local @!p0 [hbm:s6], $0xF7A  }
0x23: {  	s9 =	sor.u32 $0xD0000000, s2;
	s6 =	simm.s32 $0x108;
	_ =	swait.ge @!p0 [sflag:s8], $0x0  }
0x24: {  	s3 =	sadd.s32 $0x88, s3;
	s6 =	simm.s32 @!p1 $0x1082;
	[sflag:s4] =	ssyncset.s32 $0xFFFFF086  }
0x25: {  	[simem:s6], [sflag:s4] =	dma.local [hbm:s3], $0xF7A  }
0x26: {  	[smem:$0x3F86] =	sst s1;
	(tag) =	ssettag s2;
	_ =	strace s9  }
0x27: {  	s1 =	sld [smem:$0x3F96]  }
0x28: {  	s2 =	sld [smem:$0x3F97]  }
0x29: {  	s4 =	sld [smem:$0x3F99]  }
0x2a: {  	p0 =	seq.s32 s5, $0x0;
	s5 =	sld [smem:$0x3F9A]  }
0x2b: {  	s6 =	sld [smem:$0x3F9B]  }
0x2c: {  	s7 =	sld [smem:$0x3F9C]  }
0x2d: {  	s3 =	simm.s32 $0x108;
	s8 =	sld [smem:$0x3F9D]  }
0x2e: {  	s3 =	simm.s32 @!p0 $0x1082;
	s9 =	sld [smem:$0x3F9E]  }
0x2f: {  	lr =	sadd.s32 s0, s3;
	s0 =	sld [smem:$0x3F95]  }
0x30: {  	s3 =	sld [smem:$0x3F98]  }
0x31: {  	[smem:$0x3FA1] =	sst s10  }
0x32: {  	s10 =	sld [smem:$0x3F9F];
	_ =	sdelay $0x3  }
0x33: {  	p0 =	seq.s32 s10, $0x1;
	s10 =	sld [smem:$0x3FA1];
	_ =	sdelay $0x3  }
0x34: {  	[smem:$0x3FA1] =	sst s10  }
0x35: {  	s10 =	sld [smem:$0x3FA0];
	_ =	sdelay $0x3  }
0x36: {  	p1 =	seq.s32 s10, $0x1;
	s10 =	sld [smem:$0x3FA1];
	_ =	sdelay $0x3  }
0x37: {  	[smem:$0x3FA1] =	sst s10  }
0x38: {  	s10 =	sld [smem:$0x3FA2]  }
0x39: {  	_ = 	snop;
	(pc) =	sbr.ind lr, $3  }
0x3a: {  	_ = 	snop  }
0x3b: {  	_ = 	snop  }
0x3c: {  	p2 =	seq.s32 s10, $0x1;
	s10 =	sld [smem:$0x3FA1]  }
0x3d: {  	_ =	shalt  }
0x3e: {  	_ =	shalt  }
0x3f: {  	_ =	shalt  }
0x40: {  	_ =	shalt  }
0x41: {  	_ =	shalt  }
0x42: {  	_ =	shalt  }
0x43: {  	_ =	shalt  }
0x44: {  	_ =	shalt  }
0x45: {  	_ =	shalt  }
0x46: {  	_ =	shalt  }
0x47: {  	_ =	shalt  }
0x48: {  	_ =	shalt  }
0x49: {  	_ =	shalt  }
0x4a: {  	_ =	shalt  }
0x4b: {  	_ =	shalt  }
0x4c: {  	_ =	shalt  }
0x4d: {  	_ =	shalt  }
0x4e: {  	_ =	shalt  }
0x4f: {  	_ =	shalt  }
0x50: {  	_ =	shalt  }
0x51: {  	_ =	shalt  }
0x52: {  	_ =	shalt  }
0x53: {  	_ =	shalt  }
0x54: {  	_ =	shalt  }
0x55: {  	_ =	shalt  }
0x56: {  	_ =	shalt  }
0x57: {  	_ =	shalt  }
0x58: {  	_ =	shalt  }
0x59: {  	_ =	shalt  }
0x5a: {  	_ =	shalt  }
0x5b: {  	_ =	shalt  }
0x5c: {  	_ =	shalt  }
0x5d: {  	_ =	shalt  }
0x5e: {  	_ =	shalt  }
0x5f: {  	_ =	shalt  }
0x60: {  	_ =	shalt  }
0x61: {  	_ =	shalt  }
0x62: {  	_ =	shalt  }
0x63: {  	_ =	shalt  }
0x64: {  	_ =	shalt  }
0x65: {  	_ =	shalt  }
0x66: {  	_ =	shalt  }
0x67: {  	_ =	shalt  }
0x68: {  	_ =	shalt  }
0x69: {  	_ =	shalt  }
0x6a: {  	_ =	shalt  }
0x6b: {  	_ =	shalt  }
0x6c: {  	_ =	shalt  }
0x6d: {  	_ =	shalt  }
0x6e: {  	_ =	shalt  }
0x6f: {  	_ =	shalt  }
0x70: {  	_ =	shalt  }
0x71: {  	_ =	shalt  }
0x72: {  	_ =	shalt  }
0x73: {  	_ =	shalt  }
0x74: {  	_ =	shalt  }
0x75: {  	_ =	shalt  }
0x76: {  	_ =	shalt  }
0x77: {  	_ =	shalt  }
0x78: {  	_ =	shalt  }
0x79: {  	_ =	shalt  }
0x7a: {  	_ =	shalt  }
0x7b: {  	_ =	shalt  }
0x7c: {  	_ =	shalt  }
0x7d: {  	_ =	shalt  }
0x7e: {  	_ =	shalt  }
0x7f: {  	_ =	shalt  }
0x80: {  	_ =	shalt  }
0x81: {  	_ =	shalt  }
0x82: {  	_ =	shalt  }
0x83: {  	_ =	shalt  }
0x84: {  	_ =	shalt  }
0x85: {  	_ =	shalt  }
0x86: {  	_ =	shalt  }
0x87: {  	_ =	shalt  }
.Lfunc_end0:
.L_simem_size_0:
called_computation.1_lowered:
.L_overlay_start_0:
0x88: {  	s2 =	sld [smem:$0x3FD9]  }
0x89: {  	s3 =	sld [smem:$0x3FFE];
	_ =	sdelay $0x1  }
0x8a: {  	s1 =	srdreg.scid  }
0x8b: {  	s0 =	sand.u32 $0x1, s1  }
0x8c: {  	s17 =	sshll.u32 s0, $0xA;
	s2 =	sadd.s32 s3, s2  }
0x8d: {  	s2 =	sadd.s32 s2, s17  }
0x8e: {  	[smem:$0x3FAD] =	sst s2  }
0x8f: {  	_ = 	snop  }
0x90: {  	(tm) =	ssettm $0x1  }
0x91: {  	s18 =	sld [smem:$0x3FFB];
	_ =	sdelay $0x3  }
0x92: {  	_ =	strace s18  }
0x93: {  	s2 =	sld [smem:$0x3FFC];
	_ =	sdelay $0x3  }
0x94: {  	_ =	strace s2  }
0x95: {  	s2 =	sld [smem:$0x3FFD];
	_ =	sdelay $0x3  }
0x96: {  	_ =	strace s2  }
0x97: {  	_ =	strace $0x8FFFFFFF  }
0x98: {  	s19 =	sld [smem:$0x3FDB];
	_ =	sdelay $0x1  }
0x99: {  	s20 =	simm.s32 $_scs_section_size  }
0x9a: {  	s4 =	simm.s32 $_size__tile_overlayer_lowered;
	s5 =	simm.s32 $_tile_overlayer_lowered  }
0x9b: {  	s6 =	simm.s32 $0x1BFF;
	s21 =	sshll.u32 s5, $0x1;
	s3 =	sadd.s32 s20, s19  }
0x9c: {  	s22 =	simm.s32 $0x0;
	s4 =	sshll.u32 s4, $0x1;
	s5 =	sadd.s32 s21, s3  }
0x9d: {  	[timem:s22], [sflag:s6] =	dma.local [hbm:s5], s4  }
0x9e: {  	_ =	swait.ge [sflag:s6], s4  }
0x9f: {  	s4 =	ssub.s32 $0x0, s4;
	[sflag:s6] =	ssyncset.done $0x0  }
0xa0: {  	[sflag:s6] =	ssyncadd.s32 s4;
	_ =	sdelay $0x1  }
0xa1: {  	s23 =	simm.s32 $0x1B8B  }
0xa2: {  	_ =	swait.ge [sflag:s23], $0x1  }
0xa3: {  	[sflag:s23] =	ssyncset.done $0x0  }
0xa4: {  	[sflag:s23] =	ssyncadd.s32 $0xFFFFFFFF  }
0xa5: {  	s4 =	sld [smem:$0x0]  }
0xa6: {  	s5 =	sand.u32 $0xFFFFFFFE, s1  }
0xa7: {  	p0 =	sne.s32 s1, s5  }
0xa8: {  	s5 =	sshll.u32 @p0 s5, $0xE  }
0xa9: {  	s5 =	sadd.s32 @p0 $0x11B8D, s5;
	s6 =	sshll.u32 @p0 s4, $0x11  }
0xaa: {  	s5 =	sor.u32 @p0 s6, s5  }
0xab: {  	[sflag:s5] =	ssyncadd.remote.s32 @p0 $0x1;
	_ =	sdelay $0x1  }
0xac: {  	s5 =	simm.s32 @p0 $0x1B8D  }
0xad: {  	_ =	swait.eq @p0 [sflag:s5], $0x1  }
0xae: {  	[sflag:s5] =	ssyncadd.s32 @p0 $0xFFFFFFFF  }
0xaf: {  	s6 =	sshll.u32 @!p0 s1, $0xE  }
0xb0: {  	s6 =	sor.u32 @!p0 $0x4000, s6;
	s5 =	simm.s32 @!p0 $0x1B8D  }
0xb1: {  	s4 =	sshll.u32 @!p0 s4, $0x11;
	s6 =	sadd.s32 @!p0 $0x11B8D, s6;
	_ =	swait.eq @!p0 [sflag:s5], $0x1  }
0xb2: {  	s4 =	sor.u32 @!p0 s4, s6;
	[sflag:s5] =	ssyncadd.s32 @!p0 $0xFFFFFFFF  }
0xb3: {  	s25 =	simm.s32 $0x1B8E;
	s24 =	sld [smem:$0x3FFE];
	[sflag:s4] =	ssyncadd.remote.s32 @!p0 $0x1  }
0xb4: {  	s26 =	simm.s32 $execute0_lowered;
	[smem:$0x3FD2] =	sst s25  }
0xb5: {  	s5 =	sshll.u32 s26, $0x1;
	_ =	strace $0x8000004C;
	[dreg:$0x1] =	wrdreg $0xFFFFFFFF  }
0xb6: {  	s28 =	simm.s32 $_size_execute0_lowered;
	s3 =	sadd.s32 s3, s5;
	[dreg:$0x0] =	wrdreg $0x0  }
0xb7: {  	s5 =	sshll.u32 s28, $0x1;
	[dreg:$0x2] =	wrdreg s3  }
0xb8: {  	[dreg:$0x3] =	wrdreg s5  }
0xb9: {  	[dreg:$0x4] =	wrdreg $0xC0  }
0xba: {  	_ =	task [dreg:s22], $0x5FFFF  }
0xbb: {  	[dreg:$0x1] =	wrdreg $0xFFFFFFFF  }
0xbc: {  	[dreg:$0x0] =	wrdreg $0x60  }
0xbd: {  	[dreg:$0x2] =	wrdreg s24  }
0xbe: {  	[dreg:$0x3] =	wrdreg $0x81800  }
0xbf: {  	[dreg:$0x4] =	wrdreg $0xC1800  }
0xc0: {  	[dreg:$0x5] =	wrdreg $0x101800  }
0xc1: {  	[dreg:$0x6] =	wrdreg $0xA  }
0xc2: {  	_ =	task.clear_ibuf [dreg:s22], $0x7FFFF;
	_ =	strace $0x9000004C  }
0xc3: {  	s29 =	simm.s32 $0xA;
	_ =	strace $0x8000004E  }
0xc4: {  	_ =	swait.ge [sflag:s29], $0x1  }
0xc5: {  	[sflag:s29] =	ssyncadd.s32 $0xFFFFFFFF  }
0xc6: {  	_ =	strace $0x9000004E  }
0xc7: {  	_ =	sfence  }
0xc8: {  	s30 =	sld [smem:$0x0];
	_ =	sdelay $0x2  }
0xc9: {  	s31 =	sshll.u32 s1, $0xD;
	s1 =	sshrl.u32 s1, $0x2  }
0xca: {  	s4 =	sand.u32 $0x4000, s31;
	s1 =	sadd.s32 s1, s30  }
0xcb: {  	s0 =	sor.u32 s4, s0;
	s1 =	sshll.u32 s1, $0x11  }
0xcc: {  	s0 =	sor.u32 s1, s0  }
0xcd: {  	s0 =	sadd.s32 $0x8F2B, s0  }
0xce: {  	[sflag:s0] =	ssyncadd.remote.s32 $0x1  }
0xcf: {  	_ =	sfence.sel $0xFFFF  }
0xd0: {  	[dreg:$0x0] =	wrdreg $0xFFFFFFFF;
	(pc) =	sbr.abs _section_cstart, $3  }
0xd1: {  	[dreg:$0x1] =	wrdreg $0xFFFFFFFF  }
0xd2: {  	_ =	task.clear_ibuf [dreg:s22], $0x2FFFF;
	_ =	strace $0x9FFFFFFF  }
0xd3: {  	(tm) =	ssettm $0x7FFFFFFF  }
tec
execute0_lowered:
.L_overlay_start_1:
0x0: {  	(tag) =	ssettag $0x1  }
0x1: {  	s0 =	rddreg [dreg:$0x0]  }
0x2: {  	s1 =	rddreg [dreg:$0x1]  }
0x3: {  	s2 =	rddreg [dreg:$0x2]  }
0x4: {  	s3 =	rddreg [dreg:$0x3];
	s4 =	simm.s32 $0x0;
	s5 =	srdreg.scid  }
0x5: {  	s17 =	stileid.u32;
	s20 =	simm.s32 $0x2;
	s29 =	simm.s32 $0x4180  }
0x6: {  	s30 =	simm.s32 $0x6180;
	s31 =	simm.s32 $0x2180;
	[smem:$0x7FF] =	sst s4  }
0x7: {  	s28 =	simm.s32 $0x1;
	s6 =	sadd.s32 $0x134C00, s0;
	s7 =	sadd.s32 $0x134400, s0  }
0x8: {  	s8 =	sadd.s32 $0xB4400, s0;
	s5 =	sand.u32 $0x1, s5;
	s9 =	sadd.s32 $0xD4400, s0  }
0x9: {  	s14 =	sshll.u32 s17, $0xE;
	s10 =	sadd.s32 $0xF4400, s0;
	s11 =	sadd.s32 $0x114400, s0  }
0xa: {  	s16 =	sshll.u32 s17, $0x6;
	_ =	strace $0x8000004D;
	s12 =	sshll.u32 s5, $0x12  }
0xb: {  	s15 =	ssub.s32 $0x2, s5;
	s19 =	sadd.s32 s14, s1;
	s24 =	sadd.s32 s14, s2  }
0xc: {  	s22 =	sadd.s32 s14, s3;
	s5 =	sshll.u32 s5, $0xC;
	s13 =	sor.u32 s14, s12  }
0xd: {  	s12 =	sadd.s32 $0x63C00, s0;
	s23 =	sshrl.u32 s15, $0x1;
	s5 =	sor.u32 $0x800, s5  }
0xe: {  	s14 =	sshll.u32 s17, $0x7;
	s19 =	sshrl.u32 s19, $0x3;
	s21 =	sshrl.u32 s24, $0x3  }
0xf: {  	s22 =	sshrl.u32 s22, $0x3;
	s24 =	simm.s32 $0x40;
	s13 =	sshrl.u32 s13, $0x3  }
0x10: {  	s15 =	ssub.s32 s15, s23;
	s23 =	simm.s32 $0x80;
	s0 =	sadd.s32 s13, s0  }
0x11: {  	s13 =	sor.u32 $0x1C02, s16;
	s18 =	smax.u32 s15, $0x1;
	s25 =	sadd.s32 $0x135400, s0  }
0x12: {  	s26 =	sadd.s32 $0x145400, s0;
	s17 =	sadd.s32 $0x155400, s0;
	[dreg:$0x5] =	wrdreg s25  }
0x13: {  	v0 =	vmov s5;
	[dreg:$0x6] =	wrdreg s26;
	s25 =	simm.s32 $0x100;
	s26 =	simm.s32 $0x180  }
.LBB2_1:
0x14: {  	[spmem:s19], [sflag:s13] =	dma.local [hbm:s12], $0x800  }
0x15: {  	_ =	swait.ge [sflag:s20], $0x800  }
0x16: {  	[sflag:s20] =	ssyncset.done $0x0  }
0x17: {  	[sflag:s20] =	ssyncadd.s32 $0xFFFFF800  }
0x18: {  	[spmem:s21], [sflag:s13] =	dma.local [hbm:s12], $0x800  }
0x19: {  	_ =	swait.ge [sflag:s20], $0x800  }
0x1a: {  	[sflag:s20] =	ssyncset.done $0x0  }
0x1b: {  	[sflag:s20] =	ssyncadd.s32 $0xFFFFF800  }
0x1c: {  	[spmem:s22], [sflag:s13] =	dma.local [hbm:s12], $0x800  }
0x1d: {  	_ =	swait.ge [sflag:s20], $0x800  }
0x1e: {  	[sflag:s20] =	ssyncset.done $0x0  }
0x1f: {  	[sflag:s20] =	ssyncadd.s32 $0xFFFFF800  }
0x20: {  	s0 =	simm.s32 $0x0;
	[bflag:$0x0] =	sbarrier.arrive $0xFFFF  }
.LBB2_2:
0x21: {  	s5 =	sshll.u32 s0, $0x3  }
0x22: {  	s5 =	sadd.s32 s14, s5  }
0x23: {  	s16 =	simm.s32 $0x0;
	s15 =	sadd.s32 s6, s5  }
0x24: {  	[tilespmem:s16], [sflag:$0x2] =	stream.linear.gather [hbm4b:s15+s16], $0x40, $0x38;
	[tilespmem:$0x14180] =	vst v63  }
0x25: {  	_ =	swait.ge [sflag:s20], $0x40  }
0x26: {  	[sflag:s20] =	ssyncset.done $0x0  }
0x27: {  	s5 =	sadd.s32 s7, s5;
	[sflag:s20] =	ssyncadd.s32 $0xFFFFFFC0  }
0x28: {  	[tilespmem:s23], [sflag:$0x2] =	stream.linear.gather [hbm4b:s5+s16], $0x40, $0x38;
	[tilespmem:$0x14180] =	vst v63  }
0x29: {  	_ =	swait.ge [sflag:s20], $0x40  }
0x2a: {  	[sflag:s20] =	ssyncset.done $0x0  }
0x2b: {  	[sflag:s20] =	ssyncadd.s32 $0xFFFFFFC0  }
0x2c: {  	v1 =	vld [tilespmem:$0x0]  }
0x2d: {  	v2 =	vld [tilespmem:$0x10]  }
0x2e: {  	v3 =	vld [tilespmem:$0x20]  }
0x2f: {  	v4 =	vld [tilespmem:$0x30];
	_ =	sdelay $0x1  }
0x30: {  	v1 =	vadd.s32 v0, v1  }
0x31: {  	[tilespmem:$0x100] =	vst v1;
	v1 =	vadd.s32 v0, v2  }
0x32: {  	[tilespmem:$0x110] =	vst v1;
	v1 =	vadd.s32 v0, v3  }
0x33: {  	[tilespmem:$0x120] =	vst v1;
	v1 =	vadd.s32 v0, v4  }
0x34: {  	[tilespmem:$0x130] =	vst v1  }
0x35: {  	[tilespmem:s26], [sflag:$0x1] =	stream.indirect.gather [hbm4b:s10+s24], $0x80, s25, s24, $0xb8;
	[tilespmem:$0x14180] =	vst v63  }
0x36: {  	_ =	swait.ge [sflag:s28], $0x2000  }
0x37: {  	[sflag:s28] =	ssyncset.done $0x0  }
0x38: {  	[sflag:s28] =	ssyncadd.s32 $0xFFFFE000  }
0x39: {  	[tilespmem:s29], [sflag:$0x1] =	stream.indirect.gather [hbm4b:s8+s24], $0x80, s25, s24, $0xb8;
	[tilespmem:$0x14180] =	vst v63  }
0x3a: {  	_ =	swait.ge [sflag:s28], $0x2000  }
0x3b: {  	[sflag:s28] =	ssyncset.done $0x0  }
0x3c: {  	[sflag:s28] =	ssyncadd.s32 $0xFFFFE000  }
0x3d: {  	[tilespmem:s30], [sflag:$0x1] =	stream.indirect.gather [hbm4b:s9+s24], $0x80, s25, s24, $0xb8;
	[tilespmem:$0x14180] =	vst v63  }
0x3e: {  	_ =	swait.ge [sflag:s28], $0x2000  }
0x3f: {  	[sflag:s28] =	ssyncset.done $0x0  }
0x40: {  	[sflag:s28] =	ssyncadd.s32 $0xFFFFE000  }
0x41: {  	v1 =	vld [tilespmem:$0x80]  }
0x42: {  	v2 =	vld [tilespmem:$0x90]  }
0x43: {  	v3 =	vld [tilespmem:$0xA0]  }
0x44: {  	v4 =	vld [tilespmem:$0xB0];
	_ =	sdelay $0x1  }
0x45: {  	v1 =	vadd.s32 v0, v1  }
0x46: {  	[tilespmem:$0x100] =	vst v1;
	v1 =	vadd.s32 v0, v2  }
0x47: {  	[tilespmem:$0x110] =	vst v1;
	v1 =	vadd.s32 v0, v3  }
0x48: {  	[tilespmem:$0x120] =	vst v1;
	v1 =	vadd.s32 v0, v4  }
0x49: {  	[tilespmem:$0x130] =	vst v1  }
0x4a: {  	[tilespmem:s31], [sflag:$0x1] =	stream.indirect.gather [hbm4b:s11+s24], $0x80, s25, s24, $0xb8;
	[tilespmem:$0x14180] =	vst v63  }
0x4b: {  	_ =	swait.ge [sflag:s28], $0x2000  }
0x4c: {  	[sflag:s28] =	ssyncset.done $0x0  }
0x4d: {  	s5 =	simm.s32 $0x0;
	[sflag:s28] =	ssyncadd.s32 $0xFFFFE000  }
0x4e: {  	v1 =	vld [tilespmem:s5+$0x21B0]  }
0x4f: {  	v7 =	vld [tilespmem:s5+$0x21F0]  }
0x50: {  	v2 =	vld [tilespmem:s5+$0x180]  }
0x51: {  	v3 =	vld [tilespmem:s5+$0x1E0]  }
0x52: {  	v4 =	vld [tilespmem:s5+$0x1D0]  }
0x53: {  	v5 =	vld [tilespmem:s5+$0x21E0]  }
0x54: {  	v6 =	vld [tilespmem:s5+$0x1B0]  }
0x55: {  	v8 =	vld [tilespmem:s5+$0x190]  }
0x56: {  	v9 =	vld [tilespmem:s5+$0x21D0]  }
0x57: {  	v10 =	vld [tilespmem:s5+$0x2180]  }
0x58: {  	v11 =	vld [tilespmem:s5+$0x21C0]  }
0x59: {  	v12 =	vld [tilespmem:s5+$0x2190];
	v3 =	vadd.f32 v5, v3  }
0x5a: {  	v13 =	vld [tilespmem:s5+$0x21A0]  }
0x5b: {  	v14 =	vld [tilespmem:s5+$0x1A0];
	v6 =	vadd.f32 v1, v6;
	v5 =	vmul.f32 $2.000000030e-01, v3  }
0x5c: {  	v15 =	vld [tilespmem:s5+$0x1F0]  }
0x5d: {  	v17 =	vld [tilespmem:s5+$0x61E0];
	v10 =	vadd.f32 v10, v2;
	v16 =	vmul.f32 $2.000000030e-01, v6;
	v3 =	vmax.f32 v3, v5  }
0x5e: {  	v18 =	vld [tilespmem:s5+$0x41E0];
	v3 =	vmul.f32 $1.442695020e+00, v3  }
0x5f: {  	v19 =	vld [tilespmem:s5+$0x41B0];
	v2 =	vmax.f32 v6, v16;
	v6 =	vadd.f32 v9, v4;
	v9 =	vmul.f32 $2.000000030e-01, v10  }
0x60: {  	v20 =	vld [tilespmem:s5+$0x61B0];
	v8 =	vadd.f32 v12, v8;
	v16 =	vmul.f32 $1.442695020e+00, v2;
	(erf) = vpow2.f32 v3  }
0x61: {  	v1 =	vld [tilespmem:s5+$0x4190];
	v12 =	vmul.f32 $2.000000030e-01, v6;
	v9 =	vmax.f32 v10, v9  }
0x62: {  	v5 =	vld [tilespmem:s5+$0x6180];
	v10 =	vadd.f32 v13, v14;
	v14 =	vmul.f32 $2.000000030e-01, v8;
	(erf) = vpow2.f32 v16  }
0x63: {  	v4 =	vld [tilespmem:s5+$0x61A0];
	v9 =	vmul.f32 $1.442695020e+00, v9;
	v12 =	vmax.f32 v6, v12  }
0x64: {  	v13 =	vld [tilespmem:s5+$0x1C0];
	v16 =	vmul.f32 $2.000000030e-01, v10;
	v8 =	vmax.f32 v8, v14;
	v12 =	vmul.f32 $1.442695020e+00, v12  }
0x65: {  	v2 =	vld [tilespmem:s5+$0x41F0];
	v14 =	vadd.f32 v7, v15;
	(erf) = vpow2.f32 v9;
	v8 =	vmul.f32 $1.442695020e+00, v8  }
0x66: {  	v3 =	vld [tilespmem:s5+$0x6190];
	v7 =	vmax.f32 v10, v16;
	(erf) = vpow2.f32 v12  }
0x67: {  	v6 =	vld [tilespmem:s5+$0x41A0];
	v15 =	vmul.f32 $2.000000030e-01, v14;
	v12 =	vmul.f32 $1.442695020e+00, v7  }
0x68: {  	v9 =	vld [tilespmem:s5+$0x61D0];
	(erf) = vpow2.f32 v8  }
0x69: {  	v10 =	vld [tilespmem:s5+$0x4180];
	v13 =	vadd.f32 v11, v13;
	v11 =	vmax.f32 v14, v15;
	v8 =	vpop (erf);
	(erf) = vpow2.f32 v12  }
0x6a: {  	v7 =	vld [tilespmem:s5+$0x61F0];
	v15 =	vmul.f32 $1.442695020e+00, v11;
	v21 =	vmul.f32 v8, v18  }
0x6b: {  	v11 =	vld [tilespmem:s5+$0x41D0];
	v16 =	vmul.f32 $2.000000030e-01, v13;
	[tilespmem:s5+$0x1E0] =	vst v8;
	v17 =	vmul.f32 v8, v17;
	v14 =	vpop (erf)  }
0x6c: {  	s15 =	simm.s32 $0x200;
	v8 =	vld [tilespmem:s5+$0x41C0];
	v18 =	vmul.f32 v14, v19;
	v12 =	vmul.f32 v14, v20;
	[tilespmem:s5+$0x41E0] =	vst v21  }
.LBB2_3:
0x6d: {  	s16 =	sshra.s32 s15, $0x2;
	p0 =	sne.s32 s15, $0x7E00;
	s15 =	sadd.s32 $0x200, s15;
	v13 =	vmax.f32 v13, v16;
	v16 =	vld [tilespmem:s5+$0x61C0];
	[tilespmem:s5+$0x61E0] =	vst v17;
	(erf) = vpow2.f32 v15  }
0x6e: {  	v15 =	vld [tilespmem:s16+$0x21B0];
	[tilespmem:s5+$0x41B0] =	vst v18;
	v13 =	vmul.f32 $1.442695020e+00, v13;
	v17 =	vpop (erf)  }
0x6f: {  	v18 =	vld [tilespmem:s16+$0x21F0];
	[tilespmem:s5+$0x180] =	vst v17;
	v10 =	vmul.f32 v17, v10;
	v5 =	vmul.f32 v17, v5;
	v17 =	vpop (erf)  }
0x70: {  	v19 =	vld [tilespmem:s16+$0x180];
	[tilespmem:s5+$0x1B0] =	vst v14;
	v11 =	vmul.f32 v17, v11;
	(erf) = vpow2.f32 v13  }
0x71: {  	v9 =	vmul.f32 v17, v9;
	v13 =	vld [tilespmem:s16+$0x1E0];
	[tilespmem:s5+$0x1D0] =	vst v17;
	v14 =	vpop (erf)  }
0x72: {  	v17 =	vld [tilespmem:s16+$0x1D0];
	v1 =	vmul.f32 v14, v1;
	v3 =	vmul.f32 v14, v3;
	[tilespmem:s5+$0x61B0] =	vst v12;
	v12 =	vpop (erf)  }
0x73: {  	v20 =	vld [tilespmem:s16+$0x21E0];
	[tilespmem:s5+$0x6180] =	vst v5;
	v5 =	vmul.f32 v12, v6;
	v4 =	vmul.f32 v12, v4  }
0x74: {  	v6 =	vld [tilespmem:s16+$0x1B0];
	[tilespmem:s5+$0x190] =	vst v14  }
0x75: {  	v14 =	vld [tilespmem:s16+$0x190];
	[tilespmem:s5+$0x1A0] =	vst v12  }
0x76: {  	v12 =	vld [tilespmem:s16+$0x21D0];
	[tilespmem:s5+$0x61D0] =	vst v9;
	v9 =	vpop (erf)  }
0x77: {  	v21 =	vld [tilespmem:s16+$0x2180];
	[tilespmem:s5+$0x4180] =	vst v10;
	v2 =	vmul.f32 v9, v2;
	v7 =	vmul.f32 v9, v7  }
0x78: {  	v10 =	vld [tilespmem:s16+$0x21C0];
	v13 =	vadd.f32 v20, v13;
	[tilespmem:s5+$0x61A0] =	vst v4  }
0x79: {  	v4 =	vld [tilespmem:s16+$0x2190];
	[tilespmem:s5+$0x41A0] =	vst v5;
	v20 =	vpop (erf)  }
0x7a: {  	v5 =	vadd.f32 v15, v6;
	v22 =	vld [tilespmem:s16+$0x21A0];
	v6 =	vmul.f32 $2.000000030e-01, v13;
	v8 =	vmul.f32 v20, v8;
	[tilespmem:s5+$0x1F0] =	vst v9  }
0x7b: {  	v15 =	vmul.f32 v20, v16;
	v9 =	vld [tilespmem:s16+$0x1A0];
	[tilespmem:s5+$0x41D0] =	vst v11  }
0x7c: {  	v11 =	vmul.f32 $2.000000030e-01, v5;
	v6 =	vmax.f32 v13, v6;
	v13 =	vld [tilespmem:s16+$0x1F0];
	[tilespmem:s5+$0x4190] =	vst v1  }
0x7d: {  	v16 =	vadd.f32 v21, v19;
	v1 =	vld [tilespmem:s16+$0x4190];
	v6 =	vmul.f32 $1.442695020e+00, v6;
	[tilespmem:s5+$0x41F0] =	vst v2  }
0x7e: {  	v2 =	vmax.f32 v5, v11;
	v11 =	vadd.f32 v12, v17;
	v12 =	vld [tilespmem:s16+$0x61E0];
	[tilespmem:s5+$0x41C0] =	vst v8  }
0x7f: {  	v8 =	vmul.f32 $2.000000030e-01, v16;
	v4 =	vadd.f32 v4, v14;
	v14 =	vmul.f32 $1.442695020e+00, v2;
	v17 =	vld [tilespmem:s16+$0x41E0];
	[tilespmem:s5+$0x61F0] =	vst v7  }
0x80: {  	v2 =	vmul.f32 $2.000000030e-01, v11;
	v5 =	vld [tilespmem:s16+$0x6180];
	(erf) = vpow2.f32 v6;
	[tilespmem:s5+$0x6190] =	vst v3  }
0x81: {  	v6 =	vmax.f32 v16, v8;
	v7 =	vmul.f32 $2.000000030e-01, v4;
	v8 =	vadd.f32 v22, v9;
	v3 =	vld [tilespmem:s16+$0x6190];
	[tilespmem:s5+$0x1C0] =	vst v20  }
0x82: {  	v9 =	vmax.f32 v11, v2;
	v2 =	vld [tilespmem:s16+$0x41F0];
	(erf) = vpow2.f32 v14;
	[tilespmem:s5+$0x61C0] =	vst v15;
	s5 =	smov.u32 s16  }
0x83: {  	v11 =	vmul.f32 $1.442695020e+00, v6;
	v7 =	vmax.f32 v4, v7;
	v4 =	vld [tilespmem:s5+$0x61A0]  }
0x84: {  	v16 =	vadd.f32 v18, v13;
	v14 =	vmul.f32 $2.000000030e-01, v8;
	v9 =	vmul.f32 $1.442695020e+00, v9;
	v15 =	vld [tilespmem:s5+$0x1C0]  }
0x85: {  	v6 =	vld [tilespmem:s5+$0x41A0];
	(erf) = vpow2.f32 v11  }
0x86: {  	v7 =	vmul.f32 $1.442695020e+00, v7;
	v8 =	vmax.f32 v8, v14;
	v18 =	vld [tilespmem:s5+$0x41B0];
	(erf) = vpow2.f32 v9  }
0x87: {  	v14 =	vmul.f32 $1.442695020e+00, v8;
	v11 =	vmul.f32 $2.000000030e-01, v16;
	v19 =	vld [tilespmem:s5+$0x61B0]  }
.Ltmp0:
0x88: {  	v9 =	vld [tilespmem:s5+$0x61D0];
	(erf) = vpow2.f32 v7;
	(pc) =	sbr.rel @p0 .LBB2_3-.Ltmp0, $4  }
0x89: {  	v11 =	vmax.f32 v16, v11;
	v13 =	vadd.f32 v10, v15;
	v7 =	vld [tilespmem:s5+$0x61F0];
	(erf) = vpow2.f32 v14;
	v8 =	vpop (erf)  }
0x8a: {  	v15 =	vmul.f32 $1.442695020e+00, v11;
	v10 =	vld [tilespmem:s5+$0x4180];
	[tilespmem:s5+$0x1E0] =	vst v8;
	v20 =	vmul.f32 v8, v17  }
0x8b: {  	v17 =	vmul.f32 v8, v12;
	v16 =	vmul.f32 $2.000000030e-01, v13;
	v11 =	vld [tilespmem:s5+$0x41D0];
	v14 =	vpop (erf)  }
0x8c: {  	v18 =	vmul.f32 v14, v18;
	v12 =	vmul.f32 v14, v19;
	v8 =	vld [tilespmem:s5+$0x41C0];
	[tilespmem:s5+$0x41E0] =	vst v20  }
0x8d: {  	[tilespmem:s5+$0x61E0] =	vst v17  }
0x8e: {  	[tilespmem:s5+$0x1B0] =	vst v14  }
0x8f: {  	[tilespmem:s5+$0x41B0] =	vst v18  }
0x90: {  	v54 =	vpop (erf);
	[tilespmem:s5+$0x61B0] =	vst v12  }
0x91: {  	v13 =	vmax.f32 v13, v16;
	(erf) = vpow2.f32 v15;
	[tilespmem:s5+$0x180] =	vst v54;
	v55 =	vpop (erf);
	v5 =	vmul.f32 v54, v5  }
0x92: {  	v13 =	vmul.f32 $1.442695020e+00, v13;
	v10 =	vmul.f32 v54, v10;
	[tilespmem:s5+$0x1D0] =	vst v55  }
0x93: {  	[tilespmem:s5+$0x6180] =	vst v5  }
0x94: {  	(erf) = vpow2.f32 v13;
	v57 =	vmul.f32 v55, v9;
	v56 =	vpop (erf);
	[tilespmem:s5+$0x4180] =	vst v10  }
0x95: {  	v60 =	vmul.f32 v55, v11;
	[tilespmem:s5+$0x190] =	vst v56  }
0x96: {  	[tilespmem:s5+$0x61D0] =	vst v57  }
0x97: {  	v58 =	vpop (erf);
	v1 =	vmul.f32 v56, v1;
	[tilespmem:s5+$0x41D0] =	vst v60  }
0x98: {  	[tilespmem:s5+$0x1A0] =	vst v58;
	v4 =	vmul.f32 v58, v4  }
0x99: {  	v59 =	vmul.f32 v58, v6;
	[tilespmem:s5+$0x4190] =	vst v1  }
0x9a: {  	[tilespmem:s5+$0x61A0] =	vst v4;
	v61 =	vpop (erf)  }
0x9b: {  	v19 =	vld [tilespmem:s5+$0x61C0];
	[tilespmem:s5+$0x41A0] =	vst v59;
	v2 =	vmul.f32 v61, v2  }
0x9c: {  	[tilespmem:s5+$0x1F0] =	vst v61;
	v1 =	vmul.f32 v61, v7  }
0x9d: {  	v62 =	vpop (erf);
	[tilespmem:s5+$0x41F0] =	vst v2  }
0x9e: {  	v63 =	vmul.f32 v62, v8;
	[tilespmem:s5+$0x61F0] =	vst v1  }
0x9f: {  	v2 =	vmul.f32 v56, v3;
	[tilespmem:s5+$0x1C0] =	vst v62  }
0xa0: {  	v1 =	vmul.f32 v62, v19;
	[tilespmem:s5+$0x41C0] =	vst v63  }
0xa1: {  	[tilespmem:s5+$0x6190] =	vst v2  }
0xa2: {  	[tilespmem:s5+$0x61C0] =	vst v1  }
0xa3: {  	[spmem:s1] =	stream.indirect.scatter.add.f32 [tilespmem:s29], [sflag:$0x2], $0x80, s23, s24, $0xb8;
	[tilespmem:$0x14180] =	vst v63  }
0xa4: {  	_ =	swait.ge [sflag:s20], $0x2000  }
0xa5: {  	[sflag:s20] =	ssyncset.done $0x0  }
0xa6: {  	[sflag:s20] =	ssyncadd.s32 $0xFFFFE000  }
0xa7: {  	[spmem:s2] =	stream.indirect.scatter.add.f32 [tilespmem:s30], [sflag:$0x2], $0x80, s23, s24, $0xb8;
	[tilespmem:$0x14180] =	vst v63  }
0xa8: {  	s0 =	sadd.s32 $0x1, s0;
	_ =	swait.ge [sflag:s20], $0x2000  }
0xa9: {  	p0 =	sne.s32 s0, $0x10;
	[sflag:s20] =	ssyncset.done $0x0  }
.Ltmp1:
0xaa: {  	[sflag:s20] =	ssyncadd.s32 $0xFFFFE000;
	(pc) =	sbr.rel @p0 .LBB2_2-.Ltmp1, $4  }
0xab: {  	[spmem:s3] =	stream.indirect.scatter.add.f32 [tilespmem:s26], [sflag:$0x2], $0x80, s23, s24, $0xb8;
	[tilespmem:$0x14180] =	vst v63  }
0xac: {  	_ =	swait.ge [sflag:s20], $0x2000  }
0xad: {  	[sflag:s20] =	ssyncset.done $0x0  }
0xae: {  	[sflag:s20] =	ssyncadd.s32 $0xFFFFE000  }
0xaf: {  	[bflag:$0x0] =	sbarrier.arrive $0xFFFF  }
0xb0: {  	s0 =	rddreg [dreg:$0x5]  }
0xb1: {  	[hbm:s0], [sflag:s13] =	dma.local [spmem:s19], $0x800  }
0xb2: {  	_ =	swait.ge [sflag:s20], $0x800  }
0xb3: {  	[sflag:s20] =	ssyncset.done $0x0  }
0xb4: {  	s16 =	rddreg [dreg:$0x6];
	[sflag:s20] =	ssyncadd.s32 $0xFFFFF800  }
0xb5: {  	[hbm:s16], [sflag:s13] =	dma.local [spmem:s21], $0x800  }
0xb6: {  	s4 =	sadd.s32 $0x1, s4;
	_ =	swait.ge [sflag:s20], $0x800  }
0xb7: {  	p0 =	sne.s32 s4, s18;
	[sflag:s20] =	ssyncset.done $0x0  }
.Ltmp2:
0xb8: {  	[sflag:s20] =	ssyncadd.s32 $0xFFFFF800;
	(pc) =	sbr.rel @p0 .LBB2_1-.Ltmp2, $4  }
0xb9: {  	[hbm:s17], [sflag:s13] =	dma.local [spmem:s22], $0x800  }
0xba: {  	_ =	swait.ge [sflag:s20], $0x800  }
0xbb: {  	[sflag:s20] =	ssyncset.done $0x0  }
0xbc: {  	[sflag:s20] =	ssyncadd.s32 $0xFFFFF800  }
0xbd: {  	_ =	sfence.sel $0x180000  }
0xbe: {  	[bflag:$0x0] =	sbarrier.arrive $0xFFFF  }
0xbf: {  	_ =	strace $0x9000004D  }
0xc0: {  	s0 =	stileid.u32;
	[bflag:$0x2] =	sbarrier.arrive $0xFFFF  }
0xc1: {  	p0 =	sne.s32 s0, $0x0;
	s0 =	rddreg [dreg:$0x4]  }
0xc2: {  	s0 =	sadd.s32 @!p0 $0x100000, s0  }
0xc3: {  	[sflag:s0] =	ssyncadd.tile.s32 @!p0 $0x1;
	_ =	shalt  }
.Lfunc_end2:
_tile_overlayer_lowered:
.L_overlay_start_2:
0xc4: {  	(tag) =	ssettag $0x2  }
0xc5: {  	s0 =	rddreg [dreg:$0x0];
	s2 =	stileid.u32  }
0xc6: {  	s1 =	rddreg [dreg:$0x1];
	p0 =	sne.s32 s2, $0x0  }
0xc7: {  	s3 =	rddreg [dreg:$0x2];
	[bflag:$0x3] =	sbarrier.arrive $0xFFFF;
	s2 =	simm.s32 @!p0 $0x1C02  }
0xc8: {  	[timem:s3], [sflag:s2] =	dma.local @!p0 [hbm:s0], s1  }
0xc9: {  	s0 =	simm.s32 @!p0 $0x2  }
0xca: {  	_ =	swait.ge @!p0 [sflag:s0], s1  }
0xcb: {  	s1 =	ssub.s32 @!p0 $0x0, s1;
	[sflag:s0] =	ssyncset.done @!p0 $0x0  }
0xcc: {  	[sflag:s0] =	ssyncadd.s32 @!p0 s1  }
0xcd: {  	[bflag:$0x3] =	sbarrier.arrive $0xFFFF  }
0xce: {  	_ =	shalt  }

// kernel: kernel.27.cloned.1.call-start
scs
__scs_entry_jumppad:
0x0: {  	(pc) =	sbr.rel $0x88, $3  }
0x1: {  	(tag) =	ssettag $0x0;
	lr =	simm.s32 $0x1  }
0x2: {  	[smem:$0x3F86] =	sst lr;
	_ =	strace $0xD0000000  }
0x3: {  	_ = 	snop  }
0x4: {  	_ = 	snop  }
0x5: {  	_ = 	snop  }
0x6: {  	_ = 	snop  }
0x7: {  	_ = 	snop  }
__scs_overlays_trampoline_lowered:
0x8: {  	[smem:$0x3F95] =	sst s0  }
0x9: {  	[smem:$0x3F96] =	sst s1  }
0xa: {  	[smem:$0x3F97] =	sst s2  }
0xb: {  	[smem:$0x3F98] =	sst s3  }
0xc: {  	[smem:$0x3F99] =	sst s4  }
0xd: {  	[smem:$0x3F9A] =	sst s5  }
0xe: {  	[smem:$0x3F9B] =	sst s6  }
0xf: {  	[smem:$0x3F9C] =	sst s7  }
0x10: {  	[smem:$0x3F9D] =	sst s8  }
0x11: {  	[smem:$0x3F9E] =	sst s9;
	s0 =	simm.s32 @!p0 $0x0  }
0x12: {  	s1 =	sld [smem:$0x3F84];
	s0 =	simm.s32 @p0 $0x1  }
0x13: {  	[smem:$0x3F9F] =	sst s0;
	s0 =	simm.s32 @!p1 $0x0  }
0x14: {  	s2 =	sld [smem:$0x3F83];
	s0 =	simm.s32 @p1 $0x1  }
0x15: {  	[smem:$0x3FA0] =	sst s0;
	s0 =	simm.s32 @!p2 $0x0  }
0x16: {  	s3 =	sld [smem:$0x3FDB];
	s0 =	simm.s32 @p2 $0x1  }
0x17: {  	s4 =	simm.s32 $0x1BF5;
	[smem:$0x3FA2] =	sst s0  }
0x18: {  	s0 =	sld [smem:$0x3F85];
	_ =	swait.ge [sflag:s4], $0x0  }
0x19: {  	s7 =	sld [smem:$0x3F86]  }
0x1a: {  	s8 =	sadd.s32 $0xFFFFE003, lr  }
0x1b: {  	s9 =	sadd.s32 $0xFFFFFEF7, lr;
	s5 =	simm.s32 $0xFFFFFFFF;
	p2 =	slt.u32 s8, $0xFFFFF086  }
0x1c: {  	p1 =	slt.u32 s9, $0xF7A;
	s5 =	simm.s32 @!p2 $0x0  }
0x1d: {  	s5 =	simm.s32 @p1 $0x1;
	p0 =	seq.s32 s7, s2  }
0x1e: {  	s7 =	smul.u32 @!p0 $0xF7A, s2;
	p2 =	seq.s32 @!p0 s5, $0x0  }
0x1f: {  	s9 =	smul.u32 $0xF7A, s1;
	s8 =	simm.s32 @!p0 $0x1BF5;
	p2 =	por !p2, p0  }
0x20: {  	[sflag:s8] =	ssyncset.s32 @!p0 $0xFFFFF086;
	s6 =	sadd.s32 @!p0 s3, s7;
	s7 =	simm.s32 @!p0 $0x108  }
0x21: {  	s3 =	sadd.s32 s3, s9;
	s6 =	sadd.s32 @!p0 $0x88, s6;
	s7 =	simm.s32 @p2 $0x1082  }
0x22: {  	[simem:s7], [sflag:s8] =	dma.local @!p0 [hbm:s6], $0xF7A  }
0x23: {  	s9 =	sor.u32 $0xD0000000, s2;
	s6 =	simm.s32 $0x108;
	_ =	swait.ge @!p0 [sflag:s8], $0x0  }
0x24: {  	s3 =	sadd.s32 $0x88, s3;
	s6 =	simm.s32 @!p1 $0x1082;
	[sflag:s4] =	ssyncset.s32 $0xFFFFF086  }
0x25: {  	[simem:s6], [sflag:s4] =	dma.local [hbm:s3], $0xF7A  }
0x26: {  	[smem:$0x3F86] =	sst s1;
	(tag) =	ssettag s2;
	_ =	strace s9  }
0x27: {  	s1 =	sld [smem:$0x3F96]  }
0x28: {  	s2 =	sld [smem:$0x3F97]  }
0x29: {  	s4 =	sld [smem:$0x3F99]  }
0x2a: {  	p0 =	seq.s32 s5, $0x0;
	s5 =	sld [smem:$0x3F9A]  }
0x2b: {  	s6 =	sld [smem:$0x3F9B]  }
0x2c: {  	s7 =	sld [smem:$0x3F9C]  }
0x2d: {  	s3 =	simm.s32 $0x108;
	s8 =	sld [smem:$0x3F9D]  }
0x2e: {  	s3 =	simm.s32 @!p0 $0x1082;
	s9 =	sld [smem:$0x3F9E]  }
0x2f: {  	lr =	sadd.s32 s0, s3;
	s0 =	sld [smem:$0x3F95]  }
0x30: {  	s3 =	sld [smem:$0x3F98]  }
0x31: {  	[smem:$0x3FA1] =	sst s10  }
0x32: {  	s10 =	sld [smem:$0x3F9F];
	_ =	sdelay $0x3  }
0x33: {  	p0 =	seq.s32 s10, $0x1;
	s10 =	sld [smem:$0x3FA1];
	_ =	sdelay $0x3  }
0x34: {  	[smem:$0x3FA1] =	sst s10  }
0x35: {  	s10 =	sld [smem:$0x3FA0];
	_ =	sdelay $0x3  }
0x36: {  	p1 =	seq.s32 s10, $0x1;
	s10 =	sld [smem:$0x3FA1];
	_ =	sdelay $0x3  }
0x37: {  	[smem:$0x3FA1] =	sst s10  }
0x38: {  	s10 =	sld [smem:$0x3FA2]  }
0x39: {  	_ = 	snop;
	(pc) =	sbr.ind lr, $3  }
0x3a: {  	_ = 	snop  }
0x3b: {  	_ = 	snop  }
0x3c: {  	p2 =	seq.s32 s10, $0x1;
	s10 =	sld [smem:$0x3FA1]  }
0x3d: {  	_ =	shalt  }
0x3e: {  	_ =	shalt  }
0x3f: {  	_ =	shalt  }
0x40: {  	_ =	shalt  }
0x41: {  	_ =	shalt  }
0x42: {  	_ =	shalt  }
0x43: {  	_ =	shalt  }
0x44: {  	_ =	shalt  }
0x45: {  	_ =	shalt  }
0x46: {  	_ =	shalt  }
0x47: {  	_ =	shalt  }
0x48: {  	_ =	shalt  }
0x49: {  	_ =	shalt  }
0x4a: {  	_ =	shalt  }
0x4b: {  	_ =	shalt  }
0x4c: {  	_ =	shalt  }
0x4d: {  	_ =	shalt  }
0x4e: {  	_ =	shalt  }
0x4f: {  	_ =	shalt  }
0x50: {  	_ =	shalt  }
0x51: {  	_ =	shalt  }
0x52: {  	_ =	shalt  }
0x53: {  	_ =	shalt  }
0x54: {  	_ =	shalt  }
0x55: {  	_ =	shalt  }
0x56: {  	_ =	shalt  }
0x57: {  	_ =	shalt  }
0x58: {  	_ =	shalt  }
0x59: {  	_ =	shalt  }
0x5a: {  	_ =	shalt  }
0x5b: {  	_ =	shalt  }
0x5c: {  	_ =	shalt  }
0x5d: {  	_ =	shalt  }
0x5e: {  	_ =	shalt  }
0x5f: {  	_ =	shalt  }
0x60: {  	_ =	shalt  }
0x61: {  	_ =	shalt  }
0x62: {  	_ =	shalt  }
0x63: {  	_ =	shalt  }
0x64: {  	_ =	shalt  }
0x65: {  	_ =	shalt  }
0x66: {  	_ =	shalt  }
0x67: {  	_ =	shalt  }
0x68: {  	_ =	shalt  }
0x69: {  	_ =	shalt  }
0x6a: {  	_ =	shalt  }
0x6b: {  	_ =	shalt  }
0x6c: {  	_ =	shalt  }
0x6d: {  	_ =	shalt  }
0x6e: {  	_ =	shalt  }
0x6f: {  	_ =	shalt  }
0x70: {  	_ =	shalt  }
0x71: {  	_ =	shalt  }
0x72: {  	_ =	shalt  }
0x73: {  	_ =	shalt  }
0x74: {  	_ =	shalt  }
0x75: {  	_ =	shalt  }
0x76: {  	_ =	shalt  }
0x77: {  	_ =	shalt  }
0x78: {  	_ =	shalt  }
0x79: {  	_ =	shalt  }
0x7a: {  	_ =	shalt  }
0x7b: {  	_ =	shalt  }
0x7c: {  	_ =	shalt  }
0x7d: {  	_ =	shalt  }
0x7e: {  	_ =	shalt  }
0x7f: {  	_ =	shalt  }
0x80: {  	_ =	shalt  }
0x81: {  	_ =	shalt  }
0x82: {  	_ =	shalt  }
0x83: {  	_ =	shalt  }
0x84: {  	_ =	shalt  }
0x85: {  	_ =	shalt  }
0x86: {  	_ =	shalt  }
0x87: {  	_ =	shalt  }
.Lfunc_end0:
.L_simem_size_0:
called_computation.2_lowered:
.L_overlay_start_0:
0x88: {  	s2 =	sld [smem:$0x3FD9]  }
0x89: {  	s3 =	sld [smem:$0x3FFE];
	_ =	sdelay $0x1  }
0x8a: {  	s1 =	srdreg.scid  }
0x8b: {  	s0 =	sand.u32 $0x1, s1  }
0x8c: {  	s17 =	sshll.u32 s0, $0xA;
	s2 =	sadd.s32 s3, s2  }
0x8d: {  	s2 =	sadd.s32 s2, s17  }
0x8e: {  	[smem:$0x3FAD] =	sst s2  }
0x8f: {  	_ = 	snop  }
0x90: {  	(tm) =	ssettm $0x1  }
0x91: {  	s18 =	sld [smem:$0x3FFB];
	_ =	sdelay $0x3  }
0x92: {  	_ =	strace s18  }
0x93: {  	s2 =	sld [smem:$0x3FFC];
	_ =	sdelay $0x3  }
0x94: {  	_ =	strace s2  }
0x95: {  	s2 =	sld [smem:$0x3FFD];
	_ =	sdelay $0x3  }
0x96: {  	_ =	strace s2  }
0x97: {  	_ =	strace $0x8FFFFFFF  }
0x98: {  	s19 =	sld [smem:$0x3FDB];
	_ =	sdelay $0x1  }
0x99: {  	s20 =	simm.s32 $_scs_section_size  }
0x9a: {  	s4 =	simm.s32 $_size__tile_overlayer_lowered;
	s5 =	simm.s32 $_tile_overlayer_lowered  }
0x9b: {  	s6 =	simm.s32 $0x1BFF;
	s21 =	sshll.u32 s5, $0x1;
	s3 =	sadd.s32 s20, s19  }
0x9c: {  	s22 =	simm.s32 $0x0;
	s4 =	sshll.u32 s4, $0x1;
	s5 =	sadd.s32 s21, s3  }
0x9d: {  	[timem:s22], [sflag:s6] =	dma.local [hbm:s5], s4  }
0x9e: {  	_ =	swait.ge [sflag:s6], s4  }
0x9f: {  	s4 =	ssub.s32 $0x0, s4;
	[sflag:s6] =	ssyncset.done $0x0  }
0xa0: {  	[sflag:s6] =	ssyncadd.s32 s4;
	_ =	sdelay $0x1  }
0xa1: {  	s23 =	simm.s32 $0x1B8B  }
0xa2: {  	_ =	swait.ge [sflag:s23], $0x1  }
0xa3: {  	[sflag:s23] =	ssyncset.done $0x0  }
0xa4: {  	[sflag:s23] =	ssyncadd.s32 $0xFFFFFFFF  }
0xa5: {  	s4 =	sld [smem:$0x0]  }
0xa6: {  	s5 =	sand.u32 $0xFFFFFFFE, s1  }
0xa7: {  	p0 =	sne.s32 s1, s5  }
0xa8: {  	s5 =	sshll.u32 @p0 s5, $0xE  }
0xa9: {  	s5 =	sadd.s32 @p0 $0x11B8D, s5;
	s6 =	sshll.u32 @p0 s4, $0x11  }
0xaa: {  	s5 =	sor.u32 @p0 s6, s5  }
0xab: {  	[sflag:s5] =	ssyncadd.remote.s32 @p0 $0x1;
	_ =	sdelay $0x1  }
0xac: {  	s5 =	simm.s32 @p0 $0x1B8D  }
0xad: {  	_ =	swait.eq @p0 [sflag:s5], $0x1  }
0xae: {  	[sflag:s5] =	ssyncadd.s32 @p0 $0xFFFFFFFF  }
0xaf: {  	s6 =	sshll.u32 @!p0 s1, $0xE  }
0xb0: {  	s6 =	sor.u32 @!p0 $0x4000, s6;
	s5 =	simm.s32 @!p0 $0x1B8D  }
0xb1: {  	s4 =	sshll.u32 @!p0 s4, $0x11;
	s6 =	sadd.s32 @!p0 $0x11B8D, s6;
	_ =	swait.eq @!p0 [sflag:s5], $0x1  }
0xb2: {  	s4 =	sor.u32 @!p0 s4, s6;
	[sflag:s5] =	ssyncadd.s32 @!p0 $0xFFFFFFFF  }
0xb3: {  	s25 =	simm.s32 $0x1B8E;
	s24 =	sld [smem:$0x3FFE];
	[sflag:s4] =	ssyncadd.remote.s32 @!p0 $0x1  }
0xb4: {  	s26 =	simm.s32 $execute0_lowered;
	[smem:$0x3FD2] =	sst s25  }
0xb5: {  	s5 =	sshll.u32 s26, $0x1;
	_ =	strace $0x80000055;
	[dreg:$0x1] =	wrdreg $0xFFFFFFFF  }
0xb6: {  	s28 =	simm.s32 $_size_execute0_lowered;
	s3 =	sadd.s32 s3, s5;
	[dreg:$0x0] =	wrdreg $0x0  }
0xb7: {  	s5 =	sshll.u32 s28, $0x1;
	[dreg:$0x2] =	wrdreg s3  }
0xb8: {  	[dreg:$0x3] =	wrdreg s5  }
0xb9: {  	[dreg:$0x4] =	wrdreg $0xC0  }
0xba: {  	_ =	task [dreg:s22], $0x5FFFF  }
0xbb: {  	[dreg:$0x1] =	wrdreg $0xFFFFFFFF  }
0xbc: {  	[dreg:$0x0] =	wrdreg $0x60  }
0xbd: {  	[dreg:$0x2] =	wrdreg s24  }
0xbe: {  	[dreg:$0x3] =	wrdreg $0xC1000  }
0xbf: {  	[dreg:$0x4] =	wrdreg $0x101000  }
0xc0: {  	[dreg:$0x5] =	wrdreg $0x9  }
0xc1: {  	_ =	task.clear_ibuf [dreg:s22], $0x6FFFF;
	_ =	strace $0x90000055  }
0xc2: {  	s29 =	simm.s32 $0x9;
	_ =	strace $0x80000057  }
0xc3: {  	_ =	swait.ge [sflag:s29], $0x1  }
0xc4: {  	[sflag:s29] =	ssyncadd.s32 $0xFFFFFFFF  }
0xc5: {  	_ =	strace $0x90000057  }
0xc6: {  	_ =	sfence  }
0xc7: {  	s30 =	sld [smem:$0x0];
	_ =	sdelay $0x2  }
0xc8: {  	s31 =	sshll.u32 s1, $0xD;
	s1 =	sshrl.u32 s1, $0x2  }
0xc9: {  	s4 =	sand.u32 $0x4000, s31;
	s1 =	sadd.s32 s1, s30  }
0xca: {  	s0 =	sor.u32 s4, s0;
	s1 =	sshll.u32 s1, $0x11  }
0xcb: {  	s0 =	sor.u32 s1, s0  }
0xcc: {  	s0 =	sadd.s32 $0x8F2B, s0  }
0xcd: {  	[sflag:s0] =	ssyncadd.remote.s32 $0x1  }
0xce: {  	_ =	sfence.sel $0xFFFF  }
0xcf: {  	[dreg:$0x0] =	wrdreg $0xFFFFFFFF;
	(pc) =	sbr.abs _section_cstart, $3  }
0xd0: {  	[dreg:$0x1] =	wrdreg $0xFFFFFFFF  }
0xd1: {  	_ =	task.clear_ibuf [dreg:s22], $0x2FFFF;
	_ =	strace $0x9FFFFFFF  }
0xd2: {  	(tm) =	ssettm $0x7FFFFFFF  }
0xd3: {  	_ =	shalt  }
tec
execute0_lowered:
.L_overlay_start_1:
0x0: {  	(tag) =	ssettag $0x1  }
0x1: {  	s11 =	rddreg [dreg:$0x0]  }
0x2: {  	s1 =	rddreg [dreg:$0x1]  }
0x3: {  	s2 =	rddreg [dreg:$0x2]  }
0x4: {  	s0 =	rddreg [dreg:$0x3];
	s3 =	simm.s32 $0x0  }
0x5: {  	s6 =	srdreg.scid;
	s4 =	stileid.u32;
	s19 =	simm.s32 $0x80  }
0x6: {  	s20 =	simm.s32 $0x100;
	s21 =	simm.s32 $0x1;
	s22 =	simm.s32 $0x4100  }
0x7: {  	s23 =	simm.s32 $0x8100;
	[smem:$0x7FF] =	sst s3;
	s5 =	sadd.s32 $0x134C00, s11  }
0x8: {  	s12 =	sand.u32 $0x1, s6;
	s6 =	sadd.s32 $0x134400, s11;
	s13 =	sshll.u32 s4, $0xE  }
0x9: {  	s7 =	sadd.s32 $0x3BC00, s11;
	s8 =	sadd.s32 $0x43C00, s11;
	s17 =	sshll.u32 s4, $0x6  }
0xa: {  	_ =	strace $0x80000056;
	s9 =	sshll.u32 s12, $0x12;
	s15 =	ssub.s32 $0x2, s12  }
0xb: {  	s16 =	sadd.s32 s13, s1;
	s18 =	sadd.s32 s13, s2;
	s12 =	sshll.u32 s12, $0xA  }
0xc: {  	s10 =	sor.u32 s13, s9;
	s9 =	sadd.s32 $0x4BC00, s11;
	s31 =	sshrl.u32 s15, $0x1  }
0xd: {  	s12 =	sor.u32 s17, s12;
	s16 =	sshrl.u32 s16, $0x3;
	s18 =	sshrl.u32 s18, $0x3  }
0xe: {  	s14 =	sshrl.u32 s10, $0x3;
	s10 =	sadd.s32 $0x63C00, s11;
	s15 =	ssub.s32 s15, s31  }
0xf: {  	s14 =	sadd.s32 s14, s11;
	s11 =	sor.u32 $0x1C02, s17;
	s15 =	smax.u32 s15, $0x1  }
0x10: {  	s17 =	simm.s32 $0x2;
	s13 =	sadd.s32 $0x53C00, s14;
	s14 =	sadd.s32 $0xB4400, s14  }
.LBB2_1:
0x11: {  	[spmem:s16], [sflag:s11] =	dma.local [hbm:s10], $0x800  }
0x12: {  	_ =	swait.ge [sflag:s17], $0x800  }
0x13: {  	[sflag:s17] =	ssyncset.done $0x0  }
0x14: {  	[sflag:s17] =	ssyncadd.s32 $0xFFFFF800  }
0x15: {  	[spmem:s18], [sflag:s11] =	dma.local [hbm:s10], $0x800  }
0x16: {  	_ =	swait.ge [sflag:s17], $0x800  }
0x17: {  	[sflag:s17] =	ssyncset.done $0x0  }
0x18: {  	[sflag:s17] =	ssyncadd.s32 $0xFFFFF800  }
0x19: {  	s24 =	simm.s32 $0x0;
	[bflag:$0x0] =	sbarrier.arrive $0xFFFF  }
.LBB2_2:
0x1a: {  	s25 =	sshll.u32 s24, $0x4  }
0x1b: {  	s25 =	sadd.s32 s12, s25  }
0x1c: {  	s28 =	simm.s32 $0x0;
	s26 =	sadd.s32 s5, s25  }
0x1d: {  	[tilespmem:s28], [sflag:$0x2] =	stream.linear.gather [hbm4b:s26+s28], $0x80, $0x38;
	[tilespmem:$0x14100] =	vst v63  }
0x1e: {  	_ =	swait.ge [sflag:s17], $0x80  }
0x1f: {  	[sflag:s17] =	ssyncset.done $0x0  }
0x20: {  	s25 =	sadd.s32 s6, s25;
	[sflag:s17] =	ssyncadd.s32 $0xFFFFFF80  }
0x21: {  	[tilespmem:s19], [sflag:$0x2] =	stream.linear.gather [hbm4b:s25+s28], $0x80, $0x38;
	[tilespmem:$0x14100] =	vst v63  }
0x22: {  	_ =	swait.ge [sflag:s17], $0x80  }
0x23: {  	[sflag:s17] =	ssyncset.done $0x0  }
0x24: {  	[sflag:s17] =	ssyncadd.s32 $0xFFFFFF80  }
0x25: {  	[tilespmem:s20], [sflag:$0x1] =	stream.indirect.gather [hbm4b:s7+s19], $0x80, s28, s19, $0xb8;
	[tilespmem:$0x14100] =	vst v63  }
0x26: {  	_ =	swait.ge [sflag:s21], $0x4000  }
0x27: {  	[sflag:s21] =	ssyncset.done $0x0  }
0x28: {  	[sflag:s21] =	ssyncadd.s32 $0xFFFFC000  }
0x29: {  	[tilespmem:s22], [sflag:$0x1] =	stream.indirect.gather [hbm4b:s8+s19], $0x80, s28, s19, $0xb8;
	[tilespmem:$0x14100] =	vst v63  }
0x2a: {  	_ =	swait.ge [sflag:s21], $0x4000  }
0x2b: {  	[sflag:s21] =	ssyncset.done $0x0  }
0x2c: {  	[sflag:s21] =	ssyncadd.s32 $0xFFFFC000  }
0x2d: {  	[tilespmem:s23], [sflag:$0x1] =	stream.indirect.gather [hbm4b:s9+s19], $0x80, s19, s19, $0xb8;
	[tilespmem:$0x14100] =	vst v63  }
0x2e: {  	_ =	swait.ge [sflag:s21], $0x4000  }
0x2f: {  	[sflag:s21] =	ssyncset.done $0x0  }
0x30: {  	s26 =	simm.s32 $0x0;
	[sflag:s21] =	ssyncadd.s32 $0xFFFFC000  }
0x31: {  	v0 =	vld [tilespmem:s26+$0x8120]  }
0x32: {  	v2 =	vld [tilespmem:s26+$0x8110]  }
0x33: {  	v3 =	vld [tilespmem:s26+$0x4110]  }
0x34: {  	v4 =	vld [tilespmem:s26+$0x8100]  }
0x35: {  	v6 =	vld [tilespmem:s26+$0x4100]  }
0x36: {  	v8 =	vld [tilespmem:s26+$0x4120];
	_ =	sdelay $0x1  }
0x37: {  	v1 =	vld [tilespmem:s26+$0x8170];
	v2 =	vadd.f32 v2, v3  }
0x38: {  	v7 =	vld [tilespmem:s26+$0x8140]  }
0x39: {  	v10 =	vld [tilespmem:s26+$0x8160];
	v4 =	vadd.f32 v4, v6;
	v9 =	vmul.f32 $2.000000030e-01, v2  }
0x3a: {  	v3 =	vld [tilespmem:s26+$0x8150];
	v0 =	vadd.f32 v0, v8  }
0x3b: {  	v6 =	vld [tilespmem:s26+$0x4140];
	v11 =	vmul.f32 $2.000000030e-01, v4;
	v2 =	vmax.f32 v2, v9  }
0x3c: {  	v13 =	vmul.f32 $2.000000030e-01, v0;
	v9 =	vld [tilespmem:s26+$0x4160];
	v2 =	vmul.f32 $1.442695020e+00, v2  }
0x3d: {  	v8 =	vld [tilespmem:s26+$0x4150];
	v4 =	vmax.f32 v4, v11  }
0x3e: {  	v5 =	vld [tilespmem:s26+$0x8130];
	v0 =	vmax.f32 v0, v13;
	v4 =	vmul.f32 $1.442695020e+00, v4;
	(erf) = vpow2.f32 v2  }
0x3f: {  	v12 =	vld [tilespmem:s26+$0x4130];
	v0 =	vmul.f32 $1.442695020e+00, v0  }
0x40: {  	v6 =	vadd.f32 v7, v6;
	v2 =	vld [tilespmem:s26+$0x4170];
	(erf) = vpow2.f32 v4  }
0x41: {  	(erf) = vpow2.f32 v0;
	v9 =	vadd.f32 v10, v9  }
0x42: {  	v3 =	vadd.f32 v3, v8;
	v19 =	vmul.f32 $2.000000030e-01, v6  }
0x43: {  	s25 =	simm.s32 $0x80;
	v54 =	vld [tilespmem:s26+$0x110];
	v10 =	vmul.f32 $2.000000030e-01, v9  }
0x44: {  	v15 =	vld [tilespmem:s25+$0x8120];
	v5 =	vadd.f32 v5, v12;
	v20 =	vmul.f32 $2.000000030e-01, v3;
	v6 =	vmax.f32 v6, v19  }
0x45: {  	v16 =	vld [tilespmem:s25+$0x8110];
	v6 =	vmul.f32 $1.442695020e+00, v6;
	v1 =	vadd.f32 v1, v2;
	v9 =	vmax.f32 v9, v10  }
0x46: {  	v18 =	vld [tilespmem:s25+$0x8130];
	v2 =	vmul.f32 $2.000000030e-01, v5;
	v9 =	vmul.f32 $1.442695020e+00, v9  }
0x47: {  	v11 =	vld [tilespmem:s26+$0x100];
	v3 =	vmax.f32 v3, v20;
	v17 =	vpop (erf);
	(erf) = vpow2.f32 v6;
	v6 =	vmul.f32 $2.000000030e-01, v1  }
0x48: {  	v4 =	vld [tilespmem:s26+$0x120];
	v3 =	vmul.f32 $1.442695020e+00, v3;
	v2 =	vmax.f32 v5, v2  }
0x49: {  	v7 =	vld [tilespmem:s25+$0x8100];
	v2 =	vmul.f32 $1.442695020e+00, v2;
	v55 =	vpop (erf);
	(erf) = vpow2.f32 v9;
	v1 =	vmax.f32 v1, v6  }
0x4a: {  	v0 =	vld [tilespmem:s25+$0x8170];
	[tilespmem:s26+$0x4110] =	vst v17;
	v21 =	vpop (erf);
	(erf) = vpow2.f32 v3;
	v1 =	vmul.f32 $1.442695020e+00, v1  }
0x4b: {  	v8 =	vld [tilespmem:s25+$0x4110];
	(erf) = vpow2.f32 v2  }
0x4c: {  	v56 =	vld [tilespmem:s25+$0x8140];
	[tilespmem:s26+$0x4100] =	vst v55;
	(erf) = vpow2.f32 v1  }
0x4d: {  	v11 =	vmul.f32 v55, v11;
	v10 =	vld [tilespmem:s25+$0x4100];
	v4 =	vmul.f32 v21, v4  }
0x4e: {  	[tilespmem:s26+$0x4120] =	vst v21;
	v2 =	vld [tilespmem:s26+$0x130]  }
0x4f: {  	v3 =	vmul.f32 v17, v54;
	v9 =	vld [tilespmem:s25+$0x4120];
	[tilespmem:s26+$0x100] =	vst v11  }
0x50: {  	v58 =	vld [tilespmem:s25+$0x8150];
	[tilespmem:s26+$0x120] =	vst v4  }
0x51: {  	v57 =	vld [tilespmem:s26+$0x150];
	[tilespmem:s26+$0x110] =	vst v3;
	v4 =	vpop (erf)  }
0x52: {  	v59 =	vld [tilespmem:s25+$0x8160];
	[tilespmem:s26+$0x4140] =	vst v4;
	v1 =	vpop (erf)  }
0x53: {  	v11 =	vld [tilespmem:s25+$0x4140];
	[tilespmem:s26+$0x4160] =	vst v1;
	v5 =	vpop (erf)  }
0x54: {  	v60 =	vld [tilespmem:s25+$0x4160];
	[tilespmem:s26+$0x4150] =	vst v5;
	v6 =	vpop (erf)  }
0x55: {  	v8 =	vadd.f32 v16, v8;
	v61 =	vld [tilespmem:s25+$0x4150];
	[tilespmem:s26+$0x4130] =	vst v6;
	v2 =	vmul.f32 v6, v2;
	v22 =	vpop (erf)  }
0x56: {  	v23 =	vld [tilespmem:s25+$0x4130];
	[tilespmem:s26+$0x4170] =	vst v22  }
0x57: {  	v6 =	vmul.f32 v5, v57;
	v5 =	vld [tilespmem:s25+$0x4170];
	[tilespmem:s26+$0x130] =	vst v2;
	v2 =	vmul.f32 $2.000000030e-01, v8  }
0x58: {  	v3 =	vld [tilespmem:s26+$0x170];
	v7 =	vadd.f32 v7, v10  }
0x59: {  	v14 =	vld [tilespmem:s26+$0x140];
	v2 =	vmax.f32 v8, v2  }
0x5a: {  	v9 =	vadd.f32 v15, v9;
	v10 =	vmul.f32 $2.000000030e-01, v7;
	v62 =	vmul.f32 $1.442695020e+00, v2;
	_ =	sdelay $0x1  }
0x5b: {  	v7 =	vmax.f32 v7, v10;
	v8 =	vmul.f32 $2.000000030e-01, v9;
	(erf) = vpow2.f32 v62  }
0x5c: {  	v7 =	vmul.f32 $1.442695020e+00, v7;
	v3 =	vmul.f32 v22, v3  }
0x5d: {  	v4 =	vmul.f32 v4, v14;
	[tilespmem:s26+$0x150] =	vst v6;
	v6 =	vld [tilespmem:s26+$0x160];
	v9 =	vmax.f32 v9, v8;
	v8 =	vadd.f32 v56, v11  }
0x5e: {  	v2 =	vld [tilespmem:s25+$0x100];
	[tilespmem:s26+$0x170] =	vst v3;
	v63 =	vmul.f32 $1.442695020e+00, v9;
	(erf) = vpow2.f32 v7  }
0x5f: {  	v3 =	vld [tilespmem:s25+$0x110];
	[tilespmem:s26+$0x140] =	vst v4;
	v9 =	vadd.f32 v59, v60;
	v11 =	vmul.f32 $2.000000030e-01, v8  }
0x60: {  	s28 =	simm.s32 $0x400;
	v10 =	vadd.f32 v58, v61;
	v4 =	vld [tilespmem:s25+$0x120];
	v7 =	vadd.f32 v18, v23;
	(erf) = vpow2.f32 v63  }
.LBB2_3:
0x61: {  	s29 =	sshra.s32 s28, $0x2;
	p0 =	sne.s32 s28, $0xFE00;
	s28 =	sadd.s32 $0x200, s28;
	v8 =	vmax.f32 v8, v11;
	v11 =	vld [tilespmem:s25+$0x140];
	v12 =	vmul.f32 $2.000000030e-01, v9  }
0x62: {  	v5 =	vadd.f32 v0, v5;
	v8 =	vmul.f32 $1.442695020e+00, v8;
	v16 =	vmul.f32 $2.000000030e-01, v10;
	v0 =	vld [tilespmem:s29+$0x8170]  }
0x63: {  	v15 =	vmul.f32 $2.000000030e-01, v7;
	v1 =	vmul.f32 v1, v6;
	v14 =	vld [tilespmem:s29+$0x8120];
	v9 =	vmax.f32 v9, v12  }
0x64: {  	v12 =	vmul.f32 $2.000000030e-01, v5;
	v6 =	vld [tilespmem:s29+$0x8110];
	v10 =	vmax.f32 v10, v16;
	v9 =	vmul.f32 $1.442695020e+00, v9;
	v13 =	vpop (erf)  }
0x65: {  	v7 =	vmax.f32 v7, v15;
	v16 =	vld [tilespmem:s29+$0x8100];
	v10 =	vmul.f32 $1.442695020e+00, v10;
	(erf) = vpow2.f32 v8;
	[tilespmem:s26+$0x160] =	vst v1;
	s26 =	smov.u32 s25;
	s25 =	smov.u32 s29  }
0x66: {  	v1 =	vmul.f32 $1.442695020e+00, v7;
	v5 =	vmax.f32 v5, v12;
	v15 =	vld [tilespmem:s25+$0x8130];
	[tilespmem:s26+$0x4110] =	vst v13;
	(erf) = vpow2.f32 v9  }
0x67: {  	v5 =	vmul.f32 $1.442695020e+00, v5;
	v7 =	vld [tilespmem:s25+$0x4110];
	v8 =	vpop (erf);
	(erf) = vpow2.f32 v10  }
0x68: {  	v9 =	vld [tilespmem:s25+$0x8140];
	[tilespmem:s26+$0x4100] =	vst v8;
	v2 =	vmul.f32 v8, v2;
	(erf) = vpow2.f32 v1  }
0x69: {  	v3 =	vmul.f32 v13, v3;
	v1 =	vld [tilespmem:s25+$0x4100];
	v8 =	vpop (erf);
	(erf) = vpow2.f32 v5  }
0x6a: {  	[tilespmem:s26+$0x4120] =	vst v8;
	v4 =	vmul.f32 v8, v4;
	v5 =	vld [tilespmem:s26+$0x150]  }
0x6b: {  	v8 =	vld [tilespmem:s25+$0x4120];
	[tilespmem:s26+$0x100] =	vst v2  }
0x6c: {  	v2 =	vadd.f32 v6, v7;
	v10 =	vld [tilespmem:s25+$0x8150];
	[tilespmem:s26+$0x120] =	vst v4  }
0x6d: {  	[tilespmem:s26+$0x110] =	vst v3;
	v3 =	vld [tilespmem:s26+$0x130]  }
0x6e: {  	v4 =	vadd.f32 v16, v1;
	v6 =	vmul.f32 $2.000000030e-01, v2;
	v7 =	vld [tilespmem:s26+$0x170];
	v1 =	vpop (erf)  }
0x6f: {  	v12 =	vld [tilespmem:s25+$0x8160];
	[tilespmem:s26+$0x4140] =	vst v1;
	v13 =	vmul.f32 v1, v11;
	v1 =	vpop (erf)  }
0x70: {  	v11 =	vmul.f32 $2.000000030e-01, v4;
	v2 =	vmax.f32 v2, v6;
	v6 =	vadd.f32 v14, v8;
	v8 =	vld [tilespmem:s25+$0x4140];
	[tilespmem:s26+$0x4160] =	vst v1;
	v14 =	vpop (erf)  }
0x71: {  	v2 =	vmul.f32 $1.442695020e+00, v2;
	v16 =	vld [tilespmem:s25+$0x4160];
	[tilespmem:s26+$0x4150] =	vst v14;
	v14 =	vmul.f32 v14, v5;
	v5 =	vpop (erf)  }
0x72: {  	v17 =	vmul.f32 $2.000000030e-01, v6;
	v18 =	vld [tilespmem:s25+$0x4150];
	[tilespmem:s26+$0x4130] =	vst v5;
	v3 =	vmul.f32 v5, v3;
	v5 =	vpop (erf)  }
0x73: {  	v4 =	vmax.f32 v4, v11;
	v19 =	vld [tilespmem:s25+$0x4130];
	(erf) = vpow2.f32 v2;
	[tilespmem:s26+$0x4170] =	vst v5;
	v7 =	vmul.f32 v5, v7  }
.Ltmp0:
0x74: {  	v4 =	vmul.f32 $1.442695020e+00, v4;
	v2 =	vmax.f32 v6, v17;
	v5 =	vld [tilespmem:s25+$0x4170];
	[tilespmem:s26+$0x130] =	vst v3;
	(pc) =	sbr.rel @p0 .LBB2_3-.Ltmp0, $4  }
0x75: {  	v17 =	vmul.f32 $1.442695020e+00, v2;
	v8 =	vadd.f32 v9, v8;
	[tilespmem:s26+$0x150] =	vst v14;
	v6 =	vld [tilespmem:s26+$0x160]  }
0x76: {  	v2 =	vld [tilespmem:s25+$0x100];
	(erf) = vpow2.f32 v4;
	[tilespmem:s26+$0x170] =	vst v7  }
0x77: {  	v9 =	vadd.f32 v12, v16;
	v3 =	vld [tilespmem:s25+$0x110];
	v11 =	vmul.f32 $2.000000030e-01, v8;
	[tilespmem:s26+$0x140] =	vst v13  }
0x78: {  	v10 =	vadd.f32 v10, v18;
	v4 =	vld [tilespmem:s25+$0x120];
	v7 =	vadd.f32 v15, v19;
	(erf) = vpow2.f32 v17  }
0x79: {  	v8 =	vmax.f32 v8, v11;
	v43 =	vmul.f32 $2.000000030e-01, v9  }
0x7a: {  	v0 =	vadd.f32 v0, v5;
	v8 =	vmul.f32 $1.442695020e+00, v8  }
0x7b: {  	v12 =	vmul.f32 $2.000000030e-01, v10;
	v44 =	vmul.f32 $2.000000030e-01, v7;
	v9 =	vmax.f32 v9, v43  }
0x7c: {  	v1 =	vmul.f32 v1, v6;
	v9 =	vmul.f32 $1.442695020e+00, v9  }
0x7d: {  	v46 =	vmul.f32 $2.000000030e-01, v0;
	v10 =	vmax.f32 v10, v12;
	v47 =	vpop (erf);
	(erf) = vpow2.f32 v8  }
0x7e: {  	v5 =	vmax.f32 v7, v44;
	v48 =	vmul.f32 $1.442695020e+00, v10;
	(erf) = vpow2.f32 v9  }
0x7f: {  	v49 =	vmul.f32 $1.442695020e+00, v5  }
0x80: {  	v45 =	vld [tilespmem:s25+$0x140];
	[tilespmem:s26+$0x160] =	vst v1;
	v0 =	vmax.f32 v0, v46;
	v3 =	vmul.f32 v47, v3;
	v50 =	vpop (erf);
	(erf) = vpow2.f32 v48  }
0x81: {  	[tilespmem:s25+$0x4110] =	vst v47;
	v0 =	vmul.f32 $1.442695020e+00, v0;
	v51 =	vpop (erf);
	(erf) = vpow2.f32 v49  }
0x82: {  	[tilespmem:s25+$0x110] =	vst v3  }
0x83: {  	[tilespmem:s25+$0x4100] =	vst v50;
	v2 =	vmul.f32 v50, v2;
	(erf) = vpow2.f32 v0  }
0x84: {  	[tilespmem:s25+$0x4120] =	vst v51;
	v52 =	vmul.f32 v51, v4  }
0x85: {  	v53 =	vld [tilespmem:s25+$0x150];
	[tilespmem:s25+$0x100] =	vst v2  }
0x86: {  	[tilespmem:s25+$0x120] =	vst v52;
	v56 =	vpop (erf)  }
0x87: {  	v54 =	vld [tilespmem:s25+$0x130];
	[tilespmem:s25+$0x4140] =	vst v56;
	v63 =	vmul.f32 v56, v45;
	v57 =	vpop (erf)  }
0x88: {  	v55 =	vld [tilespmem:s25+$0x170];
	[tilespmem:s25+$0x4160] =	vst v57  }
0x89: {  	v61 =	vld [tilespmem:s25+$0x160];
	v58 =	vpop (erf);
	[tilespmem:s25+$0x140] =	vst v63  }
0x8a: {  	[tilespmem:s25+$0x4150] =	vst v58;
	v1 =	vmul.f32 v58, v53;
	v59 =	vpop (erf)  }
0x8b: {  	[tilespmem:s25+$0x4130] =	vst v59  }
0x8c: {  	v0 =	vmul.f32 v59, v54;
	v60 =	vpop (erf);
	[tilespmem:s25+$0x150] =	vst v1  }
0x8d: {  	[tilespmem:s25+$0x4170] =	vst v60;
	v62 =	vmul.f32 v60, v55  }
0x8e: {  	[tilespmem:s25+$0x130] =	vst v0;
	v0 =	vmul.f32 v57, v61  }
0x8f: {  	[tilespmem:s25+$0x170] =	vst v62  }
0x90: {  	[tilespmem:s25+$0x160] =	vst v0  }
0x91: {  	[spmem:s1] =	stream.indirect.scatter.add.f32 [tilespmem:s20], [sflag:$0x2], $0x80, s19, s19, $0xb8;
	[tilespmem:$0x14100] =	vst v63  }
0x92: {  	s24 =	sadd.s32 $0x1, s24;
	_ =	swait.ge [sflag:s17], $0x4000  }
0x93: {  	p0 =	sne.s32 s24, $0x4;
	[sflag:s17] =	ssyncset.done $0x0  }
.Ltmp1:
0x94: {  	[sflag:s17] =	ssyncadd.s32 $0xFFFFC000;
	(pc) =	sbr.rel @p0 .LBB2_2-.Ltmp1, $4  }
0x95: {  	[spmem:s2] =	stream.indirect.scatter.add.f32 [tilespmem:s22], [sflag:$0x2], $0x80, s19, s19, $0xb8;
	[tilespmem:$0x14100] =	vst v63  }
0x96: {  	_ =	swait.ge [sflag:s17], $0x4000  }
0x97: {  	[sflag:s17] =	ssyncset.done $0x0  }
0x98: {  	[sflag:s17] =	ssyncadd.s32 $0xFFFFC000  }
0x99: {  	[bflag:$0x0] =	sbarrier.arrive $0xFFFF  }
0x9a: {  	[hbm:s13], [sflag:s11] =	dma.local [spmem:s16], $0x800  }
0x9b: {  	s3 =	sadd.s32 $0x1, s3;
	_ =	swait.ge [sflag:s17], $0x800  }
0x9c: {  	p0 =	sne.s32 s3, s15;
	[sflag:s17] =	ssyncset.done $0x0  }
.Ltmp2:
0x9d: {  	[sflag:s17] =	ssyncadd.s32 $0xFFFFF800;
	(pc) =	sbr.rel @p0 .LBB2_1-.Ltmp2, $4  }
0x9e: {  	[hbm:s14], [sflag:s11] =	dma.local [spmem:s18], $0x800  }
0x9f: {  	_ =	swait.ge [sflag:s17], $0x800  }
0xa0: {  	[sflag:s17] =	ssyncset.done $0x0  }
0xa1: {  	[sflag:s17] =	ssyncadd.s32 $0xFFFFF800  }
0xa2: {  	_ =	sfence.sel $0x180000  }
0xa3: {  	[bflag:$0x0] =	sbarrier.arrive $0xFFFF  }
0xa4: {  	p0 =	sne.s32 s4, $0x0;
	_ =	strace $0x90000056  }
0xa5: {  	s0 =	sadd.s32 @!p0 $0x100000, s0;
	[bflag:$0x2] =	sbarrier.arrive $0xFFFF  }
0xa6: {  	[sflag:s0] =	ssyncadd.tile.s32 @!p0 $0x1;
	_ =	shalt  }
.Lfunc_end2:
_tile_overlayer_lowered:
.L_overlay_start_2:
0xa7: {  	(tag) =	ssettag $0x2  }
0xa8: {  	s0 =	rddreg [dreg:$0x0];
	s2 =	stileid.u32  }
0xa9: {  	s1 =	rddreg [dreg:$0x1];
	p0 =	sne.s32 s2, $0x0  }
0xaa: {  	s3 =	rddreg [dreg:$0x2];
	[bflag:$0x3] =	sbarrier.arrive $0xFFFF;
	s2 =	simm.s32 @!p0 $0x1C02  }
0xab: {  	[timem:s3], [sflag:s2] =	dma.local @!p0 [hbm:s0], s1  }
0xac: {  	s0 =	simm.s32 @!p0 $0x2  }
0xad: {  	_ =	swait.ge @!p0 [sflag:s0], s1  }
0xae: {  	s1 =	ssub.s32 @!p0 $0x0, s1;
	[sflag:s0] =	ssyncset.done @!p0 $0x0  }
0xaf: {  	[sflag:s0] =	ssyncadd.s32 @!p0 s1  }
0xb0: {  	[bflag:$0x3] =	sbarrier.arrive $0xFFFF  }
0xb1: {  	_ =	shalt  }

// kernel: kernel.30.cloned.1.call-start
scs
__scs_entry_jumppad:
0x0: {  	(pc) =	sbr.rel $0x88, $3  }
0x1: {  	(tag) =	ssettag $0x0;
	lr =	simm.s32 $0x1  }
0x2: {  	[smem:$0x3F86] =	sst lr;
	_ =	strace $0xD0000000  }
0x3: {  	_ = 	snop  }
0x4: {  	_ = 	snop  }
0x5: {  	_ = 	snop  }
0x6: {  	_ = 	snop  }
0x7: {  	_ = 	snop  }
__scs_overlays_trampoline_lowered:
0x8: {  	[smem:$0x3F95] =	sst s0  }
0x9: {  	[smem:$0x3F96] =	sst s1  }
0xa: {  	[smem:$0x3F97] =	sst s2  }
0xb: {  	[smem:$0x3F98] =	sst s3  }
0xc: {  	[smem:$0x3F99] =	sst s4  }
0xd: {  	[smem:$0x3F9A] =	sst s5  }
0xe: {  	[smem:$0x3F9B] =	sst s6  }
0xf: {  	[smem:$0x3F9C] =	sst s7  }
0x10: {  	[smem:$0x3F9D] =	sst s8  }
0x11: {  	[smem:$0x3F9E] =	sst s9;
	s0 =	simm.s32 @!p0 $0x0  }
0x12: {  	s1 =	sld [smem:$0x3F84];
	s0 =	simm.s32 @p0 $0x1  }
0x13: {  	[smem:$0x3F9F] =	sst s0;
	s0 =	simm.s32 @!p1 $0x0  }
0x14: {  	s2 =	sld [smem:$0x3F83];
	s0 =	simm.s32 @p1 $0x1  }
0x15: {  	[smem:$0x3FA0] =	sst s0;
	s0 =	simm.s32 @!p2 $0x0  }
0x16: {  	s3 =	sld [smem:$0x3FDB];
	s0 =	simm.s32 @p2 $0x1  }
0x17: {  	s4 =	simm.s32 $0x1BF5;
	[smem:$0x3FA2] =	sst s0  }
0x18: {  	s0 =	sld [smem:$0x3F85];
	_ =	swait.ge [sflag:s4], $0x0  }
0x19: {  	s7 =	sld [smem:$0x3F86]  }
0x1a: {  	s8 =	sadd.s32 $0xFFFFE003, lr  }
0x1b: {  	s9 =	sadd.s32 $0xFFFFFEF7, lr;
	s5 =	simm.s32 $0xFFFFFFFF;
	p2 =	slt.u32 s8, $0xFFFFF086  }
0x1c: {  	p1 =	slt.u32 s9, $0xF7A;
	s5 =	simm.s32 @!p2 $0x0  }
0x1d: {  	s5 =	simm.s32 @p1 $0x1;
	p0 =	seq.s32 s7, s2  }
0x1e: {  	s7 =	smul.u32 @!p0 $0xF7A, s2;
	p2 =	seq.s32 @!p0 s5, $0x0  }
0x1f: {  	s9 =	smul.u32 $0xF7A, s1;
	s8 =	simm.s32 @!p0 $0x1BF5;
	p2 =	por !p2, p0  }
0x20: {  	[sflag:s8] =	ssyncset.s32 @!p0 $0xFFFFF086;
	s6 =	sadd.s32 @!p0 s3, s7;
	s7 =	simm.s32 @!p0 $0x108  }
0x21: {  	s3 =	sadd.s32 s3, s9;
	s6 =	sadd.s32 @!p0 $0x88, s6;
	s7 =	simm.s32 @p2 $0x1082  }
0x22: {  	[simem:s7], [sflag:s8] =	dma.local @!p0 [hbm:s6], $0xF7A  }
0x23: {  	s9 =	sor.u32 $0xD0000000, s2;
	s6 =	simm.s32 $0x108;
	_ =	swait.ge @!p0 [sflag:s8], $0x0  }
0x24: {  	s3 =	sadd.s32 $0x88, s3;
	s6 =	simm.s32 @!p1 $0x1082;
	[sflag:s4] =	ssyncset.s32 $0xFFFFF086  }
0x25: {  	[simem:s6], [sflag:s4] =	dma.local [hbm:s3], $0xF7A  }
0x26: {  	[smem:$0x3F86] =	sst s1;
	(tag) =	ssettag s2;
	_ =	strace s9  }
0x27: {  	s1 =	sld [smem:$0x3F96]  }
0x28: {  	s2 =	sld [smem:$0x3F97]  }
0x29: {  	s4 =	sld [smem:$0x3F99]  }
0x2a: {  	p0 =	seq.s32 s5, $0x0;
	s5 =	sld [smem:$0x3F9A]  }
0x2b: {  	s6 =	sld [smem:$0x3F9B]  }
0x2c: {  	s7 =	sld [smem:$0x3F9C]  }
0x2d: {  	s3 =	simm.s32 $0x108;
	s8 =	sld [smem:$0x3F9D]  }
0x2e: {  	s3 =	simm.s32 @!p0 $0x1082;
	s9 =	sld [smem:$0x3F9E]  }
0x2f: {  	lr =	sadd.s32 s0, s3;
	s0 =	sld [smem:$0x3F95]  }
0x30: {  	s3 =	sld [smem:$0x3F98]  }
0x31: {  	[smem:$0x3FA1] =	sst s10  }
0x32: {  	s10 =	sld [smem:$0x3F9F];
	_ =	sdelay $0x3  }
0x33: {  	p0 =	seq.s32 s10, $0x1;
	s10 =	sld [smem:$0x3FA1];
	_ =	sdelay $0x3  }
0x34: {  	[smem:$0x3FA1] =	sst s10  }
0x35: {  	s10 =	sld [smem:$0x3FA0];
	_ =	sdelay $0x3  }
0x36: {  	p1 =	seq.s32 s10, $0x1;
	s10 =	sld [smem:$0x3FA1];
	_ =	sdelay $0x3  }
0x37: {  	[smem:$0x3FA1] =	sst s10  }
0x38: {  	s10 =	sld [smem:$0x3FA2]  }
0x39: {  	_ = 	snop;
	(pc) =	sbr.ind lr, $3  }
0x3a: {  	_ = 	snop  }
0x3b: {  	_ = 	snop  }
0x3c: {  	p2 =	seq.s32 s10, $0x1;
	s10 =	sld [smem:$0x3FA1]  }
0x3d: {  	_ =	shalt  }
0x3e: {  	_ =	shalt  }
0x3f: {  	_ =	shalt  }
0x40: {  	_ =	shalt  }
0x41: {  	_ =	shalt  }
0x42: {  	_ =	shalt  }
0x43: {  	_ =	shalt  }
0x44: {  	_ =	shalt  }
0x45: {  	_ =	shalt  }
0x46: {  	_ =	shalt  }
0x47: {  	_ =	shalt  }
0x48: {  	_ =	shalt  }
0x49: {  	_ =	shalt  }
0x4a: {  	_ =	shalt  }
0x4b: {  	_ =	shalt  }
0x4c: {  	_ =	shalt  }
0x4d: {  	_ =	shalt  }
0x4e: {  	_ =	shalt  }
0x4f: {  	_ =	shalt  }
0x50: {  	_ =	shalt  }
0x51: {  	_ =	shalt  }
0x52: {  	_ =	shalt  }
0x53: {  	_ =	shalt  }
0x54: {  	_ =	shalt  }
0x55: {  	_ =	shalt  }
0x56: {  	_ =	shalt  }
0x57: {  	_ =	shalt  }
0x58: {  	_ =	shalt  }
0x59: {  	_ =	shalt  }
0x5a: {  	_ =	shalt  }
0x5b: {  	_ =	shalt  }
0x5c: {  	_ =	shalt  }
0x5d: {  	_ =	shalt  }
0x5e: {  	_ =	shalt  }
0x5f: {  	_ =	shalt  }
0x60: {  	_ =	shalt  }
0x61: {  	_ =	shalt  }
0x62: {  	_ =	shalt  }
0x63: {  	_ =	shalt  }
0x64: {  	_ =	shalt  }
0x65: {  	_ =	shalt  }
0x66: {  	_ =	shalt  }
0x67: {  	_ =	shalt  }
0x68: {  	_ =	shalt  }
0x69: {  	_ =	shalt  }
0x6a: {  	_ =	shalt  }
0x6b: {  	_ =	shalt  }
0x6c: {  	_ =	shalt  }
0x6d: {  	_ =	shalt  }
0x6e: {  	_ =	shalt  }
0x6f: {  	_ =	shalt  }
0x70: {  	_ =	shalt  }
0x71: {  	_ =	shalt  }
0x72: {  	_ =	shalt  }
0x73: {  	_ =	shalt  }
0x74: {  	_ =	shalt  }
0x75: {  	_ =	shalt  }
0x76: {  	_ =	shalt  }
0x77: {  	_ =	shalt  }
0x78: {  	_ =	shalt  }
0x79: {  	_ =	shalt  }
0x7a: {  	_ =	shalt  }
0x7b: {  	_ =	shalt  }
0x7c: {  	_ =	shalt  }
0x7d: {  	_ =	shalt  }
0x7e: {  	_ =	shalt  }
0x7f: {  	_ =	shalt  }
0x80: {  	_ =	shalt  }
0x81: {  	_ =	shalt  }
0x82: {  	_ =	shalt  }
0x83: {  	_ =	shalt  }
0x84: {  	_ =	shalt  }
0x85: {  	_ =	shalt  }
0x86: {  	_ =	shalt  }
0x87: {  	_ =	shalt  }
.Lfunc_end0:
.L_simem_size_0:
called_computation.3_lowered:
.L_overlay_start_0:
0x88: {  	s2 =	sld [smem:$0x3FD9]  }
0x89: {  	s3 =	sld [smem:$0x3FFE];
	_ =	sdelay $0x1  }
0x8a: {  	s1 =	srdreg.scid  }
0x8b: {  	s0 =	sand.u32 $0x1, s1  }
0x8c: {  	s16 =	sshll.u32 s0, $0xA;
	s2 =	sadd.s32 s3, s2  }
0x8d: {  	s2 =	sadd.s32 s2, s16  }
0x8e: {  	[smem:$0x3FAD] =	sst s2  }
0x8f: {  	_ = 	snop  }
0x90: {  	(tm) =	ssettm $0x1  }
0x91: {  	s17 =	sld [smem:$0x3FFB];
	_ =	sdelay $0x3  }
0x92: {  	_ =	strace s17  }
0x93: {  	s2 =	sld [smem:$0x3FFC];
	_ =	sdelay $0x3  }
0x94: {  	_ =	strace s2  }
0x95: {  	s2 =	sld [smem:$0x3FFD];
	_ =	sdelay $0x3  }
0x96: {  	_ =	strace s2  }
0x97: {  	_ =	strace $0x8FFFFFFF  }
0x98: {  	s18 =	sld [smem:$0x3FDB];
	_ =	sdelay $0x1  }
0x99: {  	s19 =	simm.s32 $_scs_section_size  }
0x9a: {  	s4 =	simm.s32 $_size__tile_overlayer_lowered;
	s5 =	simm.s32 $_tile_overlayer_lowered  }
0x9b: {  	s22 =	simm.s32 $0x1BFF;
	s21 =	sshll.u32 s5, $0x1;
	s2 =	sadd.s32 s19, s18  }
0x9c: {  	s6 =	simm.s32 $0x0;
	s20 =	sshll.u32 s4, $0x1;
	s4 =	sadd.s32 s21, s2  }
0x9d: {  	[timem:s6], [sflag:s22] =	dma.local [hbm:s4], s20  }
0x9e: {  	_ =	swait.ge [sflag:s22], s20  }
0x9f: {  	s3 =	ssub.s32 $0x0, s20;
	[sflag:s22] =	ssyncset.done $0x0  }
0xa0: {  	[sflag:s22] =	ssyncadd.s32 s3;
	_ =	sdelay $0x1  }
0xa1: {  	s23 =	simm.s32 $0x1B8B  }
0xa2: {  	_ =	swait.ge [sflag:s23], $0x1  }
0xa3: {  	[sflag:s23] =	ssyncset.done $0x0  }
0xa4: {  	s25 =	simm.s32 $0x1B8E;
	s24 =	sld [smem:$0x3FFE];
	[sflag:s23] =	ssyncadd.s32 $0xFFFFFFFF  }
0xa5: {  	s26 =	simm.s32 $execute0_lowered;
	[smem:$0x3FD2] =	sst s25  }
0xa6: {  	s4 =	sshll.u32 s26, $0x1;
	_ =	strace $0x80000046;
	[dreg:$0x1] =	wrdreg $0xFFFFFFFF  }
0xa7: {  	s28 =	simm.s32 $_size_execute0_lowered;
	s2 =	sadd.s32 s2, s4;
	[dreg:$0x0] =	wrdreg $0x0  }
0xa8: {  	s4 =	sshll.u32 s28, $0x1;
	[dreg:$0x2] =	wrdreg s2  }
0xa9: {  	[dreg:$0x3] =	wrdreg s4  }
0xaa: {  	[dreg:$0x4] =	wrdreg $0xC0  }
0xab: {  	_ =	task [dreg:s6], $0x5FFFF  }
0xac: {  	[dreg:$0x1] =	wrdreg $0xFFFFFFFF  }
0xad: {  	[dreg:$0x0] =	wrdreg $0x60  }
0xae: {  	[dreg:$0x2] =	wrdreg s24  }
0xaf: {  	[dreg:$0x3] =	wrdreg $0x40800  }
0xb0: {  	[dreg:$0x4] =	wrdreg $0x9  }
0xb1: {  	_ =	task.clear_ibuf [dreg:s6], $0x5FFFF;
	_ =	strace $0x90000046  }
0xb2: {  	s29 =	simm.s32 $0x9;
	_ =	strace $0x80000048  }
0xb3: {  	_ =	swait.ge [sflag:s29], $0x1  }
0xb4: {  	[sflag:s29] =	ssyncadd.s32 $0xFFFFFFFF  }
0xb5: {  	_ =	strace $0x90000048  }
0xb6: {  	_ =	sfence  }
0xb7: {  	s30 =	sld [smem:$0x0];
	_ =	sdelay $0x2  }
0xb8: {  	s31 =	sshll.u32 s1, $0xD;
	s1 =	sshrl.u32 s1, $0x2  }
0xb9: {  	s3 =	sand.u32 $0x4000, s31;
	s1 =	sadd.s32 s1, s30  }
0xba: {  	s0 =	sor.u32 s3, s0;
	s1 =	sshll.u32 s1, $0x11  }
0xbb: {  	s0 =	sor.u32 s1, s0  }
0xbc: {  	s0 =	sadd.s32 $0x8F2B, s0  }
0xbd: {  	[sflag:s0] =	ssyncadd.remote.s32 $0x1  }
0xbe: {  	_ =	sfence.sel $0xFFFF  }
0xbf: {  	[dreg:$0x0] =	wrdreg $0xFFFFFFFF;
	(pc) =	sbr.abs _section_cstart, $3  }
0xc0: {  	[dreg:$0x1] =	wrdreg $0xFFFFFFFF  }
0xc1: {  	_ =	task.clear_ibuf [dreg:s6], $0x2FFFF;
	_ =	strace $0x9FFFFFFF  }
0xc2: {  	(tm) =	ssettm $0x7FFFFFFF  }
0xc3: {  	_ =	shalt  }
tec
execute0_lowered:
.L_overlay_start_1:
0x0: {  	(tag) =	ssettag $0x1  }
0x1: {  	s6 =	rddreg [dreg:$0x0];
	s1 =	stileid.u32  }
0x2: {  	s0 =	srdreg.scid;
	s5 =	smul.u32 $0x2800, s1  }
0x3: {  	s2 =	rddreg [dreg:$0x1];
	s3 =	simm.s32 $0x0;
	s10 =	smul.u32 $0x50000, s1  }
0x4: {  	s7 =	sand.u32 $0x1, s0;
	s0 =	rddreg [dreg:$0x2];
	s11 =	smul.u32 $0x280, s1  }
0x5: {  	s13 =	simm.s32 $0x0;
	[smem:$0x7FF] =	sst s3;
	s4 =	smul.u32 $0x2800, s7  }
0x6: {  	s31 =	sshll.u32 s1, $0x6;
	s8 =	smul.u32 $0x28000, s7;
	s30 =	ssub.s32 $0x2, s7  }
0x7: {  	_ =	strace $0x80000047;
	s7 =	sshrl.u32 s30, $0x1;
	s10 =	sshrl.u32 s10, $0x2  }
0x8: {  	s9 =	sadd.s32 s4, s6;
	s4 =	sadd.s32 $0x16400, s6;
	s8 =	sadd.s32 s5, s8  }
0x9: {  	s5 =	sadd.s32 $0x13C00, s6;
	s12 =	ssub.s32 s30, s7;
	s10 =	sadd.s32 s10, s2  }
0xa: {  	s8 =	sadd.s32 s8, s6;
	s6 =	sor.u32 $0x1C01, s31;
	s9 =	sadd.s32 s11, s9  }
0xb: {  	s10 =	sshrl.u32 s10, $0x3;
	s11 =	simm.s32 $0x1;
	s7 =	sadd.s32 $0x16C00, s8  }
0xc: {  	s8 =	smax.u32 s12, $0x1;
	s9 =	sadd.s32 $0x9C00, s9;
	s12 =	simm.s32 $0x80  }
.LBB2_1:
0xd: {  	[spmem:s10], [sflag:s6] =	dma.local [hbm:s5], $0x2800  }
0xe: {  	_ =	swait.ge [sflag:s11], $0x2800  }
0xf: {  	[sflag:s11] =	ssyncset.done $0x0  }
0x10: {  	[sflag:s11] =	ssyncadd.s32 $0xFFFFD800  }
0x11: {  	[tilespmem:s12], [sflag:$0x1] =	stream.linear.gather [hbm4b:s4+s3], $0x4000, $0x38;
	[tilespmem:$0x18080] =	vst v63  }
0x12: {  	_ =	swait.ge [sflag:s11], $0x4000  }
0x13: {  	[sflag:s11] =	ssyncset.done $0x0  }
0x14: {  	[sflag:s11] =	ssyncadd.s32 $0xFFFFC000  }
0x15: {  	s14 =	sadd.s32 $0x0, s9;
	[bflag:$0x0] =	sbarrier.arrive $0xFFFF  }
0x16: {  	[tilespmem:s3], [sflag:$0x1] =	stream.linear.gather [hbm4b:s14+s3], $0x80, $0x38;
	[tilespmem:$0x18080] =	vst v63  }
0x17: {  	_ =	swait.ge [sflag:s11], $0x80  }
0x18: {  	[sflag:s11] =	ssyncset.done $0x0  }
0x19: {  	[sflag:s11] =	ssyncadd.s32 $0xFFFFFF80  }
0x1a: {  	[spmem:s2] =	stream.indirect.scatter.add.f32 [tilespmem:s12], [sflag:$0x1], $0x80, s3, s12, $0xb8;
	[tilespmem:$0x18080] =	vst v63  }
0x1b: {  	_ =	swait.ge [sflag:s11], $0x4000  }
0x1c: {  	s15 =	simm.s32 $0x20;
	s14 =	simm.s32 $0x10;
	[sflag:s11] =	ssyncset.done $0x0  }
.LBB2_2:
0x1d: {  	s16 =	sadd.s32 s14, s9  }
0x1e: {  	[sflag:s11] =	ssyncadd.s32 $0xFFFFC000;
	s14 =	smov.u32 s15;
	s17 =	sadd.s32 $0x10, s15  }
0x1f: {  	[tilespmem:s3], [sflag:$0x1] =	stream.linear.gather [hbm4b:s16+s3], $0x80, $0x38;
	[tilespmem:$0x18080] =	vst v63  }
0x20: {  	p0 =	sne.s32 s15, $0x270;
	_ =	swait.ge [sflag:s11], $0x80  }
.Ltmp0:
0x21: {  	[sflag:s11] =	ssyncset.done $0x0;
	(pc) =	sbr.rel @p0 .LBB2_2-.Ltmp0, $4  }
0x22: {  	[sflag:s11] =	ssyncadd.s32 $0xFFFFFF80  }
0x23: {  	[spmem:s2] =	stream.indirect.scatter.add.f32 [tilespmem:s12], [sflag:$0x1], $0x80, s3, s12, $0xb8;
	[tilespmem:$0x18080] =	vst v63  }
0x24: {  	_ =	swait.ge [sflag:s11], $0x4000  }
0x25: {  	s15 =	smov.u32 s17;
	[sflag:s11] =	ssyncset.done $0x0  }
0x26: {  	s14 =	sadd.s32 s14, s9;
	[sflag:s11] =	ssyncadd.s32 $0xFFFFC000  }
0x27: {  	[tilespmem:s3], [sflag:$0x1] =	stream.linear.gather [hbm4b:s14+s3], $0x80, $0x38;
	[tilespmem:$0x18080] =	vst v63  }
0x28: {  	_ =	swait.ge [sflag:s11], $0x80  }
0x29: {  	[sflag:s11] =	ssyncset.done $0x0  }
0x2a: {  	[sflag:s11] =	ssyncadd.s32 $0xFFFFFF80  }
0x2b: {  	[spmem:s2] =	stream.indirect.scatter.add.f32 [tilespmem:s12], [sflag:$0x1], $0x80, s3, s12, $0xb8;
	[tilespmem:$0x18080] =	vst v63  }
0x2c: {  	_ =	swait.ge [sflag:s11], $0x4000  }
0x2d: {  	s13 =	sadd.s32 $0x1, s13;
	[sflag:s11] =	ssyncset.done $0x0  }
0x2e: {  	p0 =	sne.s32 s13, s8;
	[sflag:s11] =	ssyncadd.s32 $0xFFFFC000  }
.Ltmp1:
0x2f: {  	[bflag:$0x0] =	sbarrier.arrive $0xFFFF;
	(pc) =	sbr.rel @p0 .LBB2_1-.Ltmp1, $4  }
0x30: {  	[hbm:s7], [sflag:s6] =	dma.local [spmem:s10], $0x2800  }
0x31: {  	_ =	swait.ge [sflag:s11], $0x2800  }
0x32: {  	[sflag:s11] =	ssyncset.done $0x0  }
0x33: {  	[sflag:s11] =	ssyncadd.s32 $0xFFFFD800  }
0x34: {  	_ =	sfence.sel $0x180000  }
0x35: {  	[bflag:$0x0] =	sbarrier.arrive $0xFFFF  }
0x36: {  	p0 =	sne.s32 s1, $0x0;
	_ =	strace $0x90000047  }
0x37: {  	s0 =	sadd.s32 @!p0 $0x100000, s0;
	[bflag:$0x2] =	sbarrier.arrive $0xFFFF  }
0x38: {  	[sflag:s0] =	ssyncadd.tile.s32 @!p0 $0x1;
	_ =	shalt  }
.Lfunc_end2:
_tile_overlayer_lowered:
.L_overlay_start_2:
0x39: {  	(tag) =	ssettag $0x2  }
0x3a: {  	s0 =	rddreg [dreg:$0x0];
	s2 =	stileid.u32  }
0x3b: {  	s1 =	rddreg [dreg:$0x1];
	p0 =	sne.s32 s2, $0x0  }
0x3c: {  	s3 =	rddreg [dreg:$0x2];
	[bflag:$0x3] =	sbarrier.arrive $0xFFFF;
	s2 =	simm.s32 @!p0 $0x1C01  }
0x3d: {  	[timem:s3], [sflag:s2] =	dma.local @!p0 [hbm:s0], s1  }
0x3e: {  	s0 =	simm.s32 @!p0 $0x1  }
0x3f: {  	_ =	swait.ge @!p0 [sflag:s0], s1  }
0x40: {  	s1 =	ssub.s32 @!p0 $0x0, s1;
	[sflag:s0] =	ssyncset.done @!p0 $0x0  }
0x41: {  	[sflag:s0] =	ssyncadd.s32 @!p0 s1  }
0x42: {  	[bflag:$0x3] =	sbarrier.arrive $0xFFFF  }
0x43: {  	_ =	shalt  }

// kernel: kernel.33.cloned.1.call-start
scs
__scs_entry_jumppad:
0x0: {  	(pc) =	sbr.rel $0x88, $3  }
0x1: {  	(tag) =	ssettag $0x0;
	lr =	simm.s32 $0x1  }
0x2: {  	[smem:$0x3F86] =	sst lr;
	_ =	strace $0xD0000000  }
0x3: {  	_ = 	snop  }
0x4: {  	_ = 	snop  }
0x5: {  	_ = 	snop  }
0x6: {  	_ = 	snop  }
0x7: {  	_ = 	snop  }
__scs_overlays_trampoline_lowered:
0x8: {  	[smem:$0x3F95] =	sst s0  }
0x9: {  	[smem:$0x3F96] =	sst s1  }
0xa: {  	[smem:$0x3F97] =	sst s2  }
0xb: {  	[smem:$0x3F98] =	sst s3  }
0xc: {  	[smem:$0x3F99] =	sst s4  }
0xd: {  	[smem:$0x3F9A] =	sst s5  }
0xe: {  	[smem:$0x3F9B] =	sst s6  }
0xf: {  	[smem:$0x3F9C] =	sst s7  }
0x10: {  	[smem:$0x3F9D] =	sst s8  }
0x11: {  	[smem:$0x3F9E] =	sst s9;
	s0 =	simm.s32 @!p0 $0x0  }
0x12: {  	s1 =	sld [smem:$0x3F84];
	s0 =	simm.s32 @p0 $0x1  }
0x13: {  	[smem:$0x3F9F] =	sst s0;
	s0 =	simm.s32 @!p1 $0x0  }
0x14: {  	s2 =	sld [smem:$0x3F83];
	s0 =	simm.s32 @p1 $0x1  }
0x15: {  	[smem:$0x3FA0] =	sst s0;
	s0 =	simm.s32 @!p2 $0x0  }
0x16: {  	s3 =	sld [smem:$0x3FDB];
	s0 =	simm.s32 @p2 $0x1  }
0x17: {  	s4 =	simm.s32 $0x1BF5;
	[smem:$0x3FA2] =	sst s0  }
0x18: {  	s0 =	sld [smem:$0x3F85];
	_ =	swait.ge [sflag:s4], $0x0  }
0x19: {  	s7 =	sld [smem:$0x3F86]  }
0x1a: {  	s8 =	sadd.s32 $0xFFFFE003, lr  }
0x1b: {  	s9 =	sadd.s32 $0xFFFFFEF7, lr;
	s5 =	simm.s32 $0xFFFFFFFF;
	p2 =	slt.u32 s8, $0xFFFFF086  }
0x1c: {  	p1 =	slt.u32 s9, $0xF7A;
	s5 =	simm.s32 @!p2 $0x0  }
0x1d: {  	s5 =	simm.s32 @p1 $0x1;
	p0 =	seq.s32 s7, s2  }
0x1e: {  	s7 =	smul.u32 @!p0 $0xF7A, s2;
	p2 =	seq.s32 @!p0 s5, $0x0  }
0x1f: {  	s9 =	smul.u32 $0xF7A, s1;
	s8 =	simm.s32 @!p0 $0x1BF5;
	p2 =	por !p2, p0  }
0x20: {  	[sflag:s8] =	ssyncset.s32 @!p0 $0xFFFFF086;
	s6 =	sadd.s32 @!p0 s3, s7;
	s7 =	simm.s32 @!p0 $0x108  }
0x21: {  	s3 =	sadd.s32 s3, s9;
	s6 =	sadd.s32 @!p0 $0x88, s6;
	s7 =	simm.s32 @p2 $0x1082  }
0x22: {  	[simem:s7], [sflag:s8] =	dma.local @!p0 [hbm:s6], $0xF7A  }
0x23: {  	s9 =	sor.u32 $0xD0000000, s2;
	s6 =	simm.s32 $0x108;
	_ =	swait.ge @!p0 [sflag:s8], $0x0  }
0x24: {  	s3 =	sadd.s32 $0x88, s3;
	s6 =	simm.s32 @!p1 $0x1082;
	[sflag:s4] =	ssyncset.s32 $0xFFFFF086  }
0x25: {  	[simem:s6], [sflag:s4] =	dma.local [hbm:s3], $0xF7A  }
0x26: {  	[smem:$0x3F86] =	sst s1;
	(tag) =	ssettag s2;
	_ =	strace s9  }
0x27: {  	s1 =	sld [smem:$0x3F96]  }
0x28: {  	s2 =	sld [smem:$0x3F97]  }
0x29: {  	s4 =	sld [smem:$0x3F99]  }
0x2a: {  	p0 =	seq.s32 s5, $0x0;
	s5 =	sld [smem:$0x3F9A]  }
0x2b: {  	s6 =	sld [smem:$0x3F9B]  }
0x2c: {  	s7 =	sld [smem:$0x3F9C]  }
0x2d: {  	s3 =	simm.s32 $0x108;
	s8 =	sld [smem:$0x3F9D]  }
0x2e: {  	s3 =	simm.s32 @!p0 $0x1082;
	s9 =	sld [smem:$0x3F9E]  }
0x2f: {  	lr =	sadd.s32 s0, s3;
	s0 =	sld [smem:$0x3F95]  }
0x30: {  	s3 =	sld [smem:$0x3F98]  }
0x31: {  	[smem:$0x3FA1] =	sst s10  }
0x32: {  	s10 =	sld [smem:$0x3F9F];
	_ =	sdelay $0x3  }
0x33: {  	p0 =	seq.s32 s10, $0x1;
	s10 =	sld [smem:$0x3FA1];
	_ =	sdelay $0x3  }
0x34: {  	[smem:$0x3FA1] =	sst s10  }
0x35: {  	s10 =	sld [smem:$0x3FA0];
	_ =	sdelay $0x3  }
0x36: {  	p1 =	seq.s32 s10, $0x1;
	s10 =	sld [smem:$0x3FA1];
	_ =	sdelay $0x3  }
0x37: {  	[smem:$0x3FA1] =	sst s10  }
0x38: {  	s10 =	sld [smem:$0x3FA2]  }
0x39: {  	_ = 	snop;
	(pc) =	sbr.ind lr, $3  }
0x3a: {  	_ = 	snop  }
0x3b: {  	_ = 	snop  }
0x3c: {  	p2 =	seq.s32 s10, $0x1;
	s10 =	sld [smem:$0x3FA1]  }
0x3d: {  	_ =	shalt  }
0x3e: {  	_ =	shalt  }
0x3f: {  	_ =	shalt  }
0x40: {  	_ =	shalt  }
0x41: {  	_ =	shalt  }
0x42: {  	_ =	shalt  }
0x43: {  	_ =	shalt  }
0x44: {  	_ =	shalt  }
0x45: {  	_ =	shalt  }
0x46: {  	_ =	shalt  }
0x47: {  	_ =	shalt  }
0x48: {  	_ =	shalt  }
0x49: {  	_ =	shalt  }
0x4a: {  	_ =	shalt  }
0x4b: {  	_ =	shalt  }
0x4c: {  	_ =	shalt  }
0x4d: {  	_ =	shalt  }
0x4e: {  	_ =	shalt  }
0x4f: {  	_ =	shalt  }
0x50: {  	_ =	shalt  }
0x51: {  	_ =	shalt  }
0x52: {  	_ =	shalt  }
0x53: {  	_ =	shalt  }
0x54: {  	_ =	shalt  }
0x55: {  	_ =	shalt  }
0x56: {  	_ =	shalt  }
0x57: {  	_ =	shalt  }
0x58: {  	_ =	shalt  }
0x59: {  	_ =	shalt  }
0x5a: {  	_ =	shalt  }
0x5b: {  	_ =	shalt  }
0x5c: {  	_ =	shalt  }
0x5d: {  	_ =	shalt  }
0x5e: {  	_ =	shalt  }
0x5f: {  	_ =	shalt  }
0x60: {  	_ =	shalt  }
0x61: {  	_ =	shalt  }
0x62: {  	_ =	shalt  }
0x63: {  	_ =	shalt  }
0x64: {  	_ =	shalt  }
0x65: {  	_ =	shalt  }
0x66: {  	_ =	shalt  }
0x67: {  	_ =	shalt  }
0x68: {  	_ =	shalt  }
0x69: {  	_ =	shalt  }
0x6a: {  	_ =	shalt  }
0x6b: {  	_ =	shalt  }
0x6c: {  	_ =	shalt  }
0x6d: {  	_ =	shalt  }
0x6e: {  	_ =	shalt  }
0x6f: {  	_ =	shalt  }
0x70: {  	_ =	shalt  }
0x71: {  	_ =	shalt  }
0x72: {  	_ =	shalt  }
0x73: {  	_ =	shalt  }
0x74: {  	_ =	shalt  }
0x75: {  	_ =	shalt  }
0x76: {  	_ =	shalt  }
0x77: {  	_ =	shalt  }
0x78: {  	_ =	shalt  }
0x79: {  	_ =	shalt  }
0x7a: {  	_ =	shalt  }
0x7b: {  	_ =	shalt  }
0x7c: {  	_ =	shalt  }
0x7d: {  	_ =	shalt  }
0x7e: {  	_ =	shalt  }
0x7f: {  	_ =	shalt  }
0x80: {  	_ =	shalt  }
0x81: {  	_ =	shalt  }
0x82: {  	_ =	shalt  }
0x83: {  	_ =	shalt  }
0x84: {  	_ =	shalt  }
0x85: {  	_ =	shalt  }
0x86: {  	_ =	shalt  }
0x87: {  	_ =	shalt  }
.Lfunc_end0:
.L_simem_size_0:
called_computation.4_lowered:
.L_overlay_start_0:
0x88: {  	s2 =	sld [smem:$0x3FD9]  }
0x89: {  	s3 =	sld [smem:$0x3FFE];
	_ =	sdelay $0x1  }
0x8a: {  	s1 =	srdreg.scid  }
0x8b: {  	s0 =	sand.u32 $0x1, s1  }
0x8c: {  	s16 =	sshll.u32 s0, $0xA;
	s2 =	sadd.s32 s3, s2  }
0x8d: {  	s2 =	sadd.s32 s2, s16  }
0x8e: {  	[smem:$0x3FAD] =	sst s2  }
0x8f: {  	_ = 	snop  }
0x90: {  	(tm) =	ssettm $0x1  }
0x91: {  	s17 =	sld [smem:$0x3FFB];
	_ =	sdelay $0x3  }
0x92: {  	_ =	strace s17  }
0x93: {  	s2 =	sld [smem:$0x3FFC];
	_ =	sdelay $0x3  }
0x94: {  	_ =	strace s2  }
0x95: {  	s2 =	sld [smem:$0x3FFD];
	_ =	sdelay $0x3  }
0x96: {  	_ =	strace s2  }
0x97: {  	_ =	strace $0x8FFFFFFF  }
0x98: {  	s18 =	sld [smem:$0x3FDB];
	_ =	sdelay $0x1  }
0x99: {  	s19 =	simm.s32 $_scs_section_size  }
0x9a: {  	s4 =	simm.s32 $_size__tile_overlayer_lowered;
	s5 =	simm.s32 $_tile_overlayer_lowered  }
0x9b: {  	s22 =	simm.s32 $0x1BFF;
	s21 =	sshll.u32 s5, $0x1;
	s2 =	sadd.s32 s19, s18  }
0x9c: {  	s6 =	simm.s32 $0x0;
	s20 =	sshll.u32 s4, $0x1;
	s4 =	sadd.s32 s21, s2  }
0x9d: {  	[timem:s6], [sflag:s22] =	dma.local [hbm:s4], s20  }
0x9e: {  	_ =	swait.ge [sflag:s22], s20  }
0x9f: {  	s3 =	ssub.s32 $0x0, s20;
	[sflag:s22] =	ssyncset.done $0x0  }
0xa0: {  	[sflag:s22] =	ssyncadd.s32 s3;
	_ =	sdelay $0x1  }
0xa1: {  	s23 =	simm.s32 $0x1B8B  }
0xa2: {  	_ =	swait.ge [sflag:s23], $0x1  }
0xa3: {  	[sflag:s23] =	ssyncset.done $0x0  }
0xa4: {  	s25 =	simm.s32 $0x1B8E;
	s24 =	sld [smem:$0x3FFE];
	[sflag:s23] =	ssyncadd.s32 $0xFFFFFFFF  }
0xa5: {  	s26 =	simm.s32 $execute0_lowered;
	[smem:$0x3FD2] =	sst s25  }
0xa6: {  	s4 =	sshll.u32 s26, $0x1;
	_ =	strace $0x80000049;
	[dreg:$0x1] =	wrdreg $0xFFFFFFFF  }
0xa7: {  	s28 =	simm.s32 $_size_execute0_lowered;
	s2 =	sadd.s32 s2, s4;
	[dreg:$0x0] =	wrdreg $0x0  }
0xa8: {  	s4 =	sshll.u32 s28, $0x1;
	[dreg:$0x2] =	wrdreg s2  }
0xa9: {  	[dreg:$0x3] =	wrdreg s4  }
0xaa: {  	[dreg:$0x4] =	wrdreg $0xC0  }
0xab: {  	_ =	task [dreg:s6], $0x5FFFF  }
0xac: {  	[dreg:$0x1] =	wrdreg $0xFFFFFFFF  }
0xad: {  	[dreg:$0x0] =	wrdreg $0x60  }
0xae: {  	[dreg:$0x2] =	wrdreg s24  }
0xaf: {  	[dreg:$0x3] =	wrdreg $0x41000  }
0xb0: {  	[dreg:$0x4] =	wrdreg $0xB  }
0xb1: {  	_ =	task.clear_ibuf [dreg:s6], $0x5FFFF;
	_ =	strace $0x90000049  }
0xb2: {  	s29 =	simm.s32 $0xB;
	_ =	strace $0x8000004B  }
0xb3: {  	_ =	swait.ge [sflag:s29], $0x1  }
0xb4: {  	[sflag:s29] =	ssyncadd.s32 $0xFFFFFFFF  }
0xb5: {  	_ =	strace $0x9000004B  }
0xb6: {  	_ =	sfence  }
0xb7: {  	s30 =	sld [smem:$0x0];
	_ =	sdelay $0x2  }
0xb8: {  	s31 =	sshll.u32 s1, $0xD;
	s1 =	sshrl.u32 s1, $0x2  }
0xb9: {  	s3 =	sand.u32 $0x4000, s31;
	s1 =	sadd.s32 s1, s30  }
0xba: {  	s0 =	sor.u32 s3, s0;
	s1 =	sshll.u32 s1, $0x11  }
0xbb: {  	s0 =	sor.u32 s1, s0  }
0xbc: {  	s0 =	sadd.s32 $0x8F2B, s0  }
0xbd: {  	[sflag:s0] =	ssyncadd.remote.s32 $0x1  }
0xbe: {  	_ =	sfence.sel $0xFFFF  }
0xbf: {  	[dreg:$0x0] =	wrdreg $0xFFFFFFFF;
	(pc) =	sbr.abs _section_cstart, $3  }
0xc0: {  	[dreg:$0x1] =	wrdreg $0xFFFFFFFF  }
0xc1: {  	_ =	task.clear_ibuf [dreg:s6], $0x2FFFF;
	_ =	strace $0x9FFFFFFF  }
0xc2: {  	(tm) =	ssettm $0x7FFFFFFF  }
0xc3: {  	_ =	shalt  }
tec
execute0_lowered:
.L_overlay_start_1:
0x0: {  	(tag) =	ssettag $0x1  }
0x1: {  	s6 =	rddreg [dreg:$0x0]  }
0x2: {  	s2 =	rddreg [dreg:$0x1]  }
0x3: {  	s0 =	rddreg [dreg:$0x2]  }
0x4: {  	s1 =	stileid.u32;
	s5 =	srdreg.scid  }
0x5: {  	s3 =	simm.s32 $0x0;
	s17 =	simm.s32 $0x80;
	s4 =	smul.u32 $0x500, s1  }
0x6: {  	s19 =	simm.s32 $0x1;
	s20 =	simm.s32 $0x0;
	s8 =	smul.u32 $0x2800, s1  }
0x7: {  	s7 =	sand.u32 $0x1, s5;
	[smem:$0x7FF] =	sst s3;
	s11 =	smul.u32 $0x50000, s1  }
0x8: {  	s5 =	sadd.s32 $0x63C00, s6;
	s31 =	sshll.u32 s1, $0x6;
	s9 =	smul.u32 $0x28000, s7  }
0x9: {  	_ =	strace $0x8000004A;
	s28 =	ssub.s32 $0x2, s7;
	s18 =	smul.u32 $0x2800, s7  }
0xa: {  	s10 =	sadd.s32 s4, s6;
	s4 =	sadd.s32 $0x13C00, s6;
	s29 =	sshrl.u32 s11, $0x2  }
0xb: {  	s30 =	sshrl.u32 s28, $0x1;
	s8 =	sadd.s32 s8, s9;
	s12 =	sadd.s32 s29, s2  }
0xc: {  	s11 =	ssub.s32 s28, s30;
	s9 =	sadd.s32 $0x9C00, s10;
	s10 =	sadd.s32 $0xEC00, s10  }
0xd: {  	v0 =	vmov s18;
	s18 =	simm.s32 $0x100;
	s8 =	sadd.s32 s8, s6;
	s6 =	sor.u32 $0x1C02, s31  }
0xe: {  	s13 =	sadd.s32 $0x4000, s12;
	s14 =	sadd.s32 $0x8000, s12;
	s15 =	sadd.s32 $0xC000, s12  }
0xf: {  	s16 =	sadd.s32 $0x10000, s12;
	s7 =	sadd.s32 $0x64400, s8;
	s8 =	smax.u32 s11, $0x1  }
0x10: {  	s11 =	sshrl.u32 s12, $0x3;
	s12 =	simm.s32 $0x2;
	s13 =	sshrl.u32 s13, $0x3  }
0x11: {  	s14 =	sshrl.u32 s14, $0x3;
	s15 =	sshrl.u32 s15, $0x3;
	s16 =	sshrl.u32 s16, $0x3  }
.LBB2_1:
0x12: {  	[spmem:s11], [sflag:s6] =	dma.local [hbm:s5], $0x800  }
0x13: {  	_ =	swait.ge [sflag:s12], $0x800  }
0x14: {  	[sflag:s12] =	ssyncset.done $0x0  }
0x15: {  	[sflag:s12] =	ssyncadd.s32 $0xFFFFF800  }
0x16: {  	[spmem:s13], [sflag:s6] =	dma.local [hbm:s5], $0x800  }
0x17: {  	_ =	swait.ge [sflag:s12], $0x800  }
0x18: {  	[sflag:s12] =	ssyncset.done $0x0  }
0x19: {  	[sflag:s12] =	ssyncadd.s32 $0xFFFFF800  }
0x1a: {  	[spmem:s14], [sflag:s6] =	dma.local [hbm:s5], $0x800  }
0x1b: {  	_ =	swait.ge [sflag:s12], $0x800  }
0x1c: {  	[sflag:s12] =	ssyncset.done $0x0  }
0x1d: {  	[sflag:s12] =	ssyncadd.s32 $0xFFFFF800  }
0x1e: {  	[spmem:s15], [sflag:s6] =	dma.local [hbm:s5], $0x800  }
0x1f: {  	_ =	swait.ge [sflag:s12], $0x800  }
0x20: {  	[sflag:s12] =	ssyncset.done $0x0  }
0x21: {  	[sflag:s12] =	ssyncadd.s32 $0xFFFFF800  }
0x22: {  	[spmem:s16], [sflag:s6] =	dma.local [hbm:s5], $0x800  }
0x23: {  	_ =	swait.ge [sflag:s12], $0x800  }
0x24: {  	[sflag:s12] =	ssyncset.done $0x0  }
0x25: {  	[sflag:s12] =	ssyncadd.s32 $0xFFFFF800  }
0x26: {  	s21 =	sadd.s32 $0x0, s10;
	[bflag:$0x0] =	sbarrier.arrive $0xFFFF  }
0x27: {  	[tilespmem:s3], [sflag:$0x2] =	stream.linear.gather [hbm4b:s21+s3], $0x80, $0x38;
	[tilespmem:$0x18100] =	vst v63  }
0x28: {  	_ =	swait.ge [sflag:s12], $0x80  }
0x29: {  	[sflag:s12] =	ssyncset.done $0x0  }
0x2a: {  	s31 =	sadd.s32 $0x0, s9;
	[sflag:s12] =	ssyncadd.s32 $0xFFFFFF80  }
0x2b: {  	[tilespmem:s17], [sflag:$0x2] =	stream.linear.gather [hbm4b:s31+s3], $0x80, $0x38;
	[tilespmem:$0x18100] =	vst v63  }
0x2c: {  	_ =	swait.ge [sflag:s12], $0x80  }
0x2d: {  	[sflag:s12] =	ssyncset.done $0x0  }
0x2e: {  	[sflag:s12] =	ssyncadd.s32 $0xFFFFFF80  }
0x2f: {  	v1 =	vld [tilespmem:$0x70]  }
0x30: {  	v2 =	vld [tilespmem:$0x30]  }
0x31: {  	v3 =	vld [tilespmem:$0x50]  }
0x32: {  	v5 =	vld [tilespmem:$0x20]  }
0x33: {  	v4 =	vld [tilespmem:$0x60]  }
0x34: {  	v6 =	vld [tilespmem:$0x10];
	v1 =	vadd.s32 v0, v1  }
0x35: {  	v7 =	vld [tilespmem:$0x40];
	v2 =	vadd.s32 v0, v2;
	[tilespmem:$0x70] =	vst v1  }
0x36: {  	v1 =	vld [tilespmem:$0x0];
	[tilespmem:$0x30] =	vst v2;
	v2 =	vadd.s32 v0, v3  }
0x37: {  	v3 =	vadd.s32 v0, v5;
	[tilespmem:$0x50] =	vst v2  }
0x38: {  	v2 =	vadd.s32 v0, v4;
	[tilespmem:$0x20] =	vst v3  }
0x39: {  	[tilespmem:$0x60] =	vst v2;
	v2 =	vadd.s32 v0, v6  }
0x3a: {  	[tilespmem:$0x10] =	vst v2;
	v2 =	vadd.s32 v0, v7  }
0x3b: {  	[tilespmem:$0x40] =	vst v2;
	v1 =	vadd.s32 v0, v1  }
0x3c: {  	s21 =	simm.s32 $0x10;
	[tilespmem:$0x0] =	vst v1  }
.LBB2_2:
0x3d: {  	[tilespmem:s18], [sflag:$0x1] =	stream.indirect.gather [hbm4b:s4+s17], $0x80, s3, s17, $0xb8;
	[tilespmem:$0x18100] =	vst v63  }
0x3e: {  	s22 =	smov.u32 s21  }
0x3f: {  	p0 =	sne.s32 s21, $0x4F0;
	s21 =	sadd.s32 $0x10, s21;
	_ =	swait.ge [sflag:s19], $0x4000  }
0x40: {  	[sflag:s19] =	ssyncset.done $0x0  }
0x41: {  	[sflag:s19] =	ssyncadd.s32 $0xFFFFC000  }
0x42: {  	[spmem:s2] =	stream.indirect.scatter.add.f32 [tilespmem:s18], [sflag:$0x2], $0x80, s17, s17, $0xb8;
	[tilespmem:$0x18100] =	vst v63  }
0x43: {  	_ =	swait.ge [sflag:s12], $0x4000  }
0x44: {  	[sflag:s12] =	ssyncset.done $0x0  }
0x45: {  	s23 =	sadd.s32 s22, s10;
	[sflag:s12] =	ssyncadd.s32 $0xFFFFC000  }
0x46: {  	[tilespmem:s3], [sflag:$0x2] =	stream.linear.gather [hbm4b:s23+s3], $0x80, $0x38;
	[tilespmem:$0x18100] =	vst v63  }
0x47: {  	_ =	swait.ge [sflag:s12], $0x80  }
0x48: {  	[sflag:s12] =	ssyncset.done $0x0  }
0x49: {  	s22 =	sadd.s32 s22, s9;
	[sflag:s12] =	ssyncadd.s32 $0xFFFFFF80  }
0x4a: {  	[tilespmem:s17], [sflag:$0x2] =	stream.linear.gather [hbm4b:s22+s3], $0x80, $0x38;
	[tilespmem:$0x18100] =	vst v63  }
0x4b: {  	_ =	swait.ge [sflag:s12], $0x80  }
0x4c: {  	[sflag:s12] =	ssyncset.done $0x0  }
0x4d: {  	[sflag:s12] =	ssyncadd.s32 $0xFFFFFF80  }
0x4e: {  	v1 =	vld [tilespmem:$0x70]  }
0x4f: {  	v2 =	vld [tilespmem:$0x30]  }
0x50: {  	v3 =	vld [tilespmem:$0x50]  }
0x51: {  	v4 =	vld [tilespmem:$0x60]  }
0x52: {  	v5 =	vld [tilespmem:$0x20]  }
0x53: {  	v6 =	vld [tilespmem:$0x10];
	v1 =	vadd.s32 v0, v1  }
0x54: {  	v2 =	vadd.s32 v0, v2;
	v7 =	vld [tilespmem:$0x40];
	[tilespmem:$0x70] =	vst v1  }
0x55: {  	v1 =	vld [tilespmem:$0x0];
	[tilespmem:$0x30] =	vst v2;
	v2 =	vadd.s32 v0, v3  }
0x56: {  	[tilespmem:$0x50] =	vst v2;
	v2 =	vadd.s32 v0, v4  }
.Ltmp0:
0x57: {  	v3 =	vadd.s32 v0, v5;
	[tilespmem:$0x60] =	vst v2;
	(pc) =	sbr.rel @p0 .LBB2_2-.Ltmp0, $4  }
0x58: {  	v2 =	vadd.s32 v0, v6;
	[tilespmem:$0x20] =	vst v3  }
0x59: {  	[tilespmem:$0x10] =	vst v2;
	v2 =	vadd.s32 v0, v7  }
0x5a: {  	v1 =	vadd.s32 v0, v1;
	[tilespmem:$0x40] =	vst v2  }
0x5b: {  	[tilespmem:$0x0] =	vst v1  }
0x5c: {  	[tilespmem:s18], [sflag:$0x1] =	stream.indirect.gather [hbm4b:s4+s17], $0x80, s3, s17, $0xb8;
	[tilespmem:$0x18100] =	vst v63  }
0x5d: {  	_ =	swait.ge [sflag:s19], $0x4000  }
0x5e: {  	[sflag:s19] =	ssyncset.done $0x0  }
0x5f: {  	[sflag:s19] =	ssyncadd.s32 $0xFFFFC000  }
0x60: {  	[spmem:s2] =	stream.indirect.scatter.add.f32 [tilespmem:s18], [sflag:$0x2], $0x80, s17, s17, $0xb8;
	[tilespmem:$0x18100] =	vst v63  }
0x61: {  	_ =	swait.ge [sflag:s12], $0x4000  }
0x62: {  	s20 =	sadd.s32 $0x1, s20;
	[sflag:s12] =	ssyncset.done $0x0  }
0x63: {  	p0 =	sne.s32 s20, s8;
	[sflag:s12] =	ssyncadd.s32 $0xFFFFC000  }
.Ltmp1:
0x64: {  	[bflag:$0x0] =	sbarrier.arrive $0xFFFF;
	(pc) =	sbr.rel @p0 .LBB2_1-.Ltmp1, $4  }
0x65: {  	[hbm:s7], [sflag:s6] =	dma.local [spmem:s11], $0x2800  }
0x66: {  	_ =	swait.ge [sflag:s12], $0x2800  }
0x67: {  	[sflag:s12] =	ssyncset.done $0x0  }
0x68: {  	[sflag:s12] =	ssyncadd.s32 $0xFFFFD800  }
0x69: {  	_ =	sfence.sel $0x180000  }
0x6a: {  	[bflag:$0x0] =	sbarrier.arrive $0xFFFF  }
0x6b: {  	p0 =	sne.s32 s1, $0x0;
	_ =	strace $0x9000004A  }
0x6c: {  	s0 =	sadd.s32 @!p0 $0x100000, s0;
	[bflag:$0x2] =	sbarrier.arrive $0xFFFF  }
0x6d: {  	[sflag:s0] =	ssyncadd.tile.s32 @!p0 $0x1;
	_ =	shalt  }
.Lfunc_end2:
_tile_overlayer_lowered:
.L_overlay_start_2:
0x6e: {  	(tag) =	ssettag $0x2  }
0x6f: {  	s0 =	rddreg [dreg:$0x0];
	s2 =	stileid.u32  }
0x70: {  	s1 =	rddreg [dreg:$0x1];
	p0 =	sne.s32 s2, $0x0  }
0x71: {  	s3 =	rddreg [dreg:$0x2];
	[bflag:$0x3] =	sbarrier.arrive $0xFFFF;
	s2 =	simm.s32 @!p0 $0x1C02  }
0x72: {  	[timem:s3], [sflag:s2] =	dma.local @!p0 [hbm:s0], s1  }
0x73: {  	s0 =	simm.s32 @!p0 $0x2  }
0x74: {  	_ =	swait.ge @!p0 [sflag:s0], s1  }
0x75: {  	s1 =	ssub.s32 @!p0 $0x0, s1;
	[sflag:s0] =	ssyncset.done @!p0 $0x0  }
0x76: {  	[sflag:s0] =	ssyncadd.s32 @!p0 s1  }
0x77: {  	[bflag:$0x3] =	sbarrier.arrive $0xFFFF  }
0x78: {  	_ =	shalt  }

// kernel: kernel.36.cloned.1.call-start
scs
__scs_entry_jumppad:
0x0: {  	(pc) =	sbr.rel $0x88, $3  }
0x1: {  	(tag) =	ssettag $0x0;
	lr =	simm.s32 $0x1  }
0x2: {  	[smem:$0x3F86] =	sst lr;
	_ =	strace $0xD0000000  }
0x3: {  	_ = 	snop  }
0x4: {  	_ = 	snop  }
0x5: {  	_ = 	snop  }
0x6: {  	_ = 	snop  }
0x7: {  	_ = 	snop  }
__scs_overlays_trampoline_lowered:
0x8: {  	[smem:$0x3F95] =	sst s0  }
0x9: {  	[smem:$0x3F96] =	sst s1  }
0xa: {  	[smem:$0x3F97] =	sst s2  }
0xb: {  	[smem:$0x3F98] =	sst s3  }
0xc: {  	[smem:$0x3F99] =	sst s4  }
0xd: {  	[smem:$0x3F9A] =	sst s5  }
0xe: {  	[smem:$0x3F9B] =	sst s6  }
0xf: {  	[smem:$0x3F9C] =	sst s7  }
0x10: {  	[smem:$0x3F9D] =	sst s8  }
0x11: {  	[smem:$0x3F9E] =	sst s9;
	s0 =	simm.s32 @!p0 $0x0  }
0x12: {  	s1 =	sld [smem:$0x3F84];
	s0 =	simm.s32 @p0 $0x1  }
0x13: {  	[smem:$0x3F9F] =	sst s0;
	s0 =	simm.s32 @!p1 $0x0  }
0x14: {  	s2 =	sld [smem:$0x3F83];
	s0 =	simm.s32 @p1 $0x1  }
0x15: {  	[smem:$0x3FA0] =	sst s0;
	s0 =	simm.s32 @!p2 $0x0  }
0x16: {  	s3 =	sld [smem:$0x3FDB];
	s0 =	simm.s32 @p2 $0x1  }
0x17: {  	s4 =	simm.s32 $0x1BF5;
	[smem:$0x3FA2] =	sst s0  }
0x18: {  	s0 =	sld [smem:$0x3F85];
	_ =	swait.ge [sflag:s4], $0x0  }
0x19: {  	s7 =	sld [smem:$0x3F86]  }
0x1a: {  	s8 =	sadd.s32 $0xFFFFE003, lr  }
0x1b: {  	s9 =	sadd.s32 $0xFFFFFEF7, lr;
	s5 =	simm.s32 $0xFFFFFFFF;
	p2 =	slt.u32 s8, $0xFFFFF086  }
0x1c: {  	p1 =	slt.u32 s9, $0xF7A;
	s5 =	simm.s32 @!p2 $0x0  }
0x1d: {  	s5 =	simm.s32 @p1 $0x1;
	p0 =	seq.s32 s7, s2  }
0x1e: {  	s7 =	smul.u32 @!p0 $0xF7A, s2;
	p2 =	seq.s32 @!p0 s5, $0x0  }
0x1f: {  	s9 =	smul.u32 $0xF7A, s1;
	s8 =	simm.s32 @!p0 $0x1BF5;
	p2 =	por !p2, p0  }
0x20: {  	[sflag:s8] =	ssyncset.s32 @!p0 $0xFFFFF086;
	s6 =	sadd.s32 @!p0 s3, s7;
	s7 =	simm.s32 @!p0 $0x108  }
0x21: {  	s3 =	sadd.s32 s3, s9;
	s6 =	sadd.s32 @!p0 $0x88, s6;
	s7 =	simm.s32 @p2 $0x1082  }
0x22: {  	[simem:s7], [sflag:s8] =	dma.local @!p0 [hbm:s6], $0xF7A  }
0x23: {  	s9 =	sor.u32 $0xD0000000, s2;
	s6 =	simm.s32 $0x108;
	_ =	swait.ge @!p0 [sflag:s8], $0x0  }
0x24: {  	s3 =	sadd.s32 $0x88, s3;
	s6 =	simm.s32 @!p1 $0x1082;
	[sflag:s4] =	ssyncset.s32 $0xFFFFF086  }
0x25: {  	[simem:s6], [sflag:s4] =	dma.local [hbm:s3], $0xF7A  }
0x26: {  	[smem:$0x3F86] =	sst s1;
	(tag) =	ssettag s2;
	_ =	strace s9  }
0x27: {  	s1 =	sld [smem:$0x3F96]  }
0x28: {  	s2 =	sld [smem:$0x3F97]  }
0x29: {  	s4 =	sld [smem:$0x3F99]  }
0x2a: {  	p0 =	seq.s32 s5, $0x0;
	s5 =	sld [smem:$0x3F9A]  }
0x2b: {  	s6 =	sld [smem:$0x3F9B]  }
0x2c: {  	s7 =	sld [smem:$0x3F9C]  }
0x2d: {  	s3 =	simm.s32 $0x108;
	s8 =	sld [smem:$0x3F9D]  }
0x2e: {  	s3 =	simm.s32 @!p0 $0x1082;
	s9 =	sld [smem:$0x3F9E]  }
0x2f: {  	lr =	sadd.s32 s0, s3;
	s0 =	sld [smem:$0x3F95]  }
0x30: {  	s3 =	sld [smem:$0x3F98]  }
0x31: {  	[smem:$0x3FA1] =	sst s10  }
0x32: {  	s10 =	sld [smem:$0x3F9F];
	_ =	sdelay $0x3  }
0x33: {  	p0 =	seq.s32 s10, $0x1;
	s10 =	sld [smem:$0x3FA1];
	_ =	sdelay $0x3  }
0x34: {  	[smem:$0x3FA1] =	sst s10  }
0x35: {  	s10 =	sld [smem:$0x3FA0];
	_ =	sdelay $0x3  }
0x36: {  	p1 =	seq.s32 s10, $0x1;
	s10 =	sld [smem:$0x3FA1];
	_ =	sdelay $0x3  }
0x37: {  	[smem:$0x3FA1] =	sst s10  }
0x38: {  	s10 =	sld [smem:$0x3FA2]  }
0x39: {  	_ = 	snop;
	(pc) =	sbr.ind lr, $3  }
0x3a: {  	_ = 	snop  }
0x3b: {  	_ = 	snop  }
0x3c: {  	p2 =	seq.s32 s10, $0x1;
	s10 =	sld [smem:$0x3FA1]  }
0x3d: {  	_ =	shalt  }
0x3e: {  	_ =	shalt  }
0x3f: {  	_ =	shalt  }
0x40: {  	_ =	shalt  }
0x41: {  	_ =	shalt  }
0x42: {  	_ =	shalt  }
0x43: {  	_ =	shalt  }
0x44: {  	_ =	shalt  }
0x45: {  	_ =	shalt  }
0x46: {  	_ =	shalt  }
0x47: {  	_ =	shalt  }
0x48: {  	_ =	shalt  }
0x49: {  	_ =	shalt  }
0x4a: {  	_ =	shalt  }
0x4b: {  	_ =	shalt  }
0x4c: {  	_ =	shalt  }
0x4d: {  	_ =	shalt  }
0x4e: {  	_ =	shalt  }
0x4f: {  	_ =	shalt  }
0x50: {  	_ =	shalt  }
0x51: {  	_ =	shalt  }
0x52: {  	_ =	shalt  }
0x53: {  	_ =	shalt  }
0x54: {  	_ =	shalt  }
0x55: {  	_ =	shalt  }
0x56: {  	_ =	shalt  }
0x57: {  	_ =	shalt  }
0x58: {  	_ =	shalt  }
0x59: {  	_ =	shalt  }
0x5a: {  	_ =	shalt  }
0x5b: {  	_ =	shalt  }
0x5c: {  	_ =	shalt  }
0x5d: {  	_ =	shalt  }
0x5e: {  	_ =	shalt  }
0x5f: {  	_ =	shalt  }
0x60: {  	_ =	shalt  }
0x61: {  	_ =	shalt  }
0x62: {  	_ =	shalt  }
0x63: {  	_ =	shalt  }
0x64: {  	_ =	shalt  }
0x65: {  	_ =	shalt  }
0x66: {  	_ =	shalt  }
0x67: {  	_ =	shalt  }
0x68: {  	_ =	shalt  }
0x69: {  	_ =	shalt  }
0x6a: {  	_ =	shalt  }
0x6b: {  	_ =	shalt  }
0x6c: {  	_ =	shalt  }
0x6d: {  	_ =	shalt  }
0x6e: {  	_ =	shalt  }
0x6f: {  	_ =	shalt  }
0x70: {  	_ =	shalt  }
0x71: {  	_ =	shalt  }
0x72: {  	_ =	shalt  }
0x73: {  	_ =	shalt  }
0x74: {  	_ =	shalt  }
0x75: {  	_ =	shalt  }
0x76: {  	_ =	shalt  }
0x77: {  	_ =	shalt  }
0x78: {  	_ =	shalt  }
0x79: {  	_ =	shalt  }
0x7a: {  	_ =	shalt  }
0x7b: {  	_ =	shalt  }
0x7c: {  	_ =	shalt  }
0x7d: {  	_ =	shalt  }
0x7e: {  	_ =	shalt  }
0x7f: {  	_ =	shalt  }
0x80: {  	_ =	shalt  }
0x81: {  	_ =	shalt  }
0x82: {  	_ =	shalt  }
0x83: {  	_ =	shalt  }
0x84: {  	_ =	shalt  }
0x85: {  	_ =	shalt  }
0x86: {  	_ =	shalt  }
0x87: {  	_ =	shalt  }
.Lfunc_end0:
.L_simem_size_0:
called_computation.5_lowered:
.L_overlay_start_0:
0x88: {  	s2 =	sld [smem:$0x3FD9]  }
0x89: {  	s3 =	sld [smem:$0x3FFE];
	_ =	sdelay $0x1  }
0x8a: {  	s1 =	srdreg.scid  }
0x8b: {  	s0 =	sand.u32 $0x1, s1  }
0x8c: {  	s17 =	sshll.u32 s0, $0xA;
	s2 =	sadd.s32 s3, s2  }
0x8d: {  	s2 =	sadd.s32 s2, s17  }
0x8e: {  	[smem:$0x3FAD] =	sst s2  }
0x8f: {  	_ = 	snop  }
0x90: {  	(tm) =	ssettm $0x1  }
0x91: {  	s18 =	sld [smem:$0x3FFB];
	_ =	sdelay $0x3  }
0x92: {  	_ =	strace s18  }
0x93: {  	s2 =	sld [smem:$0x3FFC];
	_ =	sdelay $0x3  }
0x94: {  	_ =	strace s2  }
0x95: {  	s2 =	sld [smem:$0x3FFD];
	_ =	sdelay $0x3  }
0x96: {  	_ =	strace s2  }
0x97: {  	_ =	strace $0x8FFFFFFF  }
0x98: {  	s19 =	sld [smem:$0x3FDB];
	_ =	sdelay $0x1  }
0x99: {  	s20 =	simm.s32 $_scs_section_size  }
0x9a: {  	s4 =	simm.s32 $_size__tile_overlayer_lowered;
	s5 =	simm.s32 $_tile_overlayer_lowered  }
0x9b: {  	s6 =	simm.s32 $0x1BFF;
	s21 =	sshll.u32 s5, $0x1;
	s3 =	sadd.s32 s20, s19  }
0x9c: {  	s22 =	simm.s32 $0x0;
	s4 =	sshll.u32 s4, $0x1;
	s5 =	sadd.s32 s21, s3  }
0x9d: {  	[timem:s22], [sflag:s6] =	dma.local [hbm:s5], s4  }
0x9e: {  	_ =	swait.ge [sflag:s6], s4  }
0x9f: {  	s4 =	ssub.s32 $0x0, s4;
	[sflag:s6] =	ssyncset.done $0x0  }
0xa0: {  	[sflag:s6] =	ssyncadd.s32 s4;
	_ =	sdelay $0x1  }
0xa1: {  	s23 =	simm.s32 $0x1B8B  }
0xa2: {  	_ =	swait.ge [sflag:s23], $0x1  }
0xa3: {  	[sflag:s23] =	ssyncset.done $0x0  }
0xa4: {  	[sflag:s23] =	ssyncadd.s32 $0xFFFFFFFF  }
0xa5: {  	s4 =	sld [smem:$0x0]  }
0xa6: {  	s5 =	sand.u32 $0xFFFFFFFE, s1  }
0xa7: {  	p0 =	sne.s32 s1, s5  }
0xa8: {  	s5 =	sshll.u32 @p0 s5, $0xE  }
0xa9: {  	s5 =	sadd.s32 @p0 $0x11B8D, s5;
	s6 =	sshll.u32 @p0 s4, $0x11  }
0xaa: {  	s5 =	sor.u32 @p0 s6, s5  }
0xab: {  	[sflag:s5] =	ssyncadd.remote.s32 @p0 $0x1;
	_ =	sdelay $0x1  }
0xac: {  	s5 =	simm.s32 @p0 $0x1B8D  }
0xad: {  	_ =	swait.eq @p0 [sflag:s5], $0x1  }
0xae: {  	[sflag:s5] =	ssyncadd.s32 @p0 $0xFFFFFFFF  }
0xaf: {  	s6 =	sshll.u32 @!p0 s1, $0xE  }
0xb0: {  	s6 =	sor.u32 @!p0 $0x4000, s6;
	s5 =	simm.s32 @!p0 $0x1B8D  }
0xb1: {  	s4 =	sshll.u32 @!p0 s4, $0x11;
	s6 =	sadd.s32 @!p0 $0x11B8D, s6;
	_ =	swait.eq @!p0 [sflag:s5], $0x1  }
0xb2: {  	s4 =	sor.u32 @!p0 s4, s6;
	[sflag:s5] =	ssyncadd.s32 @!p0 $0xFFFFFFFF  }
0xb3: {  	s25 =	simm.s32 $0x1B8E;
	s24 =	sld [smem:$0x3FFE];
	[sflag:s4] =	ssyncadd.remote.s32 @!p0 $0x1  }
0xb4: {  	s26 =	simm.s32 $execute0_lowered;
	[smem:$0x3FD2] =	sst s25  }
0xb5: {  	s5 =	sshll.u32 s26, $0x1;
	_ =	strace $0x80000052;
	[dreg:$0x1] =	wrdreg $0xFFFFFFFF  }
0xb6: {  	s28 =	simm.s32 $_size_execute0_lowered;
	s3 =	sadd.s32 s3, s5;
	[dreg:$0x0] =	wrdreg $0x0  }
0xb7: {  	s5 =	sshll.u32 s28, $0x1;
	[dreg:$0x2] =	wrdreg s3  }
0xb8: {  	[dreg:$0x3] =	wrdreg s5  }
0xb9: {  	[dreg:$0x4] =	wrdreg $0xC0  }
0xba: {  	_ =	task [dreg:s22], $0x5FFFF  }
0xbb: {  	[dreg:$0x1] =	wrdreg $0xFFFFFFFF  }
0xbc: {  	[dreg:$0x0] =	wrdreg $0x60  }
0xbd: {  	[dreg:$0x2] =	wrdreg s24  }
0xbe: {  	[dreg:$0x3] =	wrdreg $0x41000  }
0xbf: {  	[dreg:$0x4] =	wrdreg $0xB  }
0xc0: {  	_ =	task.clear_ibuf [dreg:s22], $0x5FFFF;
	_ =	strace $0x90000052  }
0xc1: {  	s29 =	simm.s32 $0xB;
	_ =	strace $0x80000054  }
0xc2: {  	_ =	swait.ge [sflag:s29], $0x1  }
0xc3: {  	[sflag:s29] =	ssyncadd.s32 $0xFFFFFFFF  }
0xc4: {  	_ =	strace $0x90000054  }
0xc5: {  	_ =	sfence  }
0xc6: {  	s30 =	sld [smem:$0x0];
	_ =	sdelay $0x2  }
0xc7: {  	s31 =	sshll.u32 s1, $0xD;
	s1 =	sshrl.u32 s1, $0x2  }
0xc8: {  	s4 =	sand.u32 $0x4000, s31;
	s1 =	sadd.s32 s1, s30  }
0xc9: {  	s0 =	sor.u32 s4, s0;
	s1 =	sshll.u32 s1, $0x11  }
0xca: {  	s0 =	sor.u32 s1, s0  }
0xcb: {  	s0 =	sadd.s32 $0x8F2B, s0  }
0xcc: {  	[sflag:s0] =	ssyncadd.remote.s32 $0x1  }
0xcd: {  	_ =	sfence.sel $0xFFFF  }
0xce: {  	[dreg:$0x0] =	wrdreg $0xFFFFFFFF;
	(pc) =	sbr.abs _section_cstart, $3  }
0xcf: {  	[dreg:$0x1] =	wrdreg $0xFFFFFFFF  }
0xd0: {  	_ =	task.clear_ibuf [dreg:s22], $0x2FFFF;
	_ =	strace $0x9FFFFFFF  }
0xd1: {  	(tm) =	ssettm $0x7FFFFFFF  }
tec
execute0_lowered:
.L_overlay_start_1:
0x0: {  	(tag) =	ssettag $0x1  }
0x1: {  	s6 =	rddreg [dreg:$0x0]  }
0x2: {  	s1 =	rddreg [dreg:$0x1];
	s2 =	srdreg.scid  }
0x3: {  	s0 =	rddreg [dreg:$0x2];
	s3 =	simm.s32 $0x0;
	s7 =	sand.u32 $0x1, s2  }
0x4: {  	s17 =	simm.s32 $0x80;
	s2 =	stileid.u32;
	s4 =	smul.u32 $0x2800, s7  }
0x5: {  	s18 =	simm.s32 $0x100;
	s19 =	simm.s32 $0x1;
	s8 =	smul.u32 $0x2800, s2  }
0x6: {  	s20 =	simm.s32 $0x0;
	[smem:$0x7FF] =	sst s3;
	s9 =	smul.u32 $0x28000, s7  }
0x7: {  	s5 =	sadd.s32 $0x63C00, s6;
	_ =	strace $0x80000053;
	s11 =	smul.u32 $0x50000, s2  }
0x8: {  	s7 =	ssub.s32 $0x2, s7;
	s30 =	sshll.u32 s2, $0x6;
	s31 =	smul.u32 $0x280, s2  }
0x9: {  	s26 =	sshrl.u32 s7, $0x1;
	s10 =	sadd.s32 s4, s6;
	s4 =	sadd.s32 $0x13C00, s6  }
0xa: {  	s8 =	sadd.s32 s8, s9;
	s28 =	sshrl.u32 s11, $0x2;
	s29 =	ssub.s32 s7, s26  }
0xb: {  	s8 =	sadd.s32 s8, s6;
	s12 =	sadd.s32 s28, s1;
	s6 =	sor.u32 $0x1C02, s30  }
0xc: {  	s10 =	sadd.s32 s31, s10;
	s13 =	sadd.s32 $0x4000, s12;
	s14 =	sadd.s32 $0x8000, s12  }
0xd: {  	s15 =	sadd.s32 $0xC000, s12;
	s16 =	sadd.s32 $0x10000, s12;
	s7 =	sadd.s32 $0x64400, s8  }
0xe: {  	s8 =	smax.u32 s29, $0x1;
	s9 =	sadd.s32 $0x9C00, s10;
	s10 =	sadd.s32 $0xEC00, s10  }
0xf: {  	s11 =	sshrl.u32 s12, $0x3;
	s12 =	simm.s32 $0x2;
	s13 =	sshrl.u32 s13, $0x3  }
0x10: {  	s14 =	sshrl.u32 s14, $0x3;
	s15 =	sshrl.u32 s15, $0x3;
	s16 =	sshrl.u32 s16, $0x3  }
.LBB2_1:
0x11: {  	[spmem:s11], [sflag:s6] =	dma.local [hbm:s5], $0x800  }
0x12: {  	_ =	swait.ge [sflag:s12], $0x800  }
0x13: {  	[sflag:s12] =	ssyncset.done $0x0  }
0x14: {  	[sflag:s12] =	ssyncadd.s32 $0xFFFFF800  }
0x15: {  	[spmem:s13], [sflag:s6] =	dma.local [hbm:s5], $0x800  }
0x16: {  	_ =	swait.ge [sflag:s12], $0x800  }
0x17: {  	[sflag:s12] =	ssyncset.done $0x0  }
0x18: {  	[sflag:s12] =	ssyncadd.s32 $0xFFFFF800  }
0x19: {  	[spmem:s14], [sflag:s6] =	dma.local [hbm:s5], $0x800  }
0x1a: {  	_ =	swait.ge [sflag:s12], $0x800  }
0x1b: {  	[sflag:s12] =	ssyncset.done $0x0  }
0x1c: {  	[sflag:s12] =	ssyncadd.s32 $0xFFFFF800  }
0x1d: {  	[spmem:s15], [sflag:s6] =	dma.local [hbm:s5], $0x800  }
0x1e: {  	_ =	swait.ge [sflag:s12], $0x800  }
0x1f: {  	[sflag:s12] =	ssyncset.done $0x0  }
0x20: {  	[sflag:s12] =	ssyncadd.s32 $0xFFFFF800  }
0x21: {  	[spmem:s16], [sflag:s6] =	dma.local [hbm:s5], $0x800  }
0x22: {  	_ =	swait.ge [sflag:s12], $0x800  }
0x23: {  	[sflag:s12] =	ssyncset.done $0x0  }
0x24: {  	[sflag:s12] =	ssyncadd.s32 $0xFFFFF800  }
0x25: {  	s21 =	sadd.s32 $0x0, s10;
	[bflag:$0x0] =	sbarrier.arrive $0xFFFF  }
0x26: {  	[tilespmem:s3], [sflag:$0x2] =	stream.linear.gather [hbm4b:s21+s3], $0x80, $0x38;
	[tilespmem:$0x18100] =	vst v63  }
0x27: {  	_ =	swait.ge [sflag:s12], $0x80  }
0x28: {  	[sflag:s12] =	ssyncset.done $0x0  }
0x29: {  	s31 =	sadd.s32 $0x0, s9;
	[sflag:s12] =	ssyncadd.s32 $0xFFFFFF80  }
0x2a: {  	[tilespmem:s17], [sflag:$0x2] =	stream.linear.gather [hbm4b:s31+s3], $0x80, $0x38;
	[tilespmem:$0x18100] =	vst v63  }
0x2b: {  	_ =	swait.ge [sflag:s12], $0x80  }
0x2c: {  	[sflag:s12] =	ssyncset.done $0x0  }
0x2d: {  	[sflag:s12] =	ssyncadd.s32 $0xFFFFFF80  }
0x2e: {  	[tilespmem:s18], [sflag:$0x1] =	stream.indirect.gather [hbm4b:s4+s17], $0x80, s3, s17, $0xb8;
	[tilespmem:$0x18100] =	vst v63  }
0x2f: {  	_ =	swait.ge [sflag:s19], $0x4000  }
0x30: {  	[sflag:s19] =	ssyncset.done $0x0  }
0x31: {  	[sflag:s19] =	ssyncadd.s32 $0xFFFFC000  }
0x32: {  	[spmem:s1] =	stream.indirect.scatter.add.f32 [tilespmem:s18], [sflag:$0x2], $0x80, s17, s17, $0xb8;
	[tilespmem:$0x18100] =	vst v63  }
0x33: {  	_ =	swait.ge [sflag:s12], $0x4000  }
0x34: {  	s22 =	simm.s32 $0x20;
	s21 =	simm.s32 $0x10;
	[sflag:s12] =	ssyncset.done $0x0  }
.LBB2_2:
0x35: {  	s23 =	sadd.s32 s21, s10  }
0x36: {  	[sflag:s12] =	ssyncadd.s32 $0xFFFFC000;
	s24 =	smov.u32 s22;
	s25 =	sadd.s32 $0x10, s22  }
0x37: {  	[tilespmem:s3], [sflag:$0x2] =	stream.linear.gather [hbm4b:s23+s3], $0x80, $0x38;
	[tilespmem:$0x18100] =	vst v63  }
0x38: {  	p0 =	sne.s32 s22, $0x270;
	_ =	swait.ge [sflag:s12], $0x80  }
0x39: {  	[sflag:s12] =	ssyncset.done $0x0  }
0x3a: {  	s22 =	sadd.s32 s21, s9;
	s21 =	smov.u32 s24;
	[sflag:s12] =	ssyncadd.s32 $0xFFFFFF80  }
0x3b: {  	[tilespmem:s17], [sflag:$0x2] =	stream.linear.gather [hbm4b:s22+s3], $0x80, $0x38;
	[tilespmem:$0x18100] =	vst v63  }
0x3c: {  	_ =	swait.ge [sflag:s12], $0x80  }
0x3d: {  	[sflag:s12] =	ssyncset.done $0x0  }
0x3e: {  	[sflag:s12] =	ssyncadd.s32 $0xFFFFFF80  }
0x3f: {  	[tilespmem:s18], [sflag:$0x1] =	stream.indirect.gather [hbm4b:s4+s17], $0x80, s3, s17, $0xb8;
	[tilespmem:$0x18100] =	vst v63  }
0x40: {  	_ =	swait.ge [sflag:s19], $0x4000  }
.Ltmp0:
0x41: {  	[sflag:s19] =	ssyncset.done $0x0;
	(pc) =	sbr.rel @p0 .LBB2_2-.Ltmp0, $4  }
0x42: {  	[sflag:s19] =	ssyncadd.s32 $0xFFFFC000  }
0x43: {  	[spmem:s1] =	stream.indirect.scatter.add.f32 [tilespmem:s18], [sflag:$0x2], $0x80, s17, s17, $0xb8;
	[tilespmem:$0x18100] =	vst v63  }
0x44: {  	_ =	swait.ge [sflag:s12], $0x4000  }
0x45: {  	s22 =	smov.u32 s25;
	[sflag:s12] =	ssyncset.done $0x0  }
0x46: {  	s22 =	sadd.s32 s21, s10;
	[sflag:s12] =	ssyncadd.s32 $0xFFFFC000  }
0x47: {  	[tilespmem:s3], [sflag:$0x2] =	stream.linear.gather [hbm4b:s22+s3], $0x80, $0x38;
	[tilespmem:$0x18100] =	vst v63  }
0x48: {  	_ =	swait.ge [sflag:s12], $0x80  }
0x49: {  	[sflag:s12] =	ssyncset.done $0x0  }
0x4a: {  	s31 =	sadd.s32 s21, s9;
	[sflag:s12] =	ssyncadd.s32 $0xFFFFFF80  }
0x4b: {  	[tilespmem:s17], [sflag:$0x2] =	stream.linear.gather [hbm4b:s31+s3], $0x80, $0x38;
	[tilespmem:$0x18100] =	vst v63  }
0x4c: {  	_ =	swait.ge [sflag:s12], $0x80  }
0x4d: {  	[sflag:s12] =	ssyncset.done $0x0  }
0x4e: {  	[sflag:s12] =	ssyncadd.s32 $0xFFFFFF80  }
0x4f: {  	[tilespmem:s18], [sflag:$0x1] =	stream.indirect.gather [hbm4b:s4+s17], $0x80, s3, s17, $0xb8;
	[tilespmem:$0x18100] =	vst v63  }
0x50: {  	_ =	swait.ge [sflag:s19], $0x4000  }
0x51: {  	[sflag:s19] =	ssyncset.done $0x0  }
0x52: {  	[sflag:s19] =	ssyncadd.s32 $0xFFFFC000  }
0x53: {  	[spmem:s1] =	stream.indirect.scatter.add.f32 [tilespmem:s18], [sflag:$0x2], $0x80, s17, s17, $0xb8;
	[tilespmem:$0x18100] =	vst v63  }
0x54: {  	_ =	swait.ge [sflag:s12], $0x4000  }
0x55: {  	s20 =	sadd.s32 $0x1, s20;
	[sflag:s12] =	ssyncset.done $0x0  }
0x56: {  	p0 =	sne.s32 s20, s8;
	[sflag:s12] =	ssyncadd.s32 $0xFFFFC000  }
.Ltmp1:
0x57: {  	[bflag:$0x0] =	sbarrier.arrive $0xFFFF;
	(pc) =	sbr.rel @p0 .LBB2_1-.Ltmp1, $4  }
0x58: {  	[hbm:s7], [sflag:s6] =	dma.local [spmem:s11], $0x2800  }
0x59: {  	_ =	swait.ge [sflag:s12], $0x2800  }
0x5a: {  	[sflag:s12] =	ssyncset.done $0x0  }
0x5b: {  	[sflag:s12] =	ssyncadd.s32 $0xFFFFD800  }
0x5c: {  	_ =	sfence.sel $0x180000  }
0x5d: {  	[bflag:$0x0] =	sbarrier.arrive $0xFFFF  }
0x5e: {  	p0 =	sne.s32 s2, $0x0;
	_ =	strace $0x90000053  }
0x5f: {  	s0 =	sadd.s32 @!p0 $0x100000, s0;
	[bflag:$0x2] =	sbarrier.arrive $0xFFFF  }
0x60: {  	[sflag:s0] =	ssyncadd.tile.s32 @!p0 $0x1;
	_ =	shalt  }
.Lfunc_end2:
_tile_overlayer_lowered:
.L_overlay_start_2:
0x61: {  	(tag) =	ssettag $0x2  }
0x62: {  	s0 =	rddreg [dreg:$0x0];
	s2 =	stileid.u32  }
0x63: {  	s1 =	rddreg [dreg:$0x1];
	p0 =	sne.s32 s2, $0x0  }
0x64: {  	s3 =	rddreg [dreg:$0x2];
	[bflag:$0x3] =	sbarrier.arrive $0xFFFF;
	s2 =	simm.s32 @!p0 $0x1C02  }
0x65: {  	[timem:s3], [sflag:s2] =	dma.local @!p0 [hbm:s0], s1  }
0x66: {  	s0 =	simm.s32 @!p0 $0x2  }
0x67: {  	_ =	swait.ge @!p0 [sflag:s0], s1  }
0x68: {  	s1 =	ssub.s32 @!p0 $0x0, s1;
	[sflag:s0] =	ssyncset.done @!p0 $0x0  }
0x69: {  	[sflag:s0] =	ssyncadd.s32 @!p0 s1  }
0x6a: {  	[bflag:$0x3] =	sbarrier.arrive $0xFFFF  }
0x6b: {  	_ =	shalt  }

// kernel: kernel.39.cloned.1.call-start
scs
__scs_entry_jumppad:
0x0: {  	(pc) =	sbr.rel $0x88, $3  }
0x1: {  	(tag) =	ssettag $0x0;
	lr =	simm.s32 $0x1  }
0x2: {  	[smem:$0x3F86] =	sst lr;
	_ =	strace $0xD0000000  }
0x3: {  	_ = 	snop  }
0x4: {  	_ = 	snop  }
0x5: {  	_ = 	snop  }
0x6: {  	_ = 	snop  }
0x7: {  	_ = 	snop  }
__scs_overlays_trampoline_lowered:
0x8: {  	[smem:$0x3F95] =	sst s0  }
0x9: {  	[smem:$0x3F96] =	sst s1  }
0xa: {  	[smem:$0x3F97] =	sst s2  }
0xb: {  	[smem:$0x3F98] =	sst s3  }
0xc: {  	[smem:$0x3F99] =	sst s4  }
0xd: {  	[smem:$0x3F9A] =	sst s5  }
0xe: {  	[smem:$0x3F9B] =	sst s6  }
0xf: {  	[smem:$0x3F9C] =	sst s7  }
0x10: {  	[smem:$0x3F9D] =	sst s8  }
0x11: {  	[smem:$0x3F9E] =	sst s9;
	s0 =	simm.s32 @!p0 $0x0  }
0x12: {  	s1 =	sld [smem:$0x3F84];
	s0 =	simm.s32 @p0 $0x1  }
0x13: {  	[smem:$0x3F9F] =	sst s0;
	s0 =	simm.s32 @!p1 $0x0  }
0x14: {  	s2 =	sld [smem:$0x3F83];
	s0 =	simm.s32 @p1 $0x1  }
0x15: {  	[smem:$0x3FA0] =	sst s0;
	s0 =	simm.s32 @!p2 $0x0  }
0x16: {  	s3 =	sld [smem:$0x3FDB];
	s0 =	simm.s32 @p2 $0x1  }
0x17: {  	s4 =	simm.s32 $0x1BF5;
	[smem:$0x3FA2] =	sst s0  }
0x18: {  	s0 =	sld [smem:$0x3F85];
	_ =	swait.ge [sflag:s4], $0x0  }
0x19: {  	s7 =	sld [smem:$0x3F86]  }
0x1a: {  	s8 =	sadd.s32 $0xFFFFE003, lr  }
0x1b: {  	s9 =	sadd.s32 $0xFFFFFEF7, lr;
	s5 =	simm.s32 $0xFFFFFFFF;
	p2 =	slt.u32 s8, $0xFFFFF086  }
0x1c: {  	p1 =	slt.u32 s9, $0xF7A;
	s5 =	simm.s32 @!p2 $0x0  }
0x1d: {  	s5 =	simm.s32 @p1 $0x1;
	p0 =	seq.s32 s7, s2  }
0x1e: {  	s7 =	smul.u32 @!p0 $0xF7A, s2;
	p2 =	seq.s32 @!p0 s5, $0x0  }
0x1f: {  	s9 =	smul.u32 $0xF7A, s1;
	s8 =	simm.s32 @!p0 $0x1BF5;
	p2 =	por !p2, p0  }
0x20: {  	[sflag:s8] =	ssyncset.s32 @!p0 $0xFFFFF086;
	s6 =	sadd.s32 @!p0 s3, s7;
	s7 =	simm.s32 @!p0 $0x108  }
0x21: {  	s3 =	sadd.s32 s3, s9;
	s6 =	sadd.s32 @!p0 $0x88, s6;
	s7 =	simm.s32 @p2 $0x1082  }
0x22: {  	[simem:s7], [sflag:s8] =	dma.local @!p0 [hbm:s6], $0xF7A  }
0x23: {  	s9 =	sor.u32 $0xD0000000, s2;
	s6 =	simm.s32 $0x108;
	_ =	swait.ge @!p0 [sflag:s8], $0x0  }
0x24: {  	s3 =	sadd.s32 $0x88, s3;
	s6 =	simm.s32 @!p1 $0x1082;
	[sflag:s4] =	ssyncset.s32 $0xFFFFF086  }
0x25: {  	[simem:s6], [sflag:s4] =	dma.local [hbm:s3], $0xF7A  }
0x26: {  	[smem:$0x3F86] =	sst s1;
	(tag) =	ssettag s2;
	_ =	strace s9  }
0x27: {  	s1 =	sld [smem:$0x3F96]  }
0x28: {  	s2 =	sld [smem:$0x3F97]  }
0x29: {  	s4 =	sld [smem:$0x3F99]  }
0x2a: {  	p0 =	seq.s32 s5, $0x0;
	s5 =	sld [smem:$0x3F9A]  }
0x2b: {  	s6 =	sld [smem:$0x3F9B]  }
0x2c: {  	s7 =	sld [smem:$0x3F9C]  }
0x2d: {  	s3 =	simm.s32 $0x108;
	s8 =	sld [smem:$0x3F9D]  }
0x2e: {  	s3 =	simm.s32 @!p0 $0x1082;
	s9 =	sld [smem:$0x3F9E]  }
0x2f: {  	lr =	sadd.s32 s0, s3;
	s0 =	sld [smem:$0x3F95]  }
0x30: {  	s3 =	sld [smem:$0x3F98]  }
0x31: {  	[smem:$0x3FA1] =	sst s10  }
0x32: {  	s10 =	sld [smem:$0x3F9F];
	_ =	sdelay $0x3  }
0x33: {  	p0 =	seq.s32 s10, $0x1;
	s10 =	sld [smem:$0x3FA1];
	_ =	sdelay $0x3  }
0x34: {  	[smem:$0x3FA1] =	sst s10  }
0x35: {  	s10 =	sld [smem:$0x3FA0];
	_ =	sdelay $0x3  }
0x36: {  	p1 =	seq.s32 s10, $0x1;
	s10 =	sld [smem:$0x3FA1];
	_ =	sdelay $0x3  }
0x37: {  	[smem:$0x3FA1] =	sst s10  }
0x38: {  	s10 =	sld [smem:$0x3FA2]  }
0x39: {  	_ = 	snop;
	(pc) =	sbr.ind lr, $3  }
0x3a: {  	_ = 	snop  }
0x3b: {  	_ = 	snop  }
0x3c: {  	p2 =	seq.s32 s10, $0x1;
	s10 =	sld [smem:$0x3FA1]  }
0x3d: {  	_ =	shalt  }
0x3e: {  	_ =	shalt  }
0x3f: {  	_ =	shalt  }
0x40: {  	_ =	shalt  }
0x41: {  	_ =	shalt  }
0x42: {  	_ =	shalt  }
0x43: {  	_ =	shalt  }
0x44: {  	_ =	shalt  }
0x45: {  	_ =	shalt  }
0x46: {  	_ =	shalt  }
0x47: {  	_ =	shalt  }
0x48: {  	_ =	shalt  }
0x49: {  	_ =	shalt  }
0x4a: {  	_ =	shalt  }
0x4b: {  	_ =	shalt  }
0x4c: {  	_ =	shalt  }
0x4d: {  	_ =	shalt  }
0x4e: {  	_ =	shalt  }
0x4f: {  	_ =	shalt  }
0x50: {  	_ =	shalt  }
0x51: {  	_ =	shalt  }
0x52: {  	_ =	shalt  }
0x53: {  	_ =	shalt  }
0x54: {  	_ =	shalt  }
0x55: {  	_ =	shalt  }
0x56: {  	_ =	shalt  }
0x57: {  	_ =	shalt  }
0x58: {  	_ =	shalt  }
0x59: {  	_ =	shalt  }
0x5a: {  	_ =	shalt  }
0x5b: {  	_ =	shalt  }
0x5c: {  	_ =	shalt  }
0x5d: {  	_ =	shalt  }
0x5e: {  	_ =	shalt  }
0x5f: {  	_ =	shalt  }
0x60: {  	_ =	shalt  }
0x61: {  	_ =	shalt  }
0x62: {  	_ =	shalt  }
0x63: {  	_ =	shalt  }
0x64: {  	_ =	shalt  }
0x65: {  	_ =	shalt  }
0x66: {  	_ =	shalt  }
0x67: {  	_ =	shalt  }
0x68: {  	_ =	shalt  }
0x69: {  	_ =	shalt  }
0x6a: {  	_ =	shalt  }
0x6b: {  	_ =	shalt  }
0x6c: {  	_ =	shalt  }
0x6d: {  	_ =	shalt  }
0x6e: {  	_ =	shalt  }
0x6f: {  	_ =	shalt  }
0x70: {  	_ =	shalt  }
0x71: {  	_ =	shalt  }
0x72: {  	_ =	shalt  }
0x73: {  	_ =	shalt  }
0x74: {  	_ =	shalt  }
0x75: {  	_ =	shalt  }
0x76: {  	_ =	shalt  }
0x77: {  	_ =	shalt  }
0x78: {  	_ =	shalt  }
0x79: {  	_ =	shalt  }
0x7a: {  	_ =	shalt  }
0x7b: {  	_ =	shalt  }
0x7c: {  	_ =	shalt  }
0x7d: {  	_ =	shalt  }
0x7e: {  	_ =	shalt  }
0x7f: {  	_ =	shalt  }
0x80: {  	_ =	shalt  }
0x81: {  	_ =	shalt  }
0x82: {  	_ =	shalt  }
0x83: {  	_ =	shalt  }
0x84: {  	_ =	shalt  }
0x85: {  	_ =	shalt  }
0x86: {  	_ =	shalt  }
0x87: {  	_ =	shalt  }
.Lfunc_end0:
.L_simem_size_0:
called_computation.6_lowered:
.L_overlay_start_0:
0x88: {  	s2 =	sld [smem:$0x3FD9]  }
0x89: {  	s3 =	sld [smem:$0x3FFE];
	_ =	sdelay $0x1  }
0x8a: {  	s1 =	srdreg.scid  }
0x8b: {  	s0 =	sand.u32 $0x1, s1  }
0x8c: {  	s17 =	sshll.u32 s0, $0xA;
	s2 =	sadd.s32 s3, s2  }
0x8d: {  	s2 =	sadd.s32 s2, s17  }
0x8e: {  	[smem:$0x3FAD] =	sst s2  }
0x8f: {  	_ = 	snop  }
0x90: {  	s18 =	sld [smem:$0x3FC5];
	(tm) =	ssettm $0x1  }
0x91: {  	s19 =	sld [smem:$0x3FFB];
	_ =	sdelay $0x3  }
0x92: {  	_ =	strace s19  }
0x93: {  	s2 =	sld [smem:$0x3FFC];
	_ =	sdelay $0x3  }
0x94: {  	_ =	strace s2  }
0x95: {  	s2 =	sld [smem:$0x3FFD];
	_ =	sdelay $0x3  }
0x96: {  	_ =	strace s2  }
0x97: {  	_ =	strace $0x8FFFFFFF  }
0x98: {  	s20 =	sld [smem:$0x3FDB];
	_ =	sdelay $0x1  }
0x99: {  	s4 =	simm.s32 $_scs_section_size  }
0x9a: {  	s5 =	simm.s32 $_size__tile_overlayer_lowered;
	s6 =	simm.s32 $_tile_overlayer_lowered  }
0x9b: {  	s7 =	simm.s32 $0x1BFF;
	s21 =	sshll.u32 s6, $0x1;
	s4 =	sadd.s32 s4, s20  }
0x9c: {  	s22 =	simm.s32 $0x0;
	s5 =	sshll.u32 s5, $0x1;
	s6 =	sadd.s32 s21, s4  }
0x9d: {  	[timem:s22], [sflag:s7] =	dma.local [hbm:s6], s5  }
0x9e: {  	_ =	swait.ge [sflag:s7], s5  }
0x9f: {  	s5 =	ssub.s32 $0x0, s5;
	[sflag:s7] =	ssyncset.done $0x0  }
0xa0: {  	[sflag:s7] =	ssyncadd.s32 s5;
	_ =	sdelay $0x1  }
0xa1: {  	s23 =	simm.s32 $0x1B8B  }
0xa2: {  	_ =	swait.ge [sflag:s23], $0x1  }
0xa3: {  	[sflag:s23] =	ssyncset.done $0x0  }
0xa4: {  	[sflag:s23] =	ssyncadd.s32 $0xFFFFFFFF  }
0xa5: {  	s5 =	sld [smem:$0x0]  }
0xa6: {  	s6 =	sand.u32 $0xFFFFFFFE, s1  }
0xa7: {  	p0 =	sne.s32 s1, s6  }
0xa8: {  	s6 =	sshll.u32 @p0 s6, $0xE  }
0xa9: {  	s6 =	sadd.s32 @p0 $0x11B8D, s6;
	s7 =	sshll.u32 @p0 s5, $0x11  }
0xaa: {  	s6 =	sor.u32 @p0 s7, s6  }
0xab: {  	[sflag:s6] =	ssyncadd.remote.s32 @p0 $0x1;
	_ =	sdelay $0x1  }
0xac: {  	s6 =	simm.s32 @p0 $0x1B8D  }
0xad: {  	_ =	swait.eq @p0 [sflag:s6], $0x1  }
0xae: {  	[sflag:s6] =	ssyncadd.s32 @p0 $0xFFFFFFFF  }
0xaf: {  	s7 =	sshll.u32 @!p0 s1, $0xE  }
0xb0: {  	s7 =	sor.u32 @!p0 $0x4000, s7;
	s6 =	simm.s32 @!p0 $0x1B8D  }
0xb1: {  	s5 =	sshll.u32 @!p0 s5, $0x11;
	s7 =	sadd.s32 @!p0 $0x11B8D, s7;
	_ =	swait.eq @!p0 [sflag:s6], $0x1  }
0xb2: {  	s5 =	sor.u32 @!p0 s5, s7;
	[sflag:s6] =	ssyncadd.s32 @!p0 $0xFFFFFFFF  }
0xb3: {  	s25 =	simm.s32 $0x1B8E;
	s24 =	sld [smem:$0x3FFE];
	[sflag:s5] =	ssyncadd.remote.s32 @!p0 $0x1  }
0xb4: {  	s26 =	simm.s32 $execute0_lowered;
	[smem:$0x3FD2] =	sst s25  }
0xb5: {  	s6 =	sshll.u32 s26, $0x1;
	_ =	strace $0x80000058;
	[dreg:$0x1] =	wrdreg $0xFFFFFFFF  }
0xb6: {  	s28 =	simm.s32 $_size_execute0_lowered;
	s4 =	sadd.s32 s4, s6;
	[dreg:$0x0] =	wrdreg $0x0  }
0xb7: {  	s6 =	sshll.u32 s28, $0x1;
	[dreg:$0x2] =	wrdreg s4  }
0xb8: {  	[dreg:$0x3] =	wrdreg s6  }
0xb9: {  	[dreg:$0x4] =	wrdreg $0xC0  }
0xba: {  	_ =	task [dreg:s22], $0x5FFFF  }
0xbb: {  	[dreg:$0x1] =	wrdreg $0xFFFFFFFF  }
0xbc: {  	[dreg:$0x0] =	wrdreg $0x60  }
0xbd: {  	[dreg:$0x2] =	wrdreg s24  }
0xbe: {  	[dreg:$0x3] =	wrdreg s18  }
0xbf: {  	[dreg:$0x4] =	wrdreg $0xA  }
0xc0: {  	_ =	task.clear_ibuf [dreg:s22], $0x5FFFF;
	_ =	strace $0x90000058  }
0xc1: {  	s29 =	simm.s32 $0xA;
	_ =	strace $0x8000005A  }
0xc2: {  	_ =	swait.ge [sflag:s29], $0x1  }
0xc3: {  	[sflag:s29] =	ssyncadd.s32 $0xFFFFFFFF  }
0xc4: {  	_ =	strace $0x9000005A  }
0xc5: {  	_ =	sfence  }
0xc6: {  	s30 =	sld [smem:$0x0];
	_ =	sdelay $0x2  }
0xc7: {  	s31 =	sshll.u32 s1, $0xD;
	s1 =	sshrl.u32 s1, $0x2  }
0xc8: {  	s4 =	sand.u32 $0x4000, s31;
	s1 =	sadd.s32 s1, s30  }
0xc9: {  	s0 =	sor.u32 s4, s0;
	s1 =	sshll.u32 s1, $0x11  }
0xca: {  	s0 =	sor.u32 s1, s0  }
0xcb: {  	s0 =	sadd.s32 $0x8F2B, s0  }
0xcc: {  	[sflag:s0] =	ssyncadd.remote.s32 $0x1  }
0xcd: {  	_ =	sfence.sel $0xFFFF  }
0xce: {  	[dreg:$0x0] =	wrdreg $0xFFFFFFFF;
	(pc) =	sbr.abs _section_cstart, $3  }
0xcf: {  	[dreg:$0x1] =	wrdreg $0xFFFFFFFF  }
0xd0: {  	_ =	task.clear_ibuf [dreg:s22], $0x2FFFF;
	_ =	strace $0x9FFFFFFF  }
0xd1: {  	(tm) =	ssettm $0x7FFFFFFF  }
tec
execute0_lowered:
.L_overlay_start_1:
0x0: {  	(tag) =	ssettag $0x1  }
0x1: {  	s1 =	srdreg.scid;
	s9 =	rddreg [dreg:$0x0]  }
0x2: {  	s0 =	stileid.u32;
	s3 =	rddreg [dreg:$0x1]  }
0x3: {  	s2 =	simm.s32 $0x0;
	s7 =	simm.s32 $0x80;
	s6 =	sand.u32 $0x1, s1  }
0x4: {  	s4 =	sshll.u32 s0, $0x7;
	s1 =	rddreg [dreg:$0x2];
	s5 =	sshll.u32 s6, $0x6  }
0x5: {  	s8 =	simm.s32 $0x1;
	[smem:$0x7FF] =	sst s2;
	s10 =	sor.u32 s5, s4  }
0x6: {  	_ =	strace $0x80000059;
	s11 =	ssub.s32 $0x2, s6;
	s4 =	sshrl.u32 s10, $0x3  }
0x7: {  	s6 =	simm.s32 $0x40;
	s4 =	sadd.s32 s3, s4;
	s3 =	simm.s32 $0x2  }
0x8: {  	[tilespmem:s2], [sflag:$0x2] =	stream.linear.gather [hbm4b:s4+s2], $0x40, $0x38;
	[tilespmem:$0x2080] =	vst v63  }
0x9: {  	s5 =	sadd.s32 $0x9C00, s9;
	s12 =	sshrl.u32 s11, $0x1;
	_ =	swait.ge [sflag:s3], $0x40  }
0xa: {  	s10 =	sshll.u32 s10, $0x4;
	s31 =	ssub.s32 s11, s12;
	[sflag:s3] =	ssyncset.done $0x0  }
0xb: {  	s9 =	sadd.s32 s10, s9;
	s10 =	smax.u32 s31, $0x1;
	[sflag:s3] =	ssyncadd.s32 $0xFFFFFFC0  }
0xc: {  	[tilespmem:s7], [sflag:$0x1] =	stream.indirect.gather [hbm4b:s5+s6], $0x80, s2, s6, $0xb8;
	[tilespmem:$0x2080] =	vst v63  }
0xd: {  	p0 =	sne.s32 s10, $0x1;
	_ =	swait.ge [sflag:s8], $0x2000  }
.Ltmp0:
0xe: {  	[sflag:s8] =	ssyncset.done $0x0;
	(pc) =	sbr.rel @!p0 .LBB2_2-.Ltmp0, $4  }
0xf: {  	s9 =	sadd.s32 $0x31C00, s9;
	[sflag:s8] =	ssyncadd.s32 $0xFFFFE000  }
0x10: {  	[hbm4b:s9+s2] =	stream.linear.scatter [tilespmem:s7], [sflag:$0x2], $0x2000, $0x38;
	[tilespmem:$0x2080] =	vst v63  }
0x11: {  	_ =	swait.ge [sflag:s3], $0x2000  }
0x12: {  	s10 =	sadd.s32 $0xFFFFFFFF, s10;
	[sflag:s3] =	ssyncset.done $0x0  }
.LBB2_1:
0x13: {  	p0 =	sne.s32 s10, $0x1;
	s10 =	sadd.s32 $0xFFFFFFFF, s10;
	[sflag:s3] =	ssyncadd.s32 $0xFFFFE000  }
0x14: {  	[tilespmem:s2], [sflag:$0x2] =	stream.linear.gather [hbm4b:s4+s2], $0x40, $0x38;
	[tilespmem:$0x2080] =	vst v63  }
0x15: {  	_ =	swait.ge [sflag:s3], $0x40  }
0x16: {  	[sflag:s3] =	ssyncset.done $0x0  }
0x17: {  	[sflag:s3] =	ssyncadd.s32 $0xFFFFFFC0  }
0x18: {  	[tilespmem:s7], [sflag:$0x1] =	stream.indirect.gather [hbm4b:s5+s6], $0x80, s2, s6, $0xb8;
	[tilespmem:$0x2080] =	vst v63  }
0x19: {  	_ =	swait.ge [sflag:s8], $0x2000  }
.Ltmp1:
0x1a: {  	[sflag:s8] =	ssyncset.done $0x0;
	(pc) =	sbr.rel @p0 .LBB2_1-.Ltmp1, $4  }
0x1b: {  	[sflag:s8] =	ssyncadd.s32 $0xFFFFE000  }
0x1c: {  	[hbm4b:s9+s2] =	stream.linear.scatter [tilespmem:s7], [sflag:$0x2], $0x2000, $0x38;
	[tilespmem:$0x2080] =	vst v63  }
0x1d: {  	_ =	swait.ge [sflag:s3], $0x2000  }
0x1e: {  	[sflag:s3] =	ssyncset.done $0x0  }
.LBB2_2:
0x1f: {  	[sflag:s3] =	ssyncadd.s32 $0xFFFFE000  }
0x20: {  	_ =	sfence.sel $0x180000  }
0x21: {  	[bflag:$0x0] =	sbarrier.arrive $0xFFFF  }
0x22: {  	p0 =	sne.s32 s0, $0x0;
	_ =	strace $0x90000059  }
0x23: {  	s0 =	sadd.s32 @!p0 $0x100000, s1;
	[bflag:$0x2] =	sbarrier.arrive $0xFFFF  }
0x24: {  	[sflag:s0] =	ssyncadd.tile.s32 @!p0 $0x1;
	_ =	shalt  }
.Lfunc_end2:
_tile_overlayer_lowered:
.L_overlay_start_2:
0x25: {  	(tag) =	ssettag $0x2  }
0x26: {  	s0 =	rddreg [dreg:$0x0];
	s2 =	stileid.u32  }
0x27: {  	s1 =	rddreg [dreg:$0x1];
	p0 =	sne.s32 s2, $0x0  }
0x28: {  	s3 =	rddreg [dreg:$0x2];
	[bflag:$0x3] =	sbarrier.arrive $0xFFFF;
	s2 =	simm.s32 @!p0 $0x1C02  }
0x29: {  	[timem:s3], [sflag:s2] =	dma.local @!p0 [hbm:s0], s1  }
0x2a: {  	s0 =	simm.s32 @!p0 $0x2  }
0x2b: {  	_ =	swait.ge @!p0 [sflag:s0], s1  }
0x2c: {  	s1 =	ssub.s32 @!p0 $0x0, s1;
	[sflag:s0] =	ssyncset.done @!p0 $0x0  }
0x2d: {  	[sflag:s0] =	ssyncadd.s32 @!p0 s1  }
0x2e: {  	[bflag:$0x3] =	sbarrier.arrive $0xFFFF  }
0x2f: {  	_ =	shalt  }

</sc_bundles>
